<compile_context>
chip_gen: v7x
topology: tpu7x:2x2x1
jax: 0.10.2.dev20260603
libtpu: 0.0.44.dev20260713+nightly
codegen_flags: <defaults>
</compile_context>

<pallas_src>
import functools

import jax
import jax.numpy as jnp
from jax import lax
from jax.experimental import pallas as pl
from jax.experimental.pallas import tpu as pltpu
from jax.experimental.pallas import tpu_sc as plsc

DIM = 32
PAD = 0
SUB = 128
CHUNK = 1024
NSUB = CHUNK // SUB


@functools.cache
def _build(B):
    info = plsc.get_sparse_core_info()
    nc, ns = info.num_cores, info.num_subcores
    nw = nc * ns
    per_w = B // nw
    assert per_w * nw == B and per_w % CHUNK == 0
    nchunk = per_w // CHUNK

    mesh = plsc.VectorSubcoreMesh(core_axis_name="c", subcore_axis_name="s")

    @functools.partial(
        pl.kernel,
        mesh=mesh,
        out_type=jax.ShapeDtypeStruct((B, DIM), jnp.float32),
        scratch_types=[
            pltpu.VMEM((2, NSUB, SUB), jnp.int32),
            pltpu.VMEM((2, CHUNK), jnp.int32),
            pltpu.VMEM((2, CHUNK, DIM), jnp.float32),
            pltpu.SemaphoreType.DMA((2,)),
            pltpu.SemaphoreType.DMA,
        ],
        compiler_params=pltpu.CompilerParams(use_tc_tiling_on_sc=False),
    )
    def k(idx_hbm, table_hbm, out_hbm, idx_v, fidx_v, rows_v, gsem, wsem):
        wid = lax.axis_index("s") * nc + lax.axis_index("c")
        base = wid * per_w
        irow0 = wid * (per_w // SUB)

        def fire(ci, buf):
            pltpu.sync_copy(
                idx_hbm.at[pl.ds(irow0 + ci * NSUB, NSUB)], idx_v.at[buf]
            )
            for j in range(NSUB):
                for l in range(SUB // 16):
                    v = idx_v[buf, j, pl.ds(l * 16, 16)]
                    f = ((v >> 3) << 5) + ((v & 7) << 2)
                    fidx_v[buf, pl.ds(j * SUB + l * 16, 16)] = f
            pltpu.async_copy(
                table_hbm.at[fidx_v.at[buf]], rows_v.at[buf], gsem.at[buf]
            )

        fire(0, 0)

        def chunk_body(ci, carry):
            buf = ci & 1
            nbuf = 1 - buf

            @pl.when(ci >= 1)
            def _wait_write():
                pltpu.make_async_copy(
                    rows_v.at[nbuf], out_hbm.at[pl.ds(base, CHUNK)], wsem
                ).wait()

            @pl.when(ci + 1 < nchunk)
            def _fire_next():
                fire(ci + 1, nbuf)

            mm = fidx_v[buf, pl.ds(0, 16)]
            for l in range(1, CHUNK // 16):
                mm = jnp.minimum(mm, fidx_v[buf, pl.ds(l * 16, 16)])
            sm = mm[0]
            for i in range(1, 16):
                sm = jnp.minimum(sm, mm[i])

            pltpu.make_async_copy(
                table_hbm.at[fidx_v.at[buf]], rows_v.at[buf], gsem.at[buf]
            ).wait()

            zeros = jnp.zeros((16,), jnp.float32)
            ub = jnp.where(sm == PAD, CHUNK // 16, 0)

            def fix_grp(g, c2):
                vec = fidx_v[buf, pl.ds(g * 16, 16)]
                for i in range(16):
                    @pl.when(vec[i] == PAD)
                    def _z():
                        r = g * 16 + i
                        rows_v[buf, r, pl.ds(0, 16)] = zeros
                        rows_v[buf, r, pl.ds(16, 16)] = zeros
                return c2

            lax.fori_loop(0, ub, fix_grp, 0)

            pltpu.async_copy(
                rows_v.at[buf], out_hbm.at[pl.ds(base + ci * CHUNK, CHUNK)], wsem
            )
            return carry

        lax.fori_loop(0, nchunk, chunk_body, 0)

        pltpu.make_async_copy(
            rows_v.at[0], out_hbm.at[pl.ds(base, CHUNK)], wsem
        ).wait()

    return k


def kernel(x, weight):
    b0, b1 = x.shape
    B = b0 * b1
    xf = x.reshape(B).astype(jnp.int32).reshape(B // SUB, SUB)
    w4 = jnp.pad(
        weight.reshape(-1, 8, DIM), ((0, 0), (0, 0), (0, 128 - DIM))
    ).reshape(-1, DIM)
    out = _build(B)(xf, w4)
    return out.reshape(b0, b1, DIM)

# --- scband reference (transcript-rebuilt; emitter-appended) ---
"""Pipeline reference for scband-embedding-51015621542319 (READ-ONLY COPY).

The authoritative reference and input builder live on the scoring server;
editing this copy changes nothing except your own understanding.
"""

import jax, jax.numpy as jnp
import numpy as np

NUM = 1000000
DIM = 32
PAD_IDX = 0
BATCH = 16384
HIST = 50


def setup_inputs(seed: int = 0) -> dict:
    key = jax.random.key(seed)
    k1, k2 = jax.random.split(key)
    weight = jax.random.normal(k1, (NUM, DIM), dtype=jnp.float32)
    x = jax.random.randint(k2, (BATCH, HIST), 0, NUM, dtype=jnp.int64)
    return {"x": x, "weight": weight}


def reference(x, weight):
    # Faithful to torch module: zero out the padding row, then gather.
    w = weight.at[PAD_IDX].set(0.0)
    return jnp.take(w, x, axis=0)

if __name__ == "__main__":
    import jax
    _d = setup_inputs()
    print(jax.jit(kernel)(*tuple(_d.values())))

</pallas_src>

<mosaic_0001>
#map = affine_map<(d0, d1) -> (0, 0)>
module attributes {stable_mosaic.version = 14 : i64} {
  func.func @k(%arg0: i32, %arg1: i32, %arg2: memref<6400x128xi32, #tpu.memory_space<hbm>>, %arg3: memref<4000000x32xf32, #tpu.memory_space<hbm>>, %arg4: memref<819200x32xf32, #tpu.memory_space<hbm>>, %arg5: memref<2x8x128xi32, #tpu.memory_space<vmem>>, %arg6: memref<2x1024xi32, #tpu.memory_space<vmem>>, %arg7: memref<2x1024x32xf32, #tpu.memory_space<vmem>>, %arg8: memref<2x!tpu.dma_semaphore, #tpu.memory_space<semaphore_mem>>, %arg9: memref<!tpu.dma_semaphore, #tpu.memory_space<semaphore_mem>>) attributes {dimension_semantics = [#tpu.dimension_semantics<core_parallel>, #tpu.dimension_semantics<subcore_parallel>], iteration_bounds = array<i64: 2, 16>, scalar_prefetch = 0 : i64, scratch_operands = 5 : i64, tpu.core_type = #tpu.core_type<sc_vector_subcore>, window_params = [{transform_indices = #map}, {transform_indices = #map}, {transform_indices = #map}]} {
    %mul3A = arith.constant 2 : i32
    %mul3A_0 = arith.muli %arg1, %mul3A : i32
    %add3A = arith.addi %mul3A_0, %arg0 : i32
    %mul3A_1 = arith.constant 25600 : i32
    %mul3A_2 = arith.muli %add3A, %mul3A_1 : i32
    %mul3A_3 = arith.constant 200 : i32
    %mul3A_4 = arith.muli %add3A, %mul3A_3 : i32
    %add3A_5 = arith.constant 0 : i32
    %add3A_6 = arith.addi %mul3A_4, %add3A_5 : i32
    %run_scoped3A = arith.constant 0 : i32
    "tpu.region"() ({
      %run_scoped3A_1697 = tpu.sem_alloc : memref<!tpu.dma_semaphore, #tpu.memory_space<semaphore_mem>>
      %dma_start3A_1698 = arith.constant 0 : i32
      %dma_start3A_1699 = arith.constant 0 : i32
      %dma_start3A_1700 = tpu.memref_slice %arg5[%run_scoped3A, %dma_start3A_1698, %dma_start3A_1699] : memref<2x8x128xi32, #tpu.memory_space<vmem>> -> memref<1x8x128xi32, #tpu.memory_space<vmem>>
      %dma_start3A_1701 = tpu.memref_squeeze %dma_start3A_1700 : memref<1x8x128xi32, #tpu.memory_space<vmem>> -> memref<8x128xi32, #tpu.memory_space<vmem>>
      %dma_start3A_1702 = arith.constant 0 : i32
      %dma_start3A_1703 = tpu.memref_slice %arg2[%add3A_6, %dma_start3A_1702] : memref<6400x128xi32, #tpu.memory_space<hbm>> -> memref<8x128xi32, #tpu.memory_space<hbm>>
      %dma_start3A_1704 = arith.constant 0 : i32
      %dma_start3A_1705 = arith.constant 0 : i32
      %dma_start3A_1706 = tpu.memref_slice %arg5[%run_scoped3A, %dma_start3A_1704, %dma_start3A_1705] : memref<2x8x128xi32, #tpu.memory_space<vmem>> -> memref<1x8x128xi32, #tpu.memory_space<vmem>>
      %dma_start3A_1707 = tpu.memref_squeeze %dma_start3A_1706 : memref<1x8x128xi32, #tpu.memory_space<vmem>> -> memref<8x128xi32, #tpu.memory_space<vmem>>
      %dma_start3A_1708 = arith.constant 0 : i32
      %dma_start3A_1709 = tpu.memref_slice %arg2[%add3A_6, %dma_start3A_1708] : memref<6400x128xi32, #tpu.memory_space<hbm>> -> memref<8x128xi32, #tpu.memory_space<hbm>>
      tpu.enqueue_dma source(%dma_start3A_1709 : memref<8x128xi32, #tpu.memory_space<hbm>>) target(%dma_start3A_1707 : memref<8x128xi32, #tpu.memory_space<vmem>>) target_semaphore(%run_scoped3A_1697 : memref<!tpu.dma_semaphore, #tpu.memory_space<semaphore_mem>>)
      %dma_wait3A_1710 = arith.constant 0 : i32
      %dma_wait3A_1711 = arith.constant 0 : i32
      %dma_wait3A_1712 = tpu.memref_slice %arg5[%run_scoped3A, %dma_wait3A_1710, %dma_wait3A_1711] : memref<2x8x128xi32, #tpu.memory_space<vmem>> -> memref<1x8x128xi32, #tpu.memory_space<vmem>>
      %dma_wait3A_1713 = tpu.memref_squeeze %dma_wait3A_1712 : memref<1x8x128xi32, #tpu.memory_space<vmem>> -> memref<8x128xi32, #tpu.memory_space<vmem>>
      %dma_wait3A_1714 = arith.constant 0 : i32
      %dma_wait3A_1715 = tpu.memref_slice %arg2[%add3A_6, %dma_wait3A_1714] : memref<6400x128xi32, #tpu.memory_space<hbm>> -> memref<8x128xi32, #tpu.memory_space<hbm>>
      %dma_wait3A_1716 = arith.constant 0 : i32
      %dma_wait3A_1717 = arith.constant 0 : i32
      %dma_wait3A_1718 = tpu.memref_slice %arg5[%run_scoped3A, %dma_wait3A_1716, %dma_wait3A_1717] : memref<2x8x128xi32, #tpu.memory_space<vmem>> -> memref<1x8x128xi32, #tpu.memory_space<vmem>>
      %dma_wait3A_1719 = tpu.memref_squeeze %dma_wait3A_1718 : memref<1x8x128xi32, #tpu.memory_space<vmem>> -> memref<8x128xi32, #tpu.memory_space<vmem>>
      %dma_wait3A_1720 = arith.constant 0 : i32
      %dma_wait3A_1721 = tpu.memref_slice %arg2[%add3A_6, %dma_wait3A_1720] : memref<6400x128xi32, #tpu.memory_space<hbm>> -> memref<8x128xi32, #tpu.memory_space<hbm>>
      tpu.wait_dma2 semaphore(%run_scoped3A_1697 : memref<!tpu.dma_semaphore, #tpu.memory_space<semaphore_mem>>) src(%dma_wait3A_1721 : memref<8x128xi32, #tpu.memory_space<hbm>>) dst(%dma_wait3A_1719 : memref<8x128xi32, #tpu.memory_space<vmem>>)
      tpu.yield
    }) : () -> ()
    %get3A = arith.constant 0 : i32
    %get3A_7 = arith.constant 0 : i32
    %get3A_8 = arith.index_cast %get3A : i32 to index
    %get3A_9 = arith.index_cast %get3A_7 : i32 to index
    %get3A_10 = arith.constant 0 : index
    %get3A_11 = tpu.vector_load %arg5[%get3A_8, %get3A_9, %get3A_10] {strides = array<i32>} : memref<2x8x128xi32, #tpu.memory_space<vmem>>, vector<1x1x16xi32>,
    %get3A_12 = vector.shape_cast %get3A_11 : vector<1x1x16xi32> to vector<16xi32>
    %shift_right_arithmetic3A = arith.constant 3 : i32
    %shift_right_arithmetic3A_13 = vector.broadcast %shift_right_arithmetic3A : i32 to vector<16xi32>
    %shift_right_arithmetic3A_14 = arith.shrsi %get3A_12, %shift_right_arithmetic3A_13 : vector<16xi32>
    %shift_left3A = arith.constant 5 : i32
    %shift_left3A_15 = vector.broadcast %shift_left3A : i32 to vector<16xi32>
    %shift_left3A_16 = arith.shli %shift_right_arithmetic3A_14, %shift_left3A_15 : vector<16xi32>
    %and3A = arith.constant 7 : i32
    %and3A_17 = vector.broadcast %and3A : i32 to vector<16xi32>
    %and3A_18 = arith.andi %get3A_12, %and3A_17 : vector<16xi32>
    %shift_left3A_19 = arith.constant 2 : i32
    %shift_left3A_20 = vector.broadcast %shift_left3A_19 : i32 to vector<16xi32>
    %shift_left3A_21 = arith.shli %and3A_18, %shift_left3A_20 : vector<16xi32>
    %add3A_22 = arith.addi %shift_left3A_16, %shift_left3A_21 : vector<16xi32>
    %swap3A = arith.constant 0 : i32
    %swap3A_23 = arith.index_cast %swap3A : i32 to index
    %swap3A_24 = arith.constant 0 : index
    %swap3A_25 = tpu.vector_load %arg6[%swap3A_23, %swap3A_24] {strides = array<i32>} : memref<2x1024xi32, #tpu.memory_space<vmem>>, vector<1x16xi32>,
    %swap3A_26 = vector.shape_cast %swap3A_25 : vector<1x16xi32> to vector<16xi32>
    %swap3A_27 = vector.shape_cast %add3A_22 : vector<16xi32> to vector<1x16xi32>
    tpu.vector_store %arg6[%swap3A_23, %swap3A_24], %swap3A_27 {strides = array<i32>} : memref<2x1024xi32, #tpu.memory_space<vmem>>, vector<1x16xi32>,
    %get3A_28 = arith.constant 0 : i32
    %get3A_29 = arith.constant 0 : i32
    %get3A_30 = arith.index_cast %get3A_28 : i32 to index
    %get3A_31 = arith.index_cast %get3A_29 : i32 to index
    %get3A_32 = arith.constant 16 : index
    %get3A_33 = tpu.vector_load %arg5[%get3A_30, %get3A_31, %get3A_32] {strides = array<i32>} : memref<2x8x128xi32, #tpu.memory_space<vmem>>, vector<1x1x16xi32>,
    %get3A_34 = vector.shape_cast %get3A_33 : vector<1x1x16xi32> to vector<16xi32>
    %shift_right_arithmetic3A_35 = arith.constant 3 : i32
    %shift_right_arithmetic3A_36 = vector.broadcast %shift_right_arithmetic3A_35 : i32 to vector<16xi32>
    %shift_right_arithmetic3A_37 = arith.shrsi %get3A_34, %shift_right_arithmetic3A_36 : vector<16xi32>
    %shift_left3A_38 = arith.constant 5 : i32
    %shift_left3A_39 = vector.broadcast %shift_left3A_38 : i32 to vector<16xi32>
    %shift_left3A_40 = arith.shli %shift_right_arithmetic3A_37, %shift_left3A_39 : vector<16xi32>
    %and3A_41 = arith.constant 7 : i32
    %and3A_42 = vector.broadcast %and3A_41 : i32 to vector<16xi32>
    %and3A_43 = arith.andi %get3A_34, %and3A_42 : vector<16xi32>
    %shift_left3A_44 = arith.constant 2 : i32
    %shift_left3A_45 = vector.broadcast %shift_left3A_44 : i32 to vector<16xi32>
    %shift_left3A_46 = arith.shli %and3A_43, %shift_left3A_45 : vector<16xi32>
    %add3A_47 = arith.addi %shift_left3A_40, %shift_left3A_46 : vector<16xi32>
    %swap3A_48 = arith.constant 0 : i32
    %swap3A_49 = arith.index_cast %swap3A_48 : i32 to index
    %swap3A_50 = arith.constant 16 : index
    %swap3A_51 = tpu.vector_load %arg6[%swap3A_49, %swap3A_50] {strides = array<i32>} : memref<2x1024xi32, #tpu.memory_space<vmem>>, vector<1x16xi32>,
    %swap3A_52 = vector.shape_cast %swap3A_51 : vector<1x16xi32> to vector<16xi32>
    %swap3A_53 = vector.shape_cast %add3A_47 : vector<16xi32> to vector<1x16xi32>
    tpu.vector_store %arg6[%swap3A_49, %swap3A_50], %swap3A_53 {strides = array<i32>} : memref<2x1024xi32, #tpu.memory_space<vmem>>, vector<1x16xi32>,
    %get3A_54 = arith.constant 0 : i32
    %get3A_55 = arith.constant 0 : i32
    %get3A_56 = arith.index_cast %get3A_54 : i32 to index
    %get3A_57 = arith.index_cast %get3A_55 : i32 to index
    %get3A_58 = arith.constant 32 : index
    %get3A_59 = tpu.vector_load %arg5[%get3A_56, %get3A_57, %get3A_58] {strides = array<i32>} : memref<2x8x128xi32, #tpu.memory_space<vmem>>, vector<1x1x16xi32>,
    %get3A_60 = vector.shape_cast %get3A_59 : vector<1x1x16xi32> to vector<16xi32>
    %shift_right_arithmetic3A_61 = arith.constant 3 : i32
    %shift_right_arithmetic3A_62 = vector.broadcast %shift_right_arithmetic3A_61 : i32 to vector<16xi32>
    %shift_right_arithmetic3A_63 = arith.shrsi %get3A_60, %shift_right_arithmetic3A_62 : vector<16xi32>
    %shift_left3A_64 = arith.constant 5 : i32
    %shift_left3A_65 = vector.broadcast %shift_left3A_64 : i32 to vector<16xi32>
    %shift_left3A_66 = arith.shli %shift_right_arithmetic3A_63, %shift_left3A_65 : vector<16xi32>
    %and3A_67 = arith.constant 7 : i32
    %and3A_68 = vector.broadcast %and3A_67 : i32 to vector<16xi32>
    %and3A_69 = arith.andi %get3A_60, %and3A_68 : vector<16xi32>
    %shift_left3A_70 = arith.constant 2 : i32
    %shift_left3A_71 = vector.broadcast %shift_left3A_70 : i32 to vector<16xi32>
    %shift_left3A_72 = arith.shli %and3A_69, %shift_left3A_71 : vector<16xi32>
    %add3A_73 = arith.addi %shift_left3A_66, %shift_left3A_72 : vector<16xi32>
    %swap3A_74 = arith.constant 0 : i32
    %swap3A_75 = arith.index_cast %swap3A_74 : i32 to index
    %swap3A_76 = arith.constant 32 : index
    %swap3A_77 = tpu.vector_load %arg6[%swap3A_75, %swap3A_76] {strides = array<i32>} : memref<2x1024xi32, #tpu.memory_space<vmem>>, vector<1x16xi32>,
    %swap3A_78 = vector.shape_cast %swap3A_77 : vector<1x16xi32> to vector<16xi32>
    %swap3A_79 = vector.shape_cast %add3A_73 : vector<16xi32> to vector<1x16xi32>
    tpu.vector_store %arg6[%swap3A_75, %swap3A_76], %swap3A_79 {strides = array<i32>} : memref<2x1024xi32, #tpu.memory_space<vmem>>, vector<1x16xi32>,
    %get3A_80 = arith.constant 0 : i32
    %get3A_81 = arith.constant 0 : i32
    %get3A_82 = arith.index_cast %get3A_80 : i32 to index
    %get3A_83 = arith.index_cast %get3A_81 : i32 to index
    %get3A_84 = arith.constant 48 : index
    %get3A_85 = tpu.vector_load %arg5[%get3A_82, %get3A_83, %get3A_84] {strides = array<i32>} : memref<2x8x128xi32, #tpu.memory_space<vmem>>, vector<1x1x16xi32>,
    %get3A_86 = vector.shape_cast %get3A_85 : vector<1x1x16xi32> to vector<16xi32>
    %shift_right_arithmetic3A_87 = arith.constant 3 : i32
    %shift_right_arithmetic3A_88 = vector.broadcast %shift_right_arithmetic3A_87 : i32 to vector<16xi32>
    %shift_right_arithmetic3A_89 = arith.shrsi %get3A_86, %shift_right_arithmetic3A_88 : vector<16xi32>
    %shift_left3A_90 = arith.constant 5 : i32
    %shift_left3A_91 = vector.broadcast %shift_left3A_90 : i32 to vector<16xi32>
    %shift_left3A_92 = arith.shli %shift_right_arithmetic3A_89, %shift_left3A_91 : vector<16xi32>
    %and3A_93 = arith.constant 7 : i32
    %and3A_94 = vector.broadcast %and3A_93 : i32 to vector<16xi32>
    %and3A_95 = arith.andi %get3A_86, %and3A_94 : vector<16xi32>
    %shift_left3A_96 = arith.constant 2 : i32
    %shift_left3A_97 = vector.broadcast %shift_left3A_96 : i32 to vector<16xi32>
    %shift_left3A_98 = arith.shli %and3A_95, %shift_left3A_97 : vector<16xi32>
    %add3A_99 = arith.addi %shift_left3A_92, %shift_left3A_98 : vector<16xi32>
    %swap3A_100 = arith.constant 0 : i32
    %swap3A_101 = arith.index_cast %swap3A_100 : i32 to index
    %swap3A_102 = arith.constant 48 : index
    %swap3A_103 = tpu.vector_load %arg6[%swap3A_101, %swap3A_102] {strides = array<i32>} : memref<2x1024xi32, #tpu.memory_space<vmem>>, vector<1x16xi32>,
    %swap3A_104 = vector.shape_cast %swap3A_103 : vector<1x16xi32> to vector<16xi32>
    %swap3A_105 = vector.shape_cast %add3A_99 : vector<16xi32> to vector<1x16xi32>
    tpu.vector_store %arg6[%swap3A_101, %swap3A_102], %swap3A_105 {strides = array<i32>} : memref<2x1024xi32, #tpu.memory_space<vmem>>, vector<1x16xi32>,
    %get3A_106 = arith.constant 0 : i32
    %get3A_107 = arith.constant 0 : i32
    %get3A_108 = arith.index_cast %get3A_106 : i32 to index
    %get3A_109 = arith.index_cast %get3A_107 : i32 to index
    %get3A_110 = arith.constant 64 : index
    %get3A_111 = tpu.vector_load %arg5[%get3A_108, %get3A_109, %get3A_110] {strides = array<i32>} : memref<2x8x128xi32, #tpu.memory_space<vmem>>, vector<1x1x16xi32>,
    %get3A_112 = vector.shape_cast %get3A_111 : vector<1x1x16xi32> to vector<16xi32>
    %shift_right_arithmetic3A_113 = arith.constant 3 : i32
    %shift_right_arithmetic3A_114 = vector.broadcast %shift_right_arithmetic3A_113 : i32 to vector<16xi32>
    %shift_right_arithmetic3A_115 = arith.shrsi %get3A_112, %shift_right_arithmetic3A_114 : vector<16xi32>
    %shift_left3A_116 = arith.constant 5 : i32
    %shift_left3A_117 = vector.broadcast %shift_left3A_116 : i32 to vector<16xi32>
    %shift_left3A_118 = arith.shli %shift_right_arithmetic3A_115, %shift_left3A_117 : vector<16xi32>
    %and3A_119 = arith.constant 7 : i32
    %and3A_120 = vector.broadcast %and3A_119 : i32 to vector<16xi32>
    %and3A_121 = arith.andi %get3A_112, %and3A_120 : vector<16xi32>
    %shift_left3A_122 = arith.constant 2 : i32
    %shift_left3A_123 = vector.broadcast %shift_left3A_122 : i32 to vector<16xi32>
    %shift_left3A_124 = arith.shli %and3A_121, %shift_left3A_123 : vector<16xi32>
    %add3A_125 = arith.addi %shift_left3A_118, %shift_left3A_124 : vector<16xi32>
    %swap3A_126 = arith.constant 0 : i32
    %swap3A_127 = arith.index_cast %swap3A_126 : i32 to index
    %swap3A_128 = arith.constant 64 : index
    %swap3A_129 = tpu.vector_load %arg6[%swap3A_127, %swap3A_128] {strides = array<i32>} : memref<2x1024xi32, #tpu.memory_space<vmem>>, vector<1x16xi32>,
    %swap3A_130 = vector.shape_cast %swap3A_129 : vector<1x16xi32> to vector<16xi32>
    %swap3A_131 = vector.shape_cast %add3A_125 : vector<16xi32> to vector<1x16xi32>
    tpu.vector_store %arg6[%swap3A_127, %swap3A_128], %swap3A_131 {strides = array<i32>} : memref<2x1024xi32, #tpu.memory_space<vmem>>, vector<1x16xi32>,
    %get3A_132 = arith.constant 0 : i32
    %get3A_133 = arith.constant 0 : i32
    %get3A_134 = arith.index_cast %get3A_132 : i32 to index
    %get3A_135 = arith.index_cast %get3A_133 : i32 to index
    %get3A_136 = arith.constant 80 : index
    %get3A_137 = tpu.vector_load %arg5[%get3A_134, %get3A_135, %get3A_136] {strides = array<i32>} : memref<2x8x128xi32, #tpu.memory_space<vmem>>, vector<1x1x16xi32>,
    %get3A_138 = vector.shape_cast %get3A_137 : vector<1x1x16xi32> to vector<16xi32>
    %shift_right_arithmetic3A_139 = arith.constant 3 : i32
    %shift_right_arithmetic3A_140 = vector.broadcast %shift_right_arithmetic3A_139 : i32 to vector<16xi32>
    %shift_right_arithmetic3A_141 = arith.shrsi %get3A_138, %shift_right_arithmetic3A_140 : vector<16xi32>
    %shift_left3A_142 = arith.constant 5 : i32
    %shift_left3A_143 = vector.broadcast %shift_left3A_142 : i32 to vector<16xi32>
    %shift_left3A_144 = arith.shli %shift_right_arithmetic3A_141, %shift_left3A_143 : vector<16xi32>
    %and3A_145 = arith.constant 7 : i32
    %and3A_146 = vector.broadcast %and3A_145 : i32 to vector<16xi32>
    %and3A_147 = arith.andi %get3A_138, %and3A_146 : vector<16xi32>
    %shift_left3A_148 = arith.constant 2 : i32
    %shift_left3A_149 = vector.broadcast %shift_left3A_148 : i32 to vector<16xi32>
    %shift_left3A_150 = arith.shli %and3A_147, %shift_left3A_149 : vector<16xi32>
    %add3A_151 = arith.addi %shift_left3A_144, %shift_left3A_150 : vector<16xi32>
    %swap3A_152 = arith.constant 0 : i32
    %swap3A_153 = arith.index_cast %swap3A_152 : i32 to index
    %swap3A_154 = arith.constant 80 : index
    %swap3A_155 = tpu.vector_load %arg6[%swap3A_153, %swap3A_154] {strides = array<i32>} : memref<2x1024xi32, #tpu.memory_space<vmem>>, vector<1x16xi32>,
    %swap3A_156 = vector.shape_cast %swap3A_155 : vector<1x16xi32> to vector<16xi32>
    %swap3A_157 = vector.shape_cast %add3A_151 : vector<16xi32> to vector<1x16xi32>
    tpu.vector_store %arg6[%swap3A_153, %swap3A_154], %swap3A_157 {strides = array<i32>} : memref<2x1024xi32, #tpu.memory_space<vmem>>, vector<1x16xi32>,
    %get3A_158 = arith.constant 0 : i32
    %get3A_159 = arith.constant 0 : i32
    %get3A_160 = arith.index_cast %get3A_158 : i32 to index
    %get3A_161 = arith.index_cast %get3A_159 : i32 to index
    %get3A_162 = arith.constant 96 : index
    %get3A_163 = tpu.vector_load %arg5[%get3A_160, %get3A_161, %get3A_162] {strides = array<i32>} : memref<2x8x128xi32, #tpu.memory_space<vmem>>, vector<1x1x16xi32>,
    %get3A_164 = vector.shape_cast %get3A_163 : vector<1x1x16xi32> to vector<16xi32>
    %shift_right_arithmetic3A_165 = arith.constant 3 : i32
    %shift_right_arithmetic3A_166 = vector.broadcast %shift_right_arithmetic3A_165 : i32 to vector<16xi32>
    %shift_right_arithmetic3A_167 = arith.shrsi %get3A_164, %shift_right_arithmetic3A_166 : vector<16xi32>
    %shift_left3A_168 = arith.constant 5 : i32
    %shift_left3A_169 = vector.broadcast %shift_left3A_168 : i32 to vector<16xi32>
    %shift_left3A_170 = arith.shli %shift_right_arithmetic3A_167, %shift_left3A_169 : vector<16xi32>
    %and3A_171 = arith.constant 7 : i32
    %and3A_172 = vector.broadcast %and3A_171 : i32 to vector<16xi32>
    %and3A_173 = arith.andi %get3A_164, %and3A_172 : vector<16xi32>
    %shift_left3A_174 = arith.constant 2 : i32
    %shift_left3A_175 = vector.broadcast %shift_left3A_174 : i32 to vector<16xi32>
    %shift_left3A_176 = arith.shli %and3A_173, %shift_left3A_175 : vector<16xi32>
    %add3A_177 = arith.addi %shift_left3A_170, %shift_left3A_176 : vector<16xi32>
    %swap3A_178 = arith.constant 0 : i32
    %swap3A_179 = arith.index_cast %swap3A_178 : i32 to index
    %swap3A_180 = arith.constant 96 : index
    %swap3A_181 = tpu.vector_load %arg6[%swap3A_179, %swap3A_180] {strides = array<i32>} : memref<2x1024xi32, #tpu.memory_space<vmem>>, vector<1x16xi32>,
    %swap3A_182 = vector.shape_cast %swap3A_181 : vector<1x16xi32> to vector<16xi32>
    %swap3A_183 = vector.shape_cast %add3A_177 : vector<16xi32> to vector<1x16xi32>
    tpu.vector_store %arg6[%swap3A_179, %swap3A_180], %swap3A_183 {strides = array<i32>} : memref<2x1024xi32, #tpu.memory_space<vmem>>, vector<1x16xi32>,
    %get3A_184 = arith.constant 0 : i32
    %get3A_185 = arith.constant 0 : i32
    %get3A_186 = arith.index_cast %get3A_184 : i32 to index
    %get3A_187 = arith.index_cast %get3A_185 : i32 to index
    %get3A_188 = arith.constant 112 : index
    %get3A_189 = tpu.vector_load %arg5[%get3A_186, %get3A_187, %get3A_188] {strides = array<i32>} : memref<2x8x128xi32, #tpu.memory_space<vmem>>, vector<1x1x16xi32>,
    %get3A_190 = vector.shape_cast %get3A_189 : vector<1x1x16xi32> to vector<16xi32>
    %shift_right_arithmetic3A_191 = arith.constant 3 : i32
    %shift_right_arithmetic3A_192 = vector.broadcast %shift_right_arithmetic3A_191 : i32 to vector<16xi32>
    %shift_right_arithmetic3A_193 = arith.shrsi %get3A_190, %shift_right_arithmetic3A_192 : vector<16xi32>
    %shift_left3A_194 = arith.constant 5 : i32
    %shift_left3A_195 = vector.broadcast %shift_left3A_194 : i32 to vector<16xi32>
    %shift_left3A_196 = arith.shli %shift_right_arithmetic3A_193, %shift_left3A_195 : vector<16xi32>
    %and3A_197 = arith.constant 7 : i32
    %and3A_198 = vector.broadcast %and3A_197 : i32 to vector<16xi32>
    %and3A_199 = arith.andi %get3A_190, %and3A_198 : vector<16xi32>
    %shift_left3A_200 = arith.constant 2 : i32
    %shift_left3A_201 = vector.broadcast %shift_left3A_200 : i32 to vector<16xi32>
    %shift_left3A_202 = arith.shli %and3A_199, %shift_left3A_201 : vector<16xi32>
    %add3A_203 = arith.addi %shift_left3A_196, %shift_left3A_202 : vector<16xi32>
    %swap3A_204 = arith.constant 0 : i32
    %swap3A_205 = arith.index_cast %swap3A_204 : i32 to index
    %swap3A_206 = arith.constant 112 : index
    %swap3A_207 = tpu.vector_load %arg6[%swap3A_205, %swap3A_206] {strides = array<i32>} : memref<2x1024xi32, #tpu.memory_space<vmem>>, vector<1x16xi32>,
    %swap3A_208 = vector.shape_cast %swap3A_207 : vector<1x16xi32> to vector<16xi32>
    %swap3A_209 = vector.shape_cast %add3A_203 : vector<16xi32> to vector<1x16xi32>
    tpu.vector_store %arg6[%swap3A_205, %swap3A_206], %swap3A_209 {strides = array<i32>} : memref<2x1024xi32, #tpu.memory_space<vmem>>, vector<1x16xi32>,
    %get3A_210 = arith.constant 0 : i32
    %get3A_211 = arith.constant 1 : i32
    %get3A_212 = arith.index_cast %get3A_210 : i32 to index
    %get3A_213 = arith.index_cast %get3A_211 : i32 to index
    %get3A_214 = arith.constant 0 : index
    %get3A_215 = tpu.vector_load %arg5[%get3A_212, %get3A_213, %get3A_214] {strides = array<i32>} : memref<2x8x128xi32, #tpu.memory_space<vmem>>, vector<1x1x16xi32>,
    %get3A_216 = vector.shape_cast %get3A_215 : vector<1x1x16xi32> to vector<16xi32>
    %shift_right_arithmetic3A_217 = arith.constant 3 : i32
    %shift_right_arithmetic3A_218 = vector.broadcast %shift_right_arithmetic3A_217 : i32 to vector<16xi32>
    %shift_right_arithmetic3A_219 = arith.shrsi %get3A_216, %shift_right_arithmetic3A_218 : vector<16xi32>
    %shift_left3A_220 = arith.constant 5 : i32
    %shift_left3A_221 = vector.broadcast %shift_left3A_220 : i32 to vector<16xi32>
    %shift_left3A_222 = arith.shli %shift_right_arithmetic3A_219, %shift_left3A_221 : vector<16xi32>
    %and3A_223 = arith.constant 7 : i32
    %and3A_224 = vector.broadcast %and3A_223 : i32 to vector<16xi32>
    %and3A_225 = arith.andi %get3A_216, %and3A_224 : vector<16xi32>
    %shift_left3A_226 = arith.constant 2 : i32
    %shift_left3A_227 = vector.broadcast %shift_left3A_226 : i32 to vector<16xi32>
    %shift_left3A_228 = arith.shli %and3A_225, %shift_left3A_227 : vector<16xi32>
    %add3A_229 = arith.addi %shift_left3A_222, %shift_left3A_228 : vector<16xi32>
    %swap3A_230 = arith.constant 0 : i32
    %swap3A_231 = arith.index_cast %swap3A_230 : i32 to index
    %swap3A_232 = arith.constant 128 : index
    %swap3A_233 = tpu.vector_load %arg6[%swap3A_231, %swap3A_232] {strides = array<i32>} : memref<2x1024xi32, #tpu.memory_space<vmem>>, vector<1x16xi32>,
    %swap3A_234 = vector.shape_cast %swap3A_233 : vector<1x16xi32> to vector<16xi32>
    %swap3A_235 = vector.shape_cast %add3A_229 : vector<16xi32> to vector<1x16xi32>
    tpu.vector_store %arg6[%swap3A_231, %swap3A_232], %swap3A_235 {strides = array<i32>} : memref<2x1024xi32, #tpu.memory_space<vmem>>, vector<1x16xi32>,
    %get3A_236 = arith.constant 0 : i32
    %get3A_237 = arith.constant 1 : i32
    %get3A_238 = arith.index_cast %get3A_236 : i32 to index
    %get3A_239 = arith.index_cast %get3A_237 : i32 to index
    %get3A_240 = arith.constant 16 : index
    %get3A_241 = tpu.vector_load %arg5[%get3A_238, %get3A_239, %get3A_240] {strides = array<i32>} : memref<2x8x128xi32, #tpu.memory_space<vmem>>, vector<1x1x16xi32>,
    %get3A_242 = vector.shape_cast %get3A_241 : vector<1x1x16xi32> to vector<16xi32>
    %shift_right_arithmetic3A_243 = arith.constant 3 : i32
    %shift_right_arithmetic3A_244 = vector.broadcast %shift_right_arithmetic3A_243 : i32 to vector<16xi32>
    %shift_right_arithmetic3A_245 = arith.shrsi %get3A_242, %shift_right_arithmetic3A_244 : vector<16xi32>
    %shift_left3A_246 = arith.constant 5 : i32
    %shift_left3A_247 = vector.broadcast %shift_left3A_246 : i32 to vector<16xi32>
    %shift_left3A_248 = arith.shli %shift_right_arithmetic3A_245, %shift_left3A_247 : vector<16xi32>
    %and3A_249 = arith.constant 7 : i32
    %and3A_250 = vector.broadcast %and3A_249 : i32 to vector<16xi32>
    %and3A_251 = arith.andi %get3A_242, %and3A_250 : vector<16xi32>
    %shift_left3A_252 = arith.constant 2 : i32
    %shift_left3A_253 = vector.broadcast %shift_left3A_252 : i32 to vector<16xi32>
    %shift_left3A_254 = arith.shli %and3A_251, %shift_left3A_253 : vector<16xi32>
    %add3A_255 = arith.addi %shift_left3A_248, %shift_left3A_254 : vector<16xi32>
    %swap3A_256 = arith.constant 0 : i32
    %swap3A_257 = arith.index_cast %swap3A_256 : i32 to index
    %swap3A_258 = arith.constant 144 : index
    %swap3A_259 = tpu.vector_load %arg6[%swap3A_257, %swap3A_258] {strides = array<i32>} : memref<2x1024xi32, #tpu.memory_space<vmem>>, vector<1x16xi32>,
    %swap3A_260 = vector.shape_cast %swap3A_259 : vector<1x16xi32> to vector<16xi32>
    %swap3A_261 = vector.shape_cast %add3A_255 : vector<16xi32> to vector<1x16xi32>
    tpu.vector_store %arg6[%swap3A_257, %swap3A_258], %swap3A_261 {strides = array<i32>} : memref<2x1024xi32, #tpu.memory_space<vmem>>, vector<1x16xi32>,
    %get3A_262 = arith.constant 0 : i32
    %get3A_263 = arith.constant 1 : i32
    %get3A_264 = arith.index_cast %get3A_262 : i32 to index
    %get3A_265 = arith.index_cast %get3A_263 : i32 to index
    %get3A_266 = arith.constant 32 : index
    %get3A_267 = tpu.vector_load %arg5[%get3A_264, %get3A_265, %get3A_266] {strides = array<i32>} : memref<2x8x128xi32, #tpu.memory_space<vmem>>, vector<1x1x16xi32>,
    %get3A_268 = vector.shape_cast %get3A_267 : vector<1x1x16xi32> to vector<16xi32>
    %shift_right_arithmetic3A_269 = arith.constant 3 : i32
    %shift_right_arithmetic3A_270 = vector.broadcast %shift_right_arithmetic3A_269 : i32 to vector<16xi32>
    %shift_right_arithmetic3A_271 = arith.shrsi %get3A_268, %shift_right_arithmetic3A_270 : vector<16xi32>
    %shift_left3A_272 = arith.constant 5 : i32
    %shift_left3A_273 = vector.broadcast %shift_left3A_272 : i32 to vector<16xi32>
    %shift_left3A_274 = arith.shli %shift_right_arithmetic3A_271, %shift_left3A_273 : vector<16xi32>
    %and3A_275 = arith.constant 7 : i32
    %and3A_276 = vector.broadcast %and3A_275 : i32 to vector<16xi32>
    %and3A_277 = arith.andi %get3A_268, %and3A_276 : vector<16xi32>
    %shift_left3A_278 = arith.constant 2 : i32
    %shift_left3A_279 = vector.broadcast %shift_left3A_278 : i32 to vector<16xi32>
    %shift_left3A_280 = arith.shli %and3A_277, %shift_left3A_279 : vector<16xi32>
    %add3A_281 = arith.addi %shift_left3A_274, %shift_left3A_280 : vector<16xi32>
    %swap3A_282 = arith.constant 0 : i32
    %swap3A_283 = arith.index_cast %swap3A_282 : i32 to index
    %swap3A_284 = arith.constant 160 : index
    %swap3A_285 = tpu.vector_load %arg6[%swap3A_283, %swap3A_284] {strides = array<i32>} : memref<2x1024xi32, #tpu.memory_space<vmem>>, vector<1x16xi32>,
    %swap3A_286 = vector.shape_cast %swap3A_285 : vector<1x16xi32> to vector<16xi32>
    %swap3A_287 = vector.shape_cast %add3A_281 : vector<16xi32> to vector<1x16xi32>
    tpu.vector_store %arg6[%swap3A_283, %swap3A_284], %swap3A_287 {strides = array<i32>} : memref<2x1024xi32, #tpu.memory_space<vmem>>, vector<1x16xi32>,
    %get3A_288 = arith.constant 0 : i32
    %get3A_289 = arith.constant 1 : i32
    %get3A_290 = arith.index_cast %get3A_288 : i32 to index
    %get3A_291 = arith.index_cast %get3A_289 : i32 to index
    %get3A_292 = arith.constant 48 : index
    %get3A_293 = tpu.vector_load %arg5[%get3A_290, %get3A_291, %get3A_292] {strides = array<i32>} : memref<2x8x128xi32, #tpu.memory_space<vmem>>, vector<1x1x16xi32>,
    %get3A_294 = vector.shape_cast %get3A_293 : vector<1x1x16xi32> to vector<16xi32>
    %shift_right_arithmetic3A_295 = arith.constant 3 : i32
    %shift_right_arithmetic3A_296 = vector.broadcast %shift_right_arithmetic3A_295 : i32 to vector<16xi32>
    %shift_right_arithmetic3A_297 = arith.shrsi %get3A_294, %shift_right_arithmetic3A_296 : vector<16xi32>
    %shift_left3A_298 = arith.constant 5 : i32
    %shift_left3A_299 = vector.broadcast %shift_left3A_298 : i32 to vector<16xi32>
    %shift_left3A_300 = arith.shli %shift_right_arithmetic3A_297, %shift_left3A_299 : vector<16xi32>
    %and3A_301 = arith.constant 7 : i32
    %and3A_302 = vector.broadcast %and3A_301 : i32 to vector<16xi32>
    %and3A_303 = arith.andi %get3A_294, %and3A_302 : vector<16xi32>
    %shift_left3A_304 = arith.constant 2 : i32
    %shift_left3A_305 = vector.broadcast %shift_left3A_304 : i32 to vector<16xi32>
    %shift_left3A_306 = arith.shli %and3A_303, %shift_left3A_305 : vector<16xi32>
    %add3A_307 = arith.addi %shift_left3A_300, %shift_left3A_306 : vector<16xi32>
    %swap3A_308 = arith.constant 0 : i32
    %swap3A_309 = arith.index_cast %swap3A_308 : i32 to index
    %swap3A_310 = arith.constant 176 : index
    %swap3A_311 = tpu.vector_load %arg6[%swap3A_309, %swap3A_310] {strides = array<i32>} : memref<2x1024xi32, #tpu.memory_space<vmem>>, vector<1x16xi32>,
    %swap3A_312 = vector.shape_cast %swap3A_311 : vector<1x16xi32> to vector<16xi32>
    %swap3A_313 = vector.shape_cast %add3A_307 : vector<16xi32> to vector<1x16xi32>
    tpu.vector_store %arg6[%swap3A_309, %swap3A_310], %swap3A_313 {strides = array<i32>} : memref<2x1024xi32, #tpu.memory_space<vmem>>, vector<1x16xi32>,
    %get3A_314 = arith.constant 0 : i32
    %get3A_315 = arith.constant 1 : i32
    %get3A_316 = arith.index_cast %get3A_314 : i32 to index
    %get3A_317 = arith.index_cast %get3A_315 : i32 to index
    %get3A_318 = arith.constant 64 : index
    %get3A_319 = tpu.vector_load %arg5[%get3A_316, %get3A_317, %get3A_318] {strides = array<i32>} : memref<2x8x128xi32, #tpu.memory_space<vmem>>, vector<1x1x16xi32>,
    %get3A_320 = vector.shape_cast %get3A_319 : vector<1x1x16xi32> to vector<16xi32>
    %shift_right_arithmetic3A_321 = arith.constant 3 : i32
    %shift_right_arithmetic3A_322 = vector.broadcast %shift_right_arithmetic3A_321 : i32 to vector<16xi32>
    %shift_right_arithmetic3A_323 = arith.shrsi %get3A_320, %shift_right_arithmetic3A_322 : vector<16xi32>
    %shift_left3A_324 = arith.constant 5 : i32
    %shift_left3A_325 = vector.broadcast %shift_left3A_324 : i32 to vector<16xi32>
    %shift_left3A_326 = arith.shli %shift_right_arithmetic3A_323, %shift_left3A_325 : vector<16xi32>
    %and3A_327 = arith.constant 7 : i32
    %and3A_328 = vector.broadcast %and3A_327 : i32 to vector<16xi32>
    %and3A_329 = arith.andi %get3A_320, %and3A_328 : vector<16xi32>
    %shift_left3A_330 = arith.constant 2 : i32
    %shift_left3A_331 = vector.broadcast %shift_left3A_330 : i32 to vector<16xi32>
    %shift_left3A_332 = arith.shli %and3A_329, %shift_left3A_331 : vector<16xi32>
    %add3A_333 = arith.addi %shift_left3A_326, %shift_left3A_332 : vector<16xi32>
    %swap3A_334 = arith.constant 0 : i32
    %swap3A_335 = arith.index_cast %swap3A_334 : i32 to index
    %swap3A_336 = arith.constant 192 : index
    %swap3A_337 = tpu.vector_load %arg6[%swap3A_335, %swap3A_336] {strides = array<i32>} : memref<2x1024xi32, #tpu.memory_space<vmem>>, vector<1x16xi32>,
    %swap3A_338 = vector.shape_cast %swap3A_337 : vector<1x16xi32> to vector<16xi32>
    %swap3A_339 = vector.shape_cast %add3A_333 : vector<16xi32> to vector<1x16xi32>
    tpu.vector_store %arg6[%swap3A_335, %swap3A_336], %swap3A_339 {strides = array<i32>} : memref<2x1024xi32, #tpu.memory_space<vmem>>, vector<1x16xi32>,
    %get3A_340 = arith.constant 0 : i32
    %get3A_341 = arith.constant 1 : i32
    %get3A_342 = arith.index_cast %get3A_340 : i32 to index
    %get3A_343 = arith.index_cast %get3A_341 : i32 to index
    %get3A_344 = arith.constant 80 : index
    %get3A_345 = tpu.vector_load %arg5[%get3A_342, %get3A_343, %get3A_344] {strides = array<i32>} : memref<2x8x128xi32, #tpu.memory_space<vmem>>, vector<1x1x16xi32>,
    %get3A_346 = vector.shape_cast %get3A_345 : vector<1x1x16xi32> to vector<16xi32>
    %shift_right_arithmetic3A_347 = arith.constant 3 : i32
    %shift_right_arithmetic3A_348 = vector.broadcast %shift_right_arithmetic3A_347 : i32 to vector<16xi32>
    %shift_right_arithmetic3A_349 = arith.shrsi %get3A_346, %shift_right_arithmetic3A_348 : vector<16xi32>
    %shift_left3A_350 = arith.constant 5 : i32
    %shift_left3A_351 = vector.broadcast %shift_left3A_350 : i32 to vector<16xi32>
    %shift_left3A_352 = arith.shli %shift_right_arithmetic3A_349, %shift_left3A_351 : vector<16xi32>
    %and3A_353 = arith.constant 7 : i32
    %and3A_354 = vector.broadcast %and3A_353 : i32 to vector<16xi32>
    %and3A_355 = arith.andi %get3A_346, %and3A_354 : vector<16xi32>
    %shift_left3A_356 = arith.constant 2 : i32
    %shift_left3A_357 = vector.broadcast %shift_left3A_356 : i32 to vector<16xi32>
    %shift_left3A_358 = arith.shli %and3A_355, %shift_left3A_357 : vector<16xi32>
    %add3A_359 = arith.addi %shift_left3A_352, %shift_left3A_358 : vector<16xi32>
    %swap3A_360 = arith.constant 0 : i32
    %swap3A_361 = arith.index_cast %swap3A_360 : i32 to index
    %swap3A_362 = arith.constant 208 : index
    %swap3A_363 = tpu.vector_load %arg6[%swap3A_361, %swap3A_362] {strides = array<i32>} : memref<2x1024xi32, #tpu.memory_space<vmem>>, vector<1x16xi32>,
    %swap3A_364 = vector.shape_cast %swap3A_363 : vector<1x16xi32> to vector<16xi32>
    %swap3A_365 = vector.shape_cast %add3A_359 : vector<16xi32> to vector<1x16xi32>
    tpu.vector_store %arg6[%swap3A_361, %swap3A_362], %swap3A_365 {strides = array<i32>} : memref<2x1024xi32, #tpu.memory_space<vmem>>, vector<1x16xi32>,
    %get3A_366 = arith.constant 0 : i32
    %get3A_367 = arith.constant 1 : i32
    %get3A_368 = arith.index_cast %get3A_366 : i32 to index
    %get3A_369 = arith.index_cast %get3A_367 : i32 to index
    %get3A_370 = arith.constant 96 : index
    %get3A_371 = tpu.vector_load %arg5[%get3A_368, %get3A_369, %get3A_370] {strides = array<i32>} : memref<2x8x128xi32, #tpu.memory_space<vmem>>, vector<1x1x16xi32>,
    %get3A_372 = vector.shape_cast %get3A_371 : vector<1x1x16xi32> to vector<16xi32>
    %shift_right_arithmetic3A_373 = arith.constant 3 : i32
    %shift_right_arithmetic3A_374 = vector.broadcast %shift_right_arithmetic3A_373 : i32 to vector<16xi32>
    %shift_right_arithmetic3A_375 = arith.shrsi %get3A_372, %shift_right_arithmetic3A_374 : vector<16xi32>
    %shift_left3A_376 = arith.constant 5 : i32
    %shift_left3A_377 = vector.broadcast %shift_left3A_376 : i32 to vector<16xi32>
    %shift_left3A_378 = arith.shli %shift_right_arithmetic3A_375, %shift_left3A_377 : vector<16xi32>
    %and3A_379 = arith.constant 7 : i32
    %and3A_380 = vector.broadcast %and3A_379 : i32 to vector<16xi32>
    %and3A_381 = arith.andi %get3A_372, %and3A_380 : vector<16xi32>
    %shift_left3A_382 = arith.constant 2 : i32
    %shift_left3A_383 = vector.broadcast %shift_left3A_382 : i32 to vector<16xi32>
    %shift_left3A_384 = arith.shli %and3A_381, %shift_left3A_383 : vector<16xi32>
    %add3A_385 = arith.addi %shift_left3A_378, %shift_left3A_384 : vector<16xi32>
    %swap3A_386 = arith.constant 0 : i32
    %swap3A_387 = arith.index_cast %swap3A_386 : i32 to index
    %swap3A_388 = arith.constant 224 : index
    %swap3A_389 = tpu.vector_load %arg6[%swap3A_387, %swap3A_388] {strides = array<i32>} : memref<2x1024xi32, #tpu.memory_space<vmem>>, vector<1x16xi32>,
    %swap3A_390 = vector.shape_cast %swap3A_389 : vector<1x16xi32> to vector<16xi32>
    %swap3A_391 = vector.shape_cast %add3A_385 : vector<16xi32> to vector<1x16xi32>
    tpu.vector_store %arg6[%swap3A_387, %swap3A_388], %swap3A_391 {strides = array<i32>} : memref<2x1024xi32, #tpu.memory_space<vmem>>, vector<1x16xi32>,
    %get3A_392 = arith.constant 0 : i32
    %get3A_393 = arith.constant 1 : i32
    %get3A_394 = arith.index_cast %get3A_392 : i32 to index
    %get3A_395 = arith.index_cast %get3A_393 : i32 to index
    %get3A_396 = arith.constant 112 : index
    %get3A_397 = tpu.vector_load %arg5[%get3A_394, %get3A_395, %get3A_396] {strides = array<i32>} : memref<2x8x128xi32, #tpu.memory_space<vmem>>, vector<1x1x16xi32>,
    %get3A_398 = vector.shape_cast %get3A_397 : vector<1x1x16xi32> to vector<16xi32>
    %shift_right_arithmetic3A_399 = arith.constant 3 : i32
    %shift_right_arithmetic3A_400 = vector.broadcast %shift_right_arithmetic3A_399 : i32 to vector<16xi32>
    %shift_right_arithmetic3A_401 = arith.shrsi %get3A_398, %shift_right_arithmetic3A_400 : vector<16xi32>
    %shift_left3A_402 = arith.constant 5 : i32
    %shift_left3A_403 = vector.broadcast %shift_left3A_402 : i32 to vector<16xi32>
    %shift_left3A_404 = arith.shli %shift_right_arithmetic3A_401, %shift_left3A_403 : vector<16xi32>
    %and3A_405 = arith.constant 7 : i32
    %and3A_406 = vector.broadcast %and3A_405 : i32 to vector<16xi32>
    %and3A_407 = arith.andi %get3A_398, %and3A_406 : vector<16xi32>
    %shift_left3A_408 = arith.constant 2 : i32
    %shift_left3A_409 = vector.broadcast %shift_left3A_408 : i32 to vector<16xi32>
    %shift_left3A_410 = arith.shli %and3A_407, %shift_left3A_409 : vector<16xi32>
    %add3A_411 = arith.addi %shift_left3A_404, %shift_left3A_410 : vector<16xi32>
    %swap3A_412 = arith.constant 0 : i32
    %swap3A_413 = arith.index_cast %swap3A_412 : i32 to index
    %swap3A_414 = arith.constant 240 : index
    %swap3A_415 = tpu.vector_load %arg6[%swap3A_413, %swap3A_414] {strides = array<i32>} : memref<2x1024xi32, #tpu.memory_space<vmem>>, vector<1x16xi32>,
    %swap3A_416 = vector.shape_cast %swap3A_415 : vector<1x16xi32> to vector<16xi32>
    %swap3A_417 = vector.shape_cast %add3A_411 : vector<16xi32> to vector<1x16xi32>
    tpu.vector_store %arg6[%swap3A_413, %swap3A_414], %swap3A_417 {strides = array<i32>} : memref<2x1024xi32, #tpu.memory_space<vmem>>, vector<1x16xi32>,
    %get3A_418 = arith.constant 0 : i32
    %get3A_419 = arith.constant 2 : i32
    %get3A_420 = arith.index_cast %get3A_418 : i32 to index
    %get3A_421 = arith.index_cast %get3A_419 : i32 to index
    %get3A_422 = arith.constant 0 : index
    %get3A_423 = tpu.vector_load %arg5[%get3A_420, %get3A_421, %get3A_422] {strides = array<i32>} : memref<2x8x128xi32, #tpu.memory_space<vmem>>, vector<1x1x16xi32>,
    %get3A_424 = vector.shape_cast %get3A_423 : vector<1x1x16xi32> to vector<16xi32>
    %shift_right_arithmetic3A_425 = arith.constant 3 : i32
    %shift_right_arithmetic3A_426 = vector.broadcast %shift_right_arithmetic3A_425 : i32 to vector<16xi32>
    %shift_right_arithmetic3A_427 = arith.shrsi %get3A_424, %shift_right_arithmetic3A_426 : vector<16xi32>
    %shift_left3A_428 = arith.constant 5 : i32
    %shift_left3A_429 = vector.broadcast %shift_left3A_428 : i32 to vector<16xi32>
    %shift_left3A_430 = arith.shli %shift_right_arithmetic3A_427, %shift_left3A_429 : vector<16xi32>
    %and3A_431 = arith.constant 7 : i32
    %and3A_432 = vector.broadcast %and3A_431 : i32 to vector<16xi32>
    %and3A_433 = arith.andi %get3A_424, %and3A_432 : vector<16xi32>
    %shift_left3A_434 = arith.constant 2 : i32
    %shift_left3A_435 = vector.broadcast %shift_left3A_434 : i32 to vector<16xi32>
    %shift_left3A_436 = arith.shli %and3A_433, %shift_left3A_435 : vector<16xi32>
    %add3A_437 = arith.addi %shift_left3A_430, %shift_left3A_436 : vector<16xi32>
    %swap3A_438 = arith.constant 0 : i32
    %swap3A_439 = arith.index_cast %swap3A_438 : i32 to index
    %swap3A_440 = arith.constant 256 : index
    %swap3A_441 = tpu.vector_load %arg6[%swap3A_439, %swap3A_440] {strides = array<i32>} : memref<2x1024xi32, #tpu.memory_space<vmem>>, vector<1x16xi32>,
    %swap3A_442 = vector.shape_cast %swap3A_441 : vector<1x16xi32> to vector<16xi32>
    %swap3A_443 = vector.shape_cast %add3A_437 : vector<16xi32> to vector<1x16xi32>
    tpu.vector_store %arg6[%swap3A_439, %swap3A_440], %swap3A_443 {strides = array<i32>} : memref<2x1024xi32, #tpu.memory_space<vmem>>, vector<1x16xi32>,
    %get3A_444 = arith.constant 0 : i32
    %get3A_445 = arith.constant 2 : i32
    %get3A_446 = arith.index_cast %get3A_444 : i32 to index
    %get3A_447 = arith.index_cast %get3A_445 : i32 to index
    %get3A_448 = arith.constant 16 : index
    %get3A_449 = tpu.vector_load %arg5[%get3A_446, %get3A_447, %get3A_448] {strides = array<i32>} : memref<2x8x128xi32, #tpu.memory_space<vmem>>, vector<1x1x16xi32>,
    %get3A_450 = vector.shape_cast %get3A_449 : vector<1x1x16xi32> to vector<16xi32>
    %shift_right_arithmetic3A_451 = arith.constant 3 : i32
    %shift_right_arithmetic3A_452 = vector.broadcast %shift_right_arithmetic3A_451 : i32 to vector<16xi32>
    %shift_right_arithmetic3A_453 = arith.shrsi %get3A_450, %shift_right_arithmetic3A_452 : vector<16xi32>
    %shift_left3A_454 = arith.constant 5 : i32
    %shift_left3A_455 = vector.broadcast %shift_left3A_454 : i32 to vector<16xi32>
    %shift_left3A_456 = arith.shli %shift_right_arithmetic3A_453, %shift_left3A_455 : vector<16xi32>
    %and3A_457 = arith.constant 7 : i32
    %and3A_458 = vector.broadcast %and3A_457 : i32 to vector<16xi32>
    %and3A_459 = arith.andi %get3A_450, %and3A_458 : vector<16xi32>
    %shift_left3A_460 = arith.constant 2 : i32
    %shift_left3A_461 = vector.broadcast %shift_left3A_460 : i32 to vector<16xi32>
    %shift_left3A_462 = arith.shli %and3A_459, %shift_left3A_461 : vector<16xi32>
    %add3A_463 = arith.addi %shift_left3A_456, %shift_left3A_462 : vector<16xi32>
    %swap3A_464 = arith.constant 0 : i32
    %swap3A_465 = arith.index_cast %swap3A_464 : i32 to index
    %swap3A_466 = arith.constant 272 : index
    %swap3A_467 = tpu.vector_load %arg6[%swap3A_465, %swap3A_466] {strides = array<i32>} : memref<2x1024xi32, #tpu.memory_space<vmem>>, vector<1x16xi32>,
    %swap3A_468 = vector.shape_cast %swap3A_467 : vector<1x16xi32> to vector<16xi32>
    %swap3A_469 = vector.shape_cast %add3A_463 : vector<16xi32> to vector<1x16xi32>
    tpu.vector_store %arg6[%swap3A_465, %swap3A_466], %swap3A_469 {strides = array<i32>} : memref<2x1024xi32, #tpu.memory_space<vmem>>, vector<1x16xi32>,
    %get3A_470 = arith.constant 0 : i32
    %get3A_471 = arith.constant 2 : i32
    %get3A_472 = arith.index_cast %get3A_470 : i32 to index
    %get3A_473 = arith.index_cast %get3A_471 : i32 to index
    %get3A_474 = arith.constant 32 : index
    %get3A_475 = tpu.vector_load %arg5[%get3A_472, %get3A_473, %get3A_474] {strides = array<i32>} : memref<2x8x128xi32, #tpu.memory_space<vmem>>, vector<1x1x16xi32>,
    %get3A_476 = vector.shape_cast %get3A_475 : vector<1x1x16xi32> to vector<16xi32>
    %shift_right_arithmetic3A_477 = arith.constant 3 : i32
    %shift_right_arithmetic3A_478 = vector.broadcast %shift_right_arithmetic3A_477 : i32 to vector<16xi32>
    %shift_right_arithmetic3A_479 = arith.shrsi %get3A_476, %shift_right_arithmetic3A_478 : vector<16xi32>
    %shift_left3A_480 = arith.constant 5 : i32
    %shift_left3A_481 = vector.broadcast %shift_left3A_480 : i32 to vector<16xi32>
    %shift_left3A_482 = arith.shli %shift_right_arithmetic3A_479, %shift_left3A_481 : vector<16xi32>
    %and3A_483 = arith.constant 7 : i32
    %and3A_484 = vector.broadcast %and3A_483 : i32 to vector<16xi32>
    %and3A_485 = arith.andi %get3A_476, %and3A_484 : vector<16xi32>
    %shift_left3A_486 = arith.constant 2 : i32
    %shift_left3A_487 = vector.broadcast %shift_left3A_486 : i32 to vector<16xi32>
    %shift_left3A_488 = arith.shli %and3A_485, %shift_left3A_487 : vector<16xi32>
    %add3A_489 = arith.addi %shift_left3A_482, %shift_left3A_488 : vector<16xi32>
    %swap3A_490 = arith.constant 0 : i32
    %swap3A_491 = arith.index_cast %swap3A_490 : i32 to index
    %swap3A_492 = arith.constant 288 : index
    %swap3A_493 = tpu.vector_load %arg6[%swap3A_491, %swap3A_492] {strides = array<i32>} : memref<2x1024xi32, #tpu.memory_space<vmem>>, vector<1x16xi32>,
    %swap3A_494 = vector.shape_cast %swap3A_493 : vector<1x16xi32> to vector<16xi32>
    %swap3A_495 = vector.shape_cast %add3A_489 : vector<16xi32> to vector<1x16xi32>
    tpu.vector_store %arg6[%swap3A_491, %swap3A_492], %swap3A_495 {strides = array<i32>} : memref<2x1024xi32, #tpu.memory_space<vmem>>, vector<1x16xi32>,
    %get3A_496 = arith.constant 0 : i32
    %get3A_497 = arith.constant 2 : i32
    %get3A_498 = arith.index_cast %get3A_496 : i32 to index
    %get3A_499 = arith.index_cast %get3A_497 : i32 to index
    %get3A_500 = arith.constant 48 : index
    %get3A_501 = tpu.vector_load %arg5[%get3A_498, %get3A_499, %get3A_500] {strides = array<i32>} : memref<2x8x128xi32, #tpu.memory_space<vmem>>, vector<1x1x16xi32>,
    %get3A_502 = vector.shape_cast %get3A_501 : vector<1x1x16xi32> to vector<16xi32>
    %shift_right_arithmetic3A_503 = arith.constant 3 : i32
    %shift_right_arithmetic3A_504 = vector.broadcast %shift_right_arithmetic3A_503 : i32 to vector<16xi32>
    %shift_right_arithmetic3A_505 = arith.shrsi %get3A_502, %shift_right_arithmetic3A_504 : vector<16xi32>
    %shift_left3A_506 = arith.constant 5 : i32
    %shift_left3A_507 = vector.broadcast %shift_left3A_506 : i32 to vector<16xi32>
    %shift_left3A_508 = arith.shli %shift_right_arithmetic3A_505, %shift_left3A_507 : vector<16xi32>
    %and3A_509 = arith.constant 7 : i32
    %and3A_510 = vector.broadcast %and3A_509 : i32 to vector<16xi32>
    %and3A_511 = arith.andi %get3A_502, %and3A_510 : vector<16xi32>
    %shift_left3A_512 = arith.constant 2 : i32
    %shift_left3A_513 = vector.broadcast %shift_left3A_512 : i32 to vector<16xi32>
    %shift_left3A_514 = arith.shli %and3A_511, %shift_left3A_513 : vector<16xi32>
    %add3A_515 = arith.addi %shift_left3A_508, %shift_left3A_514 : vector<16xi32>
    %swap3A_516 = arith.constant 0 : i32
    %swap3A_517 = arith.index_cast %swap3A_516 : i32 to index
    %swap3A_518 = arith.constant 304 : index
    %swap3A_519 = tpu.vector_load %arg6[%swap3A_517, %swap3A_518] {strides = array<i32>} : memref<2x1024xi32, #tpu.memory_space<vmem>>, vector<1x16xi32>,
    %swap3A_520 = vector.shape_cast %swap3A_519 : vector<1x16xi32> to vector<16xi32>
    %swap3A_521 = vector.shape_cast %add3A_515 : vector<16xi32> to vector<1x16xi32>
    tpu.vector_store %arg6[%swap3A_517, %swap3A_518], %swap3A_521 {strides = array<i32>} : memref<2x1024xi32, #tpu.memory_space<vmem>>, vector<1x16xi32>,
    %get3A_522 = arith.constant 0 : i32
    %get3A_523 = arith.constant 2 : i32
    %get3A_524 = arith.index_cast %get3A_522 : i32 to index
    %get3A_525 = arith.index_cast %get3A_523 : i32 to index
    %get3A_526 = arith.constant 64 : index
    %get3A_527 = tpu.vector_load %arg5[%get3A_524, %get3A_525, %get3A_526] {strides = array<i32>} : memref<2x8x128xi32, #tpu.memory_space<vmem>>, vector<1x1x16xi32>,
    %get3A_528 = vector.shape_cast %get3A_527 : vector<1x1x16xi32> to vector<16xi32>
    %shift_right_arithmetic3A_529 = arith.constant 3 : i32
    %shift_right_arithmetic3A_530 = vector.broadcast %shift_right_arithmetic3A_529 : i32 to vector<16xi32>
    %shift_right_arithmetic3A_531 = arith.shrsi %get3A_528, %shift_right_arithmetic3A_530 : vector<16xi32>
    %shift_left3A_532 = arith.constant 5 : i32
    %shift_left3A_533 = vector.broadcast %shift_left3A_532 : i32 to vector<16xi32>
    %shift_left3A_534 = arith.shli %shift_right_arithmetic3A_531, %shift_left3A_533 : vector<16xi32>
    %and3A_535 = arith.constant 7 : i32
    %and3A_536 = vector.broadcast %and3A_535 : i32 to vector<16xi32>
    %and3A_537 = arith.andi %get3A_528, %and3A_536 : vector<16xi32>
    %shift_left3A_538 = arith.constant 2 : i32
    %shift_left3A_539 = vector.broadcast %shift_left3A_538 : i32 to vector<16xi32>
    %shift_left3A_540 = arith.shli %and3A_537, %shift_left3A_539 : vector<16xi32>
    %add3A_541 = arith.addi %shift_left3A_534, %shift_left3A_540 : vector<16xi32>
    %swap3A_542 = arith.constant 0 : i32
    %swap3A_543 = arith.index_cast %swap3A_542 : i32 to index
    %swap3A_544 = arith.constant 320 : index
    %swap3A_545 = tpu.vector_load %arg6[%swap3A_543, %swap3A_544] {strides = array<i32>} : memref<2x1024xi32, #tpu.memory_space<vmem>>, vector<1x16xi32>,
    %swap3A_546 = vector.shape_cast %swap3A_545 : vector<1x16xi32> to vector<16xi32>
    %swap3A_547 = vector.shape_cast %add3A_541 : vector<16xi32> to vector<1x16xi32>
    tpu.vector_store %arg6[%swap3A_543, %swap3A_544], %swap3A_547 {strides = array<i32>} : memref<2x1024xi32, #tpu.memory_space<vmem>>, vector<1x16xi32>,
    %get3A_548 = arith.constant 0 : i32
    %get3A_549 = arith.constant 2 : i32
    %get3A_550 = arith.index_cast %get3A_548 : i32 to index
    %get3A_551 = arith.index_cast %get3A_549 : i32 to index
    %get3A_552 = arith.constant 80 : index
    %get3A_553 = tpu.vector_load %arg5[%get3A_550, %get3A_551, %get3A_552] {strides = array<i32>} : memref<2x8x128xi32, #tpu.memory_space<vmem>>, vector<1x1x16xi32>,
    %get3A_554 = vector.shape_cast %get3A_553 : vector<1x1x16xi32> to vector<16xi32>
    %shift_right_arithmetic3A_555 = arith.constant 3 : i32
    %shift_right_arithmetic3A_556 = vector.broadcast %shift_right_arithmetic3A_555 : i32 to vector<16xi32>
    %shift_right_arithmetic3A_557 = arith.shrsi %get3A_554, %shift_right_arithmetic3A_556 : vector<16xi32>
    %shift_left3A_558 = arith.constant 5 : i32
    %shift_left3A_559 = vector.broadcast %shift_left3A_558 : i32 to vector<16xi32>
    %shift_left3A_560 = arith.shli %shift_right_arithmetic3A_557, %shift_left3A_559 : vector<16xi32>
    %and3A_561 = arith.constant 7 : i32
    %and3A_562 = vector.broadcast %and3A_561 : i32 to vector<16xi32>
    %and3A_563 = arith.andi %get3A_554, %and3A_562 : vector<16xi32>
    %shift_left3A_564 = arith.constant 2 : i32
    %shift_left3A_565 = vector.broadcast %shift_left3A_564 : i32 to vector<16xi32>
    %shift_left3A_566 = arith.shli %and3A_563, %shift_left3A_565 : vector<16xi32>
    %add3A_567 = arith.addi %shift_left3A_560, %shift_left3A_566 : vector<16xi32>
    %swap3A_568 = arith.constant 0 : i32
    %swap3A_569 = arith.index_cast %swap3A_568 : i32 to index
    %swap3A_570 = arith.constant 336 : index
    %swap3A_571 = tpu.vector_load %arg6[%swap3A_569, %swap3A_570] {strides = array<i32>} : memref<2x1024xi32, #tpu.memory_space<vmem>>, vector<1x16xi32>,
    %swap3A_572 = vector.shape_cast %swap3A_571 : vector<1x16xi32> to vector<16xi32>
    %swap3A_573 = vector.shape_cast %add3A_567 : vector<16xi32> to vector<1x16xi32>
    tpu.vector_store %arg6[%swap3A_569, %swap3A_570], %swap3A_573 {strides = array<i32>} : memref<2x1024xi32, #tpu.memory_space<vmem>>, vector<1x16xi32>,
    %get3A_574 = arith.constant 0 : i32
    %get3A_575 = arith.constant 2 : i32
    %get3A_576 = arith.index_cast %get3A_574 : i32 to index
    %get3A_577 = arith.index_cast %get3A_575 : i32 to index
    %get3A_578 = arith.constant 96 : index
    %get3A_579 = tpu.vector_load %arg5[%get3A_576, %get3A_577, %get3A_578] {strides = array<i32>} : memref<2x8x128xi32, #tpu.memory_space<vmem>>, vector<1x1x16xi32>,
    %get3A_580 = vector.shape_cast %get3A_579 : vector<1x1x16xi32> to vector<16xi32>
    %shift_right_arithmetic3A_581 = arith.constant 3 : i32
    %shift_right_arithmetic3A_582 = vector.broadcast %shift_right_arithmetic3A_581 : i32 to vector<16xi32>
    %shift_right_arithmetic3A_583 = arith.shrsi %get3A_580, %shift_right_arithmetic3A_582 : vector<16xi32>
    %shift_left3A_584 = arith.constant 5 : i32
    %shift_left3A_585 = vector.broadcast %shift_left3A_584 : i32 to vector<16xi32>
    %shift_left3A_586 = arith.shli %shift_right_arithmetic3A_583, %shift_left3A_585 : vector<16xi32>
    %and3A_587 = arith.constant 7 : i32
    %and3A_588 = vector.broadcast %and3A_587 : i32 to vector<16xi32>
    %and3A_589 = arith.andi %get3A_580, %and3A_588 : vector<16xi32>
    %shift_left3A_590 = arith.constant 2 : i32
    %shift_left3A_591 = vector.broadcast %shift_left3A_590 : i32 to vector<16xi32>
    %shift_left3A_592 = arith.shli %and3A_589, %shift_left3A_591 : vector<16xi32>
    %add3A_593 = arith.addi %shift_left3A_586, %shift_left3A_592 : vector<16xi32>
    %swap3A_594 = arith.constant 0 : i32
    %swap3A_595 = arith.index_cast %swap3A_594 : i32 to index
    %swap3A_596 = arith.constant 352 : index
    %swap3A_597 = tpu.vector_load %arg6[%swap3A_595, %swap3A_596] {strides = array<i32>} : memref<2x1024xi32, #tpu.memory_space<vmem>>, vector<1x16xi32>,
    %swap3A_598 = vector.shape_cast %swap3A_597 : vector<1x16xi32> to vector<16xi32>
    %swap3A_599 = vector.shape_cast %add3A_593 : vector<16xi32> to vector<1x16xi32>
    tpu.vector_store %arg6[%swap3A_595, %swap3A_596], %swap3A_599 {strides = array<i32>} : memref<2x1024xi32, #tpu.memory_space<vmem>>, vector<1x16xi32>,
    %get3A_600 = arith.constant 0 : i32
    %get3A_601 = arith.constant 2 : i32
    %get3A_602 = arith.index_cast %get3A_600 : i32 to index
    %get3A_603 = arith.index_cast %get3A_601 : i32 to index
    %get3A_604 = arith.constant 112 : index
    %get3A_605 = tpu.vector_load %arg5[%get3A_602, %get3A_603, %get3A_604] {strides = array<i32>} : memref<2x8x128xi32, #tpu.memory_space<vmem>>, vector<1x1x16xi32>,
    %get3A_606 = vector.shape_cast %get3A_605 : vector<1x1x16xi32> to vector<16xi32>
    %shift_right_arithmetic3A_607 = arith.constant 3 : i32
    %shift_right_arithmetic3A_608 = vector.broadcast %shift_right_arithmetic3A_607 : i32 to vector<16xi32>
    %shift_right_arithmetic3A_609 = arith.shrsi %get3A_606, %shift_right_arithmetic3A_608 : vector<16xi32>
    %shift_left3A_610 = arith.constant 5 : i32
    %shift_left3A_611 = vector.broadcast %shift_left3A_610 : i32 to vector<16xi32>
    %shift_left3A_612 = arith.shli %shift_right_arithmetic3A_609, %shift_left3A_611 : vector<16xi32>
    %and3A_613 = arith.constant 7 : i32
    %and3A_614 = vector.broadcast %and3A_613 : i32 to vector<16xi32>
    %and3A_615 = arith.andi %get3A_606, %and3A_614 : vector<16xi32>
    %shift_left3A_616 = arith.constant 2 : i32
    %shift_left3A_617 = vector.broadcast %shift_left3A_616 : i32 to vector<16xi32>
    %shift_left3A_618 = arith.shli %and3A_615, %shift_left3A_617 : vector<16xi32>
    %add3A_619 = arith.addi %shift_left3A_612, %shift_left3A_618 : vector<16xi32>
    %swap3A_620 = arith.constant 0 : i32
    %swap3A_621 = arith.index_cast %swap3A_620 : i32 to index
    %swap3A_622 = arith.constant 368 : index
    %swap3A_623 = tpu.vector_load %arg6[%swap3A_621, %swap3A_622] {strides = array<i32>} : memref<2x1024xi32, #tpu.memory_space<vmem>>, vector<1x16xi32>,
    %swap3A_624 = vector.shape_cast %swap3A_623 : vector<1x16xi32> to vector<16xi32>
    %swap3A_625 = vector.shape_cast %add3A_619 : vector<16xi32> to vector<1x16xi32>
    tpu.vector_store %arg6[%swap3A_621, %swap3A_622], %swap3A_625 {strides = array<i32>} : memref<2x1024xi32, #tpu.memory_space<vmem>>, vector<1x16xi32>,
    %get3A_626 = arith.constant 0 : i32
    %get3A_627 = arith.constant 3 : i32
    %get3A_628 = arith.index_cast %get3A_626 : i32 to index
    %get3A_629 = arith.index_cast %get3A_627 : i32 to index
    %get3A_630 = arith.constant 0 : index
    %get3A_631 = tpu.vector_load %arg5[%get3A_628, %get3A_629, %get3A_630] {strides = array<i32>} : memref<2x8x128xi32, #tpu.memory_space<vmem>>, vector<1x1x16xi32>,
    %get3A_632 = vector.shape_cast %get3A_631 : vector<1x1x16xi32> to vector<16xi32>
    %shift_right_arithmetic3A_633 = arith.constant 3 : i32
    %shift_right_arithmetic3A_634 = vector.broadcast %shift_right_arithmetic3A_633 : i32 to vector<16xi32>
    %shift_right_arithmetic3A_635 = arith.shrsi %get3A_632, %shift_right_arithmetic3A_634 : vector<16xi32>
    %shift_left3A_636 = arith.constant 5 : i32
    %shift_left3A_637 = vector.broadcast %shift_left3A_636 : i32 to vector<16xi32>
    %shift_left3A_638 = arith.shli %shift_right_arithmetic3A_635, %shift_left3A_637 : vector<16xi32>
    %and3A_639 = arith.constant 7 : i32
    %and3A_640 = vector.broadcast %and3A_639 : i32 to vector<16xi32>
    %and3A_641 = arith.andi %get3A_632, %and3A_640 : vector<16xi32>
    %shift_left3A_642 = arith.constant 2 : i32
    %shift_left3A_643 = vector.broadcast %shift_left3A_642 : i32 to vector<16xi32>
    %shift_left3A_644 = arith.shli %and3A_641, %shift_left3A_643 : vector<16xi32>
    %add3A_645 = arith.addi %shift_left3A_638, %shift_left3A_644 : vector<16xi32>
    %swap3A_646 = arith.constant 0 : i32
    %swap3A_647 = arith.index_cast %swap3A_646 : i32 to index
    %swap3A_648 = arith.constant 384 : index
    %swap3A_649 = tpu.vector_load %arg6[%swap3A_647, %swap3A_648] {strides = array<i32>} : memref<2x1024xi32, #tpu.memory_space<vmem>>, vector<1x16xi32>,
    %swap3A_650 = vector.shape_cast %swap3A_649 : vector<1x16xi32> to vector<16xi32>
    %swap3A_651 = vector.shape_cast %add3A_645 : vector<16xi32> to vector<1x16xi32>
    tpu.vector_store %arg6[%swap3A_647, %swap3A_648], %swap3A_651 {strides = array<i32>} : memref<2x1024xi32, #tpu.memory_space<vmem>>, vector<1x16xi32>,
    %get3A_652 = arith.constant 0 : i32
    %get3A_653 = arith.constant 3 : i32
    %get3A_654 = arith.index_cast %get3A_652 : i32 to index
    %get3A_655 = arith.index_cast %get3A_653 : i32 to index
    %get3A_656 = arith.constant 16 : index
    %get3A_657 = tpu.vector_load %arg5[%get3A_654, %get3A_655, %get3A_656] {strides = array<i32>} : memref<2x8x128xi32, #tpu.memory_space<vmem>>, vector<1x1x16xi32>,
    %get3A_658 = vector.shape_cast %get3A_657 : vector<1x1x16xi32> to vector<16xi32>
    %shift_right_arithmetic3A_659 = arith.constant 3 : i32
    %shift_right_arithmetic3A_660 = vector.broadcast %shift_right_arithmetic3A_659 : i32 to vector<16xi32>
    %shift_right_arithmetic3A_661 = arith.shrsi %get3A_658, %shift_right_arithmetic3A_660 : vector<16xi32>
    %shift_left3A_662 = arith.constant 5 : i32
    %shift_left3A_663 = vector.broadcast %shift_left3A_662 : i32 to vector<16xi32>
    %shift_left3A_664 = arith.shli %shift_right_arithmetic3A_661, %shift_left3A_663 : vector<16xi32>
    %and3A_665 = arith.constant 7 : i32
    %and3A_666 = vector.broadcast %and3A_665 : i32 to vector<16xi32>
    %and3A_667 = arith.andi %get3A_658, %and3A_666 : vector<16xi32>
    %shift_left3A_668 = arith.constant 2 : i32
    %shift_left3A_669 = vector.broadcast %shift_left3A_668 : i32 to vector<16xi32>
    %shift_left3A_670 = arith.shli %and3A_667, %shift_left3A_669 : vector<16xi32>
    %add3A_671 = arith.addi %shift_left3A_664, %shift_left3A_670 : vector<16xi32>
    %swap3A_672 = arith.constant 0 : i32
    %swap3A_673 = arith.index_cast %swap3A_672 : i32 to index
    %swap3A_674 = arith.constant 400 : index
    %swap3A_675 = tpu.vector_load %arg6[%swap3A_673, %swap3A_674] {strides = array<i32>} : memref<2x1024xi32, #tpu.memory_space<vmem>>, vector<1x16xi32>,
    %swap3A_676 = vector.shape_cast %swap3A_675 : vector<1x16xi32> to vector<16xi32>
    %swap3A_677 = vector.shape_cast %add3A_671 : vector<16xi32> to vector<1x16xi32>
    tpu.vector_store %arg6[%swap3A_673, %swap3A_674], %swap3A_677 {strides = array<i32>} : memref<2x1024xi32, #tpu.memory_space<vmem>>, vector<1x16xi32>,
    %get3A_678 = arith.constant 0 : i32
    %get3A_679 = arith.constant 3 : i32
    %get3A_680 = arith.index_cast %get3A_678 : i32 to index
    %get3A_681 = arith.index_cast %get3A_679 : i32 to index
    %get3A_682 = arith.constant 32 : index
    %get3A_683 = tpu.vector_load %arg5[%get3A_680, %get3A_681, %get3A_682] {strides = array<i32>} : memref<2x8x128xi32, #tpu.memory_space<vmem>>, vector<1x1x16xi32>,
    %get3A_684 = vector.shape_cast %get3A_683 : vector<1x1x16xi32> to vector<16xi32>
    %shift_right_arithmetic3A_685 = arith.constant 3 : i32
    %shift_right_arithmetic3A_686 = vector.broadcast %shift_right_arithmetic3A_685 : i32 to vector<16xi32>
    %shift_right_arithmetic3A_687 = arith.shrsi %get3A_684, %shift_right_arithmetic3A_686 : vector<16xi32>
    %shift_left3A_688 = arith.constant 5 : i32
    %shift_left3A_689 = vector.broadcast %shift_left3A_688 : i32 to vector<16xi32>
    %shift_left3A_690 = arith.shli %shift_right_arithmetic3A_687, %shift_left3A_689 : vector<16xi32>
    %and3A_691 = arith.constant 7 : i32
    %and3A_692 = vector.broadcast %and3A_691 : i32 to vector<16xi32>
    %and3A_693 = arith.andi %get3A_684, %and3A_692 : vector<16xi32>
    %shift_left3A_694 = arith.constant 2 : i32
    %shift_left3A_695 = vector.broadcast %shift_left3A_694 : i32 to vector<16xi32>
    %shift_left3A_696 = arith.shli %and3A_693, %shift_left3A_695 : vector<16xi32>
    %add3A_697 = arith.addi %shift_left3A_690, %shift_left3A_696 : vector<16xi32>
    %swap3A_698 = arith.constant 0 : i32
    %swap3A_699 = arith.index_cast %swap3A_698 : i32 to index
    %swap3A_700 = arith.constant 416 : index
    %swap3A_701 = tpu.vector_load %arg6[%swap3A_699, %swap3A_700] {strides = array<i32>} : memref<2x1024xi32, #tpu.memory_space<vmem>>, vector<1x16xi32>,
    %swap3A_702 = vector.shape_cast %swap3A_701 : vector<1x16xi32> to vector<16xi32>
    %swap3A_703 = vector.shape_cast %add3A_697 : vector<16xi32> to vector<1x16xi32>
    tpu.vector_store %arg6[%swap3A_699, %swap3A_700], %swap3A_703 {strides = array<i32>} : memref<2x1024xi32, #tpu.memory_space<vmem>>, vector<1x16xi32>,
    %get3A_704 = arith.constant 0 : i32
    %get3A_705 = arith.constant 3 : i32
    %get3A_706 = arith.index_cast %get3A_704 : i32 to index
    %get3A_707 = arith.index_cast %get3A_705 : i32 to index
    %get3A_708 = arith.constant 48 : index
    %get3A_709 = tpu.vector_load %arg5[%get3A_706, %get3A_707, %get3A_708] {strides = array<i32>} : memref<2x8x128xi32, #tpu.memory_space<vmem>>, vector<1x1x16xi32>,
    %get3A_710 = vector.shape_cast %get3A_709 : vector<1x1x16xi32> to vector<16xi32>
    %shift_right_arithmetic3A_711 = arith.constant 3 : i32
    %shift_right_arithmetic3A_712 = vector.broadcast %shift_right_arithmetic3A_711 : i32 to vector<16xi32>
    %shift_right_arithmetic3A_713 = arith.shrsi %get3A_710, %shift_right_arithmetic3A_712 : vector<16xi32>
    %shift_left3A_714 = arith.constant 5 : i32
    %shift_left3A_715 = vector.broadcast %shift_left3A_714 : i32 to vector<16xi32>
    %shift_left3A_716 = arith.shli %shift_right_arithmetic3A_713, %shift_left3A_715 : vector<16xi32>
    %and3A_717 = arith.constant 7 : i32
    %and3A_718 = vector.broadcast %and3A_717 : i32 to vector<16xi32>
    %and3A_719 = arith.andi %get3A_710, %and3A_718 : vector<16xi32>
    %shift_left3A_720 = arith.constant 2 : i32
    %shift_left3A_721 = vector.broadcast %shift_left3A_720 : i32 to vector<16xi32>
    %shift_left3A_722 = arith.shli %and3A_719, %shift_left3A_721 : vector<16xi32>
    %add3A_723 = arith.addi %shift_left3A_716, %shift_left3A_722 : vector<16xi32>
    %swap3A_724 = arith.constant 0 : i32
    %swap3A_725 = arith.index_cast %swap3A_724 : i32 to index
    %swap3A_726 = arith.constant 432 : index
    %swap3A_727 = tpu.vector_load %arg6[%swap3A_725, %swap3A_726] {strides = array<i32>} : memref<2x1024xi32, #tpu.memory_space<vmem>>, vector<1x16xi32>,
    %swap3A_728 = vector.shape_cast %swap3A_727 : vector<1x16xi32> to vector<16xi32>
    %swap3A_729 = vector.shape_cast %add3A_723 : vector<16xi32> to vector<1x16xi32>
    tpu.vector_store %arg6[%swap3A_725, %swap3A_726], %swap3A_729 {strides = array<i32>} : memref<2x1024xi32, #tpu.memory_space<vmem>>, vector<1x16xi32>,
    %get3A_730 = arith.constant 0 : i32
    %get3A_731 = arith.constant 3 : i32
    %get3A_732 = arith.index_cast %get3A_730 : i32 to index
    %get3A_733 = arith.index_cast %get3A_731 : i32 to index
    %get3A_734 = arith.constant 64 : index
    %get3A_735 = tpu.vector_load %arg5[%get3A_732, %get3A_733, %get3A_734] {strides = array<i32>} : memref<2x8x128xi32, #tpu.memory_space<vmem>>, vector<1x1x16xi32>,
    %get3A_736 = vector.shape_cast %get3A_735 : vector<1x1x16xi32> to vector<16xi32>
    %shift_right_arithmetic3A_737 = arith.constant 3 : i32
    %shift_right_arithmetic3A_738 = vector.broadcast %shift_right_arithmetic3A_737 : i32 to vector<16xi32>
    %shift_right_arithmetic3A_739 = arith.shrsi %get3A_736, %shift_right_arithmetic3A_738 : vector<16xi32>
    %shift_left3A_740 = arith.constant 5 : i32
    %shift_left3A_741 = vector.broadcast %shift_left3A_740 : i32 to vector<16xi32>
    %shift_left3A_742 = arith.shli %shift_right_arithmetic3A_739, %shift_left3A_741 : vector<16xi32>
    %and3A_743 = arith.constant 7 : i32
    %and3A_744 = vector.broadcast %and3A_743 : i32 to vector<16xi32>
    %and3A_745 = arith.andi %get3A_736, %and3A_744 : vector<16xi32>
    %shift_left3A_746 = arith.constant 2 : i32
    %shift_left3A_747 = vector.broadcast %shift_left3A_746 : i32 to vector<16xi32>
    %shift_left3A_748 = arith.shli %and3A_745, %shift_left3A_747 : vector<16xi32>
    %add3A_749 = arith.addi %shift_left3A_742, %shift_left3A_748 : vector<16xi32>
    %swap3A_750 = arith.constant 0 : i32
    %swap3A_751 = arith.index_cast %swap3A_750 : i32 to index
    %swap3A_752 = arith.constant 448 : index
    %swap3A_753 = tpu.vector_load %arg6[%swap3A_751, %swap3A_752] {strides = array<i32>} : memref<2x1024xi32, #tpu.memory_space<vmem>>, vector<1x16xi32>,
    %swap3A_754 = vector.shape_cast %swap3A_753 : vector<1x16xi32> to vector<16xi32>
    %swap3A_755 = vector.shape_cast %add3A_749 : vector<16xi32> to vector<1x16xi32>
    tpu.vector_store %arg6[%swap3A_751, %swap3A_752], %swap3A_755 {strides = array<i32>} : memref<2x1024xi32, #tpu.memory_space<vmem>>, vector<1x16xi32>,
    %get3A_756 = arith.constant 0 : i32
    %get3A_757 = arith.constant 3 : i32
    %get3A_758 = arith.index_cast %get3A_756 : i32 to index
    %get3A_759 = arith.index_cast %get3A_757 : i32 to index
    %get3A_760 = arith.constant 80 : index
    %get3A_761 = tpu.vector_load %arg5[%get3A_758, %get3A_759, %get3A_760] {strides = array<i32>} : memref<2x8x128xi32, #tpu.memory_space<vmem>>, vector<1x1x16xi32>,
    %get3A_762 = vector.shape_cast %get3A_761 : vector<1x1x16xi32> to vector<16xi32>
    %shift_right_arithmetic3A_763 = arith.constant 3 : i32
    %shift_right_arithmetic3A_764 = vector.broadcast %shift_right_arithmetic3A_763 : i32 to vector<16xi32>
    %shift_right_arithmetic3A_765 = arith.shrsi %get3A_762, %shift_right_arithmetic3A_764 : vector<16xi32>
    %shift_left3A_766 = arith.constant 5 : i32
    %shift_left3A_767 = vector.broadcast %shift_left3A_766 : i32 to vector<16xi32>
    %shift_left3A_768 = arith.shli %shift_right_arithmetic3A_765, %shift_left3A_767 : vector<16xi32>
    %and3A_769 = arith.constant 7 : i32
    %and3A_770 = vector.broadcast %and3A_769 : i32 to vector<16xi32>
    %and3A_771 = arith.andi %get3A_762, %and3A_770 : vector<16xi32>
    %shift_left3A_772 = arith.constant 2 : i32
    %shift_left3A_773 = vector.broadcast %shift_left3A_772 : i32 to vector<16xi32>
    %shift_left3A_774 = arith.shli %and3A_771, %shift_left3A_773 : vector<16xi32>
    %add3A_775 = arith.addi %shift_left3A_768, %shift_left3A_774 : vector<16xi32>
    %swap3A_776 = arith.constant 0 : i32
    %swap3A_777 = arith.index_cast %swap3A_776 : i32 to index
    %swap3A_778 = arith.constant 464 : index
    %swap3A_779 = tpu.vector_load %arg6[%swap3A_777, %swap3A_778] {strides = array<i32>} : memref<2x1024xi32, #tpu.memory_space<vmem>>, vector<1x16xi32>,
    %swap3A_780 = vector.shape_cast %swap3A_779 : vector<1x16xi32> to vector<16xi32>
    %swap3A_781 = vector.shape_cast %add3A_775 : vector<16xi32> to vector<1x16xi32>
    tpu.vector_store %arg6[%swap3A_777, %swap3A_778], %swap3A_781 {strides = array<i32>} : memref<2x1024xi32, #tpu.memory_space<vmem>>, vector<1x16xi32>,
    %get3A_782 = arith.constant 0 : i32
    %get3A_783 = arith.constant 3 : i32
    %get3A_784 = arith.index_cast %get3A_782 : i32 to index
    %get3A_785 = arith.index_cast %get3A_783 : i32 to index
    %get3A_786 = arith.constant 96 : index
    %get3A_787 = tpu.vector_load %arg5[%get3A_784, %get3A_785, %get3A_786] {strides = array<i32>} : memref<2x8x128xi32, #tpu.memory_space<vmem>>, vector<1x1x16xi32>,
    %get3A_788 = vector.shape_cast %get3A_787 : vector<1x1x16xi32> to vector<16xi32>
    %shift_right_arithmetic3A_789 = arith.constant 3 : i32
    %shift_right_arithmetic3A_790 = vector.broadcast %shift_right_arithmetic3A_789 : i32 to vector<16xi32>
    %shift_right_arithmetic3A_791 = arith.shrsi %get3A_788, %shift_right_arithmetic3A_790 : vector<16xi32>
    %shift_left3A_792 = arith.constant 5 : i32
    %shift_left3A_793 = vector.broadcast %shift_left3A_792 : i32 to vector<16xi32>
    %shift_left3A_794 = arith.shli %shift_right_arithmetic3A_791, %shift_left3A_793 : vector<16xi32>
    %and3A_795 = arith.constant 7 : i32
    %and3A_796 = vector.broadcast %and3A_795 : i32 to vector<16xi32>
    %and3A_797 = arith.andi %get3A_788, %and3A_796 : vector<16xi32>
    %shift_left3A_798 = arith.constant 2 : i32
    %shift_left3A_799 = vector.broadcast %shift_left3A_798 : i32 to vector<16xi32>
    %shift_left3A_800 = arith.shli %and3A_797, %shift_left3A_799 : vector<16xi32>
    %add3A_801 = arith.addi %shift_left3A_794, %shift_left3A_800 : vector<16xi32>
    %swap3A_802 = arith.constant 0 : i32
    %swap3A_803 = arith.index_cast %swap3A_802 : i32 to index
    %swap3A_804 = arith.constant 480 : index
    %swap3A_805 = tpu.vector_load %arg6[%swap3A_803, %swap3A_804] {strides = array<i32>} : memref<2x1024xi32, #tpu.memory_space<vmem>>, vector<1x16xi32>,
    %swap3A_806 = vector.shape_cast %swap3A_805 : vector<1x16xi32> to vector<16xi32>
    %swap3A_807 = vector.shape_cast %add3A_801 : vector<16xi32> to vector<1x16xi32>
    tpu.vector_store %arg6[%swap3A_803, %swap3A_804], %swap3A_807 {strides = array<i32>} : memref<2x1024xi32, #tpu.memory_space<vmem>>, vector<1x16xi32>,
    %get3A_808 = arith.constant 0 : i32
    %get3A_809 = arith.constant 3 : i32
    %get3A_810 = arith.index_cast %get3A_808 : i32 to index
    %get3A_811 = arith.index_cast %get3A_809 : i32 to index
    %get3A_812 = arith.constant 112 : index
    %get3A_813 = tpu.vector_load %arg5[%get3A_810, %get3A_811, %get3A_812] {strides = array<i32>} : memref<2x8x128xi32, #tpu.memory_space<vmem>>, vector<1x1x16xi32>,
    %get3A_814 = vector.shape_cast %get3A_813 : vector<1x1x16xi32> to vector<16xi32>
    %shift_right_arithmetic3A_815 = arith.constant 3 : i32
    %shift_right_arithmetic3A_816 = vector.broadcast %shift_right_arithmetic3A_815 : i32 to vector<16xi32>
    %shift_right_arithmetic3A_817 = arith.shrsi %get3A_814, %shift_right_arithmetic3A_816 : vector<16xi32>
    %shift_left3A_818 = arith.constant 5 : i32
    %shift_left3A_819 = vector.broadcast %shift_left3A_818 : i32 to vector<16xi32>
    %shift_left3A_820 = arith.shli %shift_right_arithmetic3A_817, %shift_left3A_819 : vector<16xi32>
    %and3A_821 = arith.constant 7 : i32
    %and3A_822 = vector.broadcast %and3A_821 : i32 to vector<16xi32>
    %and3A_823 = arith.andi %get3A_814, %and3A_822 : vector<16xi32>
    %shift_left3A_824 = arith.constant 2 : i32
    %shift_left3A_825 = vector.broadcast %shift_left3A_824 : i32 to vector<16xi32>
    %shift_left3A_826 = arith.shli %and3A_823, %shift_left3A_825 : vector<16xi32>
    %add3A_827 = arith.addi %shift_left3A_820, %shift_left3A_826 : vector<16xi32>
    %swap3A_828 = arith.constant 0 : i32
    %swap3A_829 = arith.index_cast %swap3A_828 : i32 to index
    %swap3A_830 = arith.constant 496 : index
    %swap3A_831 = tpu.vector_load %arg6[%swap3A_829, %swap3A_830] {strides = array<i32>} : memref<2x1024xi32, #tpu.memory_space<vmem>>, vector<1x16xi32>,
    %swap3A_832 = vector.shape_cast %swap3A_831 : vector<1x16xi32> to vector<16xi32>
    %swap3A_833 = vector.shape_cast %add3A_827 : vector<16xi32> to vector<1x16xi32>
    tpu.vector_store %arg6[%swap3A_829, %swap3A_830], %swap3A_833 {strides = array<i32>} : memref<2x1024xi32, #tpu.memory_space<vmem>>, vector<1x16xi32>,
    %get3A_834 = arith.constant 0 : i32
    %get3A_835 = arith.constant 4 : i32
    %get3A_836 = arith.index_cast %get3A_834 : i32 to index
    %get3A_837 = arith.index_cast %get3A_835 : i32 to index
    %get3A_838 = arith.constant 0 : index
    %get3A_839 = tpu.vector_load %arg5[%get3A_836, %get3A_837, %get3A_838] {strides = array<i32>} : memref<2x8x128xi32, #tpu.memory_space<vmem>>, vector<1x1x16xi32>,
    %get3A_840 = vector.shape_cast %get3A_839 : vector<1x1x16xi32> to vector<16xi32>
    %shift_right_arithmetic3A_841 = arith.constant 3 : i32
    %shift_right_arithmetic3A_842 = vector.broadcast %shift_right_arithmetic3A_841 : i32 to vector<16xi32>
    %shift_right_arithmetic3A_843 = arith.shrsi %get3A_840, %shift_right_arithmetic3A_842 : vector<16xi32>
    %shift_left3A_844 = arith.constant 5 : i32
    %shift_left3A_845 = vector.broadcast %shift_left3A_844 : i32 to vector<16xi32>
    %shift_left3A_846 = arith.shli %shift_right_arithmetic3A_843, %shift_left3A_845 : vector<16xi32>
    %and3A_847 = arith.constant 7 : i32
    %and3A_848 = vector.broadcast %and3A_847 : i32 to vector<16xi32>
    %and3A_849 = arith.andi %get3A_840, %and3A_848 : vector<16xi32>
    %shift_left3A_850 = arith.constant 2 : i32
    %shift_left3A_851 = vector.broadcast %shift_left3A_850 : i32 to vector<16xi32>
    %shift_left3A_852 = arith.shli %and3A_849, %shift_left3A_851 : vector<16xi32>
    %add3A_853 = arith.addi %shift_left3A_846, %shift_left3A_852 : vector<16xi32>
    %swap3A_854 = arith.constant 0 : i32
    %swap3A_855 = arith.index_cast %swap3A_854 : i32 to index
    %swap3A_856 = arith.constant 512 : index
    %swap3A_857 = tpu.vector_load %arg6[%swap3A_855, %swap3A_856] {strides = array<i32>} : memref<2x1024xi32, #tpu.memory_space<vmem>>, vector<1x16xi32>,
    %swap3A_858 = vector.shape_cast %swap3A_857 : vector<1x16xi32> to vector<16xi32>
    %swap3A_859 = vector.shape_cast %add3A_853 : vector<16xi32> to vector<1x16xi32>
    tpu.vector_store %arg6[%swap3A_855, %swap3A_856], %swap3A_859 {strides = array<i32>} : memref<2x1024xi32, #tpu.memory_space<vmem>>, vector<1x16xi32>,
    %get3A_860 = arith.constant 0 : i32
    %get3A_861 = arith.constant 4 : i32
    %get3A_862 = arith.index_cast %get3A_860 : i32 to index
    %get3A_863 = arith.index_cast %get3A_861 : i32 to index
    %get3A_864 = arith.constant 16 : index
    %get3A_865 = tpu.vector_load %arg5[%get3A_862, %get3A_863, %get3A_864] {strides = array<i32>} : memref<2x8x128xi32, #tpu.memory_space<vmem>>, vector<1x1x16xi32>,
    %get3A_866 = vector.shape_cast %get3A_865 : vector<1x1x16xi32> to vector<16xi32>
    %shift_right_arithmetic3A_867 = arith.constant 3 : i32
    %shift_right_arithmetic3A_868 = vector.broadcast %shift_right_arithmetic3A_867 : i32 to vector<16xi32>
    %shift_right_arithmetic3A_869 = arith.shrsi %get3A_866, %shift_right_arithmetic3A_868 : vector<16xi32>
    %shift_left3A_870 = arith.constant 5 : i32
    %shift_left3A_871 = vector.broadcast %shift_left3A_870 : i32 to vector<16xi32>
    %shift_left3A_872 = arith.shli %shift_right_arithmetic3A_869, %shift_left3A_871 : vector<16xi32>
    %and3A_873 = arith.constant 7 : i32
    %and3A_874 = vector.broadcast %and3A_873 : i32 to vector<16xi32>
    %and3A_875 = arith.andi %get3A_866, %and3A_874 : vector<16xi32>
    %shift_left3A_876 = arith.constant 2 : i32
    %shift_left3A_877 = vector.broadcast %shift_left3A_876 : i32 to vector<16xi32>
    %shift_left3A_878 = arith.shli %and3A_875, %shift_left3A_877 : vector<16xi32>
    %add3A_879 = arith.addi %shift_left3A_872, %shift_left3A_878 : vector<16xi32>
    %swap3A_880 = arith.constant 0 : i32
    %swap3A_881 = arith.index_cast %swap3A_880 : i32 to index
    %swap3A_882 = arith.constant 528 : index
    %swap3A_883 = tpu.vector_load %arg6[%swap3A_881, %swap3A_882] {strides = array<i32>} : memref<2x1024xi32, #tpu.memory_space<vmem>>, vector<1x16xi32>,
    %swap3A_884 = vector.shape_cast %swap3A_883 : vector<1x16xi32> to vector<16xi32>
    %swap3A_885 = vector.shape_cast %add3A_879 : vector<16xi32> to vector<1x16xi32>
    tpu.vector_store %arg6[%swap3A_881, %swap3A_882], %swap3A_885 {strides = array<i32>} : memref<2x1024xi32, #tpu.memory_space<vmem>>, vector<1x16xi32>,
    %get3A_886 = arith.constant 0 : i32
    %get3A_887 = arith.constant 4 : i32
    %get3A_888 = arith.index_cast %get3A_886 : i32 to index
    %get3A_889 = arith.index_cast %get3A_887 : i32 to index
    %get3A_890 = arith.constant 32 : index
    %get3A_891 = tpu.vector_load %arg5[%get3A_888, %get3A_889, %get3A_890] {strides = array<i32>} : memref<2x8x128xi32, #tpu.memory_space<vmem>>, vector<1x1x16xi32>,
    %get3A_892 = vector.shape_cast %get3A_891 : vector<1x1x16xi32> to vector<16xi32>
    %shift_right_arithmetic3A_893 = arith.constant 3 : i32
    %shift_right_arithmetic3A_894 = vector.broadcast %shift_right_arithmetic3A_893 : i32 to vector<16xi32>
    %shift_right_arithmetic3A_895 = arith.shrsi %get3A_892, %shift_right_arithmetic3A_894 : vector<16xi32>
    %shift_left3A_896 = arith.constant 5 : i32
    %shift_left3A_897 = vector.broadcast %shift_left3A_896 : i32 to vector<16xi32>
    %shift_left3A_898 = arith.shli %shift_right_arithmetic3A_895, %shift_left3A_897 : vector<16xi32>
    %and3A_899 = arith.constant 7 : i32
    %and3A_900 = vector.broadcast %and3A_899 : i32 to vector<16xi32>
    %and3A_901 = arith.andi %get3A_892, %and3A_900 : vector<16xi32>
    %shift_left3A_902 = arith.constant 2 : i32
    %shift_left3A_903 = vector.broadcast %shift_left3A_902 : i32 to vector<16xi32>
    %shift_left3A_904 = arith.shli %and3A_901, %shift_left3A_903 : vector<16xi32>
    %add3A_905 = arith.addi %shift_left3A_898, %shift_left3A_904 : vector<16xi32>
    %swap3A_906 = arith.constant 0 : i32
    %swap3A_907 = arith.index_cast %swap3A_906 : i32 to index
    %swap3A_908 = arith.constant 544 : index
    %swap3A_909 = tpu.vector_load %arg6[%swap3A_907, %swap3A_908] {strides = array<i32>} : memref<2x1024xi32, #tpu.memory_space<vmem>>, vector<1x16xi32>,
    %swap3A_910 = vector.shape_cast %swap3A_909 : vector<1x16xi32> to vector<16xi32>
    %swap3A_911 = vector.shape_cast %add3A_905 : vector<16xi32> to vector<1x16xi32>
    tpu.vector_store %arg6[%swap3A_907, %swap3A_908], %swap3A_911 {strides = array<i32>} : memref<2x1024xi32, #tpu.memory_space<vmem>>, vector<1x16xi32>,
    %get3A_912 = arith.constant 0 : i32
    %get3A_913 = arith.constant 4 : i32
    %get3A_914 = arith.index_cast %get3A_912 : i32 to index
    %get3A_915 = arith.index_cast %get3A_913 : i32 to index
    %get3A_916 = arith.constant 48 : index
    %get3A_917 = tpu.vector_load %arg5[%get3A_914, %get3A_915, %get3A_916] {strides = array<i32>} : memref<2x8x128xi32, #tpu.memory_space<vmem>>, vector<1x1x16xi32>,
    %get3A_918 = vector.shape_cast %get3A_917 : vector<1x1x16xi32> to vector<16xi32>
    %shift_right_arithmetic3A_919 = arith.constant 3 : i32
    %shift_right_arithmetic3A_920 = vector.broadcast %shift_right_arithmetic3A_919 : i32 to vector<16xi32>
    %shift_right_arithmetic3A_921 = arith.shrsi %get3A_918, %shift_right_arithmetic3A_920 : vector<16xi32>
    %shift_left3A_922 = arith.constant 5 : i32
    %shift_left3A_923 = vector.broadcast %shift_left3A_922 : i32 to vector<16xi32>
    %shift_left3A_924 = arith.shli %shift_right_arithmetic3A_921, %shift_left3A_923 : vector<16xi32>
    %and3A_925 = arith.constant 7 : i32
    %and3A_926 = vector.broadcast %and3A_925 : i32 to vector<16xi32>
    %and3A_927 = arith.andi %get3A_918, %and3A_926 : vector<16xi32>
    %shift_left3A_928 = arith.constant 2 : i32
    %shift_left3A_929 = vector.broadcast %shift_left3A_928 : i32 to vector<16xi32>
    %shift_left3A_930 = arith.shli %and3A_927, %shift_left3A_929 : vector<16xi32>
    %add3A_931 = arith.addi %shift_left3A_924, %shift_left3A_930 : vector<16xi32>
    %swap3A_932 = arith.constant 0 : i32
    %swap3A_933 = arith.index_cast %swap3A_932 : i32 to index
    %swap3A_934 = arith.constant 560 : index
    %swap3A_935 = tpu.vector_load %arg6[%swap3A_933, %swap3A_934] {strides = array<i32>} : memref<2x1024xi32, #tpu.memory_space<vmem>>, vector<1x16xi32>,
    %swap3A_936 = vector.shape_cast %swap3A_935 : vector<1x16xi32> to vector<16xi32>
    %swap3A_937 = vector.shape_cast %add3A_931 : vector<16xi32> to vector<1x16xi32>
    tpu.vector_store %arg6[%swap3A_933, %swap3A_934], %swap3A_937 {strides = array<i32>} : memref<2x1024xi32, #tpu.memory_space<vmem>>, vector<1x16xi32>,
    %get3A_938 = arith.constant 0 : i32
    %get3A_939 = arith.constant 4 : i32
    %get3A_940 = arith.index_cast %get3A_938 : i32 to index
    %get3A_941 = arith.index_cast %get3A_939 : i32 to index
    %get3A_942 = arith.constant 64 : index
    %get3A_943 = tpu.vector_load %arg5[%get3A_940, %get3A_941, %get3A_942] {strides = array<i32>} : memref<2x8x128xi32, #tpu.memory_space<vmem>>, vector<1x1x16xi32>,
    %get3A_944 = vector.shape_cast %get3A_943 : vector<1x1x16xi32> to vector<16xi32>
    %shift_right_arithmetic3A_945 = arith.constant 3 : i32
    %shift_right_arithmetic3A_946 = vector.broadcast %shift_right_arithmetic3A_945 : i32 to vector<16xi32>
    %shift_right_arithmetic3A_947 = arith.shrsi %get3A_944, %shift_right_arithmetic3A_946 : vector<16xi32>
    %shift_left3A_948 = arith.constant 5 : i32
    %shift_left3A_949 = vector.broadcast %shift_left3A_948 : i32 to vector<16xi32>
    %shift_left3A_950 = arith.shli %shift_right_arithmetic3A_947, %shift_left3A_949 : vector<16xi32>
    %and3A_951 = arith.constant 7 : i32
    %and3A_952 = vector.broadcast %and3A_951 : i32 to vector<16xi32>
    %and3A_953 = arith.andi %get3A_944, %and3A_952 : vector<16xi32>
    %shift_left3A_954 = arith.constant 2 : i32
    %shift_left3A_955 = vector.broadcast %shift_left3A_954 : i32 to vector<16xi32>
    %shift_left3A_956 = arith.shli %and3A_953, %shift_left3A_955 : vector<16xi32>
    %add3A_957 = arith.addi %shift_left3A_950, %shift_left3A_956 : vector<16xi32>
    %swap3A_958 = arith.constant 0 : i32
    %swap3A_959 = arith.index_cast %swap3A_958 : i32 to index
    %swap3A_960 = arith.constant 576 : index
    %swap3A_961 = tpu.vector_load %arg6[%swap3A_959, %swap3A_960] {strides = array<i32>} : memref<2x1024xi32, #tpu.memory_space<vmem>>, vector<1x16xi32>,
    %swap3A_962 = vector.shape_cast %swap3A_961 : vector<1x16xi32> to vector<16xi32>
    %swap3A_963 = vector.shape_cast %add3A_957 : vector<16xi32> to vector<1x16xi32>
    tpu.vector_store %arg6[%swap3A_959, %swap3A_960], %swap3A_963 {strides = array<i32>} : memref<2x1024xi32, #tpu.memory_space<vmem>>, vector<1x16xi32>,
    %get3A_964 = arith.constant 0 : i32
    %get3A_965 = arith.constant 4 : i32
    %get3A_966 = arith.index_cast %get3A_964 : i32 to index
    %get3A_967 = arith.index_cast %get3A_965 : i32 to index
    %get3A_968 = arith.constant 80 : index
    %get3A_969 = tpu.vector_load %arg5[%get3A_966, %get3A_967, %get3A_968] {strides = array<i32>} : memref<2x8x128xi32, #tpu.memory_space<vmem>>, vector<1x1x16xi32>,
    %get3A_970 = vector.shape_cast %get3A_969 : vector<1x1x16xi32> to vector<16xi32>
    %shift_right_arithmetic3A_971 = arith.constant 3 : i32
    %shift_right_arithmetic3A_972 = vector.broadcast %shift_right_arithmetic3A_971 : i32 to vector<16xi32>
    %shift_right_arithmetic3A_973 = arith.shrsi %get3A_970, %shift_right_arithmetic3A_972 : vector<16xi32>
    %shift_left3A_974 = arith.constant 5 : i32
    %shift_left3A_975 = vector.broadcast %shift_left3A_974 : i32 to vector<16xi32>
    %shift_left3A_976 = arith.shli %shift_right_arithmetic3A_973, %shift_left3A_975 : vector<16xi32>
    %and3A_977 = arith.constant 7 : i32
    %and3A_978 = vector.broadcast %and3A_977 : i32 to vector<16xi32>
    %and3A_979 = arith.andi %get3A_970, %and3A_978 : vector<16xi32>
    %shift_left3A_980 = arith.constant 2 : i32
    %shift_left3A_981 = vector.broadcast %shift_left3A_980 : i32 to vector<16xi32>
    %shift_left3A_982 = arith.shli %and3A_979, %shift_left3A_981 : vector<16xi32>
    %add3A_983 = arith.addi %shift_left3A_976, %shift_left3A_982 : vector<16xi32>
    %swap3A_984 = arith.constant 0 : i32
    %swap3A_985 = arith.index_cast %swap3A_984 : i32 to index
    %swap3A_986 = arith.constant 592 : index
    %swap3A_987 = tpu.vector_load %arg6[%swap3A_985, %swap3A_986] {strides = array<i32>} : memref<2x1024xi32, #tpu.memory_space<vmem>>, vector<1x16xi32>,
    %swap3A_988 = vector.shape_cast %swap3A_987 : vector<1x16xi32> to vector<16xi32>
    %swap3A_989 = vector.shape_cast %add3A_983 : vector<16xi32> to vector<1x16xi32>
    tpu.vector_store %arg6[%swap3A_985, %swap3A_986], %swap3A_989 {strides = array<i32>} : memref<2x1024xi32, #tpu.memory_space<vmem>>, vector<1x16xi32>,
    %get3A_990 = arith.constant 0 : i32
    %get3A_991 = arith.constant 4 : i32
    %get3A_992 = arith.index_cast %get3A_990 : i32 to index
    %get3A_993 = arith.index_cast %get3A_991 : i32 to index
    %get3A_994 = arith.constant 96 : index
    %get3A_995 = tpu.vector_load %arg5[%get3A_992, %get3A_993, %get3A_994] {strides = array<i32>} : memref<2x8x128xi32, #tpu.memory_space<vmem>>, vector<1x1x16xi32>,
    %get3A_996 = vector.shape_cast %get3A_995 : vector<1x1x16xi32> to vector<16xi32>
    %shift_right_arithmetic3A_997 = arith.constant 3 : i32
    %shift_right_arithmetic3A_998 = vector.broadcast %shift_right_arithmetic3A_997 : i32 to vector<16xi32>
    %shift_right_arithmetic3A_999 = arith.shrsi %get3A_996, %shift_right_arithmetic3A_998 : vector<16xi32>
    %shift_left3A_1000 = arith.constant 5 : i32
    %shift_left3A_1001 = vector.broadcast %shift_left3A_1000 : i32 to vector<16xi32>
    %shift_left3A_1002 = arith.shli %shift_right_arithmetic3A_999, %shift_left3A_1001 : vector<16xi32>
    %and3A_1003 = arith.constant 7 : i32
    %and3A_1004 = vector.broadcast %and3A_1003 : i32 to vector<16xi32>
    %and3A_1005 = arith.andi %get3A_996, %and3A_1004 : vector<16xi32>
    %shift_left3A_1006 = arith.constant 2 : i32
    %shift_left3A_1007 = vector.broadcast %shift_left3A_1006 : i32 to vector<16xi32>
    %shift_left3A_1008 = arith.shli %and3A_1005, %shift_left3A_1007 : vector<16xi32>
    %add3A_1009 = arith.addi %shift_left3A_1002, %shift_left3A_1008 : vector<16xi32>
    %swap3A_1010 = arith.constant 0 : i32
    %swap3A_1011 = arith.index_cast %swap3A_1010 : i32 to index
    %swap3A_1012 = arith.constant 608 : index
    %swap3A_1013 = tpu.vector_load %arg6[%swap3A_1011, %swap3A_1012] {strides = array<i32>} : memref<2x1024xi32, #tpu.memory_space<vmem>>, vector<1x16xi32>,
    %swap3A_1014 = vector.shape_cast %swap3A_1013 : vector<1x16xi32> to vector<16xi32>
    %swap3A_1015 = vector.shape_cast %add3A_1009 : vector<16xi32> to vector<1x16xi32>
    tpu.vector_store %arg6[%swap3A_1011, %swap3A_1012], %swap3A_1015 {strides = array<i32>} : memref<2x1024xi32, #tpu.memory_space<vmem>>, vector<1x16xi32>,
    %get3A_1016 = arith.constant 0 : i32
    %get3A_1017 = arith.constant 4 : i32
    %get3A_1018 = arith.index_cast %get3A_1016 : i32 to index
    %get3A_1019 = arith.index_cast %get3A_1017 : i32 to index
    %get3A_1020 = arith.constant 112 : index
    %get3A_1021 = tpu.vector_load %arg5[%get3A_1018, %get3A_1019, %get3A_1020] {strides = array<i32>} : memref<2x8x128xi32, #tpu.memory_space<vmem>>, vector<1x1x16xi32>,
    %get3A_1022 = vector.shape_cast %get3A_1021 : vector<1x1x16xi32> to vector<16xi32>
    %shift_right_arithmetic3A_1023 = arith.constant 3 : i32
    %shift_right_arithmetic3A_1024 = vector.broadcast %shift_right_arithmetic3A_1023 : i32 to vector<16xi32>
    %shift_right_arithmetic3A_1025 = arith.shrsi %get3A_1022, %shift_right_arithmetic3A_1024 : vector<16xi32>
    %shift_left3A_1026 = arith.constant 5 : i32
    %shift_left3A_1027 = vector.broadcast %shift_left3A_1026 : i32 to vector<16xi32>
    %shift_left3A_1028 = arith.shli %shift_right_arithmetic3A_1025, %shift_left3A_1027 : vector<16xi32>
    %and3A_1029 = arith.constant 7 : i32
    %and3A_1030 = vector.broadcast %and3A_1029 : i32 to vector<16xi32>
    %and3A_1031 = arith.andi %get3A_1022, %and3A_1030 : vector<16xi32>
    %shift_left3A_1032 = arith.constant 2 : i32
    %shift_left3A_1033 = vector.broadcast %shift_left3A_1032 : i32 to vector<16xi32>
    %shift_left3A_1034 = arith.shli %and3A_1031, %shift_left3A_1033 : vector<16xi32>
    %add3A_1035 = arith.addi %shift_left3A_1028, %shift_left3A_1034 : vector<16xi32>
    %swap3A_1036 = arith.constant 0 : i32
    %swap3A_1037 = arith.index_cast %swap3A_1036 : i32 to index
    %swap3A_1038 = arith.constant 624 : index
    %swap3A_1039 = tpu.vector_load %arg6[%swap3A_1037, %swap3A_1038] {strides = array<i32>} : memref<2x1024xi32, #tpu.memory_space<vmem>>, vector<1x16xi32>,
    %swap3A_1040 = vector.shape_cast %swap3A_1039 : vector<1x16xi32> to vector<16xi32>
    %swap3A_1041 = vector.shape_cast %add3A_1035 : vector<16xi32> to vector<1x16xi32>
    tpu.vector_store %arg6[%swap3A_1037, %swap3A_1038], %swap3A_1041 {strides = array<i32>} : memref<2x1024xi32, #tpu.memory_space<vmem>>, vector<1x16xi32>,
    %get3A_1042 = arith.constant 0 : i32
    %get3A_1043 = arith.constant 5 : i32
    %get3A_1044 = arith.index_cast %get3A_1042 : i32 to index
    %get3A_1045 = arith.index_cast %get3A_1043 : i32 to index
    %get3A_1046 = arith.constant 0 : index
    %get3A_1047 = tpu.vector_load %arg5[%get3A_1044, %get3A_1045, %get3A_1046] {strides = array<i32>} : memref<2x8x128xi32, #tpu.memory_space<vmem>>, vector<1x1x16xi32>,
    %get3A_1048 = vector.shape_cast %get3A_1047 : vector<1x1x16xi32> to vector<16xi32>
    %shift_right_arithmetic3A_1049 = arith.constant 3 : i32
    %shift_right_arithmetic3A_1050 = vector.broadcast %shift_right_arithmetic3A_1049 : i32 to vector<16xi32>
    %shift_right_arithmetic3A_1051 = arith.shrsi %get3A_1048, %shift_right_arithmetic3A_1050 : vector<16xi32>
    %shift_left3A_1052 = arith.constant 5 : i32
    %shift_left3A_1053 = vector.broadcast %shift_left3A_1052 : i32 to vector<16xi32>
    %shift_left3A_1054 = arith.shli %shift_right_arithmetic3A_1051, %shift_left3A_1053 : vector<16xi32>
    %and3A_1055 = arith.constant 7 : i32
    %and3A_1056 = vector.broadcast %and3A_1055 : i32 to vector<16xi32>
    %and3A_1057 = arith.andi %get3A_1048, %and3A_1056 : vector<16xi32>
    %shift_left3A_1058 = arith.constant 2 : i32
    %shift_left3A_1059 = vector.broadcast %shift_left3A_1058 : i32 to vector<16xi32>
    %shift_left3A_1060 = arith.shli %and3A_1057, %shift_left3A_1059 : vector<16xi32>
    %add3A_1061 = arith.addi %shift_left3A_1054, %shift_left3A_1060 : vector<16xi32>
    %swap3A_1062 = arith.constant 0 : i32
    %swap3A_1063 = arith.index_cast %swap3A_1062 : i32 to index
    %swap3A_1064 = arith.constant 640 : index
    %swap3A_1065 = tpu.vector_load %arg6[%swap3A_1063, %swap3A_1064] {strides = array<i32>} : memref<2x1024xi32, #tpu.memory_space<vmem>>, vector<1x16xi32>,
    %swap3A_1066 = vector.shape_cast %swap3A_1065 : vector<1x16xi32> to vector<16xi32>
    %swap3A_1067 = vector.shape_cast %add3A_1061 : vector<16xi32> to vector<1x16xi32>
    tpu.vector_store %arg6[%swap3A_1063, %swap3A_1064], %swap3A_1067 {strides = array<i32>} : memref<2x1024xi32, #tpu.memory_space<vmem>>, vector<1x16xi32>,
    %get3A_1068 = arith.constant 0 : i32
    %get3A_1069 = arith.constant 5 : i32
    %get3A_1070 = arith.index_cast %get3A_1068 : i32 to index
    %get3A_1071 = arith.index_cast %get3A_1069 : i32 to index
    %get3A_1072 = arith.constant 16 : index
    %get3A_1073 = tpu.vector_load %arg5[%get3A_1070, %get3A_1071, %get3A_1072] {strides = array<i32>} : memref<2x8x128xi32, #tpu.memory_space<vmem>>, vector<1x1x16xi32>,
    %get3A_1074 = vector.shape_cast %get3A_1073 : vector<1x1x16xi32> to vector<16xi32>
    %shift_right_arithmetic3A_1075 = arith.constant 3 : i32
    %shift_right_arithmetic3A_1076 = vector.broadcast %shift_right_arithmetic3A_1075 : i32 to vector<16xi32>
    %shift_right_arithmetic3A_1077 = arith.shrsi %get3A_1074, %shift_right_arithmetic3A_1076 : vector<16xi32>
    %shift_left3A_1078 = arith.constant 5 : i32
    %shift_left3A_1079 = vector.broadcast %shift_left3A_1078 : i32 to vector<16xi32>
    %shift_left3A_1080 = arith.shli %shift_right_arithmetic3A_1077, %shift_left3A_1079 : vector<16xi32>
    %and3A_1081 = arith.constant 7 : i32
    %and3A_1082 = vector.broadcast %and3A_1081 : i32 to vector<16xi32>
    %and3A_1083 = arith.andi %get3A_1074, %and3A_1082 : vector<16xi32>
    %shift_left3A_1084 = arith.constant 2 : i32
    %shift_left3A_1085 = vector.broadcast %shift_left3A_1084 : i32 to vector<16xi32>
    %shift_left3A_1086 = arith.shli %and3A_1083, %shift_left3A_1085 : vector<16xi32>
    %add3A_1087 = arith.addi %shift_left3A_1080, %shift_left3A_1086 : vector<16xi32>
    %swap3A_1088 = arith.constant 0 : i32
    %swap3A_1089 = arith.index_cast %swap3A_1088 : i32 to index
    %swap3A_1090 = arith.constant 656 : index
    %swap3A_1091 = tpu.vector_load %arg6[%swap3A_1089, %swap3A_1090] {strides = array<i32>} : memref<2x1024xi32, #tpu.memory_space<vmem>>, vector<1x16xi32>,
    %swap3A_1092 = vector.shape_cast %swap3A_1091 : vector<1x16xi32> to vector<16xi32>
    %swap3A_1093 = vector.shape_cast %add3A_1087 : vector<16xi32> to vector<1x16xi32>
    tpu.vector_store %arg6[%swap3A_1089, %swap3A_1090], %swap3A_1093 {strides = array<i32>} : memref<2x1024xi32, #tpu.memory_space<vmem>>, vector<1x16xi32>,
    %get3A_1094 = arith.constant 0 : i32
    %get3A_1095 = arith.constant 5 : i32
    %get3A_1096 = arith.index_cast %get3A_1094 : i32 to index
    %get3A_1097 = arith.index_cast %get3A_1095 : i32 to index
    %get3A_1098 = arith.constant 32 : index
    %get3A_1099 = tpu.vector_load %arg5[%get3A_1096, %get3A_1097, %get3A_1098] {strides = array<i32>} : memref<2x8x128xi32, #tpu.memory_space<vmem>>, vector<1x1x16xi32>,
    %get3A_1100 = vector.shape_cast %get3A_1099 : vector<1x1x16xi32> to vector<16xi32>
    %shift_right_arithmetic3A_1101 = arith.constant 3 : i32
    %shift_right_arithmetic3A_1102 = vector.broadcast %shift_right_arithmetic3A_1101 : i32 to vector<16xi32>
    %shift_right_arithmetic3A_1103 = arith.shrsi %get3A_1100, %shift_right_arithmetic3A_1102 : vector<16xi32>
    %shift_left3A_1104 = arith.constant 5 : i32
    %shift_left3A_1105 = vector.broadcast %shift_left3A_1104 : i32 to vector<16xi32>
    %shift_left3A_1106 = arith.shli %shift_right_arithmetic3A_1103, %shift_left3A_1105 : vector<16xi32>
    %and3A_1107 = arith.constant 7 : i32
    %and3A_1108 = vector.broadcast %and3A_1107 : i32 to vector<16xi32>
    %and3A_1109 = arith.andi %get3A_1100, %and3A_1108 : vector<16xi32>
    %shift_left3A_1110 = arith.constant 2 : i32
    %shift_left3A_1111 = vector.broadcast %shift_left3A_1110 : i32 to vector<16xi32>
    %shift_left3A_1112 = arith.shli %and3A_1109, %shift_left3A_1111 : vector<16xi32>
    %add3A_1113 = arith.addi %shift_left3A_1106, %shift_left3A_1112 : vector<16xi32>
    %swap3A_1114 = arith.constant 0 : i32
    %swap3A_1115 = arith.index_cast %swap3A_1114 : i32 to index
    %swap3A_1116 = arith.constant 672 : index
    %swap3A_1117 = tpu.vector_load %arg6[%swap3A_1115, %swap3A_1116] {strides = array<i32>} : memref<2x1024xi32, #tpu.memory_space<vmem>>, vector<1x16xi32>,
    %swap3A_1118 = vector.shape_cast %swap3A_1117 : vector<1x16xi32> to vector<16xi32>
    %swap3A_1119 = vector.shape_cast %add3A_1113 : vector<16xi32> to vector<1x16xi32>
    tpu.vector_store %arg6[%swap3A_1115, %swap3A_1116], %swap3A_1119 {strides = array<i32>} : memref<2x1024xi32, #tpu.memory_space<vmem>>, vector<1x16xi32>,
    %get3A_1120 = arith.constant 0 : i32
    %get3A_1121 = arith.constant 5 : i32
    %get3A_1122 = arith.index_cast %get3A_1120 : i32 to index
    %get3A_1123 = arith.index_cast %get3A_1121 : i32 to index
    %get3A_1124 = arith.constant 48 : index
    %get3A_1125 = tpu.vector_load %arg5[%get3A_1122, %get3A_1123, %get3A_1124] {strides = array<i32>} : memref<2x8x128xi32, #tpu.memory_space<vmem>>, vector<1x1x16xi32>,
    %get3A_1126 = vector.shape_cast %get3A_1125 : vector<1x1x16xi32> to vector<16xi32>
    %shift_right_arithmetic3A_1127 = arith.constant 3 : i32
    %shift_right_arithmetic3A_1128 = vector.broadcast %shift_right_arithmetic3A_1127 : i32 to vector<16xi32>
    %shift_right_arithmetic3A_1129 = arith.shrsi %get3A_1126, %shift_right_arithmetic3A_1128 : vector<16xi32>
    %shift_left3A_1130 = arith.constant 5 : i32
    %shift_left3A_1131 = vector.broadcast %shift_left3A_1130 : i32 to vector<16xi32>
    %shift_left3A_1132 = arith.shli %shift_right_arithmetic3A_1129, %shift_left3A_1131 : vector<16xi32>
    %and3A_1133 = arith.constant 7 : i32
    %and3A_1134 = vector.broadcast %and3A_1133 : i32 to vector<16xi32>
    %and3A_1135 = arith.andi %get3A_1126, %and3A_1134 : vector<16xi32>
    %shift_left3A_1136 = arith.constant 2 : i32
    %shift_left3A_1137 = vector.broadcast %shift_left3A_1136 : i32 to vector<16xi32>
    %shift_left3A_1138 = arith.shli %and3A_1135, %shift_left3A_1137 : vector<16xi32>
    %add3A_1139 = arith.addi %shift_left3A_1132, %shift_left3A_1138 : vector<16xi32>
    %swap3A_1140 = arith.constant 0 : i32
    %swap3A_1141 = arith.index_cast %swap3A_1140 : i32 to index
    %swap3A_1142 = arith.constant 688 : index
    %swap3A_1143 = tpu.vector_load %arg6[%swap3A_1141, %swap3A_1142] {strides = array<i32>} : memref<2x1024xi32, #tpu.memory_space<vmem>>, vector<1x16xi32>,
    %swap3A_1144 = vector.shape_cast %swap3A_1143 : vector<1x16xi32> to vector<16xi32>
    %swap3A_1145 = vector.shape_cast %add3A_1139 : vector<16xi32> to vector<1x16xi32>
    tpu.vector_store %arg6[%swap3A_1141, %swap3A_1142], %swap3A_1145 {strides = array<i32>} : memref<2x1024xi32, #tpu.memory_space<vmem>>, vector<1x16xi32>,
    %get3A_1146 = arith.constant 0 : i32
    %get3A_1147 = arith.constant 5 : i32
    %get3A_1148 = arith.index_cast %get3A_1146 : i32 to index
    %get3A_1149 = arith.index_cast %get3A_1147 : i32 to index
    %get3A_1150 = arith.constant 64 : index
    %get3A_1151 = tpu.vector_load %arg5[%get3A_1148, %get3A_1149, %get3A_1150] {strides = array<i32>} : memref<2x8x128xi32, #tpu.memory_space<vmem>>, vector<1x1x16xi32>,
    %get3A_1152 = vector.shape_cast %get3A_1151 : vector<1x1x16xi32> to vector<16xi32>
    %shift_right_arithmetic3A_1153 = arith.constant 3 : i32
    %shift_right_arithmetic3A_1154 = vector.broadcast %shift_right_arithmetic3A_1153 : i32 to vector<16xi32>
    %shift_right_arithmetic3A_1155 = arith.shrsi %get3A_1152, %shift_right_arithmetic3A_1154 : vector<16xi32>
    %shift_left3A_1156 = arith.constant 5 : i32
    %shift_left3A_1157 = vector.broadcast %shift_left3A_1156 : i32 to vector<16xi32>
    %shift_left3A_1158 = arith.shli %shift_right_arithmetic3A_1155, %shift_left3A_1157 : vector<16xi32>
    %and3A_1159 = arith.constant 7 : i32
    %and3A_1160 = vector.broadcast %and3A_1159 : i32 to vector<16xi32>
    %and3A_1161 = arith.andi %get3A_1152, %and3A_1160 : vector<16xi32>
    %shift_left3A_1162 = arith.constant 2 : i32
    %shift_left3A_1163 = vector.broadcast %shift_left3A_1162 : i32 to vector<16xi32>
    %shift_left3A_1164 = arith.shli %and3A_1161, %shift_left3A_1163 : vector<16xi32>
    %add3A_1165 = arith.addi %shift_left3A_1158, %shift_left3A_1164 : vector<16xi32>
    %swap3A_1166 = arith.constant 0 : i32
    %swap3A_1167 = arith.index_cast %swap3A_1166 : i32 to index
    %swap3A_1168 = arith.constant 704 : index
    %swap3A_1169 = tpu.vector_load %arg6[%swap3A_1167, %swap3A_1168] {strides = array<i32>} : memref<2x1024xi32, #tpu.memory_space<vmem>>, vector<1x16xi32>,
    %swap3A_1170 = vector.shape_cast %swap3A_1169 : vector<1x16xi32> to vector<16xi32>
    %swap3A_1171 = vector.shape_cast %add3A_1165 : vector<16xi32> to vector<1x16xi32>
    tpu.vector_store %arg6[%swap3A_1167, %swap3A_1168], %swap3A_1171 {strides = array<i32>} : memref<2x1024xi32, #tpu.memory_space<vmem>>, vector<1x16xi32>,
    %get3A_1172 = arith.constant 0 : i32
    %get3A_1173 = arith.constant 5 : i32
    %get3A_1174 = arith.index_cast %get3A_1172 : i32 to index
    %get3A_1175 = arith.index_cast %get3A_1173 : i32 to index
    %get3A_1176 = arith.constant 80 : index
    %get3A_1177 = tpu.vector_load %arg5[%get3A_1174, %get3A_1175, %get3A_1176] {strides = array<i32>} : memref<2x8x128xi32, #tpu.memory_space<vmem>>, vector<1x1x16xi32>,
    %get3A_1178 = vector.shape_cast %get3A_1177 : vector<1x1x16xi32> to vector<16xi32>
    %shift_right_arithmetic3A_1179 = arith.constant 3 : i32
    %shift_right_arithmetic3A_1180 = vector.broadcast %shift_right_arithmetic3A_1179 : i32 to vector<16xi32>
    %shift_right_arithmetic3A_1181 = arith.shrsi %get3A_1178, %shift_right_arithmetic3A_1180 : vector<16xi32>
    %shift_left3A_1182 = arith.constant 5 : i32
    %shift_left3A_1183 = vector.broadcast %shift_left3A_1182 : i32 to vector<16xi32>
    %shift_left3A_1184 = arith.shli %shift_right_arithmetic3A_1181, %shift_left3A_1183 : vector<16xi32>
    %and3A_1185 = arith.constant 7 : i32
    %and3A_1186 = vector.broadcast %and3A_1185 : i32 to vector<16xi32>
    %and3A_1187 = arith.andi %get3A_1178, %and3A_1186 : vector<16xi32>
    %shift_left3A_1188 = arith.constant 2 : i32
    %shift_left3A_1189 = vector.broadcast %shift_left3A_1188 : i32 to vector<16xi32>
    %shift_left3A_1190 = arith.shli %and3A_1187, %shift_left3A_1189 : vector<16xi32>
    %add3A_1191 = arith.addi %shift_left3A_1184, %shift_left3A_1190 : vector<16xi32>
    %swap3A_1192 = arith.constant 0 : i32
    %swap3A_1193 = arith.index_cast %swap3A_1192 : i32 to index
    %swap3A_1194 = arith.constant 720 : index
    %swap3A_1195 = tpu.vector_load %arg6[%swap3A_1193, %swap3A_1194] {strides = array<i32>} : memref<2x1024xi32, #tpu.memory_space<vmem>>, vector<1x16xi32>,
    %swap3A_1196 = vector.shape_cast %swap3A_1195 : vector<1x16xi32> to vector<16xi32>
    %swap3A_1197 = vector.shape_cast %add3A_1191 : vector<16xi32> to vector<1x16xi32>
    tpu.vector_store %arg6[%swap3A_1193, %swap3A_1194], %swap3A_1197 {strides = array<i32>} : memref<2x1024xi32, #tpu.memory_space<vmem>>, vector<1x16xi32>,
    %get3A_1198 = arith.constant 0 : i32
    %get3A_1199 = arith.constant 5 : i32
    %get3A_1200 = arith.index_cast %get3A_1198 : i32 to index
    %get3A_1201 = arith.index_cast %get3A_1199 : i32 to index
    %get3A_1202 = arith.constant 96 : index
    %get3A_1203 = tpu.vector_load %arg5[%get3A_1200, %get3A_1201, %get3A_1202] {strides = array<i32>} : memref<2x8x128xi32, #tpu.memory_space<vmem>>, vector<1x1x16xi32>,
    %get3A_1204 = vector.shape_cast %get3A_1203 : vector<1x1x16xi32> to vector<16xi32>
    %shift_right_arithmetic3A_1205 = arith.constant 3 : i32
    %shift_right_arithmetic3A_1206 = vector.broadcast %shift_right_arithmetic3A_1205 : i32 to vector<16xi32>
    %shift_right_arithmetic3A_1207 = arith.shrsi %get3A_1204, %shift_right_arithmetic3A_1206 : vector<16xi32>
    %shift_left3A_1208 = arith.constant 5 : i32
    %shift_left3A_1209 = vector.broadcast %shift_left3A_1208 : i32 to vector<16xi32>
    %shift_left3A_1210 = arith.shli %shift_right_arithmetic3A_1207, %shift_left3A_1209 : vector<16xi32>
    %and3A_1211 = arith.constant 7 : i32
    %and3A_1212 = vector.broadcast %and3A_1211 : i32 to vector<16xi32>
    %and3A_1213 = arith.andi %get3A_1204, %and3A_1212 : vector<16xi32>
    %shift_left3A_1214 = arith.constant 2 : i32
    %shift_left3A_1215 = vector.broadcast %shift_left3A_1214 : i32 to vector<16xi32>
    %shift_left3A_1216 = arith.shli %and3A_1213, %shift_left3A_1215 : vector<16xi32>
    %add3A_1217 = arith.addi %shift_left3A_1210, %shift_left3A_1216 : vector<16xi32>
    %swap3A_1218 = arith.constant 0 : i32
    %swap3A_1219 = arith.index_cast %swap3A_1218 : i32 to index
    %swap3A_1220 = arith.constant 736 : index
    %swap3A_1221 = tpu.vector_load %arg6[%swap3A_1219, %swap3A_1220] {strides = array<i32>} : memref<2x1024xi32, #tpu.memory_space<vmem>>, vector<1x16xi32>,
    %swap3A_1222 = vector.shape_cast %swap3A_1221 : vector<1x16xi32> to vector<16xi32>
    %swap3A_1223 = vector.shape_cast %add3A_1217 : vector<16xi32> to vector<1x16xi32>
    tpu.vector_store %arg6[%swap3A_1219, %swap3A_1220], %swap3A_1223 {strides = array<i32>} : memref<2x1024xi32, #tpu.memory_space<vmem>>, vector<1x16xi32>,
    %get3A_1224 = arith.constant 0 : i32
    %get3A_1225 = arith.constant 5 : i32
    %get3A_1226 = arith.index_cast %get3A_1224 : i32 to index
    %get3A_1227 = arith.index_cast %get3A_1225 : i32 to index
    %get3A_1228 = arith.constant 112 : index
    %get3A_1229 = tpu.vector_load %arg5[%get3A_1226, %get3A_1227, %get3A_1228] {strides = array<i32>} : memref<2x8x128xi32, #tpu.memory_space<vmem>>, vector<1x1x16xi32>,
    %get3A_1230 = vector.shape_cast %get3A_1229 : vector<1x1x16xi32> to vector<16xi32>
    %shift_right_arithmetic3A_1231 = arith.constant 3 : i32
    %shift_right_arithmetic3A_1232 = vector.broadcast %shift_right_arithmetic3A_1231 : i32 to vector<16xi32>
    %shift_right_arithmetic3A_1233 = arith.shrsi %get3A_1230, %shift_right_arithmetic3A_1232 : vector<16xi32>
    %shift_left3A_1234 = arith.constant 5 : i32
    %shift_left3A_1235 = vector.broadcast %shift_left3A_1234 : i32 to vector<16xi32>
    %shift_left3A_1236 = arith.shli %shift_right_arithmetic3A_1233, %shift_left3A_1235 : vector<16xi32>
    %and3A_1237 = arith.constant 7 : i32
    %and3A_1238 = vector.broadcast %and3A_1237 : i32 to vector<16xi32>
    %and3A_1239 = arith.andi %get3A_1230, %and3A_1238 : vector<16xi32>
    %shift_left3A_1240 = arith.constant 2 : i32
    %shift_left3A_1241 = vector.broadcast %shift_left3A_1240 : i32 to vector<16xi32>
    %shift_left3A_1242 = arith.shli %and3A_1239, %shift_left3A_1241 : vector<16xi32>
    %add3A_1243 = arith.addi %shift_left3A_1236, %shift_left3A_1242 : vector<16xi32>
    %swap3A_1244 = arith.constant 0 : i32
    %swap3A_1245 = arith.index_cast %swap3A_1244 : i32 to index
    %swap3A_1246 = arith.constant 752 : index
    %swap3A_1247 = tpu.vector_load %arg6[%swap3A_1245, %swap3A_1246] {strides = array<i32>} : memref<2x1024xi32, #tpu.memory_space<vmem>>, vector<1x16xi32>,
    %swap3A_1248 = vector.shape_cast %swap3A_1247 : vector<1x16xi32> to vector<16xi32>
    %swap3A_1249 = vector.shape_cast %add3A_1243 : vector<16xi32> to vector<1x16xi32>
    tpu.vector_store %arg6[%swap3A_1245, %swap3A_1246], %swap3A_1249 {strides = array<i32>} : memref<2x1024xi32, #tpu.memory_space<vmem>>, vector<1x16xi32>,
    %get3A_1250 = arith.constant 0 : i32
    %get3A_1251 = arith.constant 6 : i32
    %get3A_1252 = arith.index_cast %get3A_1250 : i32 to index
    %get3A_1253 = arith.index_cast %get3A_1251 : i32 to index
    %get3A_1254 = arith.constant 0 : index
    %get3A_1255 = tpu.vector_load %arg5[%get3A_1252, %get3A_1253, %get3A_1254] {strides = array<i32>} : memref<2x8x128xi32, #tpu.memory_space<vmem>>, vector<1x1x16xi32>,
    %get3A_1256 = vector.shape_cast %get3A_1255 : vector<1x1x16xi32> to vector<16xi32>
    %shift_right_arithmetic3A_1257 = arith.constant 3 : i32
    %shift_right_arithmetic3A_1258 = vector.broadcast %shift_right_arithmetic3A_1257 : i32 to vector<16xi32>
    %shift_right_arithmetic3A_1259 = arith.shrsi %get3A_1256, %shift_right_arithmetic3A_1258 : vector<16xi32>
    %shift_left3A_1260 = arith.constant 5 : i32
    %shift_left3A_1261 = vector.broadcast %shift_left3A_1260 : i32 to vector<16xi32>
    %shift_left3A_1262 = arith.shli %shift_right_arithmetic3A_1259, %shift_left3A_1261 : vector<16xi32>
    %and3A_1263 = arith.constant 7 : i32
    %and3A_1264 = vector.broadcast %and3A_1263 : i32 to vector<16xi32>
    %and3A_1265 = arith.andi %get3A_1256, %and3A_1264 : vector<16xi32>
    %shift_left3A_1266 = arith.constant 2 : i32
    %shift_left3A_1267 = vector.broadcast %shift_left3A_1266 : i32 to vector<16xi32>
    %shift_left3A_1268 = arith.shli %and3A_1265, %shift_left3A_1267 : vector<16xi32>
    %add3A_1269 = arith.addi %shift_left3A_1262, %shift_left3A_1268 : vector<16xi32>
    %swap3A_1270 = arith.constant 0 : i32
    %swap3A_1271 = arith.index_cast %swap3A_1270 : i32 to index
    %swap3A_1272 = arith.constant 768 : index
    %swap3A_1273 = tpu.vector_load %arg6[%swap3A_1271, %swap3A_1272] {strides = array<i32>} : memref<2x1024xi32, #tpu.memory_space<vmem>>, vector<1x16xi32>,
    %swap3A_1274 = vector.shape_cast %swap3A_1273 : vector<1x16xi32> to vector<16xi32>
    %swap3A_1275 = vector.shape_cast %add3A_1269 : vector<16xi32> to vector<1x16xi32>
    tpu.vector_store %arg6[%swap3A_1271, %swap3A_1272], %swap3A_1275 {strides = array<i32>} : memref<2x1024xi32, #tpu.memory_space<vmem>>, vector<1x16xi32>,
    %get3A_1276 = arith.constant 0 : i32
    %get3A_1277 = arith.constant 6 : i32
    %get3A_1278 = arith.index_cast %get3A_1276 : i32 to index
    %get3A_1279 = arith.index_cast %get3A_1277 : i32 to index
    %get3A_1280 = arith.constant 16 : index
    %get3A_1281 = tpu.vector_load %arg5[%get3A_1278, %get3A_1279, %get3A_1280] {strides = array<i32>} : memref<2x8x128xi32, #tpu.memory_space<vmem>>, vector<1x1x16xi32>,
    %get3A_1282 = vector.shape_cast %get3A_1281 : vector<1x1x16xi32> to vector<16xi32>
    %shift_right_arithmetic3A_1283 = arith.constant 3 : i32
    %shift_right_arithmetic3A_1284 = vector.broadcast %shift_right_arithmetic3A_1283 : i32 to vector<16xi32>
    %shift_right_arithmetic3A_1285 = arith.shrsi %get3A_1282, %shift_right_arithmetic3A_1284 : vector<16xi32>
    %shift_left3A_1286 = arith.constant 5 : i32
    %shift_left3A_1287 = vector.broadcast %shift_left3A_1286 : i32 to vector<16xi32>
    %shift_left3A_1288 = arith.shli %shift_right_arithmetic3A_1285, %shift_left3A_1287 : vector<16xi32>
    %and3A_1289 = arith.constant 7 : i32
    %and3A_1290 = vector.broadcast %and3A_1289 : i32 to vector<16xi32>
    %and3A_1291 = arith.andi %get3A_1282, %and3A_1290 : vector<16xi32>
    %shift_left3A_1292 = arith.constant 2 : i32
    %shift_left3A_1293 = vector.broadcast %shift_left3A_1292 : i32 to vector<16xi32>
    %shift_left3A_1294 = arith.shli %and3A_1291, %shift_left3A_1293 : vector<16xi32>
    %add3A_1295 = arith.addi %shift_left3A_1288, %shift_left3A_1294 : vector<16xi32>
    %swap3A_1296 = arith.constant 0 : i32
    %swap3A_1297 = arith.index_cast %swap3A_1296 : i32 to index
    %swap3A_1298 = arith.constant 784 : index
    %swap3A_1299 = tpu.vector_load %arg6[%swap3A_1297, %swap3A_1298] {strides = array<i32>} : memref<2x1024xi32, #tpu.memory_space<vmem>>, vector<1x16xi32>,
    %swap3A_1300 = vector.shape_cast %swap3A_1299 : vector<1x16xi32> to vector<16xi32>
    %swap3A_1301 = vector.shape_cast %add3A_1295 : vector<16xi32> to vector<1x16xi32>
    tpu.vector_store %arg6[%swap3A_1297, %swap3A_1298], %swap3A_1301 {strides = array<i32>} : memref<2x1024xi32, #tpu.memory_space<vmem>>, vector<1x16xi32>,
    %get3A_1302 = arith.constant 0 : i32
    %get3A_1303 = arith.constant 6 : i32
    %get3A_1304 = arith.index_cast %get3A_1302 : i32 to index
    %get3A_1305 = arith.index_cast %get3A_1303 : i32 to index
    %get3A_1306 = arith.constant 32 : index
    %get3A_1307 = tpu.vector_load %arg5[%get3A_1304, %get3A_1305, %get3A_1306] {strides = array<i32>} : memref<2x8x128xi32, #tpu.memory_space<vmem>>, vector<1x1x16xi32>,
    %get3A_1308 = vector.shape_cast %get3A_1307 : vector<1x1x16xi32> to vector<16xi32>
    %shift_right_arithmetic3A_1309 = arith.constant 3 : i32
    %shift_right_arithmetic3A_1310 = vector.broadcast %shift_right_arithmetic3A_1309 : i32 to vector<16xi32>
    %shift_right_arithmetic3A_1311 = arith.shrsi %get3A_1308, %shift_right_arithmetic3A_1310 : vector<16xi32>
    %shift_left3A_1312 = arith.constant 5 : i32
    %shift_left3A_1313 = vector.broadcast %shift_left3A_1312 : i32 to vector<16xi32>
    %shift_left3A_1314 = arith.shli %shift_right_arithmetic3A_1311, %shift_left3A_1313 : vector<16xi32>
    %and3A_1315 = arith.constant 7 : i32
    %and3A_1316 = vector.broadcast %and3A_1315 : i32 to vector<16xi32>
    %and3A_1317 = arith.andi %get3A_1308, %and3A_1316 : vector<16xi32>
    %shift_left3A_1318 = arith.constant 2 : i32
    %shift_left3A_1319 = vector.broadcast %shift_left3A_1318 : i32 to vector<16xi32>
    %shift_left3A_1320 = arith.shli %and3A_1317, %shift_left3A_1319 : vector<16xi32>
    %add3A_1321 = arith.addi %shift_left3A_1314, %shift_left3A_1320 : vector<16xi32>
    %swap3A_1322 = arith.constant 0 : i32
    %swap3A_1323 = arith.index_cast %swap3A_1322 : i32 to index
    %swap3A_1324 = arith.constant 800 : index
    %swap3A_1325 = tpu.vector_load %arg6[%swap3A_1323, %swap3A_1324] {strides = array<i32>} : memref<2x1024xi32, #tpu.memory_space<vmem>>, vector<1x16xi32>,
    %swap3A_1326 = vector.shape_cast %swap3A_1325 : vector<1x16xi32> to vector<16xi32>
    %swap3A_1327 = vector.shape_cast %add3A_1321 : vector<16xi32> to vector<1x16xi32>
    tpu.vector_store %arg6[%swap3A_1323, %swap3A_1324], %swap3A_1327 {strides = array<i32>} : memref<2x1024xi32, #tpu.memory_space<vmem>>, vector<1x16xi32>,
    %get3A_1328 = arith.constant 0 : i32
    %get3A_1329 = arith.constant 6 : i32
    %get3A_1330 = arith.index_cast %get3A_1328 : i32 to index
    %get3A_1331 = arith.index_cast %get3A_1329 : i32 to index
    %get3A_1332 = arith.constant 48 : index
    %get3A_1333 = tpu.vector_load %arg5[%get3A_1330, %get3A_1331, %get3A_1332] {strides = array<i32>} : memref<2x8x128xi32, #tpu.memory_space<vmem>>, vector<1x1x16xi32>,
    %get3A_1334 = vector.shape_cast %get3A_1333 : vector<1x1x16xi32> to vector<16xi32>
    %shift_right_arithmetic3A_1335 = arith.constant 3 : i32
    %shift_right_arithmetic3A_1336 = vector.broadcast %shift_right_arithmetic3A_1335 : i32 to vector<16xi32>
    %shift_right_arithmetic3A_1337 = arith.shrsi %get3A_1334, %shift_right_arithmetic3A_1336 : vector<16xi32>
    %shift_left3A_1338 = arith.constant 5 : i32
    %shift_left3A_1339 = vector.broadcast %shift_left3A_1338 : i32 to vector<16xi32>
    %shift_left3A_1340 = arith.shli %shift_right_arithmetic3A_1337, %shift_left3A_1339 : vector<16xi32>
    %and3A_1341 = arith.constant 7 : i32
    %and3A_1342 = vector.broadcast %and3A_1341 : i32 to vector<16xi32>
    %and3A_1343 = arith.andi %get3A_1334, %and3A_1342 : vector<16xi32>
    %shift_left3A_1344 = arith.constant 2 : i32
    %shift_left3A_1345 = vector.broadcast %shift_left3A_1344 : i32 to vector<16xi32>
    %shift_left3A_1346 = arith.shli %and3A_1343, %shift_left3A_1345 : vector<16xi32>
    %add3A_1347 = arith.addi %shift_left3A_1340, %shift_left3A_1346 : vector<16xi32>
    %swap3A_1348 = arith.constant 0 : i32
    %swap3A_1349 = arith.index_cast %swap3A_1348 : i32 to index
    %swap3A_1350 = arith.constant 816 : index
    %swap3A_1351 = tpu.vector_load %arg6[%swap3A_1349, %swap3A_1350] {strides = array<i32>} : memref<2x1024xi32, #tpu.memory_space<vmem>>, vector<1x16xi32>,
    %swap3A_1352 = vector.shape_cast %swap3A_1351 : vector<1x16xi32> to vector<16xi32>
    %swap3A_1353 = vector.shape_cast %add3A_1347 : vector<16xi32> to vector<1x16xi32>
    tpu.vector_store %arg6[%swap3A_1349, %swap3A_1350], %swap3A_1353 {strides = array<i32>} : memref<2x1024xi32, #tpu.memory_space<vmem>>, vector<1x16xi32>,
    %get3A_1354 = arith.constant 0 : i32
    %get3A_1355 = arith.constant 6 : i32
    %get3A_1356 = arith.index_cast %get3A_1354 : i32 to index
    %get3A_1357 = arith.index_cast %get3A_1355 : i32 to index
    %get3A_1358 = arith.constant 64 : index
    %get3A_1359 = tpu.vector_load %arg5[%get3A_1356, %get3A_1357, %get3A_1358] {strides = array<i32>} : memref<2x8x128xi32, #tpu.memory_space<vmem>>, vector<1x1x16xi32>,
    %get3A_1360 = vector.shape_cast %get3A_1359 : vector<1x1x16xi32> to vector<16xi32>
    %shift_right_arithmetic3A_1361 = arith.constant 3 : i32
    %shift_right_arithmetic3A_1362 = vector.broadcast %shift_right_arithmetic3A_1361 : i32 to vector<16xi32>
    %shift_right_arithmetic3A_1363 = arith.shrsi %get3A_1360, %shift_right_arithmetic3A_1362 : vector<16xi32>
    %shift_left3A_1364 = arith.constant 5 : i32
    %shift_left3A_1365 = vector.broadcast %shift_left3A_1364 : i32 to vector<16xi32>
    %shift_left3A_1366 = arith.shli %shift_right_arithmetic3A_1363, %shift_left3A_1365 : vector<16xi32>
    %and3A_1367 = arith.constant 7 : i32
    %and3A_1368 = vector.broadcast %and3A_1367 : i32 to vector<16xi32>
    %and3A_1369 = arith.andi %get3A_1360, %and3A_1368 : vector<16xi32>
    %shift_left3A_1370 = arith.constant 2 : i32
    %shift_left3A_1371 = vector.broadcast %shift_left3A_1370 : i32 to vector<16xi32>
    %shift_left3A_1372 = arith.shli %and3A_1369, %shift_left3A_1371 : vector<16xi32>
    %add3A_1373 = arith.addi %shift_left3A_1366, %shift_left3A_1372 : vector<16xi32>
    %swap3A_1374 = arith.constant 0 : i32
    %swap3A_1375 = arith.index_cast %swap3A_1374 : i32 to index
    %swap3A_1376 = arith.constant 832 : index
    %swap3A_1377 = tpu.vector_load %arg6[%swap3A_1375, %swap3A_1376] {strides = array<i32>} : memref<2x1024xi32, #tpu.memory_space<vmem>>, vector<1x16xi32>,
    %swap3A_1378 = vector.shape_cast %swap3A_1377 : vector<1x16xi32> to vector<16xi32>
    %swap3A_1379 = vector.shape_cast %add3A_1373 : vector<16xi32> to vector<1x16xi32>
    tpu.vector_store %arg6[%swap3A_1375, %swap3A_1376], %swap3A_1379 {strides = array<i32>} : memref<2x1024xi32, #tpu.memory_space<vmem>>, vector<1x16xi32>,
    %get3A_1380 = arith.constant 0 : i32
    %get3A_1381 = arith.constant 6 : i32
    %get3A_1382 = arith.index_cast %get3A_1380 : i32 to index
    %get3A_1383 = arith.index_cast %get3A_1381 : i32 to index
    %get3A_1384 = arith.constant 80 : index
    %get3A_1385 = tpu.vector_load %arg5[%get3A_1382, %get3A_1383, %get3A_1384] {strides = array<i32>} : memref<2x8x128xi32, #tpu.memory_space<vmem>>, vector<1x1x16xi32>,
    %get3A_1386 = vector.shape_cast %get3A_1385 : vector<1x1x16xi32> to vector<16xi32>
    %shift_right_arithmetic3A_1387 = arith.constant 3 : i32
    %shift_right_arithmetic3A_1388 = vector.broadcast %shift_right_arithmetic3A_1387 : i32 to vector<16xi32>
    %shift_right_arithmetic3A_1389 = arith.shrsi %get3A_1386, %shift_right_arithmetic3A_1388 : vector<16xi32>
    %shift_left3A_1390 = arith.constant 5 : i32
    %shift_left3A_1391 = vector.broadcast %shift_left3A_1390 : i32 to vector<16xi32>
    %shift_left3A_1392 = arith.shli %shift_right_arithmetic3A_1389, %shift_left3A_1391 : vector<16xi32>
    %and3A_1393 = arith.constant 7 : i32
    %and3A_1394 = vector.broadcast %and3A_1393 : i32 to vector<16xi32>
    %and3A_1395 = arith.andi %get3A_1386, %and3A_1394 : vector<16xi32>
    %shift_left3A_1396 = arith.constant 2 : i32
    %shift_left3A_1397 = vector.broadcast %shift_left3A_1396 : i32 to vector<16xi32>
    %shift_left3A_1398 = arith.shli %and3A_1395, %shift_left3A_1397 : vector<16xi32>
    %add3A_1399 = arith.addi %shift_left3A_1392, %shift_left3A_1398 : vector<16xi32>
    %swap3A_1400 = arith.constant 0 : i32
    %swap3A_1401 = arith.index_cast %swap3A_1400 : i32 to index
    %swap3A_1402 = arith.constant 848 : index
    %swap3A_1403 = tpu.vector_load %arg6[%swap3A_1401, %swap3A_1402] {strides = array<i32>} : memref<2x1024xi32, #tpu.memory_space<vmem>>, vector<1x16xi32>,
    %swap3A_1404 = vector.shape_cast %swap3A_1403 : vector<1x16xi32> to vector<16xi32>
    %swap3A_1405 = vector.shape_cast %add3A_1399 : vector<16xi32> to vector<1x16xi32>
    tpu.vector_store %arg6[%swap3A_1401, %swap3A_1402], %swap3A_1405 {strides = array<i32>} : memref<2x1024xi32, #tpu.memory_space<vmem>>, vector<1x16xi32>,
    %get3A_1406 = arith.constant 0 : i32
    %get3A_1407 = arith.constant 6 : i32
    %get3A_1408 = arith.index_cast %get3A_1406 : i32 to index
    %get3A_1409 = arith.index_cast %get3A_1407 : i32 to index
    %get3A_1410 = arith.constant 96 : index
    %get3A_1411 = tpu.vector_load %arg5[%get3A_1408, %get3A_1409, %get3A_1410] {strides = array<i32>} : memref<2x8x128xi32, #tpu.memory_space<vmem>>, vector<1x1x16xi32>,
    %get3A_1412 = vector.shape_cast %get3A_1411 : vector<1x1x16xi32> to vector<16xi32>
    %shift_right_arithmetic3A_1413 = arith.constant 3 : i32
    %shift_right_arithmetic3A_1414 = vector.broadcast %shift_right_arithmetic3A_1413 : i32 to vector<16xi32>
    %shift_right_arithmetic3A_1415 = arith.shrsi %get3A_1412, %shift_right_arithmetic3A_1414 : vector<16xi32>
    %shift_left3A_1416 = arith.constant 5 : i32
    %shift_left3A_1417 = vector.broadcast %shift_left3A_1416 : i32 to vector<16xi32>
    %shift_left3A_1418 = arith.shli %shift_right_arithmetic3A_1415, %shift_left3A_1417 : vector<16xi32>
    %and3A_1419 = arith.constant 7 : i32
    %and3A_1420 = vector.broadcast %and3A_1419 : i32 to vector<16xi32>
    %and3A_1421 = arith.andi %get3A_1412, %and3A_1420 : vector<16xi32>
    %shift_left3A_1422 = arith.constant 2 : i32
    %shift_left3A_1423 = vector.broadcast %shift_left3A_1422 : i32 to vector<16xi32>
    %shift_left3A_1424 = arith.shli %and3A_1421, %shift_left3A_1423 : vector<16xi32>
    %add3A_1425 = arith.addi %shift_left3A_1418, %shift_left3A_1424 : vector<16xi32>
    %swap3A_1426 = arith.constant 0 : i32
    %swap3A_1427 = arith.index_cast %swap3A_1426 : i32 to index
    %swap3A_1428 = arith.constant 864 : index
    %swap3A_1429 = tpu.vector_load %arg6[%swap3A_1427, %swap3A_1428] {strides = array<i32>} : memref<2x1024xi32, #tpu.memory_space<vmem>>, vector<1x16xi32>,
    %swap3A_1430 = vector.shape_cast %swap3A_1429 : vector<1x16xi32> to vector<16xi32>
    %swap3A_1431 = vector.shape_cast %add3A_1425 : vector<16xi32> to vector<1x16xi32>
    tpu.vector_store %arg6[%swap3A_1427, %swap3A_1428], %swap3A_1431 {strides = array<i32>} : memref<2x1024xi32, #tpu.memory_space<vmem>>, vector<1x16xi32>,
    %get3A_1432 = arith.constant 0 : i32
    %get3A_1433 = arith.constant 6 : i32
    %get3A_1434 = arith.index_cast %get3A_1432 : i32 to index
    %get3A_1435 = arith.index_cast %get3A_1433 : i32 to index
    %get3A_1436 = arith.constant 112 : index
    %get3A_1437 = tpu.vector_load %arg5[%get3A_1434, %get3A_1435, %get3A_1436] {strides = array<i32>} : memref<2x8x128xi32, #tpu.memory_space<vmem>>, vector<1x1x16xi32>,
    %get3A_1438 = vector.shape_cast %get3A_1437 : vector<1x1x16xi32> to vector<16xi32>
    %shift_right_arithmetic3A_1439 = arith.constant 3 : i32
    %shift_right_arithmetic3A_1440 = vector.broadcast %shift_right_arithmetic3A_1439 : i32 to vector<16xi32>
    %shift_right_arithmetic3A_1441 = arith.shrsi %get3A_1438, %shift_right_arithmetic3A_1440 : vector<16xi32>
    %shift_left3A_1442 = arith.constant 5 : i32
    %shift_left3A_1443 = vector.broadcast %shift_left3A_1442 : i32 to vector<16xi32>
    %shift_left3A_1444 = arith.shli %shift_right_arithmetic3A_1441, %shift_left3A_1443 : vector<16xi32>
    %and3A_1445 = arith.constant 7 : i32
    %and3A_1446 = vector.broadcast %and3A_1445 : i32 to vector<16xi32>
    %and3A_1447 = arith.andi %get3A_1438, %and3A_1446 : vector<16xi32>
    %shift_left3A_1448 = arith.constant 2 : i32
    %shift_left3A_1449 = vector.broadcast %shift_left3A_1448 : i32 to vector<16xi32>
    %shift_left3A_1450 = arith.shli %and3A_1447, %shift_left3A_1449 : vector<16xi32>
    %add3A_1451 = arith.addi %shift_left3A_1444, %shift_left3A_1450 : vector<16xi32>
    %swap3A_1452 = arith.constant 0 : i32
    %swap3A_1453 = arith.index_cast %swap3A_1452 : i32 to index
    %swap3A_1454 = arith.constant 880 : index
    %swap3A_1455 = tpu.vector_load %arg6[%swap3A_1453, %swap3A_1454] {strides = array<i32>} : memref<2x1024xi32, #tpu.memory_space<vmem>>, vector<1x16xi32>,
    %swap3A_1456 = vector.shape_cast %swap3A_1455 : vector<1x16xi32> to vector<16xi32>
    %swap3A_1457 = vector.shape_cast %add3A_1451 : vector<16xi32> to vector<1x16xi32>
    tpu.vector_store %arg6[%swap3A_1453, %swap3A_1454], %swap3A_1457 {strides = array<i32>} : memref<2x1024xi32, #tpu.memory_space<vmem>>, vector<1x16xi32>,
    %get3A_1458 = arith.constant 0 : i32
    %get3A_1459 = arith.constant 7 : i32
    %get3A_1460 = arith.index_cast %get3A_1458 : i32 to index
    %get3A_1461 = arith.index_cast %get3A_1459 : i32 to index
    %get3A_1462 = arith.constant 0 : index
    %get3A_1463 = tpu.vector_load %arg5[%get3A_1460, %get3A_1461, %get3A_1462] {strides = array<i32>} : memref<2x8x128xi32, #tpu.memory_space<vmem>>, vector<1x1x16xi32>,
    %get3A_1464 = vector.shape_cast %get3A_1463 : vector<1x1x16xi32> to vector<16xi32>
    %shift_right_arithmetic3A_1465 = arith.constant 3 : i32
    %shift_right_arithmetic3A_1466 = vector.broadcast %shift_right_arithmetic3A_1465 : i32 to vector<16xi32>
    %shift_right_arithmetic3A_1467 = arith.shrsi %get3A_1464, %shift_right_arithmetic3A_1466 : vector<16xi32>
    %shift_left3A_1468 = arith.constant 5 : i32
    %shift_left3A_1469 = vector.broadcast %shift_left3A_1468 : i32 to vector<16xi32>
    %shift_left3A_1470 = arith.shli %shift_right_arithmetic3A_1467, %shift_left3A_1469 : vector<16xi32>
    %and3A_1471 = arith.constant 7 : i32
    %and3A_1472 = vector.broadcast %and3A_1471 : i32 to vector<16xi32>
    %and3A_1473 = arith.andi %get3A_1464, %and3A_1472 : vector<16xi32>
    %shift_left3A_1474 = arith.constant 2 : i32
    %shift_left3A_1475 = vector.broadcast %shift_left3A_1474 : i32 to vector<16xi32>
    %shift_left3A_1476 = arith.shli %and3A_1473, %shift_left3A_1475 : vector<16xi32>
    %add3A_1477 = arith.addi %shift_left3A_1470, %shift_left3A_1476 : vector<16xi32>
    %swap3A_1478 = arith.constant 0 : i32
    %swap3A_1479 = arith.index_cast %swap3A_1478 : i32 to index
    %swap3A_1480 = arith.constant 896 : index
    %swap3A_1481 = tpu.vector_load %arg6[%swap3A_1479, %swap3A_1480] {strides = array<i32>} : memref<2x1024xi32, #tpu.memory_space<vmem>>, vector<1x16xi32>,
    %swap3A_1482 = vector.shape_cast %swap3A_1481 : vector<1x16xi32> to vector<16xi32>
    %swap3A_1483 = vector.shape_cast %add3A_1477 : vector<16xi32> to vector<1x16xi32>
    tpu.vector_store %arg6[%swap3A_1479, %swap3A_1480], %swap3A_1483 {strides = array<i32>} : memref<2x1024xi32, #tpu.memory_space<vmem>>, vector<1x16xi32>,
    %get3A_1484 = arith.constant 0 : i32
    %get3A_1485 = arith.constant 7 : i32
    %get3A_1486 = arith.index_cast %get3A_1484 : i32 to index
    %get3A_1487 = arith.index_cast %get3A_1485 : i32 to index
    %get3A_1488 = arith.constant 16 : index
    %get3A_1489 = tpu.vector_load %arg5[%get3A_1486, %get3A_1487, %get3A_1488] {strides = array<i32>} : memref<2x8x128xi32, #tpu.memory_space<vmem>>, vector<1x1x16xi32>,
    %get3A_1490 = vector.shape_cast %get3A_1489 : vector<1x1x16xi32> to vector<16xi32>
    %shift_right_arithmetic3A_1491 = arith.constant 3 : i32
    %shift_right_arithmetic3A_1492 = vector.broadcast %shift_right_arithmetic3A_1491 : i32 to vector<16xi32>
    %shift_right_arithmetic3A_1493 = arith.shrsi %get3A_1490, %shift_right_arithmetic3A_1492 : vector<16xi32>
    %shift_left3A_1494 = arith.constant 5 : i32
    %shift_left3A_1495 = vector.broadcast %shift_left3A_1494 : i32 to vector<16xi32>
    %shift_left3A_1496 = arith.shli %shift_right_arithmetic3A_1493, %shift_left3A_1495 : vector<16xi32>
    %and3A_1497 = arith.constant 7 : i32
    %and3A_1498 = vector.broadcast %and3A_1497 : i32 to vector<16xi32>
    %and3A_1499 = arith.andi %get3A_1490, %and3A_1498 : vector<16xi32>
    %shift_left3A_1500 = arith.constant 2 : i32
    %shift_left3A_1501 = vector.broadcast %shift_left3A_1500 : i32 to vector<16xi32>
    %shift_left3A_1502 = arith.shli %and3A_1499, %shift_left3A_1501 : vector<16xi32>
    %add3A_1503 = arith.addi %shift_left3A_1496, %shift_left3A_1502 : vector<16xi32>
    %swap3A_1504 = arith.constant 0 : i32
    %swap3A_1505 = arith.index_cast %swap3A_1504 : i32 to index
    %swap3A_1506 = arith.constant 912 : index
    %swap3A_1507 = tpu.vector_load %arg6[%swap3A_1505, %swap3A_1506] {strides = array<i32>} : memref<2x1024xi32, #tpu.memory_space<vmem>>, vector<1x16xi32>,
    %swap3A_1508 = vector.shape_cast %swap3A_1507 : vector<1x16xi32> to vector<16xi32>
    %swap3A_1509 = vector.shape_cast %add3A_1503 : vector<16xi32> to vector<1x16xi32>
    tpu.vector_store %arg6[%swap3A_1505, %swap3A_1506], %swap3A_1509 {strides = array<i32>} : memref<2x1024xi32, #tpu.memory_space<vmem>>, vector<1x16xi32>,
    %get3A_1510 = arith.constant 0 : i32
    %get3A_1511 = arith.constant 7 : i32
    %get3A_1512 = arith.index_cast %get3A_1510 : i32 to index
    %get3A_1513 = arith.index_cast %get3A_1511 : i32 to index
    %get3A_1514 = arith.constant 32 : index
    %get3A_1515 = tpu.vector_load %arg5[%get3A_1512, %get3A_1513, %get3A_1514] {strides = array<i32>} : memref<2x8x128xi32, #tpu.memory_space<vmem>>, vector<1x1x16xi32>,
    %get3A_1516 = vector.shape_cast %get3A_1515 : vector<1x1x16xi32> to vector<16xi32>
    %shift_right_arithmetic3A_1517 = arith.constant 3 : i32
    %shift_right_arithmetic3A_1518 = vector.broadcast %shift_right_arithmetic3A_1517 : i32 to vector<16xi32>
    %shift_right_arithmetic3A_1519 = arith.shrsi %get3A_1516, %shift_right_arithmetic3A_1518 : vector<16xi32>
    %shift_left3A_1520 = arith.constant 5 : i32
    %shift_left3A_1521 = vector.broadcast %shift_left3A_1520 : i32 to vector<16xi32>
    %shift_left3A_1522 = arith.shli %shift_right_arithmetic3A_1519, %shift_left3A_1521 : vector<16xi32>
    %and3A_1523 = arith.constant 7 : i32
    %and3A_1524 = vector.broadcast %and3A_1523 : i32 to vector<16xi32>
    %and3A_1525 = arith.andi %get3A_1516, %and3A_1524 : vector<16xi32>
    %shift_left3A_1526 = arith.constant 2 : i32
    %shift_left3A_1527 = vector.broadcast %shift_left3A_1526 : i32 to vector<16xi32>
    %shift_left3A_1528 = arith.shli %and3A_1525, %shift_left3A_1527 : vector<16xi32>
    %add3A_1529 = arith.addi %shift_left3A_1522, %shift_left3A_1528 : vector<16xi32>
    %swap3A_1530 = arith.constant 0 : i32
    %swap3A_1531 = arith.index_cast %swap3A_1530 : i32 to index
    %swap3A_1532 = arith.constant 928 : index
    %swap3A_1533 = tpu.vector_load %arg6[%swap3A_1531, %swap3A_1532] {strides = array<i32>} : memref<2x1024xi32, #tpu.memory_space<vmem>>, vector<1x16xi32>,
    %swap3A_1534 = vector.shape_cast %swap3A_1533 : vector<1x16xi32> to vector<16xi32>
    %swap3A_1535 = vector.shape_cast %add3A_1529 : vector<16xi32> to vector<1x16xi32>
    tpu.vector_store %arg6[%swap3A_1531, %swap3A_1532], %swap3A_1535 {strides = array<i32>} : memref<2x1024xi32, #tpu.memory_space<vmem>>, vector<1x16xi32>,
    %get3A_1536 = arith.constant 0 : i32
    %get3A_1537 = arith.constant 7 : i32
    %get3A_1538 = arith.index_cast %get3A_1536 : i32 to index
    %get3A_1539 = arith.index_cast %get3A_1537 : i32 to index
    %get3A_1540 = arith.constant 48 : index
    %get3A_1541 = tpu.vector_load %arg5[%get3A_1538, %get3A_1539, %get3A_1540] {strides = array<i32>} : memref<2x8x128xi32, #tpu.memory_space<vmem>>, vector<1x1x16xi32>,
    %get3A_1542 = vector.shape_cast %get3A_1541 : vector<1x1x16xi32> to vector<16xi32>
    %shift_right_arithmetic3A_1543 = arith.constant 3 : i32
    %shift_right_arithmetic3A_1544 = vector.broadcast %shift_right_arithmetic3A_1543 : i32 to vector<16xi32>
    %shift_right_arithmetic3A_1545 = arith.shrsi %get3A_1542, %shift_right_arithmetic3A_1544 : vector<16xi32>
    %shift_left3A_1546 = arith.constant 5 : i32
    %shift_left3A_1547 = vector.broadcast %shift_left3A_1546 : i32 to vector<16xi32>
    %shift_left3A_1548 = arith.shli %shift_right_arithmetic3A_1545, %shift_left3A_1547 : vector<16xi32>
    %and3A_1549 = arith.constant 7 : i32
    %and3A_1550 = vector.broadcast %and3A_1549 : i32 to vector<16xi32>
    %and3A_1551 = arith.andi %get3A_1542, %and3A_1550 : vector<16xi32>
    %shift_left3A_1552 = arith.constant 2 : i32
    %shift_left3A_1553 = vector.broadcast %shift_left3A_1552 : i32 to vector<16xi32>
    %shift_left3A_1554 = arith.shli %and3A_1551, %shift_left3A_1553 : vector<16xi32>
    %add3A_1555 = arith.addi %shift_left3A_1548, %shift_left3A_1554 : vector<16xi32>
    %swap3A_1556 = arith.constant 0 : i32
    %swap3A_1557 = arith.index_cast %swap3A_1556 : i32 to index
    %swap3A_1558 = arith.constant 944 : index
    %swap3A_1559 = tpu.vector_load %arg6[%swap3A_1557, %swap3A_1558] {strides = array<i32>} : memref<2x1024xi32, #tpu.memory_space<vmem>>, vector<1x16xi32>,
    %swap3A_1560 = vector.shape_cast %swap3A_1559 : vector<1x16xi32> to vector<16xi32>
    %swap3A_1561 = vector.shape_cast %add3A_1555 : vector<16xi32> to vector<1x16xi32>
    tpu.vector_store %arg6[%swap3A_1557, %swap3A_1558], %swap3A_1561 {strides = array<i32>} : memref<2x1024xi32, #tpu.memory_space<vmem>>, vector<1x16xi32>,
    %get3A_1562 = arith.constant 0 : i32
    %get3A_1563 = arith.constant 7 : i32
    %get3A_1564 = arith.index_cast %get3A_1562 : i32 to index
    %get3A_1565 = arith.index_cast %get3A_1563 : i32 to index
    %get3A_1566 = arith.constant 64 : index
    %get3A_1567 = tpu.vector_load %arg5[%get3A_1564, %get3A_1565, %get3A_1566] {strides = array<i32>} : memref<2x8x128xi32, #tpu.memory_space<vmem>>, vector<1x1x16xi32>,
    %get3A_1568 = vector.shape_cast %get3A_1567 : vector<1x1x16xi32> to vector<16xi32>
    %shift_right_arithmetic3A_1569 = arith.constant 3 : i32
    %shift_right_arithmetic3A_1570 = vector.broadcast %shift_right_arithmetic3A_1569 : i32 to vector<16xi32>
    %shift_right_arithmetic3A_1571 = arith.shrsi %get3A_1568, %shift_right_arithmetic3A_1570 : vector<16xi32>
    %shift_left3A_1572 = arith.constant 5 : i32
    %shift_left3A_1573 = vector.broadcast %shift_left3A_1572 : i32 to vector<16xi32>
    %shift_left3A_1574 = arith.shli %shift_right_arithmetic3A_1571, %shift_left3A_1573 : vector<16xi32>
    %and3A_1575 = arith.constant 7 : i32
    %and3A_1576 = vector.broadcast %and3A_1575 : i32 to vector<16xi32>
    %and3A_1577 = arith.andi %get3A_1568, %and3A_1576 : vector<16xi32>
    %shift_left3A_1578 = arith.constant 2 : i32
    %shift_left3A_1579 = vector.broadcast %shift_left3A_1578 : i32 to vector<16xi32>
    %shift_left3A_1580 = arith.shli %and3A_1577, %shift_left3A_1579 : vector<16xi32>
    %add3A_1581 = arith.addi %shift_left3A_1574, %shift_left3A_1580 : vector<16xi32>
    %swap3A_1582 = arith.constant 0 : i32
    %swap3A_1583 = arith.index_cast %swap3A_1582 : i32 to index
    %swap3A_1584 = arith.constant 960 : index
    %swap3A_1585 = tpu.vector_load %arg6[%swap3A_1583, %swap3A_1584] {strides = array<i32>} : memref<2x1024xi32, #tpu.memory_space<vmem>>, vector<1x16xi32>,
    %swap3A_1586 = vector.shape_cast %swap3A_1585 : vector<1x16xi32> to vector<16xi32>
    %swap3A_1587 = vector.shape_cast %add3A_1581 : vector<16xi32> to vector<1x16xi32>
    tpu.vector_store %arg6[%swap3A_1583, %swap3A_1584], %swap3A_1587 {strides = array<i32>} : memref<2x1024xi32, #tpu.memory_space<vmem>>, vector<1x16xi32>,
    %get3A_1588 = arith.constant 0 : i32
    %get3A_1589 = arith.constant 7 : i32
    %get3A_1590 = arith.index_cast %get3A_1588 : i32 to index
    %get3A_1591 = arith.index_cast %get3A_1589 : i32 to index
    %get3A_1592 = arith.constant 80 : index
    %get3A_1593 = tpu.vector_load %arg5[%get3A_1590, %get3A_1591, %get3A_1592] {strides = array<i32>} : memref<2x8x128xi32, #tpu.memory_space<vmem>>, vector<1x1x16xi32>,
    %get3A_1594 = vector.shape_cast %get3A_1593 : vector<1x1x16xi32> to vector<16xi32>
    %shift_right_arithmetic3A_1595 = arith.constant 3 : i32
    %shift_right_arithmetic3A_1596 = vector.broadcast %shift_right_arithmetic3A_1595 : i32 to vector<16xi32>
    %shift_right_arithmetic3A_1597 = arith.shrsi %get3A_1594, %shift_right_arithmetic3A_1596 : vector<16xi32>
    %shift_left3A_1598 = arith.constant 5 : i32
    %shift_left3A_1599 = vector.broadcast %shift_left3A_1598 : i32 to vector<16xi32>
    %shift_left3A_1600 = arith.shli %shift_right_arithmetic3A_1597, %shift_left3A_1599 : vector<16xi32>
    %and3A_1601 = arith.constant 7 : i32
    %and3A_1602 = vector.broadcast %and3A_1601 : i32 to vector<16xi32>
    %and3A_1603 = arith.andi %get3A_1594, %and3A_1602 : vector<16xi32>
    %shift_left3A_1604 = arith.constant 2 : i32
    %shift_left3A_1605 = vector.broadcast %shift_left3A_1604 : i32 to vector<16xi32>
    %shift_left3A_1606 = arith.shli %and3A_1603, %shift_left3A_1605 : vector<16xi32>
    %add3A_1607 = arith.addi %shift_left3A_1600, %shift_left3A_1606 : vector<16xi32>
    %swap3A_1608 = arith.constant 0 : i32
    %swap3A_1609 = arith.index_cast %swap3A_1608 : i32 to index
    %swap3A_1610 = arith.constant 976 : index
    %swap3A_1611 = tpu.vector_load %arg6[%swap3A_1609, %swap3A_1610] {strides = array<i32>} : memref<2x1024xi32, #tpu.memory_space<vmem>>, vector<1x16xi32>,
    %swap3A_1612 = vector.shape_cast %swap3A_1611 : vector<1x16xi32> to vector<16xi32>
    %swap3A_1613 = vector.shape_cast %add3A_1607 : vector<16xi32> to vector<1x16xi32>
    tpu.vector_store %arg6[%swap3A_1609, %swap3A_1610], %swap3A_1613 {strides = array<i32>} : memref<2x1024xi32, #tpu.memory_space<vmem>>, vector<1x16xi32>,
    %get3A_1614 = arith.constant 0 : i32
    %get3A_1615 = arith.constant 7 : i32
    %get3A_1616 = arith.index_cast %get3A_1614 : i32 to index
    %get3A_1617 = arith.index_cast %get3A_1615 : i32 to index
    %get3A_1618 = arith.constant 96 : index
    %get3A_1619 = tpu.vector_load %arg5[%get3A_1616, %get3A_1617, %get3A_1618] {strides = array<i32>} : memref<2x8x128xi32, #tpu.memory_space<vmem>>, vector<1x1x16xi32>,
    %get3A_1620 = vector.shape_cast %get3A_1619 : vector<1x1x16xi32> to vector<16xi32>
    %shift_right_arithmetic3A_1621 = arith.constant 3 : i32
    %shift_right_arithmetic3A_1622 = vector.broadcast %shift_right_arithmetic3A_1621 : i32 to vector<16xi32>
    %shift_right_arithmetic3A_1623 = arith.shrsi %get3A_1620, %shift_right_arithmetic3A_1622 : vector<16xi32>
    %shift_left3A_1624 = arith.constant 5 : i32
    %shift_left3A_1625 = vector.broadcast %shift_left3A_1624 : i32 to vector<16xi32>
    %shift_left3A_1626 = arith.shli %shift_right_arithmetic3A_1623, %shift_left3A_1625 : vector<16xi32>
    %and3A_1627 = arith.constant 7 : i32
    %and3A_1628 = vector.broadcast %and3A_1627 : i32 to vector<16xi32>
    %and3A_1629 = arith.andi %get3A_1620, %and3A_1628 : vector<16xi32>
    %shift_left3A_1630 = arith.constant 2 : i32
    %shift_left3A_1631 = vector.broadcast %shift_left3A_1630 : i32 to vector<16xi32>
    %shift_left3A_1632 = arith.shli %and3A_1629, %shift_left3A_1631 : vector<16xi32>
    %add3A_1633 = arith.addi %shift_left3A_1626, %shift_left3A_1632 : vector<16xi32>
    %swap3A_1634 = arith.constant 0 : i32
    %swap3A_1635 = arith.index_cast %swap3A_1634 : i32 to index
    %swap3A_1636 = arith.constant 992 : index
    %swap3A_1637 = tpu.vector_load %arg6[%swap3A_1635, %swap3A_1636] {strides = array<i32>} : memref<2x1024xi32, #tpu.memory_space<vmem>>, vector<1x16xi32>,
    %swap3A_1638 = vector.shape_cast %swap3A_1637 : vector<1x16xi32> to vector<16xi32>
    %swap3A_1639 = vector.shape_cast %add3A_1633 : vector<16xi32> to vector<1x16xi32>
    tpu.vector_store %arg6[%swap3A_1635, %swap3A_1636], %swap3A_1639 {strides = array<i32>} : memref<2x1024xi32, #tpu.memory_space<vmem>>, vector<1x16xi32>,
    %get3A_1640 = arith.constant 0 : i32
    %get3A_1641 = arith.constant 7 : i32
    %get3A_1642 = arith.index_cast %get3A_1640 : i32 to index
    %get3A_1643 = arith.index_cast %get3A_1641 : i32 to index
    %get3A_1644 = arith.constant 112 : index
    %get3A_1645 = tpu.vector_load %arg5[%get3A_1642, %get3A_1643, %get3A_1644] {strides = array<i32>} : memref<2x8x128xi32, #tpu.memory_space<vmem>>, vector<1x1x16xi32>,
    %get3A_1646 = vector.shape_cast %get3A_1645 : vector<1x1x16xi32> to vector<16xi32>
    %shift_right_arithmetic3A_1647 = arith.constant 3 : i32
    %shift_right_arithmetic3A_1648 = vector.broadcast %shift_right_arithmetic3A_1647 : i32 to vector<16xi32>
    %shift_right_arithmetic3A_1649 = arith.shrsi %get3A_1646, %shift_right_arithmetic3A_1648 : vector<16xi32>
    %shift_left3A_1650 = arith.constant 5 : i32
    %shift_left3A_1651 = vector.broadcast %shift_left3A_1650 : i32 to vector<16xi32>
    %shift_left3A_1652 = arith.shli %shift_right_arithmetic3A_1649, %shift_left3A_1651 : vector<16xi32>
    %and3A_1653 = arith.constant 7 : i32
    %and3A_1654 = vector.broadcast %and3A_1653 : i32 to vector<16xi32>
    %and3A_1655 = arith.andi %get3A_1646, %and3A_1654 : vector<16xi32>
    %shift_left3A_1656 = arith.constant 2 : i32
    %shift_left3A_1657 = vector.broadcast %shift_left3A_1656 : i32 to vector<16xi32>
    %shift_left3A_1658 = arith.shli %and3A_1655, %shift_left3A_1657 : vector<16xi32>
    %add3A_1659 = arith.addi %shift_left3A_1652, %shift_left3A_1658 : vector<16xi32>
    %swap3A_1660 = arith.constant 0 : i32
    %swap3A_1661 = arith.index_cast %swap3A_1660 : i32 to index
    %swap3A_1662 = arith.constant 1008 : index
    %swap3A_1663 = tpu.vector_load %arg6[%swap3A_1661, %swap3A_1662] {strides = array<i32>} : memref<2x1024xi32, #tpu.memory_space<vmem>>, vector<1x16xi32>,
    %swap3A_1664 = vector.shape_cast %swap3A_1663 : vector<1x16xi32> to vector<16xi32>
    %swap3A_1665 = vector.shape_cast %add3A_1659 : vector<16xi32> to vector<1x16xi32>
    tpu.vector_store %arg6[%swap3A_1661, %swap3A_1662], %swap3A_1665 {strides = array<i32>} : memref<2x1024xi32, #tpu.memory_space<vmem>>, vector<1x16xi32>,
    %dma_start3A = arith.constant 0 : i32
    %dma_start3A_1666 = arith.constant 0 : i32
    %dma_start3A_1667 = arith.constant 0 : i32
    %dma_start3A_1668 = arith.constant 0 : i32
    %dma_start3A_1669 = arith.constant 0 : i32
    %dma_start3A_1670 = tpu.memref_slice %arg7[%dma_start3A_1666, %dma_start3A_1668, %dma_start3A_1669] : memref<2x1024x32xf32, #tpu.memory_space<vmem>> -> memref<1x1024x32xf32, #tpu.memory_space<vmem>>
    %dma_start3A_1671 = tpu.memref_squeeze %dma_start3A_1670 : memref<1x1024x32xf32, #tpu.memory_space<vmem>> -> memref<1024x32xf32, #tpu.memory_space<vmem>>
    %dma_start3A_1672 = arith.constant 0 : i32
    %dma_start3A_1673 = tpu.memref_slice %arg6[%dma_start3A, %dma_start3A_1672] : memref<2x1024xi32, #tpu.memory_space<vmem>> -> memref<1x1024xi32, #tpu.memory_space<vmem>>
    %dma_start3A_1674 = tpu.memref_squeeze %dma_start3A_1673 : memref<1x1024xi32, #tpu.memory_space<vmem>> -> memref<1024xi32, #tpu.memory_space<vmem>>
    %dma_start3A_1675 = arith.constant 0 : i32
    %dma_start3A_1676 = arith.constant 0 : i32
    %dma_start3A_1677 = tpu.memref_slice %arg3[%dma_start3A_1675, %dma_start3A_1676] : memref<4000000x32xf32, #tpu.memory_space<hbm>> -> memref<4000000x32xf32, #tpu.memory_space<hbm>>
    %dma_start3A_1678 = tpu.memref_slice %arg8[%dma_start3A_1667] : memref<2x!tpu.dma_semaphore, #tpu.memory_space<semaphore_mem>> -> memref<1x!tpu.dma_semaphore, #tpu.memory_space<semaphore_mem>>
    %dma_start3A_1679 = tpu.memref_squeeze %dma_start3A_1678 : memref<1x!tpu.dma_semaphore, #tpu.memory_space<semaphore_mem>> -> memref<!tpu.dma_semaphore, #tpu.memory_space<semaphore_mem>>
    tpu.enqueue_indirect_dma source(%dma_start3A_1677 : memref<4000000x32xf32, #tpu.memory_space<hbm>>) target(%dma_start3A_1671 : memref<1024x32xf32, #tpu.memory_space<vmem>>) offsets(%dma_start3A_1674 : memref<1024xi32, #tpu.memory_space<vmem>>) semaphore(%dma_start3A_1679 : memref<!tpu.dma_semaphore, #tpu.memory_space<semaphore_mem>>)
    %scan3A = arith.constant 0 : i32
    %scan3A_1680 = arith.constant 0 : i32
    %scan3A_1681 = arith.constant 25 : i32
    %scan3A_1682 = arith.addi %scan3A_1680, %scan3A_1681 : i32
    %scan3A_1683 = arith.constant 1 : i32
    scf.for %scan3A_1697 = %scan3A_1680 to %scan3A_1682 step %scan3A_1683  : i32 {
      %and3A_1698 = arith.constant 1 : i32
      %and3A_1699 = arith.andi %scan3A_1697, %and3A_1698 : i32
      %sub3A = arith.constant 1 : i32
      %sub3A_1700 = arith.subi %sub3A, %and3A_1699 : i32
      %ge3A = arith.constant 1 : i32
      %ge3A_1701 = arith.cmpi sge, %scan3A_1697, %ge3A : i32
      %convert_element_type3A = arith.extui %ge3A_1701 : i1 to i32
      %cond3A = arith.constant 0 : i32
      %cond3A_1702 = arith.cmpi ne, %convert_element_type3A, %cond3A : i32
      scf.if %cond3A_1702 {
        %dma_wait3A_2111 = arith.constant 0 : i32
        %dma_wait3A_2112 = arith.constant 0 : i32
        %dma_wait3A_2113 = tpu.memref_slice %arg7[%sub3A_1700, %dma_wait3A_2111, %dma_wait3A_2112] : memref<2x1024x32xf32, #tpu.memory_space<vmem>> -> memref<1x1024x32xf32, #tpu.memory_space<vmem>>
        %dma_wait3A_2114 = tpu.memref_squeeze %dma_wait3A_2113 : memref<1x1024x32xf32, #tpu.memory_space<vmem>> -> memref<1024x32xf32, #tpu.memory_space<vmem>>
        %dma_wait3A_2115 = arith.constant 0 : i32
        %dma_wait3A_2116 = tpu.memref_slice %arg4[%mul3A_2, %dma_wait3A_2115] : memref<819200x32xf32, #tpu.memory_space<hbm>> -> memref<1024x32xf32, #tpu.memory_space<hbm>>
        %dma_wait3A_2117 = arith.constant 0 : i32
        %dma_wait3A_2118 = tpu.memref_slice %arg4[%mul3A_2, %dma_wait3A_2117] : memref<819200x32xf32, #tpu.memory_space<hbm>> -> memref<1024x32xf32, #tpu.memory_space<hbm>>
        %dma_wait3A_2119 = arith.constant 0 : i32
        %dma_wait3A_2120 = arith.constant 0 : i32
        %dma_wait3A_2121 = tpu.memref_slice %arg7[%sub3A_1700, %dma_wait3A_2119, %dma_wait3A_2120] : memref<2x1024x32xf32, #tpu.memory_space<vmem>> -> memref<1x1024x32xf32, #tpu.memory_space<vmem>>
        %dma_wait3A_2122 = tpu.memref_squeeze %dma_wait3A_2121 : memref<1x1024x32xf32, #tpu.memory_space<vmem>> -> memref<1024x32xf32, #tpu.memory_space<vmem>>
        tpu.wait_dma2 semaphore(%arg9 : memref<!tpu.dma_semaphore, #tpu.memory_space<semaphore_mem>>) src(%dma_wait3A_2122 : memref<1024x32xf32, #tpu.memory_space<vmem>>) dst(%dma_wait3A_2118 : memref<1024x32xf32, #tpu.memory_space<hbm>>)
      } else {
      }
      %add3A_1703 = arith.constant 1 : i32
      %add3A_1704 = arith.addi %scan3A_1697, %add3A_1703 : i32
      %lt3A = arith.constant 25 : i32
      %lt3A_1705 = arith.cmpi slt, %add3A_1704, %lt3A : i32
      %convert_element_type3A_1706 = arith.extui %lt3A_1705 : i1 to i32
      %cond3A_1707 = arith.constant 0 : i32
      %cond3A_1708 = arith.cmpi ne, %convert_element_type3A_1706, %cond3A_1707 : i32
      scf.if %cond3A_1708 {
        %add3A_2111 = arith.constant 1 : i32
        %add3A_2112 = arith.addi %scan3A_1697, %add3A_2111 : i32
        %mul3A_2113 = arith.constant 8 : i32
        %mul3A_2114 = arith.muli %add3A_2112, %mul3A_2113 : i32
        %add3A_2115 = arith.addi %mul3A_4, %mul3A_2114 : i32
        "tpu.region"() ({
          %run_scoped3A_3664 = tpu.sem_alloc : memref<!tpu.dma_semaphore, #tpu.memory_space<semaphore_mem>>
          %dma_start3A_3665 = arith.constant 0 : i32
          %dma_start3A_3666 = arith.constant 0 : i32
          %dma_start3A_3667 = tpu.memref_slice %arg5[%sub3A_1700, %dma_start3A_3665, %dma_start3A_3666] : memref<2x8x128xi32, #tpu.memory_space<vmem>> -> memref<1x8x128xi32, #tpu.memory_space<vmem>>
          %dma_start3A_3668 = tpu.memref_squeeze %dma_start3A_3667 : memref<1x8x128xi32, #tpu.memory_space<vmem>> -> memref<8x128xi32, #tpu.memory_space<vmem>>
          %dma_start3A_3669 = arith.constant 0 : i32
          %dma_start3A_3670 = tpu.memref_slice %arg2[%add3A_2115, %dma_start3A_3669] : memref<6400x128xi32, #tpu.memory_space<hbm>> -> memref<8x128xi32, #tpu.memory_space<hbm>>
          %dma_start3A_3671 = arith.constant 0 : i32
          %dma_start3A_3672 = arith.constant 0 : i32
          %dma_start3A_3673 = tpu.memref_slice %arg5[%sub3A_1700, %dma_start3A_3671, %dma_start3A_3672] : memref<2x8x128xi32, #tpu.memory_space<vmem>> -> memref<1x8x128xi32, #tpu.memory_space<vmem>>
          %dma_start3A_3674 = tpu.memref_squeeze %dma_start3A_3673 : memref<1x8x128xi32, #tpu.memory_space<vmem>> -> memref<8x128xi32, #tpu.memory_space<vmem>>
          %dma_start3A_3675 = arith.constant 0 : i32
          %dma_start3A_3676 = tpu.memref_slice %arg2[%add3A_2115, %dma_start3A_3675] : memref<6400x128xi32, #tpu.memory_space<hbm>> -> memref<8x128xi32, #tpu.memory_space<hbm>>
          tpu.enqueue_dma source(%dma_start3A_3676 : memref<8x128xi32, #tpu.memory_space<hbm>>) target(%dma_start3A_3674 : memref<8x128xi32, #tpu.memory_space<vmem>>) target_semaphore(%run_scoped3A_3664 : memref<!tpu.dma_semaphore, #tpu.memory_space<semaphore_mem>>)
          %dma_wait3A_3677 = arith.constant 0 : i32
          %dma_wait3A_3678 = arith.constant 0 : i32
          %dma_wait3A_3679 = tpu.memref_slice %arg5[%sub3A_1700, %dma_wait3A_3677, %dma_wait3A_3678] : memref<2x8x128xi32, #tpu.memory_space<vmem>> -> memref<1x8x128xi32, #tpu.memory_space<vmem>>
          %dma_wait3A_3680 = tpu.memref_squeeze %dma_wait3A_3679 : memref<1x8x128xi32, #tpu.memory_space<vmem>> -> memref<8x128xi32, #tpu.memory_space<vmem>>
          %dma_wait3A_3681 = arith.constant 0 : i32
          %dma_wait3A_3682 = tpu.memref_slice %arg2[%add3A_2115, %dma_wait3A_3681] : memref<6400x128xi32, #tpu.memory_space<hbm>> -> memref<8x128xi32, #tpu.memory_space<hbm>>
          %dma_wait3A_3683 = arith.constant 0 : i32
          %dma_wait3A_3684 = arith.constant 0 : i32
          %dma_wait3A_3685 = tpu.memref_slice %arg5[%sub3A_1700, %dma_wait3A_3683, %dma_wait3A_3684] : memref<2x8x128xi32, #tpu.memory_space<vmem>> -> memref<1x8x128xi32, #tpu.memory_space<vmem>>
          %dma_wait3A_3686 = tpu.memref_squeeze %dma_wait3A_3685 : memref<1x8x128xi32, #tpu.memory_space<vmem>> -> memref<8x128xi32, #tpu.memory_space<vmem>>
          %dma_wait3A_3687 = arith.constant 0 : i32
          %dma_wait3A_3688 = tpu.memref_slice %arg2[%add3A_2115, %dma_wait3A_3687] : memref<6400x128xi32, #tpu.memory_space<hbm>> -> memref<8x128xi32, #tpu.memory_space<hbm>>
          tpu.wait_dma2 semaphore(%run_scoped3A_3664 : memref<!tpu.dma_semaphore, #tpu.memory_space<semaphore_mem>>) src(%dma_wait3A_3688 : memref<8x128xi32, #tpu.memory_space<hbm>>) dst(%dma_wait3A_3686 : memref<8x128xi32, #tpu.memory_space<vmem>>)
          tpu.yield
        }) : () -> ()
        %get3A_2116 = arith.constant 0 : i32
        %get3A_2117 = arith.index_cast %sub3A_1700 : i32 to index
        %get3A_2118 = arith.index_cast %get3A_2116 : i32 to index
        %get3A_2119 = arith.constant 0 : index
        %get3A_2120 = tpu.vector_load %arg5[%get3A_2117, %get3A_2118, %get3A_2119] {strides = array<i32>} : memref<2x8x128xi32, #tpu.memory_space<vmem>>, vector<1x1x16xi32>,
        %get3A_2121 = vector.shape_cast %get3A_2120 : vector<1x1x16xi32> to vector<16xi32>
        %shift_right_arithmetic3A_2122 = arith.constant 3 : i32
        %shift_right_arithmetic3A_2123 = vector.broadcast %shift_right_arithmetic3A_2122 : i32 to vector<16xi32>
        %shift_right_arithmetic3A_2124 = arith.shrsi %get3A_2121, %shift_right_arithmetic3A_2123 : vector<16xi32>
        %shift_left3A_2125 = arith.constant 5 : i32
        %shift_left3A_2126 = vector.broadcast %shift_left3A_2125 : i32 to vector<16xi32>
        %shift_left3A_2127 = arith.shli %shift_right_arithmetic3A_2124, %shift_left3A_2126 : vector<16xi32>
        %and3A_2128 = arith.constant 7 : i32
        %and3A_2129 = vector.broadcast %and3A_2128 : i32 to vector<16xi32>
        %and3A_2130 = arith.andi %get3A_2121, %and3A_2129 : vector<16xi32>
        %shift_left3A_2131 = arith.constant 2 : i32
        %shift_left3A_2132 = vector.broadcast %shift_left3A_2131 : i32 to vector<16xi32>
        %shift_left3A_2133 = arith.shli %and3A_2130, %shift_left3A_2132 : vector<16xi32>
        %add3A_2134 = arith.addi %shift_left3A_2127, %shift_left3A_2133 : vector<16xi32>
        %swap3A_2135 = arith.index_cast %sub3A_1700 : i32 to index
        %swap3A_2136 = arith.constant 0 : index
        %swap3A_2137 = tpu.vector_load %arg6[%swap3A_2135, %swap3A_2136] {strides = array<i32>} : memref<2x1024xi32, #tpu.memory_space<vmem>>, vector<1x16xi32>,
        %swap3A_2138 = vector.shape_cast %swap3A_2137 : vector<1x16xi32> to vector<16xi32>
        %swap3A_2139 = vector.shape_cast %add3A_2134 : vector<16xi32> to vector<1x16xi32>
        tpu.vector_store %arg6[%swap3A_2135, %swap3A_2136], %swap3A_2139 {strides = array<i32>} : memref<2x1024xi32, #tpu.memory_space<vmem>>, vector<1x16xi32>,
        %get3A_2140 = arith.constant 0 : i32
        %get3A_2141 = arith.index_cast %sub3A_1700 : i32 to index
        %get3A_2142 = arith.index_cast %get3A_2140 : i32 to index
        %get3A_2143 = arith.constant 16 : index
        %get3A_2144 = tpu.vector_load %arg5[%get3A_2141, %get3A_2142, %get3A_2143] {strides = array<i32>} : memref<2x8x128xi32, #tpu.memory_space<vmem>>, vector<1x1x16xi32>,
        %get3A_2145 = vector.shape_cast %get3A_2144 : vector<1x1x16xi32> to vector<16xi32>
        %shift_right_arithmetic3A_2146 = arith.constant 3 : i32
        %shift_right_arithmetic3A_2147 = vector.broadcast %shift_right_arithmetic3A_2146 : i32 to vector<16xi32>
        %shift_right_arithmetic3A_2148 = arith.shrsi %get3A_2145, %shift_right_arithmetic3A_2147 : vector<16xi32>
        %shift_left3A_2149 = arith.constant 5 : i32
        %shift_left3A_2150 = vector.broadcast %shift_left3A_2149 : i32 to vector<16xi32>
        %shift_left3A_2151 = arith.shli %shift_right_arithmetic3A_2148, %shift_left3A_2150 : vector<16xi32>
        %and3A_2152 = arith.constant 7 : i32
        %and3A_2153 = vector.broadcast %and3A_2152 : i32 to vector<16xi32>
        %and3A_2154 = arith.andi %get3A_2145, %and3A_2153 : vector<16xi32>
        %shift_left3A_2155 = arith.constant 2 : i32
        %shift_left3A_2156 = vector.broadcast %shift_left3A_2155 : i32 to vector<16xi32>
        %shift_left3A_2157 = arith.shli %and3A_2154, %shift_left3A_2156 : vector<16xi32>
        %add3A_2158 = arith.addi %shift_left3A_2151, %shift_left3A_2157 : vector<16xi32>
        %swap3A_2159 = arith.index_cast %sub3A_1700 : i32 to index
        %swap3A_2160 = arith.constant 16 : index
        %swap3A_2161 = tpu.vector_load %arg6[%swap3A_2159, %swap3A_2160] {strides = array<i32>} : memref<2x1024xi32, #tpu.memory_space<vmem>>, vector<1x16xi32>,
        %swap3A_2162 = vector.shape_cast %swap3A_2161 : vector<1x16xi32> to vector<16xi32>
        %swap3A_2163 = vector.shape_cast %add3A_2158 : vector<16xi32> to vector<1x16xi32>
        tpu.vector_store %arg6[%swap3A_2159, %swap3A_2160], %swap3A_2163 {strides = array<i32>} : memref<2x1024xi32, #tpu.memory_space<vmem>>, vector<1x16xi32>,
        %get3A_2164 = arith.constant 0 : i32
        %get3A_2165 = arith.index_cast %sub3A_1700 : i32 to index
        %get3A_2166 = arith.index_cast %get3A_2164 : i32 to index
        %get3A_2167 = arith.constant 32 : index
        %get3A_2168 = tpu.vector_load %arg5[%get3A_2165, %get3A_2166, %get3A_2167] {strides = array<i32>} : memref<2x8x128xi32, #tpu.memory_space<vmem>>, vector<1x1x16xi32>,
        %get3A_2169 = vector.shape_cast %get3A_2168 : vector<1x1x16xi32> to vector<16xi32>
        %shift_right_arithmetic3A_2170 = arith.constant 3 : i32
        %shift_right_arithmetic3A_2171 = vector.broadcast %shift_right_arithmetic3A_2170 : i32 to vector<16xi32>
        %shift_right_arithmetic3A_2172 = arith.shrsi %get3A_2169, %shift_right_arithmetic3A_2171 : vector<16xi32>
        %shift_left3A_2173 = arith.constant 5 : i32
        %shift_left3A_2174 = vector.broadcast %shift_left3A_2173 : i32 to vector<16xi32>
        %shift_left3A_2175 = arith.shli %shift_right_arithmetic3A_2172, %shift_left3A_2174 : vector<16xi32>
        %and3A_2176 = arith.constant 7 : i32
        %and3A_2177 = vector.broadcast %and3A_2176 : i32 to vector<16xi32>
        %and3A_2178 = arith.andi %get3A_2169, %and3A_2177 : vector<16xi32>
        %shift_left3A_2179 = arith.constant 2 : i32
        %shift_left3A_2180 = vector.broadcast %shift_left3A_2179 : i32 to vector<16xi32>
        %shift_left3A_2181 = arith.shli %and3A_2178, %shift_left3A_2180 : vector<16xi32>
        %add3A_2182 = arith.addi %shift_left3A_2175, %shift_left3A_2181 : vector<16xi32>
        %swap3A_2183 = arith.index_cast %sub3A_1700 : i32 to index
        %swap3A_2184 = arith.constant 32 : index
        %swap3A_2185 = tpu.vector_load %arg6[%swap3A_2183, %swap3A_2184] {strides = array<i32>} : memref<2x1024xi32, #tpu.memory_space<vmem>>, vector<1x16xi32>,
        %swap3A_2186 = vector.shape_cast %swap3A_2185 : vector<1x16xi32> to vector<16xi32>
        %swap3A_2187 = vector.shape_cast %add3A_2182 : vector<16xi32> to vector<1x16xi32>
        tpu.vector_store %arg6[%swap3A_2183, %swap3A_2184], %swap3A_2187 {strides = array<i32>} : memref<2x1024xi32, #tpu.memory_space<vmem>>, vector<1x16xi32>,
        %get3A_2188 = arith.constant 0 : i32
        %get3A_2189 = arith.index_cast %sub3A_1700 : i32 to index
        %get3A_2190 = arith.index_cast %get3A_2188 : i32 to index
        %get3A_2191 = arith.constant 48 : index
        %get3A_2192 = tpu.vector_load %arg5[%get3A_2189, %get3A_2190, %get3A_2191] {strides = array<i32>} : memref<2x8x128xi32, #tpu.memory_space<vmem>>, vector<1x1x16xi32>,
        %get3A_2193 = vector.shape_cast %get3A_2192 : vector<1x1x16xi32> to vector<16xi32>
        %shift_right_arithmetic3A_2194 = arith.constant 3 : i32
        %shift_right_arithmetic3A_2195 = vector.broadcast %shift_right_arithmetic3A_2194 : i32 to vector<16xi32>
        %shift_right_arithmetic3A_2196 = arith.shrsi %get3A_2193, %shift_right_arithmetic3A_2195 : vector<16xi32>
        %shift_left3A_2197 = arith.constant 5 : i32
        %shift_left3A_2198 = vector.broadcast %shift_left3A_2197 : i32 to vector<16xi32>
        %shift_left3A_2199 = arith.shli %shift_right_arithmetic3A_2196, %shift_left3A_2198 : vector<16xi32>
        %and3A_2200 = arith.constant 7 : i32
        %and3A_2201 = vector.broadcast %and3A_2200 : i32 to vector<16xi32>
        %and3A_2202 = arith.andi %get3A_2193, %and3A_2201 : vector<16xi32>
        %shift_left3A_2203 = arith.constant 2 : i32
        %shift_left3A_2204 = vector.broadcast %shift_left3A_2203 : i32 to vector<16xi32>
        %shift_left3A_2205 = arith.shli %and3A_2202, %shift_left3A_2204 : vector<16xi32>
        %add3A_2206 = arith.addi %shift_left3A_2199, %shift_left3A_2205 : vector<16xi32>
        %swap3A_2207 = arith.index_cast %sub3A_1700 : i32 to index
        %swap3A_2208 = arith.constant 48 : index
        %swap3A_2209 = tpu.vector_load %arg6[%swap3A_2207, %swap3A_2208] {strides = array<i32>} : memref<2x1024xi32, #tpu.memory_space<vmem>>, vector<1x16xi32>,
        %swap3A_2210 = vector.shape_cast %swap3A_2209 : vector<1x16xi32> to vector<16xi32>
        %swap3A_2211 = vector.shape_cast %add3A_2206 : vector<16xi32> to vector<1x16xi32>
        tpu.vector_store %arg6[%swap3A_2207, %swap3A_2208], %swap3A_2211 {strides = array<i32>} : memref<2x1024xi32, #tpu.memory_space<vmem>>, vector<1x16xi32>,
        %get3A_2212 = arith.constant 0 : i32
        %get3A_2213 = arith.index_cast %sub3A_1700 : i32 to index
        %get3A_2214 = arith.index_cast %get3A_2212 : i32 to index
        %get3A_2215 = arith.constant 64 : index
        %get3A_2216 = tpu.vector_load %arg5[%get3A_2213, %get3A_2214, %get3A_2215] {strides = array<i32>} : memref<2x8x128xi32, #tpu.memory_space<vmem>>, vector<1x1x16xi32>,
        %get3A_2217 = vector.shape_cast %get3A_2216 : vector<1x1x16xi32> to vector<16xi32>
        %shift_right_arithmetic3A_2218 = arith.constant 3 : i32
        %shift_right_arithmetic3A_2219 = vector.broadcast %shift_right_arithmetic3A_2218 : i32 to vector<16xi32>
        %shift_right_arithmetic3A_2220 = arith.shrsi %get3A_2217, %shift_right_arithmetic3A_2219 : vector<16xi32>
        %shift_left3A_2221 = arith.constant 5 : i32
        %shift_left3A_2222 = vector.broadcast %shift_left3A_2221 : i32 to vector<16xi32>
        %shift_left3A_2223 = arith.shli %shift_right_arithmetic3A_2220, %shift_left3A_2222 : vector<16xi32>
        %and3A_2224 = arith.constant 7 : i32
        %and3A_2225 = vector.broadcast %and3A_2224 : i32 to vector<16xi32>
        %and3A_2226 = arith.andi %get3A_2217, %and3A_2225 : vector<16xi32>
        %shift_left3A_2227 = arith.constant 2 : i32
        %shift_left3A_2228 = vector.broadcast %shift_left3A_2227 : i32 to vector<16xi32>
        %shift_left3A_2229 = arith.shli %and3A_2226, %shift_left3A_2228 : vector<16xi32>
        %add3A_2230 = arith.addi %shift_left3A_2223, %shift_left3A_2229 : vector<16xi32>
        %swap3A_2231 = arith.index_cast %sub3A_1700 : i32 to index
        %swap3A_2232 = arith.constant 64 : index
        %swap3A_2233 = tpu.vector_load %arg6[%swap3A_2231, %swap3A_2232] {strides = array<i32>} : memref<2x1024xi32, #tpu.memory_space<vmem>>, vector<1x16xi32>,
        %swap3A_2234 = vector.shape_cast %swap3A_2233 : vector<1x16xi32> to vector<16xi32>
        %swap3A_2235 = vector.shape_cast %add3A_2230 : vector<16xi32> to vector<1x16xi32>
        tpu.vector_store %arg6[%swap3A_2231, %swap3A_2232], %swap3A_2235 {strides = array<i32>} : memref<2x1024xi32, #tpu.memory_space<vmem>>, vector<1x16xi32>,
        %get3A_2236 = arith.constant 0 : i32
        %get3A_2237 = arith.index_cast %sub3A_1700 : i32 to index
        %get3A_2238 = arith.index_cast %get3A_2236 : i32 to index
        %get3A_2239 = arith.constant 80 : index
        %get3A_2240 = tpu.vector_load %arg5[%get3A_2237, %get3A_2238, %get3A_2239] {strides = array<i32>} : memref<2x8x128xi32, #tpu.memory_space<vmem>>, vector<1x1x16xi32>,
        %get3A_2241 = vector.shape_cast %get3A_2240 : vector<1x1x16xi32> to vector<16xi32>
        %shift_right_arithmetic3A_2242 = arith.constant 3 : i32
        %shift_right_arithmetic3A_2243 = vector.broadcast %shift_right_arithmetic3A_2242 : i32 to vector<16xi32>
        %shift_right_arithmetic3A_2244 = arith.shrsi %get3A_2241, %shift_right_arithmetic3A_2243 : vector<16xi32>
        %shift_left3A_2245 = arith.constant 5 : i32
        %shift_left3A_2246 = vector.broadcast %shift_left3A_2245 : i32 to vector<16xi32>
        %shift_left3A_2247 = arith.shli %shift_right_arithmetic3A_2244, %shift_left3A_2246 : vector<16xi32>
        %and3A_2248 = arith.constant 7 : i32
        %and3A_2249 = vector.broadcast %and3A_2248 : i32 to vector<16xi32>
        %and3A_2250 = arith.andi %get3A_2241, %and3A_2249 : vector<16xi32>
        %shift_left3A_2251 = arith.constant 2 : i32
        %shift_left3A_2252 = vector.broadcast %shift_left3A_2251 : i32 to vector<16xi32>
        %shift_left3A_2253 = arith.shli %and3A_2250, %shift_left3A_2252 : vector<16xi32>
        %add3A_2254 = arith.addi %shift_left3A_2247, %shift_left3A_2253 : vector<16xi32>
        %swap3A_2255 = arith.index_cast %sub3A_1700 : i32 to index
        %swap3A_2256 = arith.constant 80 : index
        %swap3A_2257 = tpu.vector_load %arg6[%swap3A_2255, %swap3A_2256] {strides = array<i32>} : memref<2x1024xi32, #tpu.memory_space<vmem>>, vector<1x16xi32>,
        %swap3A_2258 = vector.shape_cast %swap3A_2257 : vector<1x16xi32> to vector<16xi32>
        %swap3A_2259 = vector.shape_cast %add3A_2254 : vector<16xi32> to vector<1x16xi32>
        tpu.vector_store %arg6[%swap3A_2255, %swap3A_2256], %swap3A_2259 {strides = array<i32>} : memref<2x1024xi32, #tpu.memory_space<vmem>>, vector<1x16xi32>,
        %get3A_2260 = arith.constant 0 : i32
        %get3A_2261 = arith.index_cast %sub3A_1700 : i32 to index
        %get3A_2262 = arith.index_cast %get3A_2260 : i32 to index
        %get3A_2263 = arith.constant 96 : index
        %get3A_2264 = tpu.vector_load %arg5[%get3A_2261, %get3A_2262, %get3A_2263] {strides = array<i32>} : memref<2x8x128xi32, #tpu.memory_space<vmem>>, vector<1x1x16xi32>,
        %get3A_2265 = vector.shape_cast %get3A_2264 : vector<1x1x16xi32> to vector<16xi32>
        %shift_right_arithmetic3A_2266 = arith.constant 3 : i32
        %shift_right_arithmetic3A_2267 = vector.broadcast %shift_right_arithmetic3A_2266 : i32 to vector<16xi32>
        %shift_right_arithmetic3A_2268 = arith.shrsi %get3A_2265, %shift_right_arithmetic3A_2267 : vector<16xi32>
        %shift_left3A_2269 = arith.constant 5 : i32
        %shift_left3A_2270 = vector.broadcast %shift_left3A_2269 : i32 to vector<16xi32>
        %shift_left3A_2271 = arith.shli %shift_right_arithmetic3A_2268, %shift_left3A_2270 : vector<16xi32>
        %and3A_2272 = arith.constant 7 : i32
        %and3A_2273 = vector.broadcast %and3A_2272 : i32 to vector<16xi32>
        %and3A_2274 = arith.andi %get3A_2265, %and3A_2273 : vector<16xi32>
        %shift_left3A_2275 = arith.constant 2 : i32
        %shift_left3A_2276 = vector.broadcast %shift_left3A_2275 : i32 to vector<16xi32>
        %shift_left3A_2277 = arith.shli %and3A_2274, %shift_left3A_2276 : vector<16xi32>
        %add3A_2278 = arith.addi %shift_left3A_2271, %shift_left3A_2277 : vector<16xi32>
        %swap3A_2279 = arith.index_cast %sub3A_1700 : i32 to index
        %swap3A_2280 = arith.constant 96 : index
        %swap3A_2281 = tpu.vector_load %arg6[%swap3A_2279, %swap3A_2280] {strides = array<i32>} : memref<2x1024xi32, #tpu.memory_space<vmem>>, vector<1x16xi32>,
        %swap3A_2282 = vector.shape_cast %swap3A_2281 : vector<1x16xi32> to vector<16xi32>
        %swap3A_2283 = vector.shape_cast %add3A_2278 : vector<16xi32> to vector<1x16xi32>
        tpu.vector_store %arg6[%swap3A_2279, %swap3A_2280], %swap3A_2283 {strides = array<i32>} : memref<2x1024xi32, #tpu.memory_space<vmem>>, vector<1x16xi32>,
        %get3A_2284 = arith.constant 0 : i32
        %get3A_2285 = arith.index_cast %sub3A_1700 : i32 to index
        %get3A_2286 = arith.index_cast %get3A_2284 : i32 to index
        %get3A_2287 = arith.constant 112 : index
        %get3A_2288 = tpu.vector_load %arg5[%get3A_2285, %get3A_2286, %get3A_2287] {strides = array<i32>} : memref<2x8x128xi32, #tpu.memory_space<vmem>>, vector<1x1x16xi32>,
        %get3A_2289 = vector.shape_cast %get3A_2288 : vector<1x1x16xi32> to vector<16xi32>
        %shift_right_arithmetic3A_2290 = arith.constant 3 : i32
        %shift_right_arithmetic3A_2291 = vector.broadcast %shift_right_arithmetic3A_2290 : i32 to vector<16xi32>
        %shift_right_arithmetic3A_2292 = arith.shrsi %get3A_2289, %shift_right_arithmetic3A_2291 : vector<16xi32>
        %shift_left3A_2293 = arith.constant 5 : i32
        %shift_left3A_2294 = vector.broadcast %shift_left3A_2293 : i32 to vector<16xi32>
        %shift_left3A_2295 = arith.shli %shift_right_arithmetic3A_2292, %shift_left3A_2294 : vector<16xi32>
        %and3A_2296 = arith.constant 7 : i32
        %and3A_2297 = vector.broadcast %and3A_2296 : i32 to vector<16xi32>
        %and3A_2298 = arith.andi %get3A_2289, %and3A_2297 : vector<16xi32>
        %shift_left3A_2299 = arith.constant 2 : i32
        %shift_left3A_2300 = vector.broadcast %shift_left3A_2299 : i32 to vector<16xi32>
        %shift_left3A_2301 = arith.shli %and3A_2298, %shift_left3A_2300 : vector<16xi32>
        %add3A_2302 = arith.addi %shift_left3A_2295, %shift_left3A_2301 : vector<16xi32>
        %swap3A_2303 = arith.index_cast %sub3A_1700 : i32 to index
        %swap3A_2304 = arith.constant 112 : index
        %swap3A_2305 = tpu.vector_load %arg6[%swap3A_2303, %swap3A_2304] {strides = array<i32>} : memref<2x1024xi32, #tpu.memory_space<vmem>>, vector<1x16xi32>,
        %swap3A_2306 = vector.shape_cast %swap3A_2305 : vector<1x16xi32> to vector<16xi32>
        %swap3A_2307 = vector.shape_cast %add3A_2302 : vector<16xi32> to vector<1x16xi32>
        tpu.vector_store %arg6[%swap3A_2303, %swap3A_2304], %swap3A_2307 {strides = array<i32>} : memref<2x1024xi32, #tpu.memory_space<vmem>>, vector<1x16xi32>,
        %get3A_2308 = arith.constant 1 : i32
        %get3A_2309 = arith.index_cast %sub3A_1700 : i32 to index
        %get3A_2310 = arith.index_cast %get3A_2308 : i32 to index
        %get3A_2311 = arith.constant 0 : index
        %get3A_2312 = tpu.vector_load %arg5[%get3A_2309, %get3A_2310, %get3A_2311] {strides = array<i32>} : memref<2x8x128xi32, #tpu.memory_space<vmem>>, vector<1x1x16xi32>,
        %get3A_2313 = vector.shape_cast %get3A_2312 : vector<1x1x16xi32> to vector<16xi32>
        %shift_right_arithmetic3A_2314 = arith.constant 3 : i32
        %shift_right_arithmetic3A_2315 = vector.broadcast %shift_right_arithmetic3A_2314 : i32 to vector<16xi32>
        %shift_right_arithmetic3A_2316 = arith.shrsi %get3A_2313, %shift_right_arithmetic3A_2315 : vector<16xi32>
        %shift_left3A_2317 = arith.constant 5 : i32
        %shift_left3A_2318 = vector.broadcast %shift_left3A_2317 : i32 to vector<16xi32>
        %shift_left3A_2319 = arith.shli %shift_right_arithmetic3A_2316, %shift_left3A_2318 : vector<16xi32>
        %and3A_2320 = arith.constant 7 : i32
        %and3A_2321 = vector.broadcast %and3A_2320 : i32 to vector<16xi32>
        %and3A_2322 = arith.andi %get3A_2313, %and3A_2321 : vector<16xi32>
        %shift_left3A_2323 = arith.constant 2 : i32
        %shift_left3A_2324 = vector.broadcast %shift_left3A_2323 : i32 to vector<16xi32>
        %shift_left3A_2325 = arith.shli %and3A_2322, %shift_left3A_2324 : vector<16xi32>
        %add3A_2326 = arith.addi %shift_left3A_2319, %shift_left3A_2325 : vector<16xi32>
        %swap3A_2327 = arith.index_cast %sub3A_1700 : i32 to index
        %swap3A_2328 = arith.constant 128 : index
        %swap3A_2329 = tpu.vector_load %arg6[%swap3A_2327, %swap3A_2328] {strides = array<i32>} : memref<2x1024xi32, #tpu.memory_space<vmem>>, vector<1x16xi32>,
        %swap3A_2330 = vector.shape_cast %swap3A_2329 : vector<1x16xi32> to vector<16xi32>
        %swap3A_2331 = vector.shape_cast %add3A_2326 : vector<16xi32> to vector<1x16xi32>
        tpu.vector_store %arg6[%swap3A_2327, %swap3A_2328], %swap3A_2331 {strides = array<i32>} : memref<2x1024xi32, #tpu.memory_space<vmem>>, vector<1x16xi32>,
        %get3A_2332 = arith.constant 1 : i32
        %get3A_2333 = arith.index_cast %sub3A_1700 : i32 to index
        %get3A_2334 = arith.index_cast %get3A_2332 : i32 to index
        %get3A_2335 = arith.constant 16 : index
        %get3A_2336 = tpu.vector_load %arg5[%get3A_2333, %get3A_2334, %get3A_2335] {strides = array<i32>} : memref<2x8x128xi32, #tpu.memory_space<vmem>>, vector<1x1x16xi32>,
        %get3A_2337 = vector.shape_cast %get3A_2336 : vector<1x1x16xi32> to vector<16xi32>
        %shift_right_arithmetic3A_2338 = arith.constant 3 : i32
        %shift_right_arithmetic3A_2339 = vector.broadcast %shift_right_arithmetic3A_2338 : i32 to vector<16xi32>
        %shift_right_arithmetic3A_2340 = arith.shrsi %get3A_2337, %shift_right_arithmetic3A_2339 : vector<16xi32>
        %shift_left3A_2341 = arith.constant 5 : i32
        %shift_left3A_2342 = vector.broadcast %shift_left3A_2341 : i32 to vector<16xi32>
        %shift_left3A_2343 = arith.shli %shift_right_arithmetic3A_2340, %shift_left3A_2342 : vector<16xi32>
        %and3A_2344 = arith.constant 7 : i32
        %and3A_2345 = vector.broadcast %and3A_2344 : i32 to vector<16xi32>
        %and3A_2346 = arith.andi %get3A_2337, %and3A_2345 : vector<16xi32>
        %shift_left3A_2347 = arith.constant 2 : i32
        %shift_left3A_2348 = vector.broadcast %shift_left3A_2347 : i32 to vector<16xi32>
        %shift_left3A_2349 = arith.shli %and3A_2346, %shift_left3A_2348 : vector<16xi32>
        %add3A_2350 = arith.addi %shift_left3A_2343, %shift_left3A_2349 : vector<16xi32>
        %swap3A_2351 = arith.index_cast %sub3A_1700 : i32 to index
        %swap3A_2352 = arith.constant 144 : index
        %swap3A_2353 = tpu.vector_load %arg6[%swap3A_2351, %swap3A_2352] {strides = array<i32>} : memref<2x1024xi32, #tpu.memory_space<vmem>>, vector<1x16xi32>,
        %swap3A_2354 = vector.shape_cast %swap3A_2353 : vector<1x16xi32> to vector<16xi32>
        %swap3A_2355 = vector.shape_cast %add3A_2350 : vector<16xi32> to vector<1x16xi32>
        tpu.vector_store %arg6[%swap3A_2351, %swap3A_2352], %swap3A_2355 {strides = array<i32>} : memref<2x1024xi32, #tpu.memory_space<vmem>>, vector<1x16xi32>,
        %get3A_2356 = arith.constant 1 : i32
        %get3A_2357 = arith.index_cast %sub3A_1700 : i32 to index
        %get3A_2358 = arith.index_cast %get3A_2356 : i32 to index
        %get3A_2359 = arith.constant 32 : index
        %get3A_2360 = tpu.vector_load %arg5[%get3A_2357, %get3A_2358, %get3A_2359] {strides = array<i32>} : memref<2x8x128xi32, #tpu.memory_space<vmem>>, vector<1x1x16xi32>,
        %get3A_2361 = vector.shape_cast %get3A_2360 : vector<1x1x16xi32> to vector<16xi32>
        %shift_right_arithmetic3A_2362 = arith.constant 3 : i32
        %shift_right_arithmetic3A_2363 = vector.broadcast %shift_right_arithmetic3A_2362 : i32 to vector<16xi32>
        %shift_right_arithmetic3A_2364 = arith.shrsi %get3A_2361, %shift_right_arithmetic3A_2363 : vector<16xi32>
        %shift_left3A_2365 = arith.constant 5 : i32
        %shift_left3A_2366 = vector.broadcast %shift_left3A_2365 : i32 to vector<16xi32>
        %shift_left3A_2367 = arith.shli %shift_right_arithmetic3A_2364, %shift_left3A_2366 : vector<16xi32>
        %and3A_2368 = arith.constant 7 : i32
        %and3A_2369 = vector.broadcast %and3A_2368 : i32 to vector<16xi32>
        %and3A_2370 = arith.andi %get3A_2361, %and3A_2369 : vector<16xi32>
        %shift_left3A_2371 = arith.constant 2 : i32
        %shift_left3A_2372 = vector.broadcast %shift_left3A_2371 : i32 to vector<16xi32>
        %shift_left3A_2373 = arith.shli %and3A_2370, %shift_left3A_2372 : vector<16xi32>
        %add3A_2374 = arith.addi %shift_left3A_2367, %shift_left3A_2373 : vector<16xi32>
        %swap3A_2375 = arith.index_cast %sub3A_1700 : i32 to index
        %swap3A_2376 = arith.constant 160 : index
        %swap3A_2377 = tpu.vector_load %arg6[%swap3A_2375, %swap3A_2376] {strides = array<i32>} : memref<2x1024xi32, #tpu.memory_space<vmem>>, vector<1x16xi32>,
        %swap3A_2378 = vector.shape_cast %swap3A_2377 : vector<1x16xi32> to vector<16xi32>
        %swap3A_2379 = vector.shape_cast %add3A_2374 : vector<16xi32> to vector<1x16xi32>
        tpu.vector_store %arg6[%swap3A_2375, %swap3A_2376], %swap3A_2379 {strides = array<i32>} : memref<2x1024xi32, #tpu.memory_space<vmem>>, vector<1x16xi32>,
        %get3A_2380 = arith.constant 1 : i32
        %get3A_2381 = arith.index_cast %sub3A_1700 : i32 to index
        %get3A_2382 = arith.index_cast %get3A_2380 : i32 to index
        %get3A_2383 = arith.constant 48 : index
        %get3A_2384 = tpu.vector_load %arg5[%get3A_2381, %get3A_2382, %get3A_2383] {strides = array<i32>} : memref<2x8x128xi32, #tpu.memory_space<vmem>>, vector<1x1x16xi32>,
        %get3A_2385 = vector.shape_cast %get3A_2384 : vector<1x1x16xi32> to vector<16xi32>
        %shift_right_arithmetic3A_2386 = arith.constant 3 : i32
        %shift_right_arithmetic3A_2387 = vector.broadcast %shift_right_arithmetic3A_2386 : i32 to vector<16xi32>
        %shift_right_arithmetic3A_2388 = arith.shrsi %get3A_2385, %shift_right_arithmetic3A_2387 : vector<16xi32>
        %shift_left3A_2389 = arith.constant 5 : i32
        %shift_left3A_2390 = vector.broadcast %shift_left3A_2389 : i32 to vector<16xi32>
        %shift_left3A_2391 = arith.shli %shift_right_arithmetic3A_2388, %shift_left3A_2390 : vector<16xi32>
        %and3A_2392 = arith.constant 7 : i32
        %and3A_2393 = vector.broadcast %and3A_2392 : i32 to vector<16xi32>
        %and3A_2394 = arith.andi %get3A_2385, %and3A_2393 : vector<16xi32>
        %shift_left3A_2395 = arith.constant 2 : i32
        %shift_left3A_2396 = vector.broadcast %shift_left3A_2395 : i32 to vector<16xi32>
        %shift_left3A_2397 = arith.shli %and3A_2394, %shift_left3A_2396 : vector<16xi32>
        %add3A_2398 = arith.addi %shift_left3A_2391, %shift_left3A_2397 : vector<16xi32>
        %swap3A_2399 = arith.index_cast %sub3A_1700 : i32 to index
        %swap3A_2400 = arith.constant 176 : index
        %swap3A_2401 = tpu.vector_load %arg6[%swap3A_2399, %swap3A_2400] {strides = array<i32>} : memref<2x1024xi32, #tpu.memory_space<vmem>>, vector<1x16xi32>,
        %swap3A_2402 = vector.shape_cast %swap3A_2401 : vector<1x16xi32> to vector<16xi32>
        %swap3A_2403 = vector.shape_cast %add3A_2398 : vector<16xi32> to vector<1x16xi32>
        tpu.vector_store %arg6[%swap3A_2399, %swap3A_2400], %swap3A_2403 {strides = array<i32>} : memref<2x1024xi32, #tpu.memory_space<vmem>>, vector<1x16xi32>,
        %get3A_2404 = arith.constant 1 : i32
        %get3A_2405 = arith.index_cast %sub3A_1700 : i32 to index
        %get3A_2406 = arith.index_cast %get3A_2404 : i32 to index
        %get3A_2407 = arith.constant 64 : index
        %get3A_2408 = tpu.vector_load %arg5[%get3A_2405, %get3A_2406, %get3A_2407] {strides = array<i32>} : memref<2x8x128xi32, #tpu.memory_space<vmem>>, vector<1x1x16xi32>,
        %get3A_2409 = vector.shape_cast %get3A_2408 : vector<1x1x16xi32> to vector<16xi32>
        %shift_right_arithmetic3A_2410 = arith.constant 3 : i32
        %shift_right_arithmetic3A_2411 = vector.broadcast %shift_right_arithmetic3A_2410 : i32 to vector<16xi32>
        %shift_right_arithmetic3A_2412 = arith.shrsi %get3A_2409, %shift_right_arithmetic3A_2411 : vector<16xi32>
        %shift_left3A_2413 = arith.constant 5 : i32
        %shift_left3A_2414 = vector.broadcast %shift_left3A_2413 : i32 to vector<16xi32>
        %shift_left3A_2415 = arith.shli %shift_right_arithmetic3A_2412, %shift_left3A_2414 : vector<16xi32>
        %and3A_2416 = arith.constant 7 : i32
        %and3A_2417 = vector.broadcast %and3A_2416 : i32 to vector<16xi32>
        %and3A_2418 = arith.andi %get3A_2409, %and3A_2417 : vector<16xi32>
        %shift_left3A_2419 = arith.constant 2 : i32
        %shift_left3A_2420 = vector.broadcast %shift_left3A_2419 : i32 to vector<16xi32>
        %shift_left3A_2421 = arith.shli %and3A_2418, %shift_left3A_2420 : vector<16xi32>
        %add3A_2422 = arith.addi %shift_left3A_2415, %shift_left3A_2421 : vector<16xi32>
        %swap3A_2423 = arith.index_cast %sub3A_1700 : i32 to index
        %swap3A_2424 = arith.constant 192 : index
        %swap3A_2425 = tpu.vector_load %arg6[%swap3A_2423, %swap3A_2424] {strides = array<i32>} : memref<2x1024xi32, #tpu.memory_space<vmem>>, vector<1x16xi32>,
        %swap3A_2426 = vector.shape_cast %swap3A_2425 : vector<1x16xi32> to vector<16xi32>
        %swap3A_2427 = vector.shape_cast %add3A_2422 : vector<16xi32> to vector<1x16xi32>
        tpu.vector_store %arg6[%swap3A_2423, %swap3A_2424], %swap3A_2427 {strides = array<i32>} : memref<2x1024xi32, #tpu.memory_space<vmem>>, vector<1x16xi32>,
        %get3A_2428 = arith.constant 1 : i32
        %get3A_2429 = arith.index_cast %sub3A_1700 : i32 to index
        %get3A_2430 = arith.index_cast %get3A_2428 : i32 to index
        %get3A_2431 = arith.constant 80 : index
        %get3A_2432 = tpu.vector_load %arg5[%get3A_2429, %get3A_2430, %get3A_2431] {strides = array<i32>} : memref<2x8x128xi32, #tpu.memory_space<vmem>>, vector<1x1x16xi32>,
        %get3A_2433 = vector.shape_cast %get3A_2432 : vector<1x1x16xi32> to vector<16xi32>
        %shift_right_arithmetic3A_2434 = arith.constant 3 : i32
        %shift_right_arithmetic3A_2435 = vector.broadcast %shift_right_arithmetic3A_2434 : i32 to vector<16xi32>
        %shift_right_arithmetic3A_2436 = arith.shrsi %get3A_2433, %shift_right_arithmetic3A_2435 : vector<16xi32>
        %shift_left3A_2437 = arith.constant 5 : i32
        %shift_left3A_2438 = vector.broadcast %shift_left3A_2437 : i32 to vector<16xi32>
        %shift_left3A_2439 = arith.shli %shift_right_arithmetic3A_2436, %shift_left3A_2438 : vector<16xi32>
        %and3A_2440 = arith.constant 7 : i32
        %and3A_2441 = vector.broadcast %and3A_2440 : i32 to vector<16xi32>
        %and3A_2442 = arith.andi %get3A_2433, %and3A_2441 : vector<16xi32>
        %shift_left3A_2443 = arith.constant 2 : i32
        %shift_left3A_2444 = vector.broadcast %shift_left3A_2443 : i32 to vector<16xi32>
        %shift_left3A_2445 = arith.shli %and3A_2442, %shift_left3A_2444 : vector<16xi32>
        %add3A_2446 = arith.addi %shift_left3A_2439, %shift_left3A_2445 : vector<16xi32>
        %swap3A_2447 = arith.index_cast %sub3A_1700 : i32 to index
        %swap3A_2448 = arith.constant 208 : index
        %swap3A_2449 = tpu.vector_load %arg6[%swap3A_2447, %swap3A_2448] {strides = array<i32>} : memref<2x1024xi32, #tpu.memory_space<vmem>>, vector<1x16xi32>,
        %swap3A_2450 = vector.shape_cast %swap3A_2449 : vector<1x16xi32> to vector<16xi32>
        %swap3A_2451 = vector.shape_cast %add3A_2446 : vector<16xi32> to vector<1x16xi32>
        tpu.vector_store %arg6[%swap3A_2447, %swap3A_2448], %swap3A_2451 {strides = array<i32>} : memref<2x1024xi32, #tpu.memory_space<vmem>>, vector<1x16xi32>,
        %get3A_2452 = arith.constant 1 : i32
        %get3A_2453 = arith.index_cast %sub3A_1700 : i32 to index
        %get3A_2454 = arith.index_cast %get3A_2452 : i32 to index
        %get3A_2455 = arith.constant 96 : index
        %get3A_2456 = tpu.vector_load %arg5[%get3A_2453, %get3A_2454, %get3A_2455] {strides = array<i32>} : memref<2x8x128xi32, #tpu.memory_space<vmem>>, vector<1x1x16xi32>,
        %get3A_2457 = vector.shape_cast %get3A_2456 : vector<1x1x16xi32> to vector<16xi32>
        %shift_right_arithmetic3A_2458 = arith.constant 3 : i32
        %shift_right_arithmetic3A_2459 = vector.broadcast %shift_right_arithmetic3A_2458 : i32 to vector<16xi32>
        %shift_right_arithmetic3A_2460 = arith.shrsi %get3A_2457, %shift_right_arithmetic3A_2459 : vector<16xi32>
        %shift_left3A_2461 = arith.constant 5 : i32
        %shift_left3A_2462 = vector.broadcast %shift_left3A_2461 : i32 to vector<16xi32>
        %shift_left3A_2463 = arith.shli %shift_right_arithmetic3A_2460, %shift_left3A_2462 : vector<16xi32>
        %and3A_2464 = arith.constant 7 : i32
        %and3A_2465 = vector.broadcast %and3A_2464 : i32 to vector<16xi32>
        %and3A_2466 = arith.andi %get3A_2457, %and3A_2465 : vector<16xi32>
        %shift_left3A_2467 = arith.constant 2 : i32
        %shift_left3A_2468 = vector.broadcast %shift_left3A_2467 : i32 to vector<16xi32>
        %shift_left3A_2469 = arith.shli %and3A_2466, %shift_left3A_2468 : vector<16xi32>
        %add3A_2470 = arith.addi %shift_left3A_2463, %shift_left3A_2469 : vector<16xi32>
        %swap3A_2471 = arith.index_cast %sub3A_1700 : i32 to index
        %swap3A_2472 = arith.constant 224 : index
        %swap3A_2473 = tpu.vector_load %arg6[%swap3A_2471, %swap3A_2472] {strides = array<i32>} : memref<2x1024xi32, #tpu.memory_space<vmem>>, vector<1x16xi32>,
        %swap3A_2474 = vector.shape_cast %swap3A_2473 : vector<1x16xi32> to vector<16xi32>
        %swap3A_2475 = vector.shape_cast %add3A_2470 : vector<16xi32> to vector<1x16xi32>
        tpu.vector_store %arg6[%swap3A_2471, %swap3A_2472], %swap3A_2475 {strides = array<i32>} : memref<2x1024xi32, #tpu.memory_space<vmem>>, vector<1x16xi32>,
        %get3A_2476 = arith.constant 1 : i32
        %get3A_2477 = arith.index_cast %sub3A_1700 : i32 to index
        %get3A_2478 = arith.index_cast %get3A_2476 : i32 to index
        %get3A_2479 = arith.constant 112 : index
        %get3A_2480 = tpu.vector_load %arg5[%get3A_2477, %get3A_2478, %get3A_2479] {strides = array<i32>} : memref<2x8x128xi32, #tpu.memory_space<vmem>>, vector<1x1x16xi32>,
        %get3A_2481 = vector.shape_cast %get3A_2480 : vector<1x1x16xi32> to vector<16xi32>
        %shift_right_arithmetic3A_2482 = arith.constant 3 : i32
        %shift_right_arithmetic3A_2483 = vector.broadcast %shift_right_arithmetic3A_2482 : i32 to vector<16xi32>
        %shift_right_arithmetic3A_2484 = arith.shrsi %get3A_2481, %shift_right_arithmetic3A_2483 : vector<16xi32>
        %shift_left3A_2485 = arith.constant 5 : i32
        %shift_left3A_2486 = vector.broadcast %shift_left3A_2485 : i32 to vector<16xi32>
        %shift_left3A_2487 = arith.shli %shift_right_arithmetic3A_2484, %shift_left3A_2486 : vector<16xi32>
        %and3A_2488 = arith.constant 7 : i32
        %and3A_2489 = vector.broadcast %and3A_2488 : i32 to vector<16xi32>
        %and3A_2490 = arith.andi %get3A_2481, %and3A_2489 : vector<16xi32>
        %shift_left3A_2491 = arith.constant 2 : i32
        %shift_left3A_2492 = vector.broadcast %shift_left3A_2491 : i32 to vector<16xi32>
        %shift_left3A_2493 = arith.shli %and3A_2490, %shift_left3A_2492 : vector<16xi32>
        %add3A_2494 = arith.addi %shift_left3A_2487, %shift_left3A_2493 : vector<16xi32>
        %swap3A_2495 = arith.index_cast %sub3A_1700 : i32 to index
        %swap3A_2496 = arith.constant 240 : index
        %swap3A_2497 = tpu.vector_load %arg6[%swap3A_2495, %swap3A_2496] {strides = array<i32>} : memref<2x1024xi32, #tpu.memory_space<vmem>>, vector<1x16xi32>,
        %swap3A_2498 = vector.shape_cast %swap3A_2497 : vector<1x16xi32> to vector<16xi32>
        %swap3A_2499 = vector.shape_cast %add3A_2494 : vector<16xi32> to vector<1x16xi32>
        tpu.vector_store %arg6[%swap3A_2495, %swap3A_2496], %swap3A_2499 {strides = array<i32>} : memref<2x1024xi32, #tpu.memory_space<vmem>>, vector<1x16xi32>,
        %get3A_2500 = arith.constant 2 : i32
        %get3A_2501 = arith.index_cast %sub3A_1700 : i32 to index
        %get3A_2502 = arith.index_cast %get3A_2500 : i32 to index
        %get3A_2503 = arith.constant 0 : index
        %get3A_2504 = tpu.vector_load %arg5[%get3A_2501, %get3A_2502, %get3A_2503] {strides = array<i32>} : memref<2x8x128xi32, #tpu.memory_space<vmem>>, vector<1x1x16xi32>,
        %get3A_2505 = vector.shape_cast %get3A_2504 : vector<1x1x16xi32> to vector<16xi32>
        %shift_right_arithmetic3A_2506 = arith.constant 3 : i32
        %shift_right_arithmetic3A_2507 = vector.broadcast %shift_right_arithmetic3A_2506 : i32 to vector<16xi32>
        %shift_right_arithmetic3A_2508 = arith.shrsi %get3A_2505, %shift_right_arithmetic3A_2507 : vector<16xi32>
        %shift_left3A_2509 = arith.constant 5 : i32
        %shift_left3A_2510 = vector.broadcast %shift_left3A_2509 : i32 to vector<16xi32>
        %shift_left3A_2511 = arith.shli %shift_right_arithmetic3A_2508, %shift_left3A_2510 : vector<16xi32>
        %and3A_2512 = arith.constant 7 : i32
        %and3A_2513 = vector.broadcast %and3A_2512 : i32 to vector<16xi32>
        %and3A_2514 = arith.andi %get3A_2505, %and3A_2513 : vector<16xi32>
        %shift_left3A_2515 = arith.constant 2 : i32
        %shift_left3A_2516 = vector.broadcast %shift_left3A_2515 : i32 to vector<16xi32>
        %shift_left3A_2517 = arith.shli %and3A_2514, %shift_left3A_2516 : vector<16xi32>
        %add3A_2518 = arith.addi %shift_left3A_2511, %shift_left3A_2517 : vector<16xi32>
        %swap3A_2519 = arith.index_cast %sub3A_1700 : i32 to index
        %swap3A_2520 = arith.constant 256 : index
        %swap3A_2521 = tpu.vector_load %arg6[%swap3A_2519, %swap3A_2520] {strides = array<i32>} : memref<2x1024xi32, #tpu.memory_space<vmem>>, vector<1x16xi32>,
        %swap3A_2522 = vector.shape_cast %swap3A_2521 : vector<1x16xi32> to vector<16xi32>
        %swap3A_2523 = vector.shape_cast %add3A_2518 : vector<16xi32> to vector<1x16xi32>
        tpu.vector_store %arg6[%swap3A_2519, %swap3A_2520], %swap3A_2523 {strides = array<i32>} : memref<2x1024xi32, #tpu.memory_space<vmem>>, vector<1x16xi32>,
        %get3A_2524 = arith.constant 2 : i32
        %get3A_2525 = arith.index_cast %sub3A_1700 : i32 to index
        %get3A_2526 = arith.index_cast %get3A_2524 : i32 to index
        %get3A_2527 = arith.constant 16 : index
        %get3A_2528 = tpu.vector_load %arg5[%get3A_2525, %get3A_2526, %get3A_2527] {strides = array<i32>} : memref<2x8x128xi32, #tpu.memory_space<vmem>>, vector<1x1x16xi32>,
        %get3A_2529 = vector.shape_cast %get3A_2528 : vector<1x1x16xi32> to vector<16xi32>
        %shift_right_arithmetic3A_2530 = arith.constant 3 : i32
        %shift_right_arithmetic3A_2531 = vector.broadcast %shift_right_arithmetic3A_2530 : i32 to vector<16xi32>
        %shift_right_arithmetic3A_2532 = arith.shrsi %get3A_2529, %shift_right_arithmetic3A_2531 : vector<16xi32>
        %shift_left3A_2533 = arith.constant 5 : i32
        %shift_left3A_2534 = vector.broadcast %shift_left3A_2533 : i32 to vector<16xi32>
        %shift_left3A_2535 = arith.shli %shift_right_arithmetic3A_2532, %shift_left3A_2534 : vector<16xi32>
        %and3A_2536 = arith.constant 7 : i32
        %and3A_2537 = vector.broadcast %and3A_2536 : i32 to vector<16xi32>
        %and3A_2538 = arith.andi %get3A_2529, %and3A_2537 : vector<16xi32>
        %shift_left3A_2539 = arith.constant 2 : i32
        %shift_left3A_2540 = vector.broadcast %shift_left3A_2539 : i32 to vector<16xi32>
        %shift_left3A_2541 = arith.shli %and3A_2538, %shift_left3A_2540 : vector<16xi32>
        %add3A_2542 = arith.addi %shift_left3A_2535, %shift_left3A_2541 : vector<16xi32>
        %swap3A_2543 = arith.index_cast %sub3A_1700 : i32 to index
        %swap3A_2544 = arith.constant 272 : index
        %swap3A_2545 = tpu.vector_load %arg6[%swap3A_2543, %swap3A_2544] {strides = array<i32>} : memref<2x1024xi32, #tpu.memory_space<vmem>>, vector<1x16xi32>,
        %swap3A_2546 = vector.shape_cast %swap3A_2545 : vector<1x16xi32> to vector<16xi32>
        %swap3A_2547 = vector.shape_cast %add3A_2542 : vector<16xi32> to vector<1x16xi32>
        tpu.vector_store %arg6[%swap3A_2543, %swap3A_2544], %swap3A_2547 {strides = array<i32>} : memref<2x1024xi32, #tpu.memory_space<vmem>>, vector<1x16xi32>,
        %get3A_2548 = arith.constant 2 : i32
        %get3A_2549 = arith.index_cast %sub3A_1700 : i32 to index
        %get3A_2550 = arith.index_cast %get3A_2548 : i32 to index
        %get3A_2551 = arith.constant 32 : index
        %get3A_2552 = tpu.vector_load %arg5[%get3A_2549, %get3A_2550, %get3A_2551] {strides = array<i32>} : memref<2x8x128xi32, #tpu.memory_space<vmem>>, vector<1x1x16xi32>,
        %get3A_2553 = vector.shape_cast %get3A_2552 : vector<1x1x16xi32> to vector<16xi32>
        %shift_right_arithmetic3A_2554 = arith.constant 3 : i32
        %shift_right_arithmetic3A_2555 = vector.broadcast %shift_right_arithmetic3A_2554 : i32 to vector<16xi32>
        %shift_right_arithmetic3A_2556 = arith.shrsi %get3A_2553, %shift_right_arithmetic3A_2555 : vector<16xi32>
        %shift_left3A_2557 = arith.constant 5 : i32
        %shift_left3A_2558 = vector.broadcast %shift_left3A_2557 : i32 to vector<16xi32>
        %shift_left3A_2559 = arith.shli %shift_right_arithmetic3A_2556, %shift_left3A_2558 : vector<16xi32>
        %and3A_2560 = arith.constant 7 : i32
        %and3A_2561 = vector.broadcast %and3A_2560 : i32 to vector<16xi32>
        %and3A_2562 = arith.andi %get3A_2553, %and3A_2561 : vector<16xi32>
        %shift_left3A_2563 = arith.constant 2 : i32
        %shift_left3A_2564 = vector.broadcast %shift_left3A_2563 : i32 to vector<16xi32>
        %shift_left3A_2565 = arith.shli %and3A_2562, %shift_left3A_2564 : vector<16xi32>
        %add3A_2566 = arith.addi %shift_left3A_2559, %shift_left3A_2565 : vector<16xi32>
        %swap3A_2567 = arith.index_cast %sub3A_1700 : i32 to index
        %swap3A_2568 = arith.constant 288 : index
        %swap3A_2569 = tpu.vector_load %arg6[%swap3A_2567, %swap3A_2568] {strides = array<i32>} : memref<2x1024xi32, #tpu.memory_space<vmem>>, vector<1x16xi32>,
        %swap3A_2570 = vector.shape_cast %swap3A_2569 : vector<1x16xi32> to vector<16xi32>
        %swap3A_2571 = vector.shape_cast %add3A_2566 : vector<16xi32> to vector<1x16xi32>
        tpu.vector_store %arg6[%swap3A_2567, %swap3A_2568], %swap3A_2571 {strides = array<i32>} : memref<2x1024xi32, #tpu.memory_space<vmem>>, vector<1x16xi32>,
        %get3A_2572 = arith.constant 2 : i32
        %get3A_2573 = arith.index_cast %sub3A_1700 : i32 to index
        %get3A_2574 = arith.index_cast %get3A_2572 : i32 to index
        %get3A_2575 = arith.constant 48 : index
        %get3A_2576 = tpu.vector_load %arg5[%get3A_2573, %get3A_2574, %get3A_2575] {strides = array<i32>} : memref<2x8x128xi32, #tpu.memory_space<vmem>>, vector<1x1x16xi32>,
        %get3A_2577 = vector.shape_cast %get3A_2576 : vector<1x1x16xi32> to vector<16xi32>
        %shift_right_arithmetic3A_2578 = arith.constant 3 : i32
        %shift_right_arithmetic3A_2579 = vector.broadcast %shift_right_arithmetic3A_2578 : i32 to vector<16xi32>
        %shift_right_arithmetic3A_2580 = arith.shrsi %get3A_2577, %shift_right_arithmetic3A_2579 : vector<16xi32>
        %shift_left3A_2581 = arith.constant 5 : i32
        %shift_left3A_2582 = vector.broadcast %shift_left3A_2581 : i32 to vector<16xi32>
        %shift_left3A_2583 = arith.shli %shift_right_arithmetic3A_2580, %shift_left3A_2582 : vector<16xi32>
        %and3A_2584 = arith.constant 7 : i32
        %and3A_2585 = vector.broadcast %and3A_2584 : i32 to vector<16xi32>
        %and3A_2586 = arith.andi %get3A_2577, %and3A_2585 : vector<16xi32>
        %shift_left3A_2587 = arith.constant 2 : i32
        %shift_left3A_2588 = vector.broadcast %shift_left3A_2587 : i32 to vector<16xi32>
        %shift_left3A_2589 = arith.shli %and3A_2586, %shift_left3A_2588 : vector<16xi32>
        %add3A_2590 = arith.addi %shift_left3A_2583, %shift_left3A_2589 : vector<16xi32>
        %swap3A_2591 = arith.index_cast %sub3A_1700 : i32 to index
        %swap3A_2592 = arith.constant 304 : index
        %swap3A_2593 = tpu.vector_load %arg6[%swap3A_2591, %swap3A_2592] {strides = array<i32>} : memref<2x1024xi32, #tpu.memory_space<vmem>>, vector<1x16xi32>,
        %swap3A_2594 = vector.shape_cast %swap3A_2593 : vector<1x16xi32> to vector<16xi32>
        %swap3A_2595 = vector.shape_cast %add3A_2590 : vector<16xi32> to vector<1x16xi32>
        tpu.vector_store %arg6[%swap3A_2591, %swap3A_2592], %swap3A_2595 {strides = array<i32>} : memref<2x1024xi32, #tpu.memory_space<vmem>>, vector<1x16xi32>,
        %get3A_2596 = arith.constant 2 : i32
        %get3A_2597 = arith.index_cast %sub3A_1700 : i32 to index
        %get3A_2598 = arith.index_cast %get3A_2596 : i32 to index
        %get3A_2599 = arith.constant 64 : index
        %get3A_2600 = tpu.vector_load %arg5[%get3A_2597, %get3A_2598, %get3A_2599] {strides = array<i32>} : memref<2x8x128xi32, #tpu.memory_space<vmem>>, vector<1x1x16xi32>,
        %get3A_2601 = vector.shape_cast %get3A_2600 : vector<1x1x16xi32> to vector<16xi32>
        %shift_right_arithmetic3A_2602 = arith.constant 3 : i32
        %shift_right_arithmetic3A_2603 = vector.broadcast %shift_right_arithmetic3A_2602 : i32 to vector<16xi32>
        %shift_right_arithmetic3A_2604 = arith.shrsi %get3A_2601, %shift_right_arithmetic3A_2603 : vector<16xi32>
        %shift_left3A_2605 = arith.constant 5 : i32
        %shift_left3A_2606 = vector.broadcast %shift_left3A_2605 : i32 to vector<16xi32>
        %shift_left3A_2607 = arith.shli %shift_right_arithmetic3A_2604, %shift_left3A_2606 : vector<16xi32>
        %and3A_2608 = arith.constant 7 : i32
        %and3A_2609 = vector.broadcast %and3A_2608 : i32 to vector<16xi32>
        %and3A_2610 = arith.andi %get3A_2601, %and3A_2609 : vector<16xi32>
        %shift_left3A_2611 = arith.constant 2 : i32
        %shift_left3A_2612 = vector.broadcast %shift_left3A_2611 : i32 to vector<16xi32>
        %shift_left3A_2613 = arith.shli %and3A_2610, %shift_left3A_2612 : vector<16xi32>
        %add3A_2614 = arith.addi %shift_left3A_2607, %shift_left3A_2613 : vector<16xi32>
        %swap3A_2615 = arith.index_cast %sub3A_1700 : i32 to index
        %swap3A_2616 = arith.constant 320 : index
        %swap3A_2617 = tpu.vector_load %arg6[%swap3A_2615, %swap3A_2616] {strides = array<i32>} : memref<2x1024xi32, #tpu.memory_space<vmem>>, vector<1x16xi32>,
        %swap3A_2618 = vector.shape_cast %swap3A_2617 : vector<1x16xi32> to vector<16xi32>
        %swap3A_2619 = vector.shape_cast %add3A_2614 : vector<16xi32> to vector<1x16xi32>
        tpu.vector_store %arg6[%swap3A_2615, %swap3A_2616], %swap3A_2619 {strides = array<i32>} : memref<2x1024xi32, #tpu.memory_space<vmem>>, vector<1x16xi32>,
        %get3A_2620 = arith.constant 2 : i32
        %get3A_2621 = arith.index_cast %sub3A_1700 : i32 to index
        %get3A_2622 = arith.index_cast %get3A_2620 : i32 to index
        %get3A_2623 = arith.constant 80 : index
        %get3A_2624 = tpu.vector_load %arg5[%get3A_2621, %get3A_2622, %get3A_2623] {strides = array<i32>} : memref<2x8x128xi32, #tpu.memory_space<vmem>>, vector<1x1x16xi32>,
        %get3A_2625 = vector.shape_cast %get3A_2624 : vector<1x1x16xi32> to vector<16xi32>
        %shift_right_arithmetic3A_2626 = arith.constant 3 : i32
        %shift_right_arithmetic3A_2627 = vector.broadcast %shift_right_arithmetic3A_2626 : i32 to vector<16xi32>
        %shift_right_arithmetic3A_2628 = arith.shrsi %get3A_2625, %shift_right_arithmetic3A_2627 : vector<16xi32>
        %shift_left3A_2629 = arith.constant 5 : i32
        %shift_left3A_2630 = vector.broadcast %shift_left3A_2629 : i32 to vector<16xi32>
        %shift_left3A_2631 = arith.shli %shift_right_arithmetic3A_2628, %shift_left3A_2630 : vector<16xi32>
        %and3A_2632 = arith.constant 7 : i32
        %and3A_2633 = vector.broadcast %and3A_2632 : i32 to vector<16xi32>
        %and3A_2634 = arith.andi %get3A_2625, %and3A_2633 : vector<16xi32>
        %shift_left3A_2635 = arith.constant 2 : i32
        %shift_left3A_2636 = vector.broadcast %shift_left3A_2635 : i32 to vector<16xi32>
        %shift_left3A_2637 = arith.shli %and3A_2634, %shift_left3A_2636 : vector<16xi32>
        %add3A_2638 = arith.addi %shift_left3A_2631, %shift_left3A_2637 : vector<16xi32>
        %swap3A_2639 = arith.index_cast %sub3A_1700 : i32 to index
        %swap3A_2640 = arith.constant 336 : index
        %swap3A_2641 = tpu.vector_load %arg6[%swap3A_2639, %swap3A_2640] {strides = array<i32>} : memref<2x1024xi32, #tpu.memory_space<vmem>>, vector<1x16xi32>,
        %swap3A_2642 = vector.shape_cast %swap3A_2641 : vector<1x16xi32> to vector<16xi32>
        %swap3A_2643 = vector.shape_cast %add3A_2638 : vector<16xi32> to vector<1x16xi32>
        tpu.vector_store %arg6[%swap3A_2639, %swap3A_2640], %swap3A_2643 {strides = array<i32>} : memref<2x1024xi32, #tpu.memory_space<vmem>>, vector<1x16xi32>,
        %get3A_2644 = arith.constant 2 : i32
        %get3A_2645 = arith.index_cast %sub3A_1700 : i32 to index
        %get3A_2646 = arith.index_cast %get3A_2644 : i32 to index
        %get3A_2647 = arith.constant 96 : index
        %get3A_2648 = tpu.vector_load %arg5[%get3A_2645, %get3A_2646, %get3A_2647] {strides = array<i32>} : memref<2x8x128xi32, #tpu.memory_space<vmem>>, vector<1x1x16xi32>,
        %get3A_2649 = vector.shape_cast %get3A_2648 : vector<1x1x16xi32> to vector<16xi32>
        %shift_right_arithmetic3A_2650 = arith.constant 3 : i32
        %shift_right_arithmetic3A_2651 = vector.broadcast %shift_right_arithmetic3A_2650 : i32 to vector<16xi32>
        %shift_right_arithmetic3A_2652 = arith.shrsi %get3A_2649, %shift_right_arithmetic3A_2651 : vector<16xi32>
        %shift_left3A_2653 = arith.constant 5 : i32
        %shift_left3A_2654 = vector.broadcast %shift_left3A_2653 : i32 to vector<16xi32>
        %shift_left3A_2655 = arith.shli %shift_right_arithmetic3A_2652, %shift_left3A_2654 : vector<16xi32>
        %and3A_2656 = arith.constant 7 : i32
        %and3A_2657 = vector.broadcast %and3A_2656 : i32 to vector<16xi32>
        %and3A_2658 = arith.andi %get3A_2649, %and3A_2657 : vector<16xi32>
        %shift_left3A_2659 = arith.constant 2 : i32
        %shift_left3A_2660 = vector.broadcast %shift_left3A_2659 : i32 to vector<16xi32>
        %shift_left3A_2661 = arith.shli %and3A_2658, %shift_left3A_2660 : vector<16xi32>
        %add3A_2662 = arith.addi %shift_left3A_2655, %shift_left3A_2661 : vector<16xi32>
        %swap3A_2663 = arith.index_cast %sub3A_1700 : i32 to index
        %swap3A_2664 = arith.constant 352 : index
        %swap3A_2665 = tpu.vector_load %arg6[%swap3A_2663, %swap3A_2664] {strides = array<i32>} : memref<2x1024xi32, #tpu.memory_space<vmem>>, vector<1x16xi32>,
        %swap3A_2666 = vector.shape_cast %swap3A_2665 : vector<1x16xi32> to vector<16xi32>
        %swap3A_2667 = vector.shape_cast %add3A_2662 : vector<16xi32> to vector<1x16xi32>
        tpu.vector_store %arg6[%swap3A_2663, %swap3A_2664], %swap3A_2667 {strides = array<i32>} : memref<2x1024xi32, #tpu.memory_space<vmem>>, vector<1x16xi32>,
        %get3A_2668 = arith.constant 2 : i32
        %get3A_2669 = arith.index_cast %sub3A_1700 : i32 to index
        %get3A_2670 = arith.index_cast %get3A_2668 : i32 to index
        %get3A_2671 = arith.constant 112 : index
        %get3A_2672 = tpu.vector_load %arg5[%get3A_2669, %get3A_2670, %get3A_2671] {strides = array<i32>} : memref<2x8x128xi32, #tpu.memory_space<vmem>>, vector<1x1x16xi32>,
        %get3A_2673 = vector.shape_cast %get3A_2672 : vector<1x1x16xi32> to vector<16xi32>
        %shift_right_arithmetic3A_2674 = arith.constant 3 : i32
        %shift_right_arithmetic3A_2675 = vector.broadcast %shift_right_arithmetic3A_2674 : i32 to vector<16xi32>
        %shift_right_arithmetic3A_2676 = arith.shrsi %get3A_2673, %shift_right_arithmetic3A_2675 : vector<16xi32>
        %shift_left3A_2677 = arith.constant 5 : i32
        %shift_left3A_2678 = vector.broadcast %shift_left3A_2677 : i32 to vector<16xi32>
        %shift_left3A_2679 = arith.shli %shift_right_arithmetic3A_2676, %shift_left3A_2678 : vector<16xi32>
        %and3A_2680 = arith.constant 7 : i32
        %and3A_2681 = vector.broadcast %and3A_2680 : i32 to vector<16xi32>
        %and3A_2682 = arith.andi %get3A_2673, %and3A_2681 : vector<16xi32>
        %shift_left3A_2683 = arith.constant 2 : i32
        %shift_left3A_2684 = vector.broadcast %shift_left3A_2683 : i32 to vector<16xi32>
        %shift_left3A_2685 = arith.shli %and3A_2682, %shift_left3A_2684 : vector<16xi32>
        %add3A_2686 = arith.addi %shift_left3A_2679, %shift_left3A_2685 : vector<16xi32>
        %swap3A_2687 = arith.index_cast %sub3A_1700 : i32 to index
        %swap3A_2688 = arith.constant 368 : index
        %swap3A_2689 = tpu.vector_load %arg6[%swap3A_2687, %swap3A_2688] {strides = array<i32>} : memref<2x1024xi32, #tpu.memory_space<vmem>>, vector<1x16xi32>,
        %swap3A_2690 = vector.shape_cast %swap3A_2689 : vector<1x16xi32> to vector<16xi32>
        %swap3A_2691 = vector.shape_cast %add3A_2686 : vector<16xi32> to vector<1x16xi32>
        tpu.vector_store %arg6[%swap3A_2687, %swap3A_2688], %swap3A_2691 {strides = array<i32>} : memref<2x1024xi32, #tpu.memory_space<vmem>>, vector<1x16xi32>,
        %get3A_2692 = arith.constant 3 : i32
        %get3A_2693 = arith.index_cast %sub3A_1700 : i32 to index
        %get3A_2694 = arith.index_cast %get3A_2692 : i32 to index
        %get3A_2695 = arith.constant 0 : index
        %get3A_2696 = tpu.vector_load %arg5[%get3A_2693, %get3A_2694, %get3A_2695] {strides = array<i32>} : memref<2x8x128xi32, #tpu.memory_space<vmem>>, vector<1x1x16xi32>,
        %get3A_2697 = vector.shape_cast %get3A_2696 : vector<1x1x16xi32> to vector<16xi32>
        %shift_right_arithmetic3A_2698 = arith.constant 3 : i32
        %shift_right_arithmetic3A_2699 = vector.broadcast %shift_right_arithmetic3A_2698 : i32 to vector<16xi32>
        %shift_right_arithmetic3A_2700 = arith.shrsi %get3A_2697, %shift_right_arithmetic3A_2699 : vector<16xi32>
        %shift_left3A_2701 = arith.constant 5 : i32
        %shift_left3A_2702 = vector.broadcast %shift_left3A_2701 : i32 to vector<16xi32>
        %shift_left3A_2703 = arith.shli %shift_right_arithmetic3A_2700, %shift_left3A_2702 : vector<16xi32>
        %and3A_2704 = arith.constant 7 : i32
        %and3A_2705 = vector.broadcast %and3A_2704 : i32 to vector<16xi32>
        %and3A_2706 = arith.andi %get3A_2697, %and3A_2705 : vector<16xi32>
        %shift_left3A_2707 = arith.constant 2 : i32
        %shift_left3A_2708 = vector.broadcast %shift_left3A_2707 : i32 to vector<16xi32>
        %shift_left3A_2709 = arith.shli %and3A_2706, %shift_left3A_2708 : vector<16xi32>
        %add3A_2710 = arith.addi %shift_left3A_2703, %shift_left3A_2709 : vector<16xi32>
        %swap3A_2711 = arith.index_cast %sub3A_1700 : i32 to index
        %swap3A_2712 = arith.constant 384 : index
        %swap3A_2713 = tpu.vector_load %arg6[%swap3A_2711, %swap3A_2712] {strides = array<i32>} : memref<2x1024xi32, #tpu.memory_space<vmem>>, vector<1x16xi32>,
        %swap3A_2714 = vector.shape_cast %swap3A_2713 : vector<1x16xi32> to vector<16xi32>
        %swap3A_2715 = vector.shape_cast %add3A_2710 : vector<16xi32> to vector<1x16xi32>
        tpu.vector_store %arg6[%swap3A_2711, %swap3A_2712], %swap3A_2715 {strides = array<i32>} : memref<2x1024xi32, #tpu.memory_space<vmem>>, vector<1x16xi32>,
        %get3A_2716 = arith.constant 3 : i32
        %get3A_2717 = arith.index_cast %sub3A_1700 : i32 to index
        %get3A_2718 = arith.index_cast %get3A_2716 : i32 to index
        %get3A_2719 = arith.constant 16 : index
        %get3A_2720 = tpu.vector_load %arg5[%get3A_2717, %get3A_2718, %get3A_2719] {strides = array<i32>} : memref<2x8x128xi32, #tpu.memory_space<vmem>>, vector<1x1x16xi32>,
        %get3A_2721 = vector.shape_cast %get3A_2720 : vector<1x1x16xi32> to vector<16xi32>
        %shift_right_arithmetic3A_2722 = arith.constant 3 : i32
        %shift_right_arithmetic3A_2723 = vector.broadcast %shift_right_arithmetic3A_2722 : i32 to vector<16xi32>
        %shift_right_arithmetic3A_2724 = arith.shrsi %get3A_2721, %shift_right_arithmetic3A_2723 : vector<16xi32>
        %shift_left3A_2725 = arith.constant 5 : i32
        %shift_left3A_2726 = vector.broadcast %shift_left3A_2725 : i32 to vector<16xi32>
        %shift_left3A_2727 = arith.shli %shift_right_arithmetic3A_2724, %shift_left3A_2726 : vector<16xi32>
        %and3A_2728 = arith.constant 7 : i32
        %and3A_2729 = vector.broadcast %and3A_2728 : i32 to vector<16xi32>
        %and3A_2730 = arith.andi %get3A_2721, %and3A_2729 : vector<16xi32>
        %shift_left3A_2731 = arith.constant 2 : i32
        %shift_left3A_2732 = vector.broadcast %shift_left3A_2731 : i32 to vector<16xi32>
        %shift_left3A_2733 = arith.shli %and3A_2730, %shift_left3A_2732 : vector<16xi32>
        %add3A_2734 = arith.addi %shift_left3A_2727, %shift_left3A_2733 : vector<16xi32>
        %swap3A_2735 = arith.index_cast %sub3A_1700 : i32 to index
        %swap3A_2736 = arith.constant 400 : index
        %swap3A_2737 = tpu.vector_load %arg6[%swap3A_2735, %swap3A_2736] {strides = array<i32>} : memref<2x1024xi32, #tpu.memory_space<vmem>>, vector<1x16xi32>,
        %swap3A_2738 = vector.shape_cast %swap3A_2737 : vector<1x16xi32> to vector<16xi32>
        %swap3A_2739 = vector.shape_cast %add3A_2734 : vector<16xi32> to vector<1x16xi32>
        tpu.vector_store %arg6[%swap3A_2735, %swap3A_2736], %swap3A_2739 {strides = array<i32>} : memref<2x1024xi32, #tpu.memory_space<vmem>>, vector<1x16xi32>,
        %get3A_2740 = arith.constant 3 : i32
        %get3A_2741 = arith.index_cast %sub3A_1700 : i32 to index
        %get3A_2742 = arith.index_cast %get3A_2740 : i32 to index
        %get3A_2743 = arith.constant 32 : index
        %get3A_2744 = tpu.vector_load %arg5[%get3A_2741, %get3A_2742, %get3A_2743] {strides = array<i32>} : memref<2x8x128xi32, #tpu.memory_space<vmem>>, vector<1x1x16xi32>,
        %get3A_2745 = vector.shape_cast %get3A_2744 : vector<1x1x16xi32> to vector<16xi32>
        %shift_right_arithmetic3A_2746 = arith.constant 3 : i32
        %shift_right_arithmetic3A_2747 = vector.broadcast %shift_right_arithmetic3A_2746 : i32 to vector<16xi32>
        %shift_right_arithmetic3A_2748 = arith.shrsi %get3A_2745, %shift_right_arithmetic3A_2747 : vector<16xi32>
        %shift_left3A_2749 = arith.constant 5 : i32
        %shift_left3A_2750 = vector.broadcast %shift_left3A_2749 : i32 to vector<16xi32>
        %shift_left3A_2751 = arith.shli %shift_right_arithmetic3A_2748, %shift_left3A_2750 : vector<16xi32>
        %and3A_2752 = arith.constant 7 : i32
        %and3A_2753 = vector.broadcast %and3A_2752 : i32 to vector<16xi32>
        %and3A_2754 = arith.andi %get3A_2745, %and3A_2753 : vector<16xi32>
        %shift_left3A_2755 = arith.constant 2 : i32
        %shift_left3A_2756 = vector.broadcast %shift_left3A_2755 : i32 to vector<16xi32>
        %shift_left3A_2757 = arith.shli %and3A_2754, %shift_left3A_2756 : vector<16xi32>
        %add3A_2758 = arith.addi %shift_left3A_2751, %shift_left3A_2757 : vector<16xi32>
        %swap3A_2759 = arith.index_cast %sub3A_1700 : i32 to index
        %swap3A_2760 = arith.constant 416 : index
        %swap3A_2761 = tpu.vector_load %arg6[%swap3A_2759, %swap3A_2760] {strides = array<i32>} : memref<2x1024xi32, #tpu.memory_space<vmem>>, vector<1x16xi32>,
        %swap3A_2762 = vector.shape_cast %swap3A_2761 : vector<1x16xi32> to vector<16xi32>
        %swap3A_2763 = vector.shape_cast %add3A_2758 : vector<16xi32> to vector<1x16xi32>
        tpu.vector_store %arg6[%swap3A_2759, %swap3A_2760], %swap3A_2763 {strides = array<i32>} : memref<2x1024xi32, #tpu.memory_space<vmem>>, vector<1x16xi32>,
        %get3A_2764 = arith.constant 3 : i32
        %get3A_2765 = arith.index_cast %sub3A_1700 : i32 to index
        %get3A_2766 = arith.index_cast %get3A_2764 : i32 to index
        %get3A_2767 = arith.constant 48 : index
        %get3A_2768 = tpu.vector_load %arg5[%get3A_2765, %get3A_2766, %get3A_2767] {strides = array<i32>} : memref<2x8x128xi32, #tpu.memory_space<vmem>>, vector<1x1x16xi32>,
        %get3A_2769 = vector.shape_cast %get3A_2768 : vector<1x1x16xi32> to vector<16xi32>
        %shift_right_arithmetic3A_2770 = arith.constant 3 : i32
        %shift_right_arithmetic3A_2771 = vector.broadcast %shift_right_arithmetic3A_2770 : i32 to vector<16xi32>
        %shift_right_arithmetic3A_2772 = arith.shrsi %get3A_2769, %shift_right_arithmetic3A_2771 : vector<16xi32>
        %shift_left3A_2773 = arith.constant 5 : i32
        %shift_left3A_2774 = vector.broadcast %shift_left3A_2773 : i32 to vector<16xi32>
        %shift_left3A_2775 = arith.shli %shift_right_arithmetic3A_2772, %shift_left3A_2774 : vector<16xi32>
        %and3A_2776 = arith.constant 7 : i32
        %and3A_2777 = vector.broadcast %and3A_2776 : i32 to vector<16xi32>
        %and3A_2778 = arith.andi %get3A_2769, %and3A_2777 : vector<16xi32>
        %shift_left3A_2779 = arith.constant 2 : i32
        %shift_left3A_2780 = vector.broadcast %shift_left3A_2779 : i32 to vector<16xi32>
        %shift_left3A_2781 = arith.shli %and3A_2778, %shift_left3A_2780 : vector<16xi32>
        %add3A_2782 = arith.addi %shift_left3A_2775, %shift_left3A_2781 : vector<16xi32>
        %swap3A_2783 = arith.index_cast %sub3A_1700 : i32 to index
        %swap3A_2784 = arith.constant 432 : index
        %swap3A_2785 = tpu.vector_load %arg6[%swap3A_2783, %swap3A_2784] {strides = array<i32>} : memref<2x1024xi32, #tpu.memory_space<vmem>>, vector<1x16xi32>,
        %swap3A_2786 = vector.shape_cast %swap3A_2785 : vector<1x16xi32> to vector<16xi32>
        %swap3A_2787 = vector.shape_cast %add3A_2782 : vector<16xi32> to vector<1x16xi32>
        tpu.vector_store %arg6[%swap3A_2783, %swap3A_2784], %swap3A_2787 {strides = array<i32>} : memref<2x1024xi32, #tpu.memory_space<vmem>>, vector<1x16xi32>,
        %get3A_2788 = arith.constant 3 : i32
        %get3A_2789 = arith.index_cast %sub3A_1700 : i32 to index
        %get3A_2790 = arith.index_cast %get3A_2788 : i32 to index
        %get3A_2791 = arith.constant 64 : index
        %get3A_2792 = tpu.vector_load %arg5[%get3A_2789, %get3A_2790, %get3A_2791] {strides = array<i32>} : memref<2x8x128xi32, #tpu.memory_space<vmem>>, vector<1x1x16xi32>,
        %get3A_2793 = vector.shape_cast %get3A_2792 : vector<1x1x16xi32> to vector<16xi32>
        %shift_right_arithmetic3A_2794 = arith.constant 3 : i32
        %shift_right_arithmetic3A_2795 = vector.broadcast %shift_right_arithmetic3A_2794 : i32 to vector<16xi32>
        %shift_right_arithmetic3A_2796 = arith.shrsi %get3A_2793, %shift_right_arithmetic3A_2795 : vector<16xi32>
        %shift_left3A_2797 = arith.constant 5 : i32
        %shift_left3A_2798 = vector.broadcast %shift_left3A_2797 : i32 to vector<16xi32>
        %shift_left3A_2799 = arith.shli %shift_right_arithmetic3A_2796, %shift_left3A_2798 : vector<16xi32>
        %and3A_2800 = arith.constant 7 : i32
        %and3A_2801 = vector.broadcast %and3A_2800 : i32 to vector<16xi32>
        %and3A_2802 = arith.andi %get3A_2793, %and3A_2801 : vector<16xi32>
        %shift_left3A_2803 = arith.constant 2 : i32
        %shift_left3A_2804 = vector.broadcast %shift_left3A_2803 : i32 to vector<16xi32>
        %shift_left3A_2805 = arith.shli %and3A_2802, %shift_left3A_2804 : vector<16xi32>
        %add3A_2806 = arith.addi %shift_left3A_2799, %shift_left3A_2805 : vector<16xi32>
        %swap3A_2807 = arith.index_cast %sub3A_1700 : i32 to index
        %swap3A_2808 = arith.constant 448 : index
        %swap3A_2809 = tpu.vector_load %arg6[%swap3A_2807, %swap3A_2808] {strides = array<i32>} : memref<2x1024xi32, #tpu.memory_space<vmem>>, vector<1x16xi32>,
        %swap3A_2810 = vector.shape_cast %swap3A_2809 : vector<1x16xi32> to vector<16xi32>
        %swap3A_2811 = vector.shape_cast %add3A_2806 : vector<16xi32> to vector<1x16xi32>
        tpu.vector_store %arg6[%swap3A_2807, %swap3A_2808], %swap3A_2811 {strides = array<i32>} : memref<2x1024xi32, #tpu.memory_space<vmem>>, vector<1x16xi32>,
        %get3A_2812 = arith.constant 3 : i32
        %get3A_2813 = arith.index_cast %sub3A_1700 : i32 to index
        %get3A_2814 = arith.index_cast %get3A_2812 : i32 to index
        %get3A_2815 = arith.constant 80 : index
        %get3A_2816 = tpu.vector_load %arg5[%get3A_2813, %get3A_2814, %get3A_2815] {strides = array<i32>} : memref<2x8x128xi32, #tpu.memory_space<vmem>>, vector<1x1x16xi32>,
        %get3A_2817 = vector.shape_cast %get3A_2816 : vector<1x1x16xi32> to vector<16xi32>
        %shift_right_arithmetic3A_2818 = arith.constant 3 : i32
        %shift_right_arithmetic3A_2819 = vector.broadcast %shift_right_arithmetic3A_2818 : i32 to vector<16xi32>
        %shift_right_arithmetic3A_2820 = arith.shrsi %get3A_2817, %shift_right_arithmetic3A_2819 : vector<16xi32>
        %shift_left3A_2821 = arith.constant 5 : i32
        %shift_left3A_2822 = vector.broadcast %shift_left3A_2821 : i32 to vector<16xi32>
        %shift_left3A_2823 = arith.shli %shift_right_arithmetic3A_2820, %shift_left3A_2822 : vector<16xi32>
        %and3A_2824 = arith.constant 7 : i32
        %and3A_2825 = vector.broadcast %and3A_2824 : i32 to vector<16xi32>
        %and3A_2826 = arith.andi %get3A_2817, %and3A_2825 : vector<16xi32>
        %shift_left3A_2827 = arith.constant 2 : i32
        %shift_left3A_2828 = vector.broadcast %shift_left3A_2827 : i32 to vector<16xi32>
        %shift_left3A_2829 = arith.shli %and3A_2826, %shift_left3A_2828 : vector<16xi32>
        %add3A_2830 = arith.addi %shift_left3A_2823, %shift_left3A_2829 : vector<16xi32>
        %swap3A_2831 = arith.index_cast %sub3A_1700 : i32 to index
        %swap3A_2832 = arith.constant 464 : index
        %swap3A_2833 = tpu.vector_load %arg6[%swap3A_2831, %swap3A_2832] {strides = array<i32>} : memref<2x1024xi32, #tpu.memory_space<vmem>>, vector<1x16xi32>,
        %swap3A_2834 = vector.shape_cast %swap3A_2833 : vector<1x16xi32> to vector<16xi32>
        %swap3A_2835 = vector.shape_cast %add3A_2830 : vector<16xi32> to vector<1x16xi32>
        tpu.vector_store %arg6[%swap3A_2831, %swap3A_2832], %swap3A_2835 {strides = array<i32>} : memref<2x1024xi32, #tpu.memory_space<vmem>>, vector<1x16xi32>,
        %get3A_2836 = arith.constant 3 : i32
        %get3A_2837 = arith.index_cast %sub3A_1700 : i32 to index
        %get3A_2838 = arith.index_cast %get3A_2836 : i32 to index
        %get3A_2839 = arith.constant 96 : index
        %get3A_2840 = tpu.vector_load %arg5[%get3A_2837, %get3A_2838, %get3A_2839] {strides = array<i32>} : memref<2x8x128xi32, #tpu.memory_space<vmem>>, vector<1x1x16xi32>,
        %get3A_2841 = vector.shape_cast %get3A_2840 : vector<1x1x16xi32> to vector<16xi32>
        %shift_right_arithmetic3A_2842 = arith.constant 3 : i32
        %shift_right_arithmetic3A_2843 = vector.broadcast %shift_right_arithmetic3A_2842 : i32 to vector<16xi32>
        %shift_right_arithmetic3A_2844 = arith.shrsi %get3A_2841, %shift_right_arithmetic3A_2843 : vector<16xi32>
        %shift_left3A_2845 = arith.constant 5 : i32
        %shift_left3A_2846 = vector.broadcast %shift_left3A_2845 : i32 to vector<16xi32>
        %shift_left3A_2847 = arith.shli %shift_right_arithmetic3A_2844, %shift_left3A_2846 : vector<16xi32>
        %and3A_2848 = arith.constant 7 : i32
        %and3A_2849 = vector.broadcast %and3A_2848 : i32 to vector<16xi32>
        %and3A_2850 = arith.andi %get3A_2841, %and3A_2849 : vector<16xi32>
        %shift_left3A_2851 = arith.constant 2 : i32
        %shift_left3A_2852 = vector.broadcast %shift_left3A_2851 : i32 to vector<16xi32>
        %shift_left3A_2853 = arith.shli %and3A_2850, %shift_left3A_2852 : vector<16xi32>
        %add3A_2854 = arith.addi %shift_left3A_2847, %shift_left3A_2853 : vector<16xi32>
        %swap3A_2855 = arith.index_cast %sub3A_1700 : i32 to index
        %swap3A_2856 = arith.constant 480 : index
        %swap3A_2857 = tpu.vector_load %arg6[%swap3A_2855, %swap3A_2856] {strides = array<i32>} : memref<2x1024xi32, #tpu.memory_space<vmem>>, vector<1x16xi32>,
        %swap3A_2858 = vector.shape_cast %swap3A_2857 : vector<1x16xi32> to vector<16xi32>
        %swap3A_2859 = vector.shape_cast %add3A_2854 : vector<16xi32> to vector<1x16xi32>
        tpu.vector_store %arg6[%swap3A_2855, %swap3A_2856], %swap3A_2859 {strides = array<i32>} : memref<2x1024xi32, #tpu.memory_space<vmem>>, vector<1x16xi32>,
        %get3A_2860 = arith.constant 3 : i32
        %get3A_2861 = arith.index_cast %sub3A_1700 : i32 to index
        %get3A_2862 = arith.index_cast %get3A_2860 : i32 to index
        %get3A_2863 = arith.constant 112 : index
        %get3A_2864 = tpu.vector_load %arg5[%get3A_2861, %get3A_2862, %get3A_2863] {strides = array<i32>} : memref<2x8x128xi32, #tpu.memory_space<vmem>>, vector<1x1x16xi32>,
        %get3A_2865 = vector.shape_cast %get3A_2864 : vector<1x1x16xi32> to vector<16xi32>
        %shift_right_arithmetic3A_2866 = arith.constant 3 : i32
        %shift_right_arithmetic3A_2867 = vector.broadcast %shift_right_arithmetic3A_2866 : i32 to vector<16xi32>
        %shift_right_arithmetic3A_2868 = arith.shrsi %get3A_2865, %shift_right_arithmetic3A_2867 : vector<16xi32>
        %shift_left3A_2869 = arith.constant 5 : i32
        %shift_left3A_2870 = vector.broadcast %shift_left3A_2869 : i32 to vector<16xi32>
        %shift_left3A_2871 = arith.shli %shift_right_arithmetic3A_2868, %shift_left3A_2870 : vector<16xi32>
        %and3A_2872 = arith.constant 7 : i32
        %and3A_2873 = vector.broadcast %and3A_2872 : i32 to vector<16xi32>
        %and3A_2874 = arith.andi %get3A_2865, %and3A_2873 : vector<16xi32>
        %shift_left3A_2875 = arith.constant 2 : i32
        %shift_left3A_2876 = vector.broadcast %shift_left3A_2875 : i32 to vector<16xi32>
        %shift_left3A_2877 = arith.shli %and3A_2874, %shift_left3A_2876 : vector<16xi32>
        %add3A_2878 = arith.addi %shift_left3A_2871, %shift_left3A_2877 : vector<16xi32>
        %swap3A_2879 = arith.index_cast %sub3A_1700 : i32 to index
        %swap3A_2880 = arith.constant 496 : index
        %swap3A_2881 = tpu.vector_load %arg6[%swap3A_2879, %swap3A_2880] {strides = array<i32>} : memref<2x1024xi32, #tpu.memory_space<vmem>>, vector<1x16xi32>,
        %swap3A_2882 = vector.shape_cast %swap3A_2881 : vector<1x16xi32> to vector<16xi32>
        %swap3A_2883 = vector.shape_cast %add3A_2878 : vector<16xi32> to vector<1x16xi32>
        tpu.vector_store %arg6[%swap3A_2879, %swap3A_2880], %swap3A_2883 {strides = array<i32>} : memref<2x1024xi32, #tpu.memory_space<vmem>>, vector<1x16xi32>,
        %get3A_2884 = arith.constant 4 : i32
        %get3A_2885 = arith.index_cast %sub3A_1700 : i32 to index
        %get3A_2886 = arith.index_cast %get3A_2884 : i32 to index
        %get3A_2887 = arith.constant 0 : index
        %get3A_2888 = tpu.vector_load %arg5[%get3A_2885, %get3A_2886, %get3A_2887] {strides = array<i32>} : memref<2x8x128xi32, #tpu.memory_space<vmem>>, vector<1x1x16xi32>,
        %get3A_2889 = vector.shape_cast %get3A_2888 : vector<1x1x16xi32> to vector<16xi32>
        %shift_right_arithmetic3A_2890 = arith.constant 3 : i32
        %shift_right_arithmetic3A_2891 = vector.broadcast %shift_right_arithmetic3A_2890 : i32 to vector<16xi32>
        %shift_right_arithmetic3A_2892 = arith.shrsi %get3A_2889, %shift_right_arithmetic3A_2891 : vector<16xi32>
        %shift_left3A_2893 = arith.constant 5 : i32
        %shift_left3A_2894 = vector.broadcast %shift_left3A_2893 : i32 to vector<16xi32>
        %shift_left3A_2895 = arith.shli %shift_right_arithmetic3A_2892, %shift_left3A_2894 : vector<16xi32>
        %and3A_2896 = arith.constant 7 : i32
        %and3A_2897 = vector.broadcast %and3A_2896 : i32 to vector<16xi32>
        %and3A_2898 = arith.andi %get3A_2889, %and3A_2897 : vector<16xi32>
        %shift_left3A_2899 = arith.constant 2 : i32
        %shift_left3A_2900 = vector.broadcast %shift_left3A_2899 : i32 to vector<16xi32>
        %shift_left3A_2901 = arith.shli %and3A_2898, %shift_left3A_2900 : vector<16xi32>
        %add3A_2902 = arith.addi %shift_left3A_2895, %shift_left3A_2901 : vector<16xi32>
        %swap3A_2903 = arith.index_cast %sub3A_1700 : i32 to index
        %swap3A_2904 = arith.constant 512 : index
        %swap3A_2905 = tpu.vector_load %arg6[%swap3A_2903, %swap3A_2904] {strides = array<i32>} : memref<2x1024xi32, #tpu.memory_space<vmem>>, vector<1x16xi32>,
        %swap3A_2906 = vector.shape_cast %swap3A_2905 : vector<1x16xi32> to vector<16xi32>
        %swap3A_2907 = vector.shape_cast %add3A_2902 : vector<16xi32> to vector<1x16xi32>
        tpu.vector_store %arg6[%swap3A_2903, %swap3A_2904], %swap3A_2907 {strides = array<i32>} : memref<2x1024xi32, #tpu.memory_space<vmem>>, vector<1x16xi32>,
        %get3A_2908 = arith.constant 4 : i32
        %get3A_2909 = arith.index_cast %sub3A_1700 : i32 to index
        %get3A_2910 = arith.index_cast %get3A_2908 : i32 to index
        %get3A_2911 = arith.constant 16 : index
        %get3A_2912 = tpu.vector_load %arg5[%get3A_2909, %get3A_2910, %get3A_2911] {strides = array<i32>} : memref<2x8x128xi32, #tpu.memory_space<vmem>>, vector<1x1x16xi32>,
        %get3A_2913 = vector.shape_cast %get3A_2912 : vector<1x1x16xi32> to vector<16xi32>
        %shift_right_arithmetic3A_2914 = arith.constant 3 : i32
        %shift_right_arithmetic3A_2915 = vector.broadcast %shift_right_arithmetic3A_2914 : i32 to vector<16xi32>
        %shift_right_arithmetic3A_2916 = arith.shrsi %get3A_2913, %shift_right_arithmetic3A_2915 : vector<16xi32>
        %shift_left3A_2917 = arith.constant 5 : i32
        %shift_left3A_2918 = vector.broadcast %shift_left3A_2917 : i32 to vector<16xi32>
        %shift_left3A_2919 = arith.shli %shift_right_arithmetic3A_2916, %shift_left3A_2918 : vector<16xi32>
        %and3A_2920 = arith.constant 7 : i32
        %and3A_2921 = vector.broadcast %and3A_2920 : i32 to vector<16xi32>
        %and3A_2922 = arith.andi %get3A_2913, %and3A_2921 : vector<16xi32>
        %shift_left3A_2923 = arith.constant 2 : i32
        %shift_left3A_2924 = vector.broadcast %shift_left3A_2923 : i32 to vector<16xi32>
        %shift_left3A_2925 = arith.shli %and3A_2922, %shift_left3A_2924 : vector<16xi32>
        %add3A_2926 = arith.addi %shift_left3A_2919, %shift_left3A_2925 : vector<16xi32>
        %swap3A_2927 = arith.index_cast %sub3A_1700 : i32 to index
        %swap3A_2928 = arith.constant 528 : index
        %swap3A_2929 = tpu.vector_load %arg6[%swap3A_2927, %swap3A_2928] {strides = array<i32>} : memref<2x1024xi32, #tpu.memory_space<vmem>>, vector<1x16xi32>,
        %swap3A_2930 = vector.shape_cast %swap3A_2929 : vector<1x16xi32> to vector<16xi32>
        %swap3A_2931 = vector.shape_cast %add3A_2926 : vector<16xi32> to vector<1x16xi32>
        tpu.vector_store %arg6[%swap3A_2927, %swap3A_2928], %swap3A_2931 {strides = array<i32>} : memref<2x1024xi32, #tpu.memory_space<vmem>>, vector<1x16xi32>,
        %get3A_2932 = arith.constant 4 : i32
        %get3A_2933 = arith.index_cast %sub3A_1700 : i32 to index
        %get3A_2934 = arith.index_cast %get3A_2932 : i32 to index
        %get3A_2935 = arith.constant 32 : index
        %get3A_2936 = tpu.vector_load %arg5[%get3A_2933, %get3A_2934, %get3A_2935] {strides = array<i32>} : memref<2x8x128xi32, #tpu.memory_space<vmem>>, vector<1x1x16xi32>,
        %get3A_2937 = vector.shape_cast %get3A_2936 : vector<1x1x16xi32> to vector<16xi32>
        %shift_right_arithmetic3A_2938 = arith.constant 3 : i32
        %shift_right_arithmetic3A_2939 = vector.broadcast %shift_right_arithmetic3A_2938 : i32 to vector<16xi32>
        %shift_right_arithmetic3A_2940 = arith.shrsi %get3A_2937, %shift_right_arithmetic3A_2939 : vector<16xi32>
        %shift_left3A_2941 = arith.constant 5 : i32
        %shift_left3A_2942 = vector.broadcast %shift_left3A_2941 : i32 to vector<16xi32>
        %shift_left3A_2943 = arith.shli %shift_right_arithmetic3A_2940, %shift_left3A_2942 : vector<16xi32>
        %and3A_2944 = arith.constant 7 : i32
        %and3A_2945 = vector.broadcast %and3A_2944 : i32 to vector<16xi32>
        %and3A_2946 = arith.andi %get3A_2937, %and3A_2945 : vector<16xi32>
        %shift_left3A_2947 = arith.constant 2 : i32
        %shift_left3A_2948 = vector.broadcast %shift_left3A_2947 : i32 to vector<16xi32>
        %shift_left3A_2949 = arith.shli %and3A_2946, %shift_left3A_2948 : vector<16xi32>
        %add3A_2950 = arith.addi %shift_left3A_2943, %shift_left3A_2949 : vector<16xi32>
        %swap3A_2951 = arith.index_cast %sub3A_1700 : i32 to index
        %swap3A_2952 = arith.constant 544 : index
        %swap3A_2953 = tpu.vector_load %arg6[%swap3A_2951, %swap3A_2952] {strides = array<i32>} : memref<2x1024xi32, #tpu.memory_space<vmem>>, vector<1x16xi32>,
        %swap3A_2954 = vector.shape_cast %swap3A_2953 : vector<1x16xi32> to vector<16xi32>
        %swap3A_2955 = vector.shape_cast %add3A_2950 : vector<16xi32> to vector<1x16xi32>
        tpu.vector_store %arg6[%swap3A_2951, %swap3A_2952], %swap3A_2955 {strides = array<i32>} : memref<2x1024xi32, #tpu.memory_space<vmem>>, vector<1x16xi32>,
        %get3A_2956 = arith.constant 4 : i32
        %get3A_2957 = arith.index_cast %sub3A_1700 : i32 to index
        %get3A_2958 = arith.index_cast %get3A_2956 : i32 to index
        %get3A_2959 = arith.constant 48 : index
        %get3A_2960 = tpu.vector_load %arg5[%get3A_2957, %get3A_2958, %get3A_2959] {strides = array<i32>} : memref<2x8x128xi32, #tpu.memory_space<vmem>>, vector<1x1x16xi32>,
        %get3A_2961 = vector.shape_cast %get3A_2960 : vector<1x1x16xi32> to vector<16xi32>
        %shift_right_arithmetic3A_2962 = arith.constant 3 : i32
        %shift_right_arithmetic3A_2963 = vector.broadcast %shift_right_arithmetic3A_2962 : i32 to vector<16xi32>
        %shift_right_arithmetic3A_2964 = arith.shrsi %get3A_2961, %shift_right_arithmetic3A_2963 : vector<16xi32>
        %shift_left3A_2965 = arith.constant 5 : i32
        %shift_left3A_2966 = vector.broadcast %shift_left3A_2965 : i32 to vector<16xi32>
        %shift_left3A_2967 = arith.shli %shift_right_arithmetic3A_2964, %shift_left3A_2966 : vector<16xi32>
        %and3A_2968 = arith.constant 7 : i32
        %and3A_2969 = vector.broadcast %and3A_2968 : i32 to vector<16xi32>
        %and3A_2970 = arith.andi %get3A_2961, %and3A_2969 : vector<16xi32>
        %shift_left3A_2971 = arith.constant 2 : i32
        %shift_left3A_2972 = vector.broadcast %shift_left3A_2971 : i32 to vector<16xi32>
        %shift_left3A_2973 = arith.shli %and3A_2970, %shift_left3A_2972 : vector<16xi32>
        %add3A_2974 = arith.addi %shift_left3A_2967, %shift_left3A_2973 : vector<16xi32>
        %swap3A_2975 = arith.index_cast %sub3A_1700 : i32 to index
        %swap3A_2976 = arith.constant 560 : index
        %swap3A_2977 = tpu.vector_load %arg6[%swap3A_2975, %swap3A_2976] {strides = array<i32>} : memref<2x1024xi32, #tpu.memory_space<vmem>>, vector<1x16xi32>,
        %swap3A_2978 = vector.shape_cast %swap3A_2977 : vector<1x16xi32> to vector<16xi32>
        %swap3A_2979 = vector.shape_cast %add3A_2974 : vector<16xi32> to vector<1x16xi32>
        tpu.vector_store %arg6[%swap3A_2975, %swap3A_2976], %swap3A_2979 {strides = array<i32>} : memref<2x1024xi32, #tpu.memory_space<vmem>>, vector<1x16xi32>,
        %get3A_2980 = arith.constant 4 : i32
        %get3A_2981 = arith.index_cast %sub3A_1700 : i32 to index
        %get3A_2982 = arith.index_cast %get3A_2980 : i32 to index
        %get3A_2983 = arith.constant 64 : index
        %get3A_2984 = tpu.vector_load %arg5[%get3A_2981, %get3A_2982, %get3A_2983] {strides = array<i32>} : memref<2x8x128xi32, #tpu.memory_space<vmem>>, vector<1x1x16xi32>,
        %get3A_2985 = vector.shape_cast %get3A_2984 : vector<1x1x16xi32> to vector<16xi32>
        %shift_right_arithmetic3A_2986 = arith.constant 3 : i32
        %shift_right_arithmetic3A_2987 = vector.broadcast %shift_right_arithmetic3A_2986 : i32 to vector<16xi32>
        %shift_right_arithmetic3A_2988 = arith.shrsi %get3A_2985, %shift_right_arithmetic3A_2987 : vector<16xi32>
        %shift_left3A_2989 = arith.constant 5 : i32
        %shift_left3A_2990 = vector.broadcast %shift_left3A_2989 : i32 to vector<16xi32>
        %shift_left3A_2991 = arith.shli %shift_right_arithmetic3A_2988, %shift_left3A_2990 : vector<16xi32>
        %and3A_2992 = arith.constant 7 : i32
        %and3A_2993 = vector.broadcast %and3A_2992 : i32 to vector<16xi32>
        %and3A_2994 = arith.andi %get3A_2985, %and3A_2993 : vector<16xi32>
        %shift_left3A_2995 = arith.constant 2 : i32
        %shift_left3A_2996 = vector.broadcast %shift_left3A_2995 : i32 to vector<16xi32>
        %shift_left3A_2997 = arith.shli %and3A_2994, %shift_left3A_2996 : vector<16xi32>
        %add3A_2998 = arith.addi %shift_left3A_2991, %shift_left3A_2997 : vector<16xi32>
        %swap3A_2999 = arith.index_cast %sub3A_1700 : i32 to index
        %swap3A_3000 = arith.constant 576 : index
        %swap3A_3001 = tpu.vector_load %arg6[%swap3A_2999, %swap3A_3000] {strides = array<i32>} : memref<2x1024xi32, #tpu.memory_space<vmem>>, vector<1x16xi32>,
        %swap3A_3002 = vector.shape_cast %swap3A_3001 : vector<1x16xi32> to vector<16xi32>
        %swap3A_3003 = vector.shape_cast %add3A_2998 : vector<16xi32> to vector<1x16xi32>
        tpu.vector_store %arg6[%swap3A_2999, %swap3A_3000], %swap3A_3003 {strides = array<i32>} : memref<2x1024xi32, #tpu.memory_space<vmem>>, vector<1x16xi32>,
        %get3A_3004 = arith.constant 4 : i32
        %get3A_3005 = arith.index_cast %sub3A_1700 : i32 to index
        %get3A_3006 = arith.index_cast %get3A_3004 : i32 to index
        %get3A_3007 = arith.constant 80 : index
        %get3A_3008 = tpu.vector_load %arg5[%get3A_3005, %get3A_3006, %get3A_3007] {strides = array<i32>} : memref<2x8x128xi32, #tpu.memory_space<vmem>>, vector<1x1x16xi32>,
        %get3A_3009 = vector.shape_cast %get3A_3008 : vector<1x1x16xi32> to vector<16xi32>
        %shift_right_arithmetic3A_3010 = arith.constant 3 : i32
        %shift_right_arithmetic3A_3011 = vector.broadcast %shift_right_arithmetic3A_3010 : i32 to vector<16xi32>
        %shift_right_arithmetic3A_3012 = arith.shrsi %get3A_3009, %shift_right_arithmetic3A_3011 : vector<16xi32>
        %shift_left3A_3013 = arith.constant 5 : i32
        %shift_left3A_3014 = vector.broadcast %shift_left3A_3013 : i32 to vector<16xi32>
        %shift_left3A_3015 = arith.shli %shift_right_arithmetic3A_3012, %shift_left3A_3014 : vector<16xi32>
        %and3A_3016 = arith.constant 7 : i32
        %and3A_3017 = vector.broadcast %and3A_3016 : i32 to vector<16xi32>
        %and3A_3018 = arith.andi %get3A_3009, %and3A_3017 : vector<16xi32>
        %shift_left3A_3019 = arith.constant 2 : i32
        %shift_left3A_3020 = vector.broadcast %shift_left3A_3019 : i32 to vector<16xi32>
        %shift_left3A_3021 = arith.shli %and3A_3018, %shift_left3A_3020 : vector<16xi32>
        %add3A_3022 = arith.addi %shift_left3A_3015, %shift_left3A_3021 : vector<16xi32>
        %swap3A_3023 = arith.index_cast %sub3A_1700 : i32 to index
        %swap3A_3024 = arith.constant 592 : index
        %swap3A_3025 = tpu.vector_load %arg6[%swap3A_3023, %swap3A_3024] {strides = array<i32>} : memref<2x1024xi32, #tpu.memory_space<vmem>>, vector<1x16xi32>,
        %swap3A_3026 = vector.shape_cast %swap3A_3025 : vector<1x16xi32> to vector<16xi32>
        %swap3A_3027 = vector.shape_cast %add3A_3022 : vector<16xi32> to vector<1x16xi32>
        tpu.vector_store %arg6[%swap3A_3023, %swap3A_3024], %swap3A_3027 {strides = array<i32>} : memref<2x1024xi32, #tpu.memory_space<vmem>>, vector<1x16xi32>,
        %get3A_3028 = arith.constant 4 : i32
        %get3A_3029 = arith.index_cast %sub3A_1700 : i32 to index
        %get3A_3030 = arith.index_cast %get3A_3028 : i32 to index
        %get3A_3031 = arith.constant 96 : index
        %get3A_3032 = tpu.vector_load %arg5[%get3A_3029, %get3A_3030, %get3A_3031] {strides = array<i32>} : memref<2x8x128xi32, #tpu.memory_space<vmem>>, vector<1x1x16xi32>,
        %get3A_3033 = vector.shape_cast %get3A_3032 : vector<1x1x16xi32> to vector<16xi32>
        %shift_right_arithmetic3A_3034 = arith.constant 3 : i32
        %shift_right_arithmetic3A_3035 = vector.broadcast %shift_right_arithmetic3A_3034 : i32 to vector<16xi32>
        %shift_right_arithmetic3A_3036 = arith.shrsi %get3A_3033, %shift_right_arithmetic3A_3035 : vector<16xi32>
        %shift_left3A_3037 = arith.constant 5 : i32
        %shift_left3A_3038 = vector.broadcast %shift_left3A_3037 : i32 to vector<16xi32>
        %shift_left3A_3039 = arith.shli %shift_right_arithmetic3A_3036, %shift_left3A_3038 : vector<16xi32>
        %and3A_3040 = arith.constant 7 : i32
        %and3A_3041 = vector.broadcast %and3A_3040 : i32 to vector<16xi32>
        %and3A_3042 = arith.andi %get3A_3033, %and3A_3041 : vector<16xi32>
        %shift_left3A_3043 = arith.constant 2 : i32
        %shift_left3A_3044 = vector.broadcast %shift_left3A_3043 : i32 to vector<16xi32>
        %shift_left3A_3045 = arith.shli %and3A_3042, %shift_left3A_3044 : vector<16xi32>
        %add3A_3046 = arith.addi %shift_left3A_3039, %shift_left3A_3045 : vector<16xi32>
        %swap3A_3047 = arith.index_cast %sub3A_1700 : i32 to index
        %swap3A_3048 = arith.constant 608 : index
        %swap3A_3049 = tpu.vector_load %arg6[%swap3A_3047, %swap3A_3048] {strides = array<i32>} : memref<2x1024xi32, #tpu.memory_space<vmem>>, vector<1x16xi32>,
        %swap3A_3050 = vector.shape_cast %swap3A_3049 : vector<1x16xi32> to vector<16xi32>
        %swap3A_3051 = vector.shape_cast %add3A_3046 : vector<16xi32> to vector<1x16xi32>
        tpu.vector_store %arg6[%swap3A_3047, %swap3A_3048], %swap3A_3051 {strides = array<i32>} : memref<2x1024xi32, #tpu.memory_space<vmem>>, vector<1x16xi32>,
        %get3A_3052 = arith.constant 4 : i32
        %get3A_3053 = arith.index_cast %sub3A_1700 : i32 to index
        %get3A_3054 = arith.index_cast %get3A_3052 : i32 to index
        %get3A_3055 = arith.constant 112 : index
        %get3A_3056 = tpu.vector_load %arg5[%get3A_3053, %get3A_3054, %get3A_3055] {strides = array<i32>} : memref<2x8x128xi32, #tpu.memory_space<vmem>>, vector<1x1x16xi32>,
        %get3A_3057 = vector.shape_cast %get3A_3056 : vector<1x1x16xi32> to vector<16xi32>
        %shift_right_arithmetic3A_3058 = arith.constant 3 : i32
        %shift_right_arithmetic3A_3059 = vector.broadcast %shift_right_arithmetic3A_3058 : i32 to vector<16xi32>
        %shift_right_arithmetic3A_3060 = arith.shrsi %get3A_3057, %shift_right_arithmetic3A_3059 : vector<16xi32>
        %shift_left3A_3061 = arith.constant 5 : i32
        %shift_left3A_3062 = vector.broadcast %shift_left3A_3061 : i32 to vector<16xi32>
        %shift_left3A_3063 = arith.shli %shift_right_arithmetic3A_3060, %shift_left3A_3062 : vector<16xi32>
        %and3A_3064 = arith.constant 7 : i32
        %and3A_3065 = vector.broadcast %and3A_3064 : i32 to vector<16xi32>
        %and3A_3066 = arith.andi %get3A_3057, %and3A_3065 : vector<16xi32>
        %shift_left3A_3067 = arith.constant 2 : i32
        %shift_left3A_3068 = vector.broadcast %shift_left3A_3067 : i32 to vector<16xi32>
        %shift_left3A_3069 = arith.shli %and3A_3066, %shift_left3A_3068 : vector<16xi32>
        %add3A_3070 = arith.addi %shift_left3A_3063, %shift_left3A_3069 : vector<16xi32>
        %swap3A_3071 = arith.index_cast %sub3A_1700 : i32 to index
        %swap3A_3072 = arith.constant 624 : index
        %swap3A_3073 = tpu.vector_load %arg6[%swap3A_3071, %swap3A_3072] {strides = array<i32>} : memref<2x1024xi32, #tpu.memory_space<vmem>>, vector<1x16xi32>,
        %swap3A_3074 = vector.shape_cast %swap3A_3073 : vector<1x16xi32> to vector<16xi32>
        %swap3A_3075 = vector.shape_cast %add3A_3070 : vector<16xi32> to vector<1x16xi32>
        tpu.vector_store %arg6[%swap3A_3071, %swap3A_3072], %swap3A_3075 {strides = array<i32>} : memref<2x1024xi32, #tpu.memory_space<vmem>>, vector<1x16xi32>,
        %get3A_3076 = arith.constant 5 : i32
        %get3A_3077 = arith.index_cast %sub3A_1700 : i32 to index
        %get3A_3078 = arith.index_cast %get3A_3076 : i32 to index
        %get3A_3079 = arith.constant 0 : index
        %get3A_3080 = tpu.vector_load %arg5[%get3A_3077, %get3A_3078, %get3A_3079] {strides = array<i32>} : memref<2x8x128xi32, #tpu.memory_space<vmem>>, vector<1x1x16xi32>,
        %get3A_3081 = vector.shape_cast %get3A_3080 : vector<1x1x16xi32> to vector<16xi32>
        %shift_right_arithmetic3A_3082 = arith.constant 3 : i32
        %shift_right_arithmetic3A_3083 = vector.broadcast %shift_right_arithmetic3A_3082 : i32 to vector<16xi32>
        %shift_right_arithmetic3A_3084 = arith.shrsi %get3A_3081, %shift_right_arithmetic3A_3083 : vector<16xi32>
        %shift_left3A_3085 = arith.constant 5 : i32
        %shift_left3A_3086 = vector.broadcast %shift_left3A_3085 : i32 to vector<16xi32>
        %shift_left3A_3087 = arith.shli %shift_right_arithmetic3A_3084, %shift_left3A_3086 : vector<16xi32>
        %and3A_3088 = arith.constant 7 : i32
        %and3A_3089 = vector.broadcast %and3A_3088 : i32 to vector<16xi32>
        %and3A_3090 = arith.andi %get3A_3081, %and3A_3089 : vector<16xi32>
        %shift_left3A_3091 = arith.constant 2 : i32
        %shift_left3A_3092 = vector.broadcast %shift_left3A_3091 : i32 to vector<16xi32>
        %shift_left3A_3093 = arith.shli %and3A_3090, %shift_left3A_3092 : vector<16xi32>
        %add3A_3094 = arith.addi %shift_left3A_3087, %shift_left3A_3093 : vector<16xi32>
        %swap3A_3095 = arith.index_cast %sub3A_1700 : i32 to index
        %swap3A_3096 = arith.constant 640 : index
        %swap3A_3097 = tpu.vector_load %arg6[%swap3A_3095, %swap3A_3096] {strides = array<i32>} : memref<2x1024xi32, #tpu.memory_space<vmem>>, vector<1x16xi32>,
        %swap3A_3098 = vector.shape_cast %swap3A_3097 : vector<1x16xi32> to vector<16xi32>
        %swap3A_3099 = vector.shape_cast %add3A_3094 : vector<16xi32> to vector<1x16xi32>
        tpu.vector_store %arg6[%swap3A_3095, %swap3A_3096], %swap3A_3099 {strides = array<i32>} : memref<2x1024xi32, #tpu.memory_space<vmem>>, vector<1x16xi32>,
        %get3A_3100 = arith.constant 5 : i32
        %get3A_3101 = arith.index_cast %sub3A_1700 : i32 to index
        %get3A_3102 = arith.index_cast %get3A_3100 : i32 to index
        %get3A_3103 = arith.constant 16 : index
        %get3A_3104 = tpu.vector_load %arg5[%get3A_3101, %get3A_3102, %get3A_3103] {strides = array<i32>} : memref<2x8x128xi32, #tpu.memory_space<vmem>>, vector<1x1x16xi32>,
        %get3A_3105 = vector.shape_cast %get3A_3104 : vector<1x1x16xi32> to vector<16xi32>
        %shift_right_arithmetic3A_3106 = arith.constant 3 : i32
        %shift_right_arithmetic3A_3107 = vector.broadcast %shift_right_arithmetic3A_3106 : i32 to vector<16xi32>
        %shift_right_arithmetic3A_3108 = arith.shrsi %get3A_3105, %shift_right_arithmetic3A_3107 : vector<16xi32>
        %shift_left3A_3109 = arith.constant 5 : i32
        %shift_left3A_3110 = vector.broadcast %shift_left3A_3109 : i32 to vector<16xi32>
        %shift_left3A_3111 = arith.shli %shift_right_arithmetic3A_3108, %shift_left3A_3110 : vector<16xi32>
        %and3A_3112 = arith.constant 7 : i32
        %and3A_3113 = vector.broadcast %and3A_3112 : i32 to vector<16xi32>
        %and3A_3114 = arith.andi %get3A_3105, %and3A_3113 : vector<16xi32>
        %shift_left3A_3115 = arith.constant 2 : i32
        %shift_left3A_3116 = vector.broadcast %shift_left3A_3115 : i32 to vector<16xi32>
        %shift_left3A_3117 = arith.shli %and3A_3114, %shift_left3A_3116 : vector<16xi32>
        %add3A_3118 = arith.addi %shift_left3A_3111, %shift_left3A_3117 : vector<16xi32>
        %swap3A_3119 = arith.index_cast %sub3A_1700 : i32 to index
        %swap3A_3120 = arith.constant 656 : index
        %swap3A_3121 = tpu.vector_load %arg6[%swap3A_3119, %swap3A_3120] {strides = array<i32>} : memref<2x1024xi32, #tpu.memory_space<vmem>>, vector<1x16xi32>,
        %swap3A_3122 = vector.shape_cast %swap3A_3121 : vector<1x16xi32> to vector<16xi32>
        %swap3A_3123 = vector.shape_cast %add3A_3118 : vector<16xi32> to vector<1x16xi32>
        tpu.vector_store %arg6[%swap3A_3119, %swap3A_3120], %swap3A_3123 {strides = array<i32>} : memref<2x1024xi32, #tpu.memory_space<vmem>>, vector<1x16xi32>,
        %get3A_3124 = arith.constant 5 : i32
        %get3A_3125 = arith.index_cast %sub3A_1700 : i32 to index
        %get3A_3126 = arith.index_cast %get3A_3124 : i32 to index
        %get3A_3127 = arith.constant 32 : index
        %get3A_3128 = tpu.vector_load %arg5[%get3A_3125, %get3A_3126, %get3A_3127] {strides = array<i32>} : memref<2x8x128xi32, #tpu.memory_space<vmem>>, vector<1x1x16xi32>,
        %get3A_3129 = vector.shape_cast %get3A_3128 : vector<1x1x16xi32> to vector<16xi32>
        %shift_right_arithmetic3A_3130 = arith.constant 3 : i32
        %shift_right_arithmetic3A_3131 = vector.broadcast %shift_right_arithmetic3A_3130 : i32 to vector<16xi32>
        %shift_right_arithmetic3A_3132 = arith.shrsi %get3A_3129, %shift_right_arithmetic3A_3131 : vector<16xi32>
        %shift_left3A_3133 = arith.constant 5 : i32
        %shift_left3A_3134 = vector.broadcast %shift_left3A_3133 : i32 to vector<16xi32>
        %shift_left3A_3135 = arith.shli %shift_right_arithmetic3A_3132, %shift_left3A_3134 : vector<16xi32>
        %and3A_3136 = arith.constant 7 : i32
        %and3A_3137 = vector.broadcast %and3A_3136 : i32 to vector<16xi32>
        %and3A_3138 = arith.andi %get3A_3129, %and3A_3137 : vector<16xi32>
        %shift_left3A_3139 = arith.constant 2 : i32
        %shift_left3A_3140 = vector.broadcast %shift_left3A_3139 : i32 to vector<16xi32>
        %shift_left3A_3141 = arith.shli %and3A_3138, %shift_left3A_3140 : vector<16xi32>
        %add3A_3142 = arith.addi %shift_left3A_3135, %shift_left3A_3141 : vector<16xi32>
        %swap3A_3143 = arith.index_cast %sub3A_1700 : i32 to index
        %swap3A_3144 = arith.constant 672 : index
        %swap3A_3145 = tpu.vector_load %arg6[%swap3A_3143, %swap3A_3144] {strides = array<i32>} : memref<2x1024xi32, #tpu.memory_space<vmem>>, vector<1x16xi32>,
        %swap3A_3146 = vector.shape_cast %swap3A_3145 : vector<1x16xi32> to vector<16xi32>
        %swap3A_3147 = vector.shape_cast %add3A_3142 : vector<16xi32> to vector<1x16xi32>
        tpu.vector_store %arg6[%swap3A_3143, %swap3A_3144], %swap3A_3147 {strides = array<i32>} : memref<2x1024xi32, #tpu.memory_space<vmem>>, vector<1x16xi32>,
        %get3A_3148 = arith.constant 5 : i32
        %get3A_3149 = arith.index_cast %sub3A_1700 : i32 to index
        %get3A_3150 = arith.index_cast %get3A_3148 : i32 to index
        %get3A_3151 = arith.constant 48 : index
        %get3A_3152 = tpu.vector_load %arg5[%get3A_3149, %get3A_3150, %get3A_3151] {strides = array<i32>} : memref<2x8x128xi32, #tpu.memory_space<vmem>>, vector<1x1x16xi32>,
        %get3A_3153 = vector.shape_cast %get3A_3152 : vector<1x1x16xi32> to vector<16xi32>
        %shift_right_arithmetic3A_3154 = arith.constant 3 : i32
        %shift_right_arithmetic3A_3155 = vector.broadcast %shift_right_arithmetic3A_3154 : i32 to vector<16xi32>
        %shift_right_arithmetic3A_3156 = arith.shrsi %get3A_3153, %shift_right_arithmetic3A_3155 : vector<16xi32>
        %shift_left3A_3157 = arith.constant 5 : i32
        %shift_left3A_3158 = vector.broadcast %shift_left3A_3157 : i32 to vector<16xi32>
        %shift_left3A_3159 = arith.shli %shift_right_arithmetic3A_3156, %shift_left3A_3158 : vector<16xi32>
        %and3A_3160 = arith.constant 7 : i32
        %and3A_3161 = vector.broadcast %and3A_3160 : i32 to vector<16xi32>
        %and3A_3162 = arith.andi %get3A_3153, %and3A_3161 : vector<16xi32>
        %shift_left3A_3163 = arith.constant 2 : i32
        %shift_left3A_3164 = vector.broadcast %shift_left3A_3163 : i32 to vector<16xi32>
        %shift_left3A_3165 = arith.shli %and3A_3162, %shift_left3A_3164 : vector<16xi32>
        %add3A_3166 = arith.addi %shift_left3A_3159, %shift_left3A_3165 : vector<16xi32>
        %swap3A_3167 = arith.index_cast %sub3A_1700 : i32 to index
        %swap3A_3168 = arith.constant 688 : index
        %swap3A_3169 = tpu.vector_load %arg6[%swap3A_3167, %swap3A_3168] {strides = array<i32>} : memref<2x1024xi32, #tpu.memory_space<vmem>>, vector<1x16xi32>,
        %swap3A_3170 = vector.shape_cast %swap3A_3169 : vector<1x16xi32> to vector<16xi32>
        %swap3A_3171 = vector.shape_cast %add3A_3166 : vector<16xi32> to vector<1x16xi32>
        tpu.vector_store %arg6[%swap3A_3167, %swap3A_3168], %swap3A_3171 {strides = array<i32>} : memref<2x1024xi32, #tpu.memory_space<vmem>>, vector<1x16xi32>,
        %get3A_3172 = arith.constant 5 : i32
        %get3A_3173 = arith.index_cast %sub3A_1700 : i32 to index
        %get3A_3174 = arith.index_cast %get3A_3172 : i32 to index
        %get3A_3175 = arith.constant 64 : index
        %get3A_3176 = tpu.vector_load %arg5[%get3A_3173, %get3A_3174, %get3A_3175] {strides = array<i32>} : memref<2x8x128xi32, #tpu.memory_space<vmem>>, vector<1x1x16xi32>,
        %get3A_3177 = vector.shape_cast %get3A_3176 : vector<1x1x16xi32> to vector<16xi32>
        %shift_right_arithmetic3A_3178 = arith.constant 3 : i32
        %shift_right_arithmetic3A_3179 = vector.broadcast %shift_right_arithmetic3A_3178 : i32 to vector<16xi32>
        %shift_right_arithmetic3A_3180 = arith.shrsi %get3A_3177, %shift_right_arithmetic3A_3179 : vector<16xi32>
        %shift_left3A_3181 = arith.constant 5 : i32
        %shift_left3A_3182 = vector.broadcast %shift_left3A_3181 : i32 to vector<16xi32>
        %shift_left3A_3183 = arith.shli %shift_right_arithmetic3A_3180, %shift_left3A_3182 : vector<16xi32>
        %and3A_3184 = arith.constant 7 : i32
        %and3A_3185 = vector.broadcast %and3A_3184 : i32 to vector<16xi32>
        %and3A_3186 = arith.andi %get3A_3177, %and3A_3185 : vector<16xi32>
        %shift_left3A_3187 = arith.constant 2 : i32
        %shift_left3A_3188 = vector.broadcast %shift_left3A_3187 : i32 to vector<16xi32>
        %shift_left3A_3189 = arith.shli %and3A_3186, %shift_left3A_3188 : vector<16xi32>
        %add3A_3190 = arith.addi %shift_left3A_3183, %shift_left3A_3189 : vector<16xi32>
        %swap3A_3191 = arith.index_cast %sub3A_1700 : i32 to index
        %swap3A_3192 = arith.constant 704 : index
        %swap3A_3193 = tpu.vector_load %arg6[%swap3A_3191, %swap3A_3192] {strides = array<i32>} : memref<2x1024xi32, #tpu.memory_space<vmem>>, vector<1x16xi32>,
        %swap3A_3194 = vector.shape_cast %swap3A_3193 : vector<1x16xi32> to vector<16xi32>
        %swap3A_3195 = vector.shape_cast %add3A_3190 : vector<16xi32> to vector<1x16xi32>
        tpu.vector_store %arg6[%swap3A_3191, %swap3A_3192], %swap3A_3195 {strides = array<i32>} : memref<2x1024xi32, #tpu.memory_space<vmem>>, vector<1x16xi32>,
        %get3A_3196 = arith.constant 5 : i32
        %get3A_3197 = arith.index_cast %sub3A_1700 : i32 to index
        %get3A_3198 = arith.index_cast %get3A_3196 : i32 to index
        %get3A_3199 = arith.constant 80 : index
        %get3A_3200 = tpu.vector_load %arg5[%get3A_3197, %get3A_3198, %get3A_3199] {strides = array<i32>} : memref<2x8x128xi32, #tpu.memory_space<vmem>>, vector<1x1x16xi32>,
        %get3A_3201 = vector.shape_cast %get3A_3200 : vector<1x1x16xi32> to vector<16xi32>
        %shift_right_arithmetic3A_3202 = arith.constant 3 : i32
        %shift_right_arithmetic3A_3203 = vector.broadcast %shift_right_arithmetic3A_3202 : i32 to vector<16xi32>
        %shift_right_arithmetic3A_3204 = arith.shrsi %get3A_3201, %shift_right_arithmetic3A_3203 : vector<16xi32>
        %shift_left3A_3205 = arith.constant 5 : i32
        %shift_left3A_3206 = vector.broadcast %shift_left3A_3205 : i32 to vector<16xi32>
        %shift_left3A_3207 = arith.shli %shift_right_arithmetic3A_3204, %shift_left3A_3206 : vector<16xi32>
        %and3A_3208 = arith.constant 7 : i32
        %and3A_3209 = vector.broadcast %and3A_3208 : i32 to vector<16xi32>
        %and3A_3210 = arith.andi %get3A_3201, %and3A_3209 : vector<16xi32>
        %shift_left3A_3211 = arith.constant 2 : i32
        %shift_left3A_3212 = vector.broadcast %shift_left3A_3211 : i32 to vector<16xi32>
        %shift_left3A_3213 = arith.shli %and3A_3210, %shift_left3A_3212 : vector<16xi32>
        %add3A_3214 = arith.addi %shift_left3A_3207, %shift_left3A_3213 : vector<16xi32>
        %swap3A_3215 = arith.index_cast %sub3A_1700 : i32 to index
        %swap3A_3216 = arith.constant 720 : index
        %swap3A_3217 = tpu.vector_load %arg6[%swap3A_3215, %swap3A_3216] {strides = array<i32>} : memref<2x1024xi32, #tpu.memory_space<vmem>>, vector<1x16xi32>,
        %swap3A_3218 = vector.shape_cast %swap3A_3217 : vector<1x16xi32> to vector<16xi32>
        %swap3A_3219 = vector.shape_cast %add3A_3214 : vector<16xi32> to vector<1x16xi32>
        tpu.vector_store %arg6[%swap3A_3215, %swap3A_3216], %swap3A_3219 {strides = array<i32>} : memref<2x1024xi32, #tpu.memory_space<vmem>>, vector<1x16xi32>,
        %get3A_3220 = arith.constant 5 : i32
        %get3A_3221 = arith.index_cast %sub3A_1700 : i32 to index
        %get3A_3222 = arith.index_cast %get3A_3220 : i32 to index
        %get3A_3223 = arith.constant 96 : index
        %get3A_3224 = tpu.vector_load %arg5[%get3A_3221, %get3A_3222, %get3A_3223] {strides = array<i32>} : memref<2x8x128xi32, #tpu.memory_space<vmem>>, vector<1x1x16xi32>,
        %get3A_3225 = vector.shape_cast %get3A_3224 : vector<1x1x16xi32> to vector<16xi32>
        %shift_right_arithmetic3A_3226 = arith.constant 3 : i32
        %shift_right_arithmetic3A_3227 = vector.broadcast %shift_right_arithmetic3A_3226 : i32 to vector<16xi32>
        %shift_right_arithmetic3A_3228 = arith.shrsi %get3A_3225, %shift_right_arithmetic3A_3227 : vector<16xi32>
        %shift_left3A_3229 = arith.constant 5 : i32
        %shift_left3A_3230 = vector.broadcast %shift_left3A_3229 : i32 to vector<16xi32>
        %shift_left3A_3231 = arith.shli %shift_right_arithmetic3A_3228, %shift_left3A_3230 : vector<16xi32>
        %and3A_3232 = arith.constant 7 : i32
        %and3A_3233 = vector.broadcast %and3A_3232 : i32 to vector<16xi32>
        %and3A_3234 = arith.andi %get3A_3225, %and3A_3233 : vector<16xi32>
        %shift_left3A_3235 = arith.constant 2 : i32
        %shift_left3A_3236 = vector.broadcast %shift_left3A_3235 : i32 to vector<16xi32>
        %shift_left3A_3237 = arith.shli %and3A_3234, %shift_left3A_3236 : vector<16xi32>
        %add3A_3238 = arith.addi %shift_left3A_3231, %shift_left3A_3237 : vector<16xi32>
        %swap3A_3239 = arith.index_cast %sub3A_1700 : i32 to index
        %swap3A_3240 = arith.constant 736 : index
        %swap3A_3241 = tpu.vector_load %arg6[%swap3A_3239, %swap3A_3240] {strides = array<i32>} : memref<2x1024xi32, #tpu.memory_space<vmem>>, vector<1x16xi32>,
        %swap3A_3242 = vector.shape_cast %swap3A_3241 : vector<1x16xi32> to vector<16xi32>
        %swap3A_3243 = vector.shape_cast %add3A_3238 : vector<16xi32> to vector<1x16xi32>
        tpu.vector_store %arg6[%swap3A_3239, %swap3A_3240], %swap3A_3243 {strides = array<i32>} : memref<2x1024xi32, #tpu.memory_space<vmem>>, vector<1x16xi32>,
        %get3A_3244 = arith.constant 5 : i32
        %get3A_3245 = arith.index_cast %sub3A_1700 : i32 to index
        %get3A_3246 = arith.index_cast %get3A_3244 : i32 to index
        %get3A_3247 = arith.constant 112 : index
        %get3A_3248 = tpu.vector_load %arg5[%get3A_3245, %get3A_3246, %get3A_3247] {strides = array<i32>} : memref<2x8x128xi32, #tpu.memory_space<vmem>>, vector<1x1x16xi32>,
        %get3A_3249 = vector.shape_cast %get3A_3248 : vector<1x1x16xi32> to vector<16xi32>
        %shift_right_arithmetic3A_3250 = arith.constant 3 : i32
        %shift_right_arithmetic3A_3251 = vector.broadcast %shift_right_arithmetic3A_3250 : i32 to vector<16xi32>
        %shift_right_arithmetic3A_3252 = arith.shrsi %get3A_3249, %shift_right_arithmetic3A_3251 : vector<16xi32>
        %shift_left3A_3253 = arith.constant 5 : i32
        %shift_left3A_3254 = vector.broadcast %shift_left3A_3253 : i32 to vector<16xi32>
        %shift_left3A_3255 = arith.shli %shift_right_arithmetic3A_3252, %shift_left3A_3254 : vector<16xi32>
        %and3A_3256 = arith.constant 7 : i32
        %and3A_3257 = vector.broadcast %and3A_3256 : i32 to vector<16xi32>
        %and3A_3258 = arith.andi %get3A_3249, %and3A_3257 : vector<16xi32>
        %shift_left3A_3259 = arith.constant 2 : i32
        %shift_left3A_3260 = vector.broadcast %shift_left3A_3259 : i32 to vector<16xi32>
        %shift_left3A_3261 = arith.shli %and3A_3258, %shift_left3A_3260 : vector<16xi32>
        %add3A_3262 = arith.addi %shift_left3A_3255, %shift_left3A_3261 : vector<16xi32>
        %swap3A_3263 = arith.index_cast %sub3A_1700 : i32 to index
        %swap3A_3264 = arith.constant 752 : index
        %swap3A_3265 = tpu.vector_load %arg6[%swap3A_3263, %swap3A_3264] {strides = array<i32>} : memref<2x1024xi32, #tpu.memory_space<vmem>>, vector<1x16xi32>,
        %swap3A_3266 = vector.shape_cast %swap3A_3265 : vector<1x16xi32> to vector<16xi32>
        %swap3A_3267 = vector.shape_cast %add3A_3262 : vector<16xi32> to vector<1x16xi32>
        tpu.vector_store %arg6[%swap3A_3263, %swap3A_3264], %swap3A_3267 {strides = array<i32>} : memref<2x1024xi32, #tpu.memory_space<vmem>>, vector<1x16xi32>,
        %get3A_3268 = arith.constant 6 : i32
        %get3A_3269 = arith.index_cast %sub3A_1700 : i32 to index
        %get3A_3270 = arith.index_cast %get3A_3268 : i32 to index
        %get3A_3271 = arith.constant 0 : index
        %get3A_3272 = tpu.vector_load %arg5[%get3A_3269, %get3A_3270, %get3A_3271] {strides = array<i32>} : memref<2x8x128xi32, #tpu.memory_space<vmem>>, vector<1x1x16xi32>,
        %get3A_3273 = vector.shape_cast %get3A_3272 : vector<1x1x16xi32> to vector<16xi32>
        %shift_right_arithmetic3A_3274 = arith.constant 3 : i32
        %shift_right_arithmetic3A_3275 = vector.broadcast %shift_right_arithmetic3A_3274 : i32 to vector<16xi32>
        %shift_right_arithmetic3A_3276 = arith.shrsi %get3A_3273, %shift_right_arithmetic3A_3275 : vector<16xi32>
        %shift_left3A_3277 = arith.constant 5 : i32
        %shift_left3A_3278 = vector.broadcast %shift_left3A_3277 : i32 to vector<16xi32>
        %shift_left3A_3279 = arith.shli %shift_right_arithmetic3A_3276, %shift_left3A_3278 : vector<16xi32>
        %and3A_3280 = arith.constant 7 : i32
        %and3A_3281 = vector.broadcast %and3A_3280 : i32 to vector<16xi32>
        %and3A_3282 = arith.andi %get3A_3273, %and3A_3281 : vector<16xi32>
        %shift_left3A_3283 = arith.constant 2 : i32
        %shift_left3A_3284 = vector.broadcast %shift_left3A_3283 : i32 to vector<16xi32>
        %shift_left3A_3285 = arith.shli %and3A_3282, %shift_left3A_3284 : vector<16xi32>
        %add3A_3286 = arith.addi %shift_left3A_3279, %shift_left3A_3285 : vector<16xi32>
        %swap3A_3287 = arith.index_cast %sub3A_1700 : i32 to index
        %swap3A_3288 = arith.constant 768 : index
        %swap3A_3289 = tpu.vector_load %arg6[%swap3A_3287, %swap3A_3288] {strides = array<i32>} : memref<2x1024xi32, #tpu.memory_space<vmem>>, vector<1x16xi32>,
        %swap3A_3290 = vector.shape_cast %swap3A_3289 : vector<1x16xi32> to vector<16xi32>
        %swap3A_3291 = vector.shape_cast %add3A_3286 : vector<16xi32> to vector<1x16xi32>
        tpu.vector_store %arg6[%swap3A_3287, %swap3A_3288], %swap3A_3291 {strides = array<i32>} : memref<2x1024xi32, #tpu.memory_space<vmem>>, vector<1x16xi32>,
        %get3A_3292 = arith.constant 6 : i32
        %get3A_3293 = arith.index_cast %sub3A_1700 : i32 to index
        %get3A_3294 = arith.index_cast %get3A_3292 : i32 to index
        %get3A_3295 = arith.constant 16 : index
        %get3A_3296 = tpu.vector_load %arg5[%get3A_3293, %get3A_3294, %get3A_3295] {strides = array<i32>} : memref<2x8x128xi32, #tpu.memory_space<vmem>>, vector<1x1x16xi32>,
        %get3A_3297 = vector.shape_cast %get3A_3296 : vector<1x1x16xi32> to vector<16xi32>
        %shift_right_arithmetic3A_3298 = arith.constant 3 : i32
        %shift_right_arithmetic3A_3299 = vector.broadcast %shift_right_arithmetic3A_3298 : i32 to vector<16xi32>
        %shift_right_arithmetic3A_3300 = arith.shrsi %get3A_3297, %shift_right_arithmetic3A_3299 : vector<16xi32>
        %shift_left3A_3301 = arith.constant 5 : i32
        %shift_left3A_3302 = vector.broadcast %shift_left3A_3301 : i32 to vector<16xi32>
        %shift_left3A_3303 = arith.shli %shift_right_arithmetic3A_3300, %shift_left3A_3302 : vector<16xi32>
        %and3A_3304 = arith.constant 7 : i32
        %and3A_3305 = vector.broadcast %and3A_3304 : i32 to vector<16xi32>
        %and3A_3306 = arith.andi %get3A_3297, %and3A_3305 : vector<16xi32>
        %shift_left3A_3307 = arith.constant 2 : i32
        %shift_left3A_3308 = vector.broadcast %shift_left3A_3307 : i32 to vector<16xi32>
        %shift_left3A_3309 = arith.shli %and3A_3306, %shift_left3A_3308 : vector<16xi32>
        %add3A_3310 = arith.addi %shift_left3A_3303, %shift_left3A_3309 : vector<16xi32>
        %swap3A_3311 = arith.index_cast %sub3A_1700 : i32 to index
        %swap3A_3312 = arith.constant 784 : index
        %swap3A_3313 = tpu.vector_load %arg6[%swap3A_3311, %swap3A_3312] {strides = array<i32>} : memref<2x1024xi32, #tpu.memory_space<vmem>>, vector<1x16xi32>,
        %swap3A_3314 = vector.shape_cast %swap3A_3313 : vector<1x16xi32> to vector<16xi32>
        %swap3A_3315 = vector.shape_cast %add3A_3310 : vector<16xi32> to vector<1x16xi32>
        tpu.vector_store %arg6[%swap3A_3311, %swap3A_3312], %swap3A_3315 {strides = array<i32>} : memref<2x1024xi32, #tpu.memory_space<vmem>>, vector<1x16xi32>,
        %get3A_3316 = arith.constant 6 : i32
        %get3A_3317 = arith.index_cast %sub3A_1700 : i32 to index
        %get3A_3318 = arith.index_cast %get3A_3316 : i32 to index
        %get3A_3319 = arith.constant 32 : index
        %get3A_3320 = tpu.vector_load %arg5[%get3A_3317, %get3A_3318, %get3A_3319] {strides = array<i32>} : memref<2x8x128xi32, #tpu.memory_space<vmem>>, vector<1x1x16xi32>,
        %get3A_3321 = vector.shape_cast %get3A_3320 : vector<1x1x16xi32> to vector<16xi32>
        %shift_right_arithmetic3A_3322 = arith.constant 3 : i32
        %shift_right_arithmetic3A_3323 = vector.broadcast %shift_right_arithmetic3A_3322 : i32 to vector<16xi32>
        %shift_right_arithmetic3A_3324 = arith.shrsi %get3A_3321, %shift_right_arithmetic3A_3323 : vector<16xi32>
        %shift_left3A_3325 = arith.constant 5 : i32
        %shift_left3A_3326 = vector.broadcast %shift_left3A_3325 : i32 to vector<16xi32>
        %shift_left3A_3327 = arith.shli %shift_right_arithmetic3A_3324, %shift_left3A_3326 : vector<16xi32>
        %and3A_3328 = arith.constant 7 : i32
        %and3A_3329 = vector.broadcast %and3A_3328 : i32 to vector<16xi32>
        %and3A_3330 = arith.andi %get3A_3321, %and3A_3329 : vector<16xi32>
        %shift_left3A_3331 = arith.constant 2 : i32
        %shift_left3A_3332 = vector.broadcast %shift_left3A_3331 : i32 to vector<16xi32>
        %shift_left3A_3333 = arith.shli %and3A_3330, %shift_left3A_3332 : vector<16xi32>
        %add3A_3334 = arith.addi %shift_left3A_3327, %shift_left3A_3333 : vector<16xi32>
        %swap3A_3335 = arith.index_cast %sub3A_1700 : i32 to index
        %swap3A_3336 = arith.constant 800 : index
        %swap3A_3337 = tpu.vector_load %arg6[%swap3A_3335, %swap3A_3336] {strides = array<i32>} : memref<2x1024xi32, #tpu.memory_space<vmem>>, vector<1x16xi32>,
        %swap3A_3338 = vector.shape_cast %swap3A_3337 : vector<1x16xi32> to vector<16xi32>
        %swap3A_3339 = vector.shape_cast %add3A_3334 : vector<16xi32> to vector<1x16xi32>
        tpu.vector_store %arg6[%swap3A_3335, %swap3A_3336], %swap3A_3339 {strides = array<i32>} : memref<2x1024xi32, #tpu.memory_space<vmem>>, vector<1x16xi32>,
        %get3A_3340 = arith.constant 6 : i32
        %get3A_3341 = arith.index_cast %sub3A_1700 : i32 to index
        %get3A_3342 = arith.index_cast %get3A_3340 : i32 to index
        %get3A_3343 = arith.constant 48 : index
        %get3A_3344 = tpu.vector_load %arg5[%get3A_3341, %get3A_3342, %get3A_3343] {strides = array<i32>} : memref<2x8x128xi32, #tpu.memory_space<vmem>>, vector<1x1x16xi32>,
        %get3A_3345 = vector.shape_cast %get3A_3344 : vector<1x1x16xi32> to vector<16xi32>
        %shift_right_arithmetic3A_3346 = arith.constant 3 : i32
        %shift_right_arithmetic3A_3347 = vector.broadcast %shift_right_arithmetic3A_3346 : i32 to vector<16xi32>
        %shift_right_arithmetic3A_3348 = arith.shrsi %get3A_3345, %shift_right_arithmetic3A_3347 : vector<16xi32>
        %shift_left3A_3349 = arith.constant 5 : i32
        %shift_left3A_3350 = vector.broadcast %shift_left3A_3349 : i32 to vector<16xi32>
        %shift_left3A_3351 = arith.shli %shift_right_arithmetic3A_3348, %shift_left3A_3350 : vector<16xi32>
        %and3A_3352 = arith.constant 7 : i32
        %and3A_3353 = vector.broadcast %and3A_3352 : i32 to vector<16xi32>
        %and3A_3354 = arith.andi %get3A_3345, %and3A_3353 : vector<16xi32>
        %shift_left3A_3355 = arith.constant 2 : i32
        %shift_left3A_3356 = vector.broadcast %shift_left3A_3355 : i32 to vector<16xi32>
        %shift_left3A_3357 = arith.shli %and3A_3354, %shift_left3A_3356 : vector<16xi32>
        %add3A_3358 = arith.addi %shift_left3A_3351, %shift_left3A_3357 : vector<16xi32>
        %swap3A_3359 = arith.index_cast %sub3A_1700 : i32 to index
        %swap3A_3360 = arith.constant 816 : index
        %swap3A_3361 = tpu.vector_load %arg6[%swap3A_3359, %swap3A_3360] {strides = array<i32>} : memref<2x1024xi32, #tpu.memory_space<vmem>>, vector<1x16xi32>,
        %swap3A_3362 = vector.shape_cast %swap3A_3361 : vector<1x16xi32> to vector<16xi32>
        %swap3A_3363 = vector.shape_cast %add3A_3358 : vector<16xi32> to vector<1x16xi32>
        tpu.vector_store %arg6[%swap3A_3359, %swap3A_3360], %swap3A_3363 {strides = array<i32>} : memref<2x1024xi32, #tpu.memory_space<vmem>>, vector<1x16xi32>,
        %get3A_3364 = arith.constant 6 : i32
        %get3A_3365 = arith.index_cast %sub3A_1700 : i32 to index
        %get3A_3366 = arith.index_cast %get3A_3364 : i32 to index
        %get3A_3367 = arith.constant 64 : index
        %get3A_3368 = tpu.vector_load %arg5[%get3A_3365, %get3A_3366, %get3A_3367] {strides = array<i32>} : memref<2x8x128xi32, #tpu.memory_space<vmem>>, vector<1x1x16xi32>,
        %get3A_3369 = vector.shape_cast %get3A_3368 : vector<1x1x16xi32> to vector<16xi32>
        %shift_right_arithmetic3A_3370 = arith.constant 3 : i32
        %shift_right_arithmetic3A_3371 = vector.broadcast %shift_right_arithmetic3A_3370 : i32 to vector<16xi32>
        %shift_right_arithmetic3A_3372 = arith.shrsi %get3A_3369, %shift_right_arithmetic3A_3371 : vector<16xi32>
        %shift_left3A_3373 = arith.constant 5 : i32
        %shift_left3A_3374 = vector.broadcast %shift_left3A_3373 : i32 to vector<16xi32>
        %shift_left3A_3375 = arith.shli %shift_right_arithmetic3A_3372, %shift_left3A_3374 : vector<16xi32>
        %and3A_3376 = arith.constant 7 : i32
        %and3A_3377 = vector.broadcast %and3A_3376 : i32 to vector<16xi32>
        %and3A_3378 = arith.andi %get3A_3369, %and3A_3377 : vector<16xi32>
        %shift_left3A_3379 = arith.constant 2 : i32
        %shift_left3A_3380 = vector.broadcast %shift_left3A_3379 : i32 to vector<16xi32>
        %shift_left3A_3381 = arith.shli %and3A_3378, %shift_left3A_3380 : vector<16xi32>
        %add3A_3382 = arith.addi %shift_left3A_3375, %shift_left3A_3381 : vector<16xi32>
        %swap3A_3383 = arith.index_cast %sub3A_1700 : i32 to index
        %swap3A_3384 = arith.constant 832 : index
        %swap3A_3385 = tpu.vector_load %arg6[%swap3A_3383, %swap3A_3384] {strides = array<i32>} : memref<2x1024xi32, #tpu.memory_space<vmem>>, vector<1x16xi32>,
        %swap3A_3386 = vector.shape_cast %swap3A_3385 : vector<1x16xi32> to vector<16xi32>
        %swap3A_3387 = vector.shape_cast %add3A_3382 : vector<16xi32> to vector<1x16xi32>
        tpu.vector_store %arg6[%swap3A_3383, %swap3A_3384], %swap3A_3387 {strides = array<i32>} : memref<2x1024xi32, #tpu.memory_space<vmem>>, vector<1x16xi32>,
        %get3A_3388 = arith.constant 6 : i32
        %get3A_3389 = arith.index_cast %sub3A_1700 : i32 to index
        %get3A_3390 = arith.index_cast %get3A_3388 : i32 to index
        %get3A_3391 = arith.constant 80 : index
        %get3A_3392 = tpu.vector_load %arg5[%get3A_3389, %get3A_3390, %get3A_3391] {strides = array<i32>} : memref<2x8x128xi32, #tpu.memory_space<vmem>>, vector<1x1x16xi32>,
        %get3A_3393 = vector.shape_cast %get3A_3392 : vector<1x1x16xi32> to vector<16xi32>
        %shift_right_arithmetic3A_3394 = arith.constant 3 : i32
        %shift_right_arithmetic3A_3395 = vector.broadcast %shift_right_arithmetic3A_3394 : i32 to vector<16xi32>
        %shift_right_arithmetic3A_3396 = arith.shrsi %get3A_3393, %shift_right_arithmetic3A_3395 : vector<16xi32>
        %shift_left3A_3397 = arith.constant 5 : i32
        %shift_left3A_3398 = vector.broadcast %shift_left3A_3397 : i32 to vector<16xi32>
        %shift_left3A_3399 = arith.shli %shift_right_arithmetic3A_3396, %shift_left3A_3398 : vector<16xi32>
        %and3A_3400 = arith.constant 7 : i32
        %and3A_3401 = vector.broadcast %and3A_3400 : i32 to vector<16xi32>
        %and3A_3402 = arith.andi %get3A_3393, %and3A_3401 : vector<16xi32>
        %shift_left3A_3403 = arith.constant 2 : i32
        %shift_left3A_3404 = vector.broadcast %shift_left3A_3403 : i32 to vector<16xi32>
        %shift_left3A_3405 = arith.shli %and3A_3402, %shift_left3A_3404 : vector<16xi32>
        %add3A_3406 = arith.addi %shift_left3A_3399, %shift_left3A_3405 : vector<16xi32>
        %swap3A_3407 = arith.index_cast %sub3A_1700 : i32 to index
        %swap3A_3408 = arith.constant 848 : index
        %swap3A_3409 = tpu.vector_load %arg6[%swap3A_3407, %swap3A_3408] {strides = array<i32>} : memref<2x1024xi32, #tpu.memory_space<vmem>>, vector<1x16xi32>,
        %swap3A_3410 = vector.shape_cast %swap3A_3409 : vector<1x16xi32> to vector<16xi32>
        %swap3A_3411 = vector.shape_cast %add3A_3406 : vector<16xi32> to vector<1x16xi32>
        tpu.vector_store %arg6[%swap3A_3407, %swap3A_3408], %swap3A_3411 {strides = array<i32>} : memref<2x1024xi32, #tpu.memory_space<vmem>>, vector<1x16xi32>,
        %get3A_3412 = arith.constant 6 : i32
        %get3A_3413 = arith.index_cast %sub3A_1700 : i32 to index
        %get3A_3414 = arith.index_cast %get3A_3412 : i32 to index
        %get3A_3415 = arith.constant 96 : index
        %get3A_3416 = tpu.vector_load %arg5[%get3A_3413, %get3A_3414, %get3A_3415] {strides = array<i32>} : memref<2x8x128xi32, #tpu.memory_space<vmem>>, vector<1x1x16xi32>,
        %get3A_3417 = vector.shape_cast %get3A_3416 : vector<1x1x16xi32> to vector<16xi32>
        %shift_right_arithmetic3A_3418 = arith.constant 3 : i32
        %shift_right_arithmetic3A_3419 = vector.broadcast %shift_right_arithmetic3A_3418 : i32 to vector<16xi32>
        %shift_right_arithmetic3A_3420 = arith.shrsi %get3A_3417, %shift_right_arithmetic3A_3419 : vector<16xi32>
        %shift_left3A_3421 = arith.constant 5 : i32
        %shift_left3A_3422 = vector.broadcast %shift_left3A_3421 : i32 to vector<16xi32>
        %shift_left3A_3423 = arith.shli %shift_right_arithmetic3A_3420, %shift_left3A_3422 : vector<16xi32>
        %and3A_3424 = arith.constant 7 : i32
        %and3A_3425 = vector.broadcast %and3A_3424 : i32 to vector<16xi32>
        %and3A_3426 = arith.andi %get3A_3417, %and3A_3425 : vector<16xi32>
        %shift_left3A_3427 = arith.constant 2 : i32
        %shift_left3A_3428 = vector.broadcast %shift_left3A_3427 : i32 to vector<16xi32>
        %shift_left3A_3429 = arith.shli %and3A_3426, %shift_left3A_3428 : vector<16xi32>
        %add3A_3430 = arith.addi %shift_left3A_3423, %shift_left3A_3429 : vector<16xi32>
        %swap3A_3431 = arith.index_cast %sub3A_1700 : i32 to index
        %swap3A_3432 = arith.constant 864 : index
        %swap3A_3433 = tpu.vector_load %arg6[%swap3A_3431, %swap3A_3432] {strides = array<i32>} : memref<2x1024xi32, #tpu.memory_space<vmem>>, vector<1x16xi32>,
        %swap3A_3434 = vector.shape_cast %swap3A_3433 : vector<1x16xi32> to vector<16xi32>
        %swap3A_3435 = vector.shape_cast %add3A_3430 : vector<16xi32> to vector<1x16xi32>
        tpu.vector_store %arg6[%swap3A_3431, %swap3A_3432], %swap3A_3435 {strides = array<i32>} : memref<2x1024xi32, #tpu.memory_space<vmem>>, vector<1x16xi32>,
        %get3A_3436 = arith.constant 6 : i32
        %get3A_3437 = arith.index_cast %sub3A_1700 : i32 to index
        %get3A_3438 = arith.index_cast %get3A_3436 : i32 to index
        %get3A_3439 = arith.constant 112 : index
        %get3A_3440 = tpu.vector_load %arg5[%get3A_3437, %get3A_3438, %get3A_3439] {strides = array<i32>} : memref<2x8x128xi32, #tpu.memory_space<vmem>>, vector<1x1x16xi32>,
        %get3A_3441 = vector.shape_cast %get3A_3440 : vector<1x1x16xi32> to vector<16xi32>
        %shift_right_arithmetic3A_3442 = arith.constant 3 : i32
        %shift_right_arithmetic3A_3443 = vector.broadcast %shift_right_arithmetic3A_3442 : i32 to vector<16xi32>
        %shift_right_arithmetic3A_3444 = arith.shrsi %get3A_3441, %shift_right_arithmetic3A_3443 : vector<16xi32>
        %shift_left3A_3445 = arith.constant 5 : i32
        %shift_left3A_3446 = vector.broadcast %shift_left3A_3445 : i32 to vector<16xi32>
        %shift_left3A_3447 = arith.shli %shift_right_arithmetic3A_3444, %shift_left3A_3446 : vector<16xi32>
        %and3A_3448 = arith.constant 7 : i32
        %and3A_3449 = vector.broadcast %and3A_3448 : i32 to vector<16xi32>
        %and3A_3450 = arith.andi %get3A_3441, %and3A_3449 : vector<16xi32>
        %shift_left3A_3451 = arith.constant 2 : i32
        %shift_left3A_3452 = vector.broadcast %shift_left3A_3451 : i32 to vector<16xi32>
        %shift_left3A_3453 = arith.shli %and3A_3450, %shift_left3A_3452 : vector<16xi32>
        %add3A_3454 = arith.addi %shift_left3A_3447, %shift_left3A_3453 : vector<16xi32>
        %swap3A_3455 = arith.index_cast %sub3A_1700 : i32 to index
        %swap3A_3456 = arith.constant 880 : index
        %swap3A_3457 = tpu.vector_load %arg6[%swap3A_3455, %swap3A_3456] {strides = array<i32>} : memref<2x1024xi32, #tpu.memory_space<vmem>>, vector<1x16xi32>,
        %swap3A_3458 = vector.shape_cast %swap3A_3457 : vector<1x16xi32> to vector<16xi32>
        %swap3A_3459 = vector.shape_cast %add3A_3454 : vector<16xi32> to vector<1x16xi32>
        tpu.vector_store %arg6[%swap3A_3455, %swap3A_3456], %swap3A_3459 {strides = array<i32>} : memref<2x1024xi32, #tpu.memory_space<vmem>>, vector<1x16xi32>,
        %get3A_3460 = arith.constant 7 : i32
        %get3A_3461 = arith.index_cast %sub3A_1700 : i32 to index
        %get3A_3462 = arith.index_cast %get3A_3460 : i32 to index
        %get3A_3463 = arith.constant 0 : index
        %get3A_3464 = tpu.vector_load %arg5[%get3A_3461, %get3A_3462, %get3A_3463] {strides = array<i32>} : memref<2x8x128xi32, #tpu.memory_space<vmem>>, vector<1x1x16xi32>,
        %get3A_3465 = vector.shape_cast %get3A_3464 : vector<1x1x16xi32> to vector<16xi32>
        %shift_right_arithmetic3A_3466 = arith.constant 3 : i32
        %shift_right_arithmetic3A_3467 = vector.broadcast %shift_right_arithmetic3A_3466 : i32 to vector<16xi32>
        %shift_right_arithmetic3A_3468 = arith.shrsi %get3A_3465, %shift_right_arithmetic3A_3467 : vector<16xi32>
        %shift_left3A_3469 = arith.constant 5 : i32
        %shift_left3A_3470 = vector.broadcast %shift_left3A_3469 : i32 to vector<16xi32>
        %shift_left3A_3471 = arith.shli %shift_right_arithmetic3A_3468, %shift_left3A_3470 : vector<16xi32>
        %and3A_3472 = arith.constant 7 : i32
        %and3A_3473 = vector.broadcast %and3A_3472 : i32 to vector<16xi32>
        %and3A_3474 = arith.andi %get3A_3465, %and3A_3473 : vector<16xi32>
        %shift_left3A_3475 = arith.constant 2 : i32
        %shift_left3A_3476 = vector.broadcast %shift_left3A_3475 : i32 to vector<16xi32>
        %shift_left3A_3477 = arith.shli %and3A_3474, %shift_left3A_3476 : vector<16xi32>
        %add3A_3478 = arith.addi %shift_left3A_3471, %shift_left3A_3477 : vector<16xi32>
        %swap3A_3479 = arith.index_cast %sub3A_1700 : i32 to index
        %swap3A_3480 = arith.constant 896 : index
        %swap3A_3481 = tpu.vector_load %arg6[%swap3A_3479, %swap3A_3480] {strides = array<i32>} : memref<2x1024xi32, #tpu.memory_space<vmem>>, vector<1x16xi32>,
        %swap3A_3482 = vector.shape_cast %swap3A_3481 : vector<1x16xi32> to vector<16xi32>
        %swap3A_3483 = vector.shape_cast %add3A_3478 : vector<16xi32> to vector<1x16xi32>
        tpu.vector_store %arg6[%swap3A_3479, %swap3A_3480], %swap3A_3483 {strides = array<i32>} : memref<2x1024xi32, #tpu.memory_space<vmem>>, vector<1x16xi32>,
        %get3A_3484 = arith.constant 7 : i32
        %get3A_3485 = arith.index_cast %sub3A_1700 : i32 to index
        %get3A_3486 = arith.index_cast %get3A_3484 : i32 to index
        %get3A_3487 = arith.constant 16 : index
        %get3A_3488 = tpu.vector_load %arg5[%get3A_3485, %get3A_3486, %get3A_3487] {strides = array<i32>} : memref<2x8x128xi32, #tpu.memory_space<vmem>>, vector<1x1x16xi32>,
        %get3A_3489 = vector.shape_cast %get3A_3488 : vector<1x1x16xi32> to vector<16xi32>
        %shift_right_arithmetic3A_3490 = arith.constant 3 : i32
        %shift_right_arithmetic3A_3491 = vector.broadcast %shift_right_arithmetic3A_3490 : i32 to vector<16xi32>
        %shift_right_arithmetic3A_3492 = arith.shrsi %get3A_3489, %shift_right_arithmetic3A_3491 : vector<16xi32>
        %shift_left3A_3493 = arith.constant 5 : i32
        %shift_left3A_3494 = vector.broadcast %shift_left3A_3493 : i32 to vector<16xi32>
        %shift_left3A_3495 = arith.shli %shift_right_arithmetic3A_3492, %shift_left3A_3494 : vector<16xi32>
        %and3A_3496 = arith.constant 7 : i32
        %and3A_3497 = vector.broadcast %and3A_3496 : i32 to vector<16xi32>
        %and3A_3498 = arith.andi %get3A_3489, %and3A_3497 : vector<16xi32>
        %shift_left3A_3499 = arith.constant 2 : i32
        %shift_left3A_3500 = vector.broadcast %shift_left3A_3499 : i32 to vector<16xi32>
        %shift_left3A_3501 = arith.shli %and3A_3498, %shift_left3A_3500 : vector<16xi32>
        %add3A_3502 = arith.addi %shift_left3A_3495, %shift_left3A_3501 : vector<16xi32>
        %swap3A_3503 = arith.index_cast %sub3A_1700 : i32 to index
        %swap3A_3504 = arith.constant 912 : index
        %swap3A_3505 = tpu.vector_load %arg6[%swap3A_3503, %swap3A_3504] {strides = array<i32>} : memref<2x1024xi32, #tpu.memory_space<vmem>>, vector<1x16xi32>,
        %swap3A_3506 = vector.shape_cast %swap3A_3505 : vector<1x16xi32> to vector<16xi32>
        %swap3A_3507 = vector.shape_cast %add3A_3502 : vector<16xi32> to vector<1x16xi32>
        tpu.vector_store %arg6[%swap3A_3503, %swap3A_3504], %swap3A_3507 {strides = array<i32>} : memref<2x1024xi32, #tpu.memory_space<vmem>>, vector<1x16xi32>,
        %get3A_3508 = arith.constant 7 : i32
        %get3A_3509 = arith.index_cast %sub3A_1700 : i32 to index
        %get3A_3510 = arith.index_cast %get3A_3508 : i32 to index
        %get3A_3511 = arith.constant 32 : index
        %get3A_3512 = tpu.vector_load %arg5[%get3A_3509, %get3A_3510, %get3A_3511] {strides = array<i32>} : memref<2x8x128xi32, #tpu.memory_space<vmem>>, vector<1x1x16xi32>,
        %get3A_3513 = vector.shape_cast %get3A_3512 : vector<1x1x16xi32> to vector<16xi32>
        %shift_right_arithmetic3A_3514 = arith.constant 3 : i32
        %shift_right_arithmetic3A_3515 = vector.broadcast %shift_right_arithmetic3A_3514 : i32 to vector<16xi32>
        %shift_right_arithmetic3A_3516 = arith.shrsi %get3A_3513, %shift_right_arithmetic3A_3515 : vector<16xi32>
        %shift_left3A_3517 = arith.constant 5 : i32
        %shift_left3A_3518 = vector.broadcast %shift_left3A_3517 : i32 to vector<16xi32>
        %shift_left3A_3519 = arith.shli %shift_right_arithmetic3A_3516, %shift_left3A_3518 : vector<16xi32>
        %and3A_3520 = arith.constant 7 : i32
        %and3A_3521 = vector.broadcast %and3A_3520 : i32 to vector<16xi32>
        %and3A_3522 = arith.andi %get3A_3513, %and3A_3521 : vector<16xi32>
        %shift_left3A_3523 = arith.constant 2 : i32
        %shift_left3A_3524 = vector.broadcast %shift_left3A_3523 : i32 to vector<16xi32>
        %shift_left3A_3525 = arith.shli %and3A_3522, %shift_left3A_3524 : vector<16xi32>
        %add3A_3526 = arith.addi %shift_left3A_3519, %shift_left3A_3525 : vector<16xi32>
        %swap3A_3527 = arith.index_cast %sub3A_1700 : i32 to index
        %swap3A_3528 = arith.constant 928 : index
        %swap3A_3529 = tpu.vector_load %arg6[%swap3A_3527, %swap3A_3528] {strides = array<i32>} : memref<2x1024xi32, #tpu.memory_space<vmem>>, vector<1x16xi32>,
        %swap3A_3530 = vector.shape_cast %swap3A_3529 : vector<1x16xi32> to vector<16xi32>
        %swap3A_3531 = vector.shape_cast %add3A_3526 : vector<16xi32> to vector<1x16xi32>
        tpu.vector_store %arg6[%swap3A_3527, %swap3A_3528], %swap3A_3531 {strides = array<i32>} : memref<2x1024xi32, #tpu.memory_space<vmem>>, vector<1x16xi32>,
        %get3A_3532 = arith.constant 7 : i32
        %get3A_3533 = arith.index_cast %sub3A_1700 : i32 to index
        %get3A_3534 = arith.index_cast %get3A_3532 : i32 to index
        %get3A_3535 = arith.constant 48 : index
        %get3A_3536 = tpu.vector_load %arg5[%get3A_3533, %get3A_3534, %get3A_3535] {strides = array<i32>} : memref<2x8x128xi32, #tpu.memory_space<vmem>>, vector<1x1x16xi32>,
        %get3A_3537 = vector.shape_cast %get3A_3536 : vector<1x1x16xi32> to vector<16xi32>
        %shift_right_arithmetic3A_3538 = arith.constant 3 : i32
        %shift_right_arithmetic3A_3539 = vector.broadcast %shift_right_arithmetic3A_3538 : i32 to vector<16xi32>
        %shift_right_arithmetic3A_3540 = arith.shrsi %get3A_3537, %shift_right_arithmetic3A_3539 : vector<16xi32>
        %shift_left3A_3541 = arith.constant 5 : i32
        %shift_left3A_3542 = vector.broadcast %shift_left3A_3541 : i32 to vector<16xi32>
        %shift_left3A_3543 = arith.shli %shift_right_arithmetic3A_3540, %shift_left3A_3542 : vector<16xi32>
        %and3A_3544 = arith.constant 7 : i32
        %and3A_3545 = vector.broadcast %and3A_3544 : i32 to vector<16xi32>
        %and3A_3546 = arith.andi %get3A_3537, %and3A_3545 : vector<16xi32>
        %shift_left3A_3547 = arith.constant 2 : i32
        %shift_left3A_3548 = vector.broadcast %shift_left3A_3547 : i32 to vector<16xi32>
        %shift_left3A_3549 = arith.shli %and3A_3546, %shift_left3A_3548 : vector<16xi32>
        %add3A_3550 = arith.addi %shift_left3A_3543, %shift_left3A_3549 : vector<16xi32>
        %swap3A_3551 = arith.index_cast %sub3A_1700 : i32 to index
        %swap3A_3552 = arith.constant 944 : index
        %swap3A_3553 = tpu.vector_load %arg6[%swap3A_3551, %swap3A_3552] {strides = array<i32>} : memref<2x1024xi32, #tpu.memory_space<vmem>>, vector<1x16xi32>,
        %swap3A_3554 = vector.shape_cast %swap3A_3553 : vector<1x16xi32> to vector<16xi32>
        %swap3A_3555 = vector.shape_cast %add3A_3550 : vector<16xi32> to vector<1x16xi32>
        tpu.vector_store %arg6[%swap3A_3551, %swap3A_3552], %swap3A_3555 {strides = array<i32>} : memref<2x1024xi32, #tpu.memory_space<vmem>>, vector<1x16xi32>,
        %get3A_3556 = arith.constant 7 : i32
        %get3A_3557 = arith.index_cast %sub3A_1700 : i32 to index
        %get3A_3558 = arith.index_cast %get3A_3556 : i32 to index
        %get3A_3559 = arith.constant 64 : index
        %get3A_3560 = tpu.vector_load %arg5[%get3A_3557, %get3A_3558, %get3A_3559] {strides = array<i32>} : memref<2x8x128xi32, #tpu.memory_space<vmem>>, vector<1x1x16xi32>,
        %get3A_3561 = vector.shape_cast %get3A_3560 : vector<1x1x16xi32> to vector<16xi32>
        %shift_right_arithmetic3A_3562 = arith.constant 3 : i32
        %shift_right_arithmetic3A_3563 = vector.broadcast %shift_right_arithmetic3A_3562 : i32 to vector<16xi32>
        %shift_right_arithmetic3A_3564 = arith.shrsi %get3A_3561, %shift_right_arithmetic3A_3563 : vector<16xi32>
        %shift_left3A_3565 = arith.constant 5 : i32
        %shift_left3A_3566 = vector.broadcast %shift_left3A_3565 : i32 to vector<16xi32>
        %shift_left3A_3567 = arith.shli %shift_right_arithmetic3A_3564, %shift_left3A_3566 : vector<16xi32>
        %and3A_3568 = arith.constant 7 : i32
        %and3A_3569 = vector.broadcast %and3A_3568 : i32 to vector<16xi32>
        %and3A_3570 = arith.andi %get3A_3561, %and3A_3569 : vector<16xi32>
        %shift_left3A_3571 = arith.constant 2 : i32
        %shift_left3A_3572 = vector.broadcast %shift_left3A_3571 : i32 to vector<16xi32>
        %shift_left3A_3573 = arith.shli %and3A_3570, %shift_left3A_3572 : vector<16xi32>
        %add3A_3574 = arith.addi %shift_left3A_3567, %shift_left3A_3573 : vector<16xi32>
        %swap3A_3575 = arith.index_cast %sub3A_1700 : i32 to index
        %swap3A_3576 = arith.constant 960 : index
        %swap3A_3577 = tpu.vector_load %arg6[%swap3A_3575, %swap3A_3576] {strides = array<i32>} : memref<2x1024xi32, #tpu.memory_space<vmem>>, vector<1x16xi32>,
        %swap3A_3578 = vector.shape_cast %swap3A_3577 : vector<1x16xi32> to vector<16xi32>
        %swap3A_3579 = vector.shape_cast %add3A_3574 : vector<16xi32> to vector<1x16xi32>
        tpu.vector_store %arg6[%swap3A_3575, %swap3A_3576], %swap3A_3579 {strides = array<i32>} : memref<2x1024xi32, #tpu.memory_space<vmem>>, vector<1x16xi32>,
        %get3A_3580 = arith.constant 7 : i32
        %get3A_3581 = arith.index_cast %sub3A_1700 : i32 to index
        %get3A_3582 = arith.index_cast %get3A_3580 : i32 to index
        %get3A_3583 = arith.constant 80 : index
        %get3A_3584 = tpu.vector_load %arg5[%get3A_3581, %get3A_3582, %get3A_3583] {strides = array<i32>} : memref<2x8x128xi32, #tpu.memory_space<vmem>>, vector<1x1x16xi32>,
        %get3A_3585 = vector.shape_cast %get3A_3584 : vector<1x1x16xi32> to vector<16xi32>
        %shift_right_arithmetic3A_3586 = arith.constant 3 : i32
        %shift_right_arithmetic3A_3587 = vector.broadcast %shift_right_arithmetic3A_3586 : i32 to vector<16xi32>
        %shift_right_arithmetic3A_3588 = arith.shrsi %get3A_3585, %shift_right_arithmetic3A_3587 : vector<16xi32>
        %shift_left3A_3589 = arith.constant 5 : i32
        %shift_left3A_3590 = vector.broadcast %shift_left3A_3589 : i32 to vector<16xi32>
        %shift_left3A_3591 = arith.shli %shift_right_arithmetic3A_3588, %shift_left3A_3590 : vector<16xi32>
        %and3A_3592 = arith.constant 7 : i32
        %and3A_3593 = vector.broadcast %and3A_3592 : i32 to vector<16xi32>
        %and3A_3594 = arith.andi %get3A_3585, %and3A_3593 : vector<16xi32>
        %shift_left3A_3595 = arith.constant 2 : i32
        %shift_left3A_3596 = vector.broadcast %shift_left3A_3595 : i32 to vector<16xi32>
        %shift_left3A_3597 = arith.shli %and3A_3594, %shift_left3A_3596 : vector<16xi32>
        %add3A_3598 = arith.addi %shift_left3A_3591, %shift_left3A_3597 : vector<16xi32>
        %swap3A_3599 = arith.index_cast %sub3A_1700 : i32 to index
        %swap3A_3600 = arith.constant 976 : index
        %swap3A_3601 = tpu.vector_load %arg6[%swap3A_3599, %swap3A_3600] {strides = array<i32>} : memref<2x1024xi32, #tpu.memory_space<vmem>>, vector<1x16xi32>,
        %swap3A_3602 = vector.shape_cast %swap3A_3601 : vector<1x16xi32> to vector<16xi32>
        %swap3A_3603 = vector.shape_cast %add3A_3598 : vector<16xi32> to vector<1x16xi32>
        tpu.vector_store %arg6[%swap3A_3599, %swap3A_3600], %swap3A_3603 {strides = array<i32>} : memref<2x1024xi32, #tpu.memory_space<vmem>>, vector<1x16xi32>,
        %get3A_3604 = arith.constant 7 : i32
        %get3A_3605 = arith.index_cast %sub3A_1700 : i32 to index
        %get3A_3606 = arith.index_cast %get3A_3604 : i32 to index
        %get3A_3607 = arith.constant 96 : index
        %get3A_3608 = tpu.vector_load %arg5[%get3A_3605, %get3A_3606, %get3A_3607] {strides = array<i32>} : memref<2x8x128xi32, #tpu.memory_space<vmem>>, vector<1x1x16xi32>,
        %get3A_3609 = vector.shape_cast %get3A_3608 : vector<1x1x16xi32> to vector<16xi32>
        %shift_right_arithmetic3A_3610 = arith.constant 3 : i32
        %shift_right_arithmetic3A_3611 = vector.broadcast %shift_right_arithmetic3A_3610 : i32 to vector<16xi32>
        %shift_right_arithmetic3A_3612 = arith.shrsi %get3A_3609, %shift_right_arithmetic3A_3611 : vector<16xi32>
        %shift_left3A_3613 = arith.constant 5 : i32
        %shift_left3A_3614 = vector.broadcast %shift_left3A_3613 : i32 to vector<16xi32>
        %shift_left3A_3615 = arith.shli %shift_right_arithmetic3A_3612, %shift_left3A_3614 : vector<16xi32>
        %and3A_3616 = arith.constant 7 : i32
        %and3A_3617 = vector.broadcast %and3A_3616 : i32 to vector<16xi32>
        %and3A_3618 = arith.andi %get3A_3609, %and3A_3617 : vector<16xi32>
        %shift_left3A_3619 = arith.constant 2 : i32
        %shift_left3A_3620 = vector.broadcast %shift_left3A_3619 : i32 to vector<16xi32>
        %shift_left3A_3621 = arith.shli %and3A_3618, %shift_left3A_3620 : vector<16xi32>
        %add3A_3622 = arith.addi %shift_left3A_3615, %shift_left3A_3621 : vector<16xi32>
        %swap3A_3623 = arith.index_cast %sub3A_1700 : i32 to index
        %swap3A_3624 = arith.constant 992 : index
        %swap3A_3625 = tpu.vector_load %arg6[%swap3A_3623, %swap3A_3624] {strides = array<i32>} : memref<2x1024xi32, #tpu.memory_space<vmem>>, vector<1x16xi32>,
        %swap3A_3626 = vector.shape_cast %swap3A_3625 : vector<1x16xi32> to vector<16xi32>
        %swap3A_3627 = vector.shape_cast %add3A_3622 : vector<16xi32> to vector<1x16xi32>
        tpu.vector_store %arg6[%swap3A_3623, %swap3A_3624], %swap3A_3627 {strides = array<i32>} : memref<2x1024xi32, #tpu.memory_space<vmem>>, vector<1x16xi32>,
        %get3A_3628 = arith.constant 7 : i32
        %get3A_3629 = arith.index_cast %sub3A_1700 : i32 to index
        %get3A_3630 = arith.index_cast %get3A_3628 : i32 to index
        %get3A_3631 = arith.constant 112 : index
        %get3A_3632 = tpu.vector_load %arg5[%get3A_3629, %get3A_3630, %get3A_3631] {strides = array<i32>} : memref<2x8x128xi32, #tpu.memory_space<vmem>>, vector<1x1x16xi32>,
        %get3A_3633 = vector.shape_cast %get3A_3632 : vector<1x1x16xi32> to vector<16xi32>
        %shift_right_arithmetic3A_3634 = arith.constant 3 : i32
        %shift_right_arithmetic3A_3635 = vector.broadcast %shift_right_arithmetic3A_3634 : i32 to vector<16xi32>
        %shift_right_arithmetic3A_3636 = arith.shrsi %get3A_3633, %shift_right_arithmetic3A_3635 : vector<16xi32>
        %shift_left3A_3637 = arith.constant 5 : i32
        %shift_left3A_3638 = vector.broadcast %shift_left3A_3637 : i32 to vector<16xi32>
        %shift_left3A_3639 = arith.shli %shift_right_arithmetic3A_3636, %shift_left3A_3638 : vector<16xi32>
        %and3A_3640 = arith.constant 7 : i32
        %and3A_3641 = vector.broadcast %and3A_3640 : i32 to vector<16xi32>
        %and3A_3642 = arith.andi %get3A_3633, %and3A_3641 : vector<16xi32>
        %shift_left3A_3643 = arith.constant 2 : i32
        %shift_left3A_3644 = vector.broadcast %shift_left3A_3643 : i32 to vector<16xi32>
        %shift_left3A_3645 = arith.shli %and3A_3642, %shift_left3A_3644 : vector<16xi32>
        %add3A_3646 = arith.addi %shift_left3A_3639, %shift_left3A_3645 : vector<16xi32>
        %swap3A_3647 = arith.index_cast %sub3A_1700 : i32 to index
        %swap3A_3648 = arith.constant 1008 : index
        %swap3A_3649 = tpu.vector_load %arg6[%swap3A_3647, %swap3A_3648] {strides = array<i32>} : memref<2x1024xi32, #tpu.memory_space<vmem>>, vector<1x16xi32>,
        %swap3A_3650 = vector.shape_cast %swap3A_3649 : vector<1x16xi32> to vector<16xi32>
        %swap3A_3651 = vector.shape_cast %add3A_3646 : vector<16xi32> to vector<1x16xi32>
        tpu.vector_store %arg6[%swap3A_3647, %swap3A_3648], %swap3A_3651 {strides = array<i32>} : memref<2x1024xi32, #tpu.memory_space<vmem>>, vector<1x16xi32>,
        %dma_start3A_3652 = arith.constant 0 : i32
        %dma_start3A_3653 = arith.constant 0 : i32
        %dma_start3A_3654 = tpu.memref_slice %arg7[%sub3A_1700, %dma_start3A_3652, %dma_start3A_3653] : memref<2x1024x32xf32, #tpu.memory_space<vmem>> -> memref<1x1024x32xf32, #tpu.memory_space<vmem>>
        %dma_start3A_3655 = tpu.memref_squeeze %dma_start3A_3654 : memref<1x1024x32xf32, #tpu.memory_space<vmem>> -> memref<1024x32xf32, #tpu.memory_space<vmem>>
        %dma_start3A_3656 = arith.constant 0 : i32
        %dma_start3A_3657 = tpu.memref_slice %arg6[%sub3A_1700, %dma_start3A_3656] : memref<2x1024xi32, #tpu.memory_space<vmem>> -> memref<1x1024xi32, #tpu.memory_space<vmem>>
        %dma_start3A_3658 = tpu.memref_squeeze %dma_start3A_3657 : memref<1x1024xi32, #tpu.memory_space<vmem>> -> memref<1024xi32, #tpu.memory_space<vmem>>
        %dma_start3A_3659 = arith.constant 0 : i32
        %dma_start3A_3660 = arith.constant 0 : i32
        %dma_start3A_3661 = tpu.memref_slice %arg3[%dma_start3A_3659, %dma_start3A_3660] : memref<4000000x32xf32, #tpu.memory_space<hbm>> -> memref<4000000x32xf32, #tpu.memory_space<hbm>>
        %dma_start3A_3662 = tpu.memref_slice %arg8[%sub3A_1700] : memref<2x!tpu.dma_semaphore, #tpu.memory_space<semaphore_mem>> -> memref<1x!tpu.dma_semaphore, #tpu.memory_space<semaphore_mem>>
        %dma_start3A_3663 = tpu.memref_squeeze %dma_start3A_3662 : memref<1x!tpu.dma_semaphore, #tpu.memory_space<semaphore_mem>> -> memref<!tpu.dma_semaphore, #tpu.memory_space<semaphore_mem>>
        tpu.enqueue_indirect_dma source(%dma_start3A_3661 : memref<4000000x32xf32, #tpu.memory_space<hbm>>) target(%dma_start3A_3655 : memref<1024x32xf32, #tpu.memory_space<vmem>>) offsets(%dma_start3A_3658 : memref<1024xi32, #tpu.memory_space<vmem>>) semaphore(%dma_start3A_3663 : memref<!tpu.dma_semaphore, #tpu.memory_space<semaphore_mem>>)
      } else {
      }
      %get3A_1709 = arith.index_cast %and3A_1699 : i32 to index
      %get3A_1710 = arith.constant 0 : index
      %get3A_1711 = tpu.vector_load %arg6[%get3A_1709, %get3A_1710] {strides = array<i32>} : memref<2x1024xi32, #tpu.memory_space<vmem>>, vector<1x16xi32>,
      %get3A_1712 = vector.shape_cast %get3A_1711 : vector<1x16xi32> to vector<16xi32>
      %get3A_1713 = arith.index_cast %and3A_1699 : i32 to index
      %get3A_1714 = arith.constant 16 : index
      %get3A_1715 = tpu.vector_load %arg6[%get3A_1713, %get3A_1714] {strides = array<i32>} : memref<2x1024xi32, #tpu.memory_space<vmem>>, vector<1x16xi32>,
      %get3A_1716 = vector.shape_cast %get3A_1715 : vector<1x16xi32> to vector<16xi32>
      %min3A = arith.minsi %get3A_1712, %get3A_1716 : vector<16xi32>
      %get3A_1717 = arith.index_cast %and3A_1699 : i32 to index
      %get3A_1718 = arith.constant 32 : index
      %get3A_1719 = tpu.vector_load %arg6[%get3A_1717, %get3A_1718] {strides = array<i32>} : memref<2x1024xi32, #tpu.memory_space<vmem>>, vector<1x16xi32>,
      %get3A_1720 = vector.shape_cast %get3A_1719 : vector<1x16xi32> to vector<16xi32>
      %min3A_1721 = arith.minsi %min3A, %get3A_1720 : vector<16xi32>
      %get3A_1722 = arith.index_cast %and3A_1699 : i32 to index
      %get3A_1723 = arith.constant 48 : index
      %get3A_1724 = tpu.vector_load %arg6[%get3A_1722, %get3A_1723] {strides = array<i32>} : memref<2x1024xi32, #tpu.memory_space<vmem>>, vector<1x16xi32>,
      %get3A_1725 = vector.shape_cast %get3A_1724 : vector<1x16xi32> to vector<16xi32>
      %min3A_1726 = arith.minsi %min3A_1721, %get3A_1725 : vector<16xi32>
      %get3A_1727 = arith.index_cast %and3A_1699 : i32 to index
      %get3A_1728 = arith.constant 64 : index
      %get3A_1729 = tpu.vector_load %arg6[%get3A_1727, %get3A_1728] {strides = array<i32>} : memref<2x1024xi32, #tpu.memory_space<vmem>>, vector<1x16xi32>,
      %get3A_1730 = vector.shape_cast %get3A_1729 : vector<1x16xi32> to vector<16xi32>
      %min3A_1731 = arith.minsi %min3A_1726, %get3A_1730 : vector<16xi32>
      %get3A_1732 = arith.index_cast %and3A_1699 : i32 to index
      %get3A_1733 = arith.constant 80 : index
      %get3A_1734 = tpu.vector_load %arg6[%get3A_1732, %get3A_1733] {strides = array<i32>} : memref<2x1024xi32, #tpu.memory_space<vmem>>, vector<1x16xi32>,
      %get3A_1735 = vector.shape_cast %get3A_1734 : vector<1x16xi32> to vector<16xi32>
      %min3A_1736 = arith.minsi %min3A_1731, %get3A_1735 : vector<16xi32>
      %get3A_1737 = arith.index_cast %and3A_1699 : i32 to index
      %get3A_1738 = arith.constant 96 : index
      %get3A_1739 = tpu.vector_load %arg6[%get3A_1737, %get3A_1738] {strides = array<i32>} : memref<2x1024xi32, #tpu.memory_space<vmem>>, vector<1x16xi32>,
      %get3A_1740 = vector.shape_cast %get3A_1739 : vector<1x16xi32> to vector<16xi32>
      %min3A_1741 = arith.minsi %min3A_1736, %get3A_1740 : vector<16xi32>
      %get3A_1742 = arith.index_cast %and3A_1699 : i32 to index
      %get3A_1743 = arith.constant 112 : index
      %get3A_1744 = tpu.vector_load %arg6[%get3A_1742, %get3A_1743] {strides = array<i32>} : memref<2x1024xi32, #tpu.memory_space<vmem>>, vector<1x16xi32>,
      %get3A_1745 = vector.shape_cast %get3A_1744 : vector<1x16xi32> to vector<16xi32>
      %min3A_1746 = arith.minsi %min3A_1741, %get3A_1745 : vector<16xi32>
      %get3A_1747 = arith.index_cast %and3A_1699 : i32 to index
      %get3A_1748 = arith.constant 128 : index
      %get3A_1749 = tpu.vector_load %arg6[%get3A_1747, %get3A_1748] {strides = array<i32>} : memref<2x1024xi32, #tpu.memory_space<vmem>>, vector<1x16xi32>,
      %get3A_1750 = vector.shape_cast %get3A_1749 : vector<1x16xi32> to vector<16xi32>
      %min3A_1751 = arith.minsi %min3A_1746, %get3A_1750 : vector<16xi32>
      %get3A_1752 = arith.index_cast %and3A_1699 : i32 to index
      %get3A_1753 = arith.constant 144 : index
      %get3A_1754 = tpu.vector_load %arg6[%get3A_1752, %get3A_1753] {strides = array<i32>} : memref<2x1024xi32, #tpu.memory_space<vmem>>, vector<1x16xi32>,
      %get3A_1755 = vector.shape_cast %get3A_1754 : vector<1x16xi32> to vector<16xi32>
      %min3A_1756 = arith.minsi %min3A_1751, %get3A_1755 : vector<16xi32>
      %get3A_1757 = arith.index_cast %and3A_1699 : i32 to index
      %get3A_1758 = arith.constant 160 : index
      %get3A_1759 = tpu.vector_load %arg6[%get3A_1757, %get3A_1758] {strides = array<i32>} : memref<2x1024xi32, #tpu.memory_space<vmem>>, vector<1x16xi32>,
      %get3A_1760 = vector.shape_cast %get3A_1759 : vector<1x16xi32> to vector<16xi32>
      %min3A_1761 = arith.minsi %min3A_1756, %get3A_1760 : vector<16xi32>
      %get3A_1762 = arith.index_cast %and3A_1699 : i32 to index
      %get3A_1763 = arith.constant 176 : index
      %get3A_1764 = tpu.vector_load %arg6[%get3A_1762, %get3A_1763] {strides = array<i32>} : memref<2x1024xi32, #tpu.memory_space<vmem>>, vector<1x16xi32>,
      %get3A_1765 = vector.shape_cast %get3A_1764 : vector<1x16xi32> to vector<16xi32>
      %min3A_1766 = arith.minsi %min3A_1761, %get3A_1765 : vector<16xi32>
      %get3A_1767 = arith.index_cast %and3A_1699 : i32 to index
      %get3A_1768 = arith.constant 192 : index
      %get3A_1769 = tpu.vector_load %arg6[%get3A_1767, %get3A_1768] {strides = array<i32>} : memref<2x1024xi32, #tpu.memory_space<vmem>>, vector<1x16xi32>,
      %get3A_1770 = vector.shape_cast %get3A_1769 : vector<1x16xi32> to vector<16xi32>
      %min3A_1771 = arith.minsi %min3A_1766, %get3A_1770 : vector<16xi32>
      %get3A_1772 = arith.index_cast %and3A_1699 : i32 to index
      %get3A_1773 = arith.constant 208 : index
      %get3A_1774 = tpu.vector_load %arg6[%get3A_1772, %get3A_1773] {strides = array<i32>} : memref<2x1024xi32, #tpu.memory_space<vmem>>, vector<1x16xi32>,
      %get3A_1775 = vector.shape_cast %get3A_1774 : vector<1x16xi32> to vector<16xi32>
      %min3A_1776 = arith.minsi %min3A_1771, %get3A_1775 : vector<16xi32>
      %get3A_1777 = arith.index_cast %and3A_1699 : i32 to index
      %get3A_1778 = arith.constant 224 : index
      %get3A_1779 = tpu.vector_load %arg6[%get3A_1777, %get3A_1778] {strides = array<i32>} : memref<2x1024xi32, #tpu.memory_space<vmem>>, vector<1x16xi32>,
      %get3A_1780 = vector.shape_cast %get3A_1779 : vector<1x16xi32> to vector<16xi32>
      %min3A_1781 = arith.minsi %min3A_1776, %get3A_1780 : vector<16xi32>
      %get3A_1782 = arith.index_cast %and3A_1699 : i32 to index
      %get3A_1783 = arith.constant 240 : index
      %get3A_1784 = tpu.vector_load %arg6[%get3A_1782, %get3A_1783] {strides = array<i32>} : memref<2x1024xi32, #tpu.memory_space<vmem>>, vector<1x16xi32>,
      %get3A_1785 = vector.shape_cast %get3A_1784 : vector<1x16xi32> to vector<16xi32>
      %min3A_1786 = arith.minsi %min3A_1781, %get3A_1785 : vector<16xi32>
      %get3A_1787 = arith.index_cast %and3A_1699 : i32 to index
      %get3A_1788 = arith.constant 256 : index
      %get3A_1789 = tpu.vector_load %arg6[%get3A_1787, %get3A_1788] {strides = array<i32>} : memref<2x1024xi32, #tpu.memory_space<vmem>>, vector<1x16xi32>,
      %get3A_1790 = vector.shape_cast %get3A_1789 : vector<1x16xi32> to vector<16xi32>
      %min3A_1791 = arith.minsi %min3A_1786, %get3A_1790 : vector<16xi32>
      %get3A_1792 = arith.index_cast %and3A_1699 : i32 to index
      %get3A_1793 = arith.constant 272 : index
      %get3A_1794 = tpu.vector_load %arg6[%get3A_1792, %get3A_1793] {strides = array<i32>} : memref<2x1024xi32, #tpu.memory_space<vmem>>, vector<1x16xi32>,
      %get3A_1795 = vector.shape_cast %get3A_1794 : vector<1x16xi32> to vector<16xi32>
      %min3A_1796 = arith.minsi %min3A_1791, %get3A_1795 : vector<16xi32>
      %get3A_1797 = arith.index_cast %and3A_1699 : i32 to index
      %get3A_1798 = arith.constant 288 : index
      %get3A_1799 = tpu.vector_load %arg6[%get3A_1797, %get3A_1798] {strides = array<i32>} : memref<2x1024xi32, #tpu.memory_space<vmem>>, vector<1x16xi32>,
      %get3A_1800 = vector.shape_cast %get3A_1799 : vector<1x16xi32> to vector<16xi32>
      %min3A_1801 = arith.minsi %min3A_1796, %get3A_1800 : vector<16xi32>
      %get3A_1802 = arith.index_cast %and3A_1699 : i32 to index
      %get3A_1803 = arith.constant 304 : index
      %get3A_1804 = tpu.vector_load %arg6[%get3A_1802, %get3A_1803] {strides = array<i32>} : memref<2x1024xi32, #tpu.memory_space<vmem>>, vector<1x16xi32>,
      %get3A_1805 = vector.shape_cast %get3A_1804 : vector<1x16xi32> to vector<16xi32>
      %min3A_1806 = arith.minsi %min3A_1801, %get3A_1805 : vector<16xi32>
      %get3A_1807 = arith.index_cast %and3A_1699 : i32 to index
      %get3A_1808 = arith.constant 320 : index
      %get3A_1809 = tpu.vector_load %arg6[%get3A_1807, %get3A_1808] {strides = array<i32>} : memref<2x1024xi32, #tpu.memory_space<vmem>>, vector<1x16xi32>,
      %get3A_1810 = vector.shape_cast %get3A_1809 : vector<1x16xi32> to vector<16xi32>
      %min3A_1811 = arith.minsi %min3A_1806, %get3A_1810 : vector<16xi32>
      %get3A_1812 = arith.index_cast %and3A_1699 : i32 to index
      %get3A_1813 = arith.constant 336 : index
      %get3A_1814 = tpu.vector_load %arg6[%get3A_1812, %get3A_1813] {strides = array<i32>} : memref<2x1024xi32, #tpu.memory_space<vmem>>, vector<1x16xi32>,
      %get3A_1815 = vector.shape_cast %get3A_1814 : vector<1x16xi32> to vector<16xi32>
      %min3A_1816 = arith.minsi %min3A_1811, %get3A_1815 : vector<16xi32>
      %get3A_1817 = arith.index_cast %and3A_1699 : i32 to index
      %get3A_1818 = arith.constant 352 : index
      %get3A_1819 = tpu.vector_load %arg6[%get3A_1817, %get3A_1818] {strides = array<i32>} : memref<2x1024xi32, #tpu.memory_space<vmem>>, vector<1x16xi32>,
      %get3A_1820 = vector.shape_cast %get3A_1819 : vector<1x16xi32> to vector<16xi32>
      %min3A_1821 = arith.minsi %min3A_1816, %get3A_1820 : vector<16xi32>
      %get3A_1822 = arith.index_cast %and3A_1699 : i32 to index
      %get3A_1823 = arith.constant 368 : index
      %get3A_1824 = tpu.vector_load %arg6[%get3A_1822, %get3A_1823] {strides = array<i32>} : memref<2x1024xi32, #tpu.memory_space<vmem>>, vector<1x16xi32>,
      %get3A_1825 = vector.shape_cast %get3A_1824 : vector<1x16xi32> to vector<16xi32>
      %min3A_1826 = arith.minsi %min3A_1821, %get3A_1825 : vector<16xi32>
      %get3A_1827 = arith.index_cast %and3A_1699 : i32 to index
      %get3A_1828 = arith.constant 384 : index
      %get3A_1829 = tpu.vector_load %arg6[%get3A_1827, %get3A_1828] {strides = array<i32>} : memref<2x1024xi32, #tpu.memory_space<vmem>>, vector<1x16xi32>,
      %get3A_1830 = vector.shape_cast %get3A_1829 : vector<1x16xi32> to vector<16xi32>
      %min3A_1831 = arith.minsi %min3A_1826, %get3A_1830 : vector<16xi32>
      %get3A_1832 = arith.index_cast %and3A_1699 : i32 to index
      %get3A_1833 = arith.constant 400 : index
      %get3A_1834 = tpu.vector_load %arg6[%get3A_1832, %get3A_1833] {strides = array<i32>} : memref<2x1024xi32, #tpu.memory_space<vmem>>, vector<1x16xi32>,
      %get3A_1835 = vector.shape_cast %get3A_1834 : vector<1x16xi32> to vector<16xi32>
      %min3A_1836 = arith.minsi %min3A_1831, %get3A_1835 : vector<16xi32>
      %get3A_1837 = arith.index_cast %and3A_1699 : i32 to index
      %get3A_1838 = arith.constant 416 : index
      %get3A_1839 = tpu.vector_load %arg6[%get3A_1837, %get3A_1838] {strides = array<i32>} : memref<2x1024xi32, #tpu.memory_space<vmem>>, vector<1x16xi32>,
      %get3A_1840 = vector.shape_cast %get3A_1839 : vector<1x16xi32> to vector<16xi32>
      %min3A_1841 = arith.minsi %min3A_1836, %get3A_1840 : vector<16xi32>
      %get3A_1842 = arith.index_cast %and3A_1699 : i32 to index
      %get3A_1843 = arith.constant 432 : index
      %get3A_1844 = tpu.vector_load %arg6[%get3A_1842, %get3A_1843] {strides = array<i32>} : memref<2x1024xi32, #tpu.memory_space<vmem>>, vector<1x16xi32>,
      %get3A_1845 = vector.shape_cast %get3A_1844 : vector<1x16xi32> to vector<16xi32>
      %min3A_1846 = arith.minsi %min3A_1841, %get3A_1845 : vector<16xi32>
      %get3A_1847 = arith.index_cast %and3A_1699 : i32 to index
      %get3A_1848 = arith.constant 448 : index
      %get3A_1849 = tpu.vector_load %arg6[%get3A_1847, %get3A_1848] {strides = array<i32>} : memref<2x1024xi32, #tpu.memory_space<vmem>>, vector<1x16xi32>,
      %get3A_1850 = vector.shape_cast %get3A_1849 : vector<1x16xi32> to vector<16xi32>
      %min3A_1851 = arith.minsi %min3A_1846, %get3A_1850 : vector<16xi32>
      %get3A_1852 = arith.index_cast %and3A_1699 : i32 to index
      %get3A_1853 = arith.constant 464 : index
      %get3A_1854 = tpu.vector_load %arg6[%get3A_1852, %get3A_1853] {strides = array<i32>} : memref<2x1024xi32, #tpu.memory_space<vmem>>, vector<1x16xi32>,
      %get3A_1855 = vector.shape_cast %get3A_1854 : vector<1x16xi32> to vector<16xi32>
      %min3A_1856 = arith.minsi %min3A_1851, %get3A_1855 : vector<16xi32>
      %get3A_1857 = arith.index_cast %and3A_1699 : i32 to index
      %get3A_1858 = arith.constant 480 : index
      %get3A_1859 = tpu.vector_load %arg6[%get3A_1857, %get3A_1858] {strides = array<i32>} : memref<2x1024xi32, #tpu.memory_space<vmem>>, vector<1x16xi32>,
      %get3A_1860 = vector.shape_cast %get3A_1859 : vector<1x16xi32> to vector<16xi32>
      %min3A_1861 = arith.minsi %min3A_1856, %get3A_1860 : vector<16xi32>
      %get3A_1862 = arith.index_cast %and3A_1699 : i32 to index
      %get3A_1863 = arith.constant 496 : index
      %get3A_1864 = tpu.vector_load %arg6[%get3A_1862, %get3A_1863] {strides = array<i32>} : memref<2x1024xi32, #tpu.memory_space<vmem>>, vector<1x16xi32>,
      %get3A_1865 = vector.shape_cast %get3A_1864 : vector<1x16xi32> to vector<16xi32>
      %min3A_1866 = arith.minsi %min3A_1861, %get3A_1865 : vector<16xi32>
      %get3A_1867 = arith.index_cast %and3A_1699 : i32 to index
      %get3A_1868 = arith.constant 512 : index
      %get3A_1869 = tpu.vector_load %arg6[%get3A_1867, %get3A_1868] {strides = array<i32>} : memref<2x1024xi32, #tpu.memory_space<vmem>>, vector<1x16xi32>,
      %get3A_1870 = vector.shape_cast %get3A_1869 : vector<1x16xi32> to vector<16xi32>
      %min3A_1871 = arith.minsi %min3A_1866, %get3A_1870 : vector<16xi32>
      %get3A_1872 = arith.index_cast %and3A_1699 : i32 to index
      %get3A_1873 = arith.constant 528 : index
      %get3A_1874 = tpu.vector_load %arg6[%get3A_1872, %get3A_1873] {strides = array<i32>} : memref<2x1024xi32, #tpu.memory_space<vmem>>, vector<1x16xi32>,
      %get3A_1875 = vector.shape_cast %get3A_1874 : vector<1x16xi32> to vector<16xi32>
      %min3A_1876 = arith.minsi %min3A_1871, %get3A_1875 : vector<16xi32>
      %get3A_1877 = arith.index_cast %and3A_1699 : i32 to index
      %get3A_1878 = arith.constant 544 : index
      %get3A_1879 = tpu.vector_load %arg6[%get3A_1877, %get3A_1878] {strides = array<i32>} : memref<2x1024xi32, #tpu.memory_space<vmem>>, vector<1x16xi32>,
      %get3A_1880 = vector.shape_cast %get3A_1879 : vector<1x16xi32> to vector<16xi32>
      %min3A_1881 = arith.minsi %min3A_1876, %get3A_1880 : vector<16xi32>
      %get3A_1882 = arith.index_cast %and3A_1699 : i32 to index
      %get3A_1883 = arith.constant 560 : index
      %get3A_1884 = tpu.vector_load %arg6[%get3A_1882, %get3A_1883] {strides = array<i32>} : memref<2x1024xi32, #tpu.memory_space<vmem>>, vector<1x16xi32>,
      %get3A_1885 = vector.shape_cast %get3A_1884 : vector<1x16xi32> to vector<16xi32>
      %min3A_1886 = arith.minsi %min3A_1881, %get3A_1885 : vector<16xi32>
      %get3A_1887 = arith.index_cast %and3A_1699 : i32 to index
      %get3A_1888 = arith.constant 576 : index
      %get3A_1889 = tpu.vector_load %arg6[%get3A_1887, %get3A_1888] {strides = array<i32>} : memref<2x1024xi32, #tpu.memory_space<vmem>>, vector<1x16xi32>,
      %get3A_1890 = vector.shape_cast %get3A_1889 : vector<1x16xi32> to vector<16xi32>
      %min3A_1891 = arith.minsi %min3A_1886, %get3A_1890 : vector<16xi32>
      %get3A_1892 = arith.index_cast %and3A_1699 : i32 to index
      %get3A_1893 = arith.constant 592 : index
      %get3A_1894 = tpu.vector_load %arg6[%get3A_1892, %get3A_1893] {strides = array<i32>} : memref<2x1024xi32, #tpu.memory_space<vmem>>, vector<1x16xi32>,
      %get3A_1895 = vector.shape_cast %get3A_1894 : vector<1x16xi32> to vector<16xi32>
      %min3A_1896 = arith.minsi %min3A_1891, %get3A_1895 : vector<16xi32>
      %get3A_1897 = arith.index_cast %and3A_1699 : i32 to index
      %get3A_1898 = arith.constant 608 : index
      %get3A_1899 = tpu.vector_load %arg6[%get3A_1897, %get3A_1898] {strides = array<i32>} : memref<2x1024xi32, #tpu.memory_space<vmem>>, vector<1x16xi32>,
      %get3A_1900 = vector.shape_cast %get3A_1899 : vector<1x16xi32> to vector<16xi32>
      %min3A_1901 = arith.minsi %min3A_1896, %get3A_1900 : vector<16xi32>
      %get3A_1902 = arith.index_cast %and3A_1699 : i32 to index
      %get3A_1903 = arith.constant 624 : index
      %get3A_1904 = tpu.vector_load %arg6[%get3A_1902, %get3A_1903] {strides = array<i32>} : memref<2x1024xi32, #tpu.memory_space<vmem>>, vector<1x16xi32>,
      %get3A_1905 = vector.shape_cast %get3A_1904 : vector<1x16xi32> to vector<16xi32>
      %min3A_1906 = arith.minsi %min3A_1901, %get3A_1905 : vector<16xi32>
      %get3A_1907 = arith.index_cast %and3A_1699 : i32 to index
      %get3A_1908 = arith.constant 640 : index
      %get3A_1909 = tpu.vector_load %arg6[%get3A_1907, %get3A_1908] {strides = array<i32>} : memref<2x1024xi32, #tpu.memory_space<vmem>>, vector<1x16xi32>,
      %get3A_1910 = vector.shape_cast %get3A_1909 : vector<1x16xi32> to vector<16xi32>
      %min3A_1911 = arith.minsi %min3A_1906, %get3A_1910 : vector<16xi32>
      %get3A_1912 = arith.index_cast %and3A_1699 : i32 to index
      %get3A_1913 = arith.constant 656 : index
      %get3A_1914 = tpu.vector_load %arg6[%get3A_1912, %get3A_1913] {strides = array<i32>} : memref<2x1024xi32, #tpu.memory_space<vmem>>, vector<1x16xi32>,
      %get3A_1915 = vector.shape_cast %get3A_1914 : vector<1x16xi32> to vector<16xi32>
      %min3A_1916 = arith.minsi %min3A_1911, %get3A_1915 : vector<16xi32>
      %get3A_1917 = arith.index_cast %and3A_1699 : i32 to index
      %get3A_1918 = arith.constant 672 : index
      %get3A_1919 = tpu.vector_load %arg6[%get3A_1917, %get3A_1918] {strides = array<i32>} : memref<2x1024xi32, #tpu.memory_space<vmem>>, vector<1x16xi32>,
      %get3A_1920 = vector.shape_cast %get3A_1919 : vector<1x16xi32> to vector<16xi32>
      %min3A_1921 = arith.minsi %min3A_1916, %get3A_1920 : vector<16xi32>
      %get3A_1922 = arith.index_cast %and3A_1699 : i32 to index
      %get3A_1923 = arith.constant 688 : index
      %get3A_1924 = tpu.vector_load %arg6[%get3A_1922, %get3A_1923] {strides = array<i32>} : memref<2x1024xi32, #tpu.memory_space<vmem>>, vector<1x16xi32>,
      %get3A_1925 = vector.shape_cast %get3A_1924 : vector<1x16xi32> to vector<16xi32>
      %min3A_1926 = arith.minsi %min3A_1921, %get3A_1925 : vector<16xi32>
      %get3A_1927 = arith.index_cast %and3A_1699 : i32 to index
      %get3A_1928 = arith.constant 704 : index
      %get3A_1929 = tpu.vector_load %arg6[%get3A_1927, %get3A_1928] {strides = array<i32>} : memref<2x1024xi32, #tpu.memory_space<vmem>>, vector<1x16xi32>,
      %get3A_1930 = vector.shape_cast %get3A_1929 : vector<1x16xi32> to vector<16xi32>
      %min3A_1931 = arith.minsi %min3A_1926, %get3A_1930 : vector<16xi32>
      %get3A_1932 = arith.index_cast %and3A_1699 : i32 to index
      %get3A_1933 = arith.constant 720 : index
      %get3A_1934 = tpu.vector_load %arg6[%get3A_1932, %get3A_1933] {strides = array<i32>} : memref<2x1024xi32, #tpu.memory_space<vmem>>, vector<1x16xi32>,
      %get3A_1935 = vector.shape_cast %get3A_1934 : vector<1x16xi32> to vector<16xi32>
      %min3A_1936 = arith.minsi %min3A_1931, %get3A_1935 : vector<16xi32>
      %get3A_1937 = arith.index_cast %and3A_1699 : i32 to index
      %get3A_1938 = arith.constant 736 : index
      %get3A_1939 = tpu.vector_load %arg6[%get3A_1937, %get3A_1938] {strides = array<i32>} : memref<2x1024xi32, #tpu.memory_space<vmem>>, vector<1x16xi32>,
      %get3A_1940 = vector.shape_cast %get3A_1939 : vector<1x16xi32> to vector<16xi32>
      %min3A_1941 = arith.minsi %min3A_1936, %get3A_1940 : vector<16xi32>
      %get3A_1942 = arith.index_cast %and3A_1699 : i32 to index
      %get3A_1943 = arith.constant 752 : index
      %get3A_1944 = tpu.vector_load %arg6[%get3A_1942, %get3A_1943] {strides = array<i32>} : memref<2x1024xi32, #tpu.memory_space<vmem>>, vector<1x16xi32>,
      %get3A_1945 = vector.shape_cast %get3A_1944 : vector<1x16xi32> to vector<16xi32>
      %min3A_1946 = arith.minsi %min3A_1941, %get3A_1945 : vector<16xi32>
      %get3A_1947 = arith.index_cast %and3A_1699 : i32 to index
      %get3A_1948 = arith.constant 768 : index
      %get3A_1949 = tpu.vector_load %arg6[%get3A_1947, %get3A_1948] {strides = array<i32>} : memref<2x1024xi32, #tpu.memory_space<vmem>>, vector<1x16xi32>,
      %get3A_1950 = vector.shape_cast %get3A_1949 : vector<1x16xi32> to vector<16xi32>
      %min3A_1951 = arith.minsi %min3A_1946, %get3A_1950 : vector<16xi32>
      %get3A_1952 = arith.index_cast %and3A_1699 : i32 to index
      %get3A_1953 = arith.constant 784 : index
      %get3A_1954 = tpu.vector_load %arg6[%get3A_1952, %get3A_1953] {strides = array<i32>} : memref<2x1024xi32, #tpu.memory_space<vmem>>, vector<1x16xi32>,
      %get3A_1955 = vector.shape_cast %get3A_1954 : vector<1x16xi32> to vector<16xi32>
      %min3A_1956 = arith.minsi %min3A_1951, %get3A_1955 : vector<16xi32>
      %get3A_1957 = arith.index_cast %and3A_1699 : i32 to index
      %get3A_1958 = arith.constant 800 : index
      %get3A_1959 = tpu.vector_load %arg6[%get3A_1957, %get3A_1958] {strides = array<i32>} : memref<2x1024xi32, #tpu.memory_space<vmem>>, vector<1x16xi32>,
      %get3A_1960 = vector.shape_cast %get3A_1959 : vector<1x16xi32> to vector<16xi32>
      %min3A_1961 = arith.minsi %min3A_1956, %get3A_1960 : vector<16xi32>
      %get3A_1962 = arith.index_cast %and3A_1699 : i32 to index
      %get3A_1963 = arith.constant 816 : index
      %get3A_1964 = tpu.vector_load %arg6[%get3A_1962, %get3A_1963] {strides = array<i32>} : memref<2x1024xi32, #tpu.memory_space<vmem>>, vector<1x16xi32>,
      %get3A_1965 = vector.shape_cast %get3A_1964 : vector<1x16xi32> to vector<16xi32>
      %min3A_1966 = arith.minsi %min3A_1961, %get3A_1965 : vector<16xi32>
      %get3A_1967 = arith.index_cast %and3A_1699 : i32 to index
      %get3A_1968 = arith.constant 832 : index
      %get3A_1969 = tpu.vector_load %arg6[%get3A_1967, %get3A_1968] {strides = array<i32>} : memref<2x1024xi32, #tpu.memory_space<vmem>>, vector<1x16xi32>,
      %get3A_1970 = vector.shape_cast %get3A_1969 : vector<1x16xi32> to vector<16xi32>
      %min3A_1971 = arith.minsi %min3A_1966, %get3A_1970 : vector<16xi32>
      %get3A_1972 = arith.index_cast %and3A_1699 : i32 to index
      %get3A_1973 = arith.constant 848 : index
      %get3A_1974 = tpu.vector_load %arg6[%get3A_1972, %get3A_1973] {strides = array<i32>} : memref<2x1024xi32, #tpu.memory_space<vmem>>, vector<1x16xi32>,
      %get3A_1975 = vector.shape_cast %get3A_1974 : vector<1x16xi32> to vector<16xi32>
      %min3A_1976 = arith.minsi %min3A_1971, %get3A_1975 : vector<16xi32>
      %get3A_1977 = arith.index_cast %and3A_1699 : i32 to index
      %get3A_1978 = arith.constant 864 : index
      %get3A_1979 = tpu.vector_load %arg6[%get3A_1977, %get3A_1978] {strides = array<i32>} : memref<2x1024xi32, #tpu.memory_space<vmem>>, vector<1x16xi32>,
      %get3A_1980 = vector.shape_cast %get3A_1979 : vector<1x16xi32> to vector<16xi32>
      %min3A_1981 = arith.minsi %min3A_1976, %get3A_1980 : vector<16xi32>
      %get3A_1982 = arith.index_cast %and3A_1699 : i32 to index
      %get3A_1983 = arith.constant 880 : index
      %get3A_1984 = tpu.vector_load %arg6[%get3A_1982, %get3A_1983] {strides = array<i32>} : memref<2x1024xi32, #tpu.memory_space<vmem>>, vector<1x16xi32>,
      %get3A_1985 = vector.shape_cast %get3A_1984 : vector<1x16xi32> to vector<16xi32>
      %min3A_1986 = arith.minsi %min3A_1981, %get3A_1985 : vector<16xi32>
      %get3A_1987 = arith.index_cast %and3A_1699 : i32 to index
      %get3A_1988 = arith.constant 896 : index
      %get3A_1989 = tpu.vector_load %arg6[%get3A_1987, %get3A_1988] {strides = array<i32>} : memref<2x1024xi32, #tpu.memory_space<vmem>>, vector<1x16xi32>,
      %get3A_1990 = vector.shape_cast %get3A_1989 : vector<1x16xi32> to vector<16xi32>
      %min3A_1991 = arith.minsi %min3A_1986, %get3A_1990 : vector<16xi32>
      %get3A_1992 = arith.index_cast %and3A_1699 : i32 to index
      %get3A_1993 = arith.constant 912 : index
      %get3A_1994 = tpu.vector_load %arg6[%get3A_1992, %get3A_1993] {strides = array<i32>} : memref<2x1024xi32, #tpu.memory_space<vmem>>, vector<1x16xi32>,
      %get3A_1995 = vector.shape_cast %get3A_1994 : vector<1x16xi32> to vector<16xi32>
      %min3A_1996 = arith.minsi %min3A_1991, %get3A_1995 : vector<16xi32>
      %get3A_1997 = arith.index_cast %and3A_1699 : i32 to index
      %get3A_1998 = arith.constant 928 : index
      %get3A_1999 = tpu.vector_load %arg6[%get3A_1997, %get3A_1998] {strides = array<i32>} : memref<2x1024xi32, #tpu.memory_space<vmem>>, vector<1x16xi32>,
      %get3A_2000 = vector.shape_cast %get3A_1999 : vector<1x16xi32> to vector<16xi32>
      %min3A_2001 = arith.minsi %min3A_1996, %get3A_2000 : vector<16xi32>
      %get3A_2002 = arith.index_cast %and3A_1699 : i32 to index
      %get3A_2003 = arith.constant 944 : index
      %get3A_2004 = tpu.vector_load %arg6[%get3A_2002, %get3A_2003] {strides = array<i32>} : memref<2x1024xi32, #tpu.memory_space<vmem>>, vector<1x16xi32>,
      %get3A_2005 = vector.shape_cast %get3A_2004 : vector<1x16xi32> to vector<16xi32>
      %min3A_2006 = arith.minsi %min3A_2001, %get3A_2005 : vector<16xi32>
      %get3A_2007 = arith.index_cast %and3A_1699 : i32 to index
      %get3A_2008 = arith.constant 960 : index
      %get3A_2009 = tpu.vector_load %arg6[%get3A_2007, %get3A_2008] {strides = array<i32>} : memref<2x1024xi32, #tpu.memory_space<vmem>>, vector<1x16xi32>,
      %get3A_2010 = vector.shape_cast %get3A_2009 : vector<1x16xi32> to vector<16xi32>
      %min3A_2011 = arith.minsi %min3A_2006, %get3A_2010 : vector<16xi32>
      %get3A_2012 = arith.index_cast %and3A_1699 : i32 to index
      %get3A_2013 = arith.constant 976 : index
      %get3A_2014 = tpu.vector_load %arg6[%get3A_2012, %get3A_2013] {strides = array<i32>} : memref<2x1024xi32, #tpu.memory_space<vmem>>, vector<1x16xi32>,
      %get3A_2015 = vector.shape_cast %get3A_2014 : vector<1x16xi32> to vector<16xi32>
      %min3A_2016 = arith.minsi %min3A_2011, %get3A_2015 : vector<16xi32>
      %get3A_2017 = arith.index_cast %and3A_1699 : i32 to index
      %get3A_2018 = arith.constant 992 : index
      %get3A_2019 = tpu.vector_load %arg6[%get3A_2017, %get3A_2018] {strides = array<i32>} : memref<2x1024xi32, #tpu.memory_space<vmem>>, vector<1x16xi32>,
      %get3A_2020 = vector.shape_cast %get3A_2019 : vector<1x16xi32> to vector<16xi32>
      %min3A_2021 = arith.minsi %min3A_2016, %get3A_2020 : vector<16xi32>
      %get3A_2022 = arith.index_cast %and3A_1699 : i32 to index
      %get3A_2023 = arith.constant 1008 : index
      %get3A_2024 = tpu.vector_load %arg6[%get3A_2022, %get3A_2023] {strides = array<i32>} : memref<2x1024xi32, #tpu.memory_space<vmem>>, vector<1x16xi32>,
      %get3A_2025 = vector.shape_cast %get3A_2024 : vector<1x16xi32> to vector<16xi32>
      %min3A_2026 = arith.minsi %min3A_2021, %get3A_2025 : vector<16xi32>
      %slice3A = vector.extract_strided_slice %min3A_2026 {offsets = [0], sizes = [1], strides = [1]} : vector<16xi32> to vector<1xi32>
      %squeeze3A = vector.extract %slice3A[0] : i32 from vector<1xi32>
      %slice3A_2027 = vector.extract_strided_slice %min3A_2026 {offsets = [1], sizes = [1], strides = [1]} : vector<16xi32> to vector<1xi32>
      %squeeze3A_2028 = vector.extract %slice3A_2027[0] : i32 from vector<1xi32>
      %min3A_2029 = arith.minsi %squeeze3A, %squeeze3A_2028 : i32
      %slice3A_2030 = vector.extract_strided_slice %min3A_2026 {offsets = [2], sizes = [1], strides = [1]} : vector<16xi32> to vector<1xi32>
      %squeeze3A_2031 = vector.extract %slice3A_2030[0] : i32 from vector<1xi32>
      %min3A_2032 = arith.minsi %min3A_2029, %squeeze3A_2031 : i32
      %slice3A_2033 = vector.extract_strided_slice %min3A_2026 {offsets = [3], sizes = [1], strides = [1]} : vector<16xi32> to vector<1xi32>
      %squeeze3A_2034 = vector.extract %slice3A_2033[0] : i32 from vector<1xi32>
      %min3A_2035 = arith.minsi %min3A_2032, %squeeze3A_2034 : i32
      %slice3A_2036 = vector.extract_strided_slice %min3A_2026 {offsets = [4], sizes = [1], strides = [1]} : vector<16xi32> to vector<1xi32>
      %squeeze3A_2037 = vector.extract %slice3A_2036[0] : i32 from vector<1xi32>
      %min3A_2038 = arith.minsi %min3A_2035, %squeeze3A_2037 : i32
      %slice3A_2039 = vector.extract_strided_slice %min3A_2026 {offsets = [5], sizes = [1], strides = [1]} : vector<16xi32> to vector<1xi32>
      %squeeze3A_2040 = vector.extract %slice3A_2039[0] : i32 from vector<1xi32>
      %min3A_2041 = arith.minsi %min3A_2038, %squeeze3A_2040 : i32
      %slice3A_2042 = vector.extract_strided_slice %min3A_2026 {offsets = [6], sizes = [1], strides = [1]} : vector<16xi32> to vector<1xi32>
      %squeeze3A_2043 = vector.extract %slice3A_2042[0] : i32 from vector<1xi32>
      %min3A_2044 = arith.minsi %min3A_2041, %squeeze3A_2043 : i32
      %slice3A_2045 = vector.extract_strided_slice %min3A_2026 {offsets = [7], sizes = [1], strides = [1]} : vector<16xi32> to vector<1xi32>
      %squeeze3A_2046 = vector.extract %slice3A_2045[0] : i32 from vector<1xi32>
      %min3A_2047 = arith.minsi %min3A_2044, %squeeze3A_2046 : i32
      %slice3A_2048 = vector.extract_strided_slice %min3A_2026 {offsets = [8], sizes = [1], strides = [1]} : vector<16xi32> to vector<1xi32>
      %squeeze3A_2049 = vector.extract %slice3A_2048[0] : i32 from vector<1xi32>
      %min3A_2050 = arith.minsi %min3A_2047, %squeeze3A_2049 : i32
      %slice3A_2051 = vector.extract_strided_slice %min3A_2026 {offsets = [9], sizes = [1], strides = [1]} : vector<16xi32> to vector<1xi32>
      %squeeze3A_2052 = vector.extract %slice3A_2051[0] : i32 from vector<1xi32>
      %min3A_2053 = arith.minsi %min3A_2050, %squeeze3A_2052 : i32
      %slice3A_2054 = vector.extract_strided_slice %min3A_2026 {offsets = [10], sizes = [1], strides = [1]} : vector<16xi32> to vector<1xi32>
      %squeeze3A_2055 = vector.extract %slice3A_2054[0] : i32 from vector<1xi32>
      %min3A_2056 = arith.minsi %min3A_2053, %squeeze3A_2055 : i32
      %slice3A_2057 = vector.extract_strided_slice %min3A_2026 {offsets = [11], sizes = [1], strides = [1]} : vector<16xi32> to vector<1xi32>
      %squeeze3A_2058 = vector.extract %slice3A_2057[0] : i32 from vector<1xi32>
      %min3A_2059 = arith.minsi %min3A_2056, %squeeze3A_2058 : i32
      %slice3A_2060 = vector.extract_strided_slice %min3A_2026 {offsets = [12], sizes = [1], strides = [1]} : vector<16xi32> to vector<1xi32>
      %squeeze3A_2061 = vector.extract %slice3A_2060[0] : i32 from vector<1xi32>
      %min3A_2062 = arith.minsi %min3A_2059, %squeeze3A_2061 : i32
      %slice3A_2063 = vector.extract_strided_slice %min3A_2026 {offsets = [13], sizes = [1], strides = [1]} : vector<16xi32> to vector<1xi32>
      %squeeze3A_2064 = vector.extract %slice3A_2063[0] : i32 from vector<1xi32>
      %min3A_2065 = arith.minsi %min3A_2062, %squeeze3A_2064 : i32
      %slice3A_2066 = vector.extract_strided_slice %min3A_2026 {offsets = [14], sizes = [1], strides = [1]} : vector<16xi32> to vector<1xi32>
      %squeeze3A_2067 = vector.extract %slice3A_2066[0] : i32 from vector<1xi32>
      %min3A_2068 = arith.minsi %min3A_2065, %squeeze3A_2067 : i32
      %slice3A_2069 = vector.extract_strided_slice %min3A_2026 {offsets = [15], sizes = [1], strides = [1]} : vector<16xi32> to vector<1xi32>
      %squeeze3A_2070 = vector.extract %slice3A_2069[0] : i32 from vector<1xi32>
      %min3A_2071 = arith.minsi %min3A_2068, %squeeze3A_2070 : i32
      %dma_wait3A_2072 = arith.constant 0 : i32
      %dma_wait3A_2073 = arith.constant 0 : i32
      %dma_wait3A_2074 = tpu.memref_slice %arg7[%and3A_1699, %dma_wait3A_2072, %dma_wait3A_2073] : memref<2x1024x32xf32, #tpu.memory_space<vmem>> -> memref<1x1024x32xf32, #tpu.memory_space<vmem>>
      %dma_wait3A_2075 = tpu.memref_squeeze %dma_wait3A_2074 : memref<1x1024x32xf32, #tpu.memory_space<vmem>> -> memref<1024x32xf32, #tpu.memory_space<vmem>>
      %dma_wait3A_2076 = arith.constant 0 : i32
      %dma_wait3A_2077 = tpu.memref_slice %arg6[%and3A_1699, %dma_wait3A_2076] : memref<2x1024xi32, #tpu.memory_space<vmem>> -> memref<1x1024xi32, #tpu.memory_space<vmem>>
      %dma_wait3A_2078 = tpu.memref_squeeze %dma_wait3A_2077 : memref<1x1024xi32, #tpu.memory_space<vmem>> -> memref<1024xi32, #tpu.memory_space<vmem>>
      %dma_wait3A_2079 = arith.constant 0 : i32
      %dma_wait3A_2080 = arith.constant 0 : i32
      %dma_wait3A_2081 = tpu.memref_slice %arg3[%dma_wait3A_2079, %dma_wait3A_2080] : memref<4000000x32xf32, #tpu.memory_space<hbm>> -> memref<4000000x32xf32, #tpu.memory_space<hbm>>
      %dma_wait3A_2082 = tpu.memref_slice %arg8[%and3A_1699] : memref<2x!tpu.dma_semaphore, #tpu.memory_space<semaphore_mem>> -> memref<1x!tpu.dma_semaphore, #tpu.memory_space<semaphore_mem>>
      %dma_wait3A_2083 = tpu.memref_squeeze %dma_wait3A_2082 : memref<1x!tpu.dma_semaphore, #tpu.memory_space<semaphore_mem>> -> memref<!tpu.dma_semaphore, #tpu.memory_space<semaphore_mem>>
      tpu.wait_indirect_dma semaphore(%dma_wait3A_2083 : memref<!tpu.dma_semaphore, #tpu.memory_space<semaphore_mem>>) src(%dma_wait3A_2081 : memref<4000000x32xf32, #tpu.memory_space<hbm>>) dst(%dma_wait3A_2075 : memref<1024x32xf32, #tpu.memory_space<vmem>>)
      %broadcast_in_dim3A = arith.constant 0.000000e+00 : f32
      %broadcast_in_dim3A_2084 = vector.broadcast %broadcast_in_dim3A : f32 to vector<16xf32>
      %eq3A = arith.constant 0 : i32
      %eq3A_2085 = arith.cmpi eq, %min3A_2071, %eq3A : i32
      %jit3A = arith.constant 64 : i32
      %jit3A_2086 = arith.constant 0 : i32
      %select_n3A = arith.select %eq3A_2085, %jit3A, %jit3A_2086 : i32
      %while3A = arith.constant 0 : i32
      %while3A_2087 = arith.constant 0 : i32
      %while3A_2088 = arith.subi %select_n3A, %while3A_2087 : i32
      %while3A_2089 = arith.addi %while3A_2087, %while3A_2088 : i32
      %while3A_2090 = arith.constant 1 : i32
      %while3A_2091 = arith.divsi %while3A_2088, %while3A_2090 : i32
      %while3A_2092 = arith.muli %while3A_2091, %while3A_2090 : i32
      %while3A_2093 = arith.addi %while3A_2087, %while3A_2092 : i32
      %while3A_2094 = arith.constant 1 : i32
      scf.for %while3A_2111 = %while3A_2087 to %while3A_2093 step %while3A_2094  : i32 {
        %mul3A_2112 = arith.constant 16 : i32
        %mul3A_2113 = arith.muli %while3A_2111, %mul3A_2112 : i32
        %get3A_2114 = arith.index_cast %and3A_1699 : i32 to index
        %get3A_2115 = arith.index_cast %mul3A_2113 : i32 to index
        %get3A_2116 = tpu.vector_load %arg6[%get3A_2114, %get3A_2115] {strides = array<i32>} : memref<2x1024xi32, #tpu.memory_space<vmem>>, vector<1x16xi32>,
        %get3A_2117 = vector.shape_cast %get3A_2116 : vector<1x16xi32> to vector<16xi32>
        %slice3A_2118 = vector.extract_strided_slice %get3A_2117 {offsets = [0], sizes = [1], strides = [1]} : vector<16xi32> to vector<1xi32>
        %squeeze3A_2119 = vector.extract %slice3A_2118[0] : i32 from vector<1xi32>
        %eq3A_2120 = arith.constant 0 : i32
        %eq3A_2121 = arith.cmpi eq, %squeeze3A_2119, %eq3A_2120 : i32
        %convert_element_type3A_2122 = arith.extui %eq3A_2121 : i1 to i32
        %cond3A_2123 = arith.constant 0 : i32
        %cond3A_2124 = arith.cmpi ne, %convert_element_type3A_2122, %cond3A_2123 : i32
        scf.if %cond3A_2124 {
          %mul3A_2230 = arith.constant 16 : i32
          %mul3A_2231 = arith.muli %while3A_2111, %mul3A_2230 : i32
          %add3A_2232 = arith.constant 0 : i32
          %add3A_2233 = arith.addi %mul3A_2231, %add3A_2232 : i32
          %swap3A_2234 = arith.index_cast %and3A_1699 : i32 to index
          %swap3A_2235 = arith.index_cast %add3A_2233 : i32 to index
          %swap3A_2236 = arith.constant 0 : index
          %swap3A_2237 = tpu.vector_load %arg7[%swap3A_2234, %swap3A_2235, %swap3A_2236] {strides = array<i32>} : memref<2x1024x32xf32, #tpu.memory_space<vmem>>, vector<1x1x16xf32>,
          %swap3A_2238 = vector.shape_cast %swap3A_2237 : vector<1x1x16xf32> to vector<16xf32>
          %swap3A_2239 = vector.shape_cast %broadcast_in_dim3A_2084 : vector<16xf32> to vector<1x1x16xf32>
          tpu.vector_store %arg7[%swap3A_2234, %swap3A_2235, %swap3A_2236], %swap3A_2239 {strides = array<i32>} : memref<2x1024x32xf32, #tpu.memory_space<vmem>>, vector<1x1x16xf32>,
          %swap3A_2240 = arith.index_cast %and3A_1699 : i32 to index
          %swap3A_2241 = arith.index_cast %add3A_2233 : i32 to index
          %swap3A_2242 = arith.constant 16 : index
          %swap3A_2243 = tpu.vector_load %arg7[%swap3A_2240, %swap3A_2241, %swap3A_2242] {strides = array<i32>} : memref<2x1024x32xf32, #tpu.memory_space<vmem>>, vector<1x1x16xf32>,
          %swap3A_2244 = vector.shape_cast %swap3A_2243 : vector<1x1x16xf32> to vector<16xf32>
          %swap3A_2245 = vector.shape_cast %broadcast_in_dim3A_2084 : vector<16xf32> to vector<1x1x16xf32>
          tpu.vector_store %arg7[%swap3A_2240, %swap3A_2241, %swap3A_2242], %swap3A_2245 {strides = array<i32>} : memref<2x1024x32xf32, #tpu.memory_space<vmem>>, vector<1x1x16xf32>,
        } else {
        }
        %slice3A_2125 = vector.extract_strided_slice %get3A_2117 {offsets = [1], sizes = [1], strides = [1]} : vector<16xi32> to vector<1xi32>
        %squeeze3A_2126 = vector.extract %slice3A_2125[0] : i32 from vector<1xi32>
        %eq3A_2127 = arith.constant 0 : i32
        %eq3A_2128 = arith.cmpi eq, %squeeze3A_2126, %eq3A_2127 : i32
        %convert_element_type3A_2129 = arith.extui %eq3A_2128 : i1 to i32
        %cond3A_2130 = arith.constant 0 : i32
        %cond3A_2131 = arith.cmpi ne, %convert_element_type3A_2129, %cond3A_2130 : i32
        scf.if %cond3A_2131 {
          %mul3A_2230 = arith.constant 16 : i32
          %mul3A_2231 = arith.muli %while3A_2111, %mul3A_2230 : i32
          %add3A_2232 = arith.constant 1 : i32
          %add3A_2233 = arith.addi %mul3A_2231, %add3A_2232 : i32
          %swap3A_2234 = arith.index_cast %and3A_1699 : i32 to index
          %swap3A_2235 = arith.index_cast %add3A_2233 : i32 to index
          %swap3A_2236 = arith.constant 0 : index
          %swap3A_2237 = tpu.vector_load %arg7[%swap3A_2234, %swap3A_2235, %swap3A_2236] {strides = array<i32>} : memref<2x1024x32xf32, #tpu.memory_space<vmem>>, vector<1x1x16xf32>,
          %swap3A_2238 = vector.shape_cast %swap3A_2237 : vector<1x1x16xf32> to vector<16xf32>
          %swap3A_2239 = vector.shape_cast %broadcast_in_dim3A_2084 : vector<16xf32> to vector<1x1x16xf32>
          tpu.vector_store %arg7[%swap3A_2234, %swap3A_2235, %swap3A_2236], %swap3A_2239 {strides = array<i32>} : memref<2x1024x32xf32, #tpu.memory_space<vmem>>, vector<1x1x16xf32>,
          %swap3A_2240 = arith.index_cast %and3A_1699 : i32 to index
          %swap3A_2241 = arith.index_cast %add3A_2233 : i32 to index
          %swap3A_2242 = arith.constant 16 : index
          %swap3A_2243 = tpu.vector_load %arg7[%swap3A_2240, %swap3A_2241, %swap3A_2242] {strides = array<i32>} : memref<2x1024x32xf32, #tpu.memory_space<vmem>>, vector<1x1x16xf32>,
          %swap3A_2244 = vector.shape_cast %swap3A_2243 : vector<1x1x16xf32> to vector<16xf32>
          %swap3A_2245 = vector.shape_cast %broadcast_in_dim3A_2084 : vector<16xf32> to vector<1x1x16xf32>
          tpu.vector_store %arg7[%swap3A_2240, %swap3A_2241, %swap3A_2242], %swap3A_2245 {strides = array<i32>} : memref<2x1024x32xf32, #tpu.memory_space<vmem>>, vector<1x1x16xf32>,
        } else {
        }
        %slice3A_2132 = vector.extract_strided_slice %get3A_2117 {offsets = [2], sizes = [1], strides = [1]} : vector<16xi32> to vector<1xi32>
        %squeeze3A_2133 = vector.extract %slice3A_2132[0] : i32 from vector<1xi32>
        %eq3A_2134 = arith.constant 0 : i32
        %eq3A_2135 = arith.cmpi eq, %squeeze3A_2133, %eq3A_2134 : i32
        %convert_element_type3A_2136 = arith.extui %eq3A_2135 : i1 to i32
        %cond3A_2137 = arith.constant 0 : i32
        %cond3A_2138 = arith.cmpi ne, %convert_element_type3A_2136, %cond3A_2137 : i32
        scf.if %cond3A_2138 {
          %mul3A_2230 = arith.constant 16 : i32
          %mul3A_2231 = arith.muli %while3A_2111, %mul3A_2230 : i32
          %add3A_2232 = arith.constant 2 : i32
          %add3A_2233 = arith.addi %mul3A_2231, %add3A_2232 : i32
          %swap3A_2234 = arith.index_cast %and3A_1699 : i32 to index
          %swap3A_2235 = arith.index_cast %add3A_2233 : i32 to index
          %swap3A_2236 = arith.constant 0 : index
          %swap3A_2237 = tpu.vector_load %arg7[%swap3A_2234, %swap3A_2235, %swap3A_2236] {strides = array<i32>} : memref<2x1024x32xf32, #tpu.memory_space<vmem>>, vector<1x1x16xf32>,
          %swap3A_2238 = vector.shape_cast %swap3A_2237 : vector<1x1x16xf32> to vector<16xf32>
          %swap3A_2239 = vector.shape_cast %broadcast_in_dim3A_2084 : vector<16xf32> to vector<1x1x16xf32>
          tpu.vector_store %arg7[%swap3A_2234, %swap3A_2235, %swap3A_2236], %swap3A_2239 {strides = array<i32>} : memref<2x1024x32xf32, #tpu.memory_space<vmem>>, vector<1x1x16xf32>,
          %swap3A_2240 = arith.index_cast %and3A_1699 : i32 to index
          %swap3A_2241 = arith.index_cast %add3A_2233 : i32 to index
          %swap3A_2242 = arith.constant 16 : index
          %swap3A_2243 = tpu.vector_load %arg7[%swap3A_2240, %swap3A_2241, %swap3A_2242] {strides = array<i32>} : memref<2x1024x32xf32, #tpu.memory_space<vmem>>, vector<1x1x16xf32>,
          %swap3A_2244 = vector.shape_cast %swap3A_2243 : vector<1x1x16xf32> to vector<16xf32>
          %swap3A_2245 = vector.shape_cast %broadcast_in_dim3A_2084 : vector<16xf32> to vector<1x1x16xf32>
          tpu.vector_store %arg7[%swap3A_2240, %swap3A_2241, %swap3A_2242], %swap3A_2245 {strides = array<i32>} : memref<2x1024x32xf32, #tpu.memory_space<vmem>>, vector<1x1x16xf32>,
        } else {
        }
        %slice3A_2139 = vector.extract_strided_slice %get3A_2117 {offsets = [3], sizes = [1], strides = [1]} : vector<16xi32> to vector<1xi32>
        %squeeze3A_2140 = vector.extract %slice3A_2139[0] : i32 from vector<1xi32>
        %eq3A_2141 = arith.constant 0 : i32
        %eq3A_2142 = arith.cmpi eq, %squeeze3A_2140, %eq3A_2141 : i32
        %convert_element_type3A_2143 = arith.extui %eq3A_2142 : i1 to i32
        %cond3A_2144 = arith.constant 0 : i32
        %cond3A_2145 = arith.cmpi ne, %convert_element_type3A_2143, %cond3A_2144 : i32
        scf.if %cond3A_2145 {
          %mul3A_2230 = arith.constant 16 : i32
          %mul3A_2231 = arith.muli %while3A_2111, %mul3A_2230 : i32
          %add3A_2232 = arith.constant 3 : i32
          %add3A_2233 = arith.addi %mul3A_2231, %add3A_2232 : i32
          %swap3A_2234 = arith.index_cast %and3A_1699 : i32 to index
          %swap3A_2235 = arith.index_cast %add3A_2233 : i32 to index
          %swap3A_2236 = arith.constant 0 : index
          %swap3A_2237 = tpu.vector_load %arg7[%swap3A_2234, %swap3A_2235, %swap3A_2236] {strides = array<i32>} : memref<2x1024x32xf32, #tpu.memory_space<vmem>>, vector<1x1x16xf32>,
          %swap3A_2238 = vector.shape_cast %swap3A_2237 : vector<1x1x16xf32> to vector<16xf32>
          %swap3A_2239 = vector.shape_cast %broadcast_in_dim3A_2084 : vector<16xf32> to vector<1x1x16xf32>
          tpu.vector_store %arg7[%swap3A_2234, %swap3A_2235, %swap3A_2236], %swap3A_2239 {strides = array<i32>} : memref<2x1024x32xf32, #tpu.memory_space<vmem>>, vector<1x1x16xf32>,
          %swap3A_2240 = arith.index_cast %and3A_1699 : i32 to index
          %swap3A_2241 = arith.index_cast %add3A_2233 : i32 to index
          %swap3A_2242 = arith.constant 16 : index
          %swap3A_2243 = tpu.vector_load %arg7[%swap3A_2240, %swap3A_2241, %swap3A_2242] {strides = array<i32>} : memref<2x1024x32xf32, #tpu.memory_space<vmem>>, vector<1x1x16xf32>,
          %swap3A_2244 = vector.shape_cast %swap3A_2243 : vector<1x1x16xf32> to vector<16xf32>
          %swap3A_2245 = vector.shape_cast %broadcast_in_dim3A_2084 : vector<16xf32> to vector<1x1x16xf32>
          tpu.vector_store %arg7[%swap3A_2240, %swap3A_2241, %swap3A_2242], %swap3A_2245 {strides = array<i32>} : memref<2x1024x32xf32, #tpu.memory_space<vmem>>, vector<1x1x16xf32>,
        } else {
        }
        %slice3A_2146 = vector.extract_strided_slice %get3A_2117 {offsets = [4], sizes = [1], strides = [1]} : vector<16xi32> to vector<1xi32>
        %squeeze3A_2147 = vector.extract %slice3A_2146[0] : i32 from vector<1xi32>
        %eq3A_2148 = arith.constant 0 : i32
        %eq3A_2149 = arith.cmpi eq, %squeeze3A_2147, %eq3A_2148 : i32
        %convert_element_type3A_2150 = arith.extui %eq3A_2149 : i1 to i32
        %cond3A_2151 = arith.constant 0 : i32
        %cond3A_2152 = arith.cmpi ne, %convert_element_type3A_2150, %cond3A_2151 : i32
        scf.if %cond3A_2152 {
          %mul3A_2230 = arith.constant 16 : i32
          %mul3A_2231 = arith.muli %while3A_2111, %mul3A_2230 : i32
          %add3A_2232 = arith.constant 4 : i32
          %add3A_2233 = arith.addi %mul3A_2231, %add3A_2232 : i32
          %swap3A_2234 = arith.index_cast %and3A_1699 : i32 to index
          %swap3A_2235 = arith.index_cast %add3A_2233 : i32 to index
          %swap3A_2236 = arith.constant 0 : index
          %swap3A_2237 = tpu.vector_load %arg7[%swap3A_2234, %swap3A_2235, %swap3A_2236] {strides = array<i32>} : memref<2x1024x32xf32, #tpu.memory_space<vmem>>, vector<1x1x16xf32>,
          %swap3A_2238 = vector.shape_cast %swap3A_2237 : vector<1x1x16xf32> to vector<16xf32>
          %swap3A_2239 = vector.shape_cast %broadcast_in_dim3A_2084 : vector<16xf32> to vector<1x1x16xf32>
          tpu.vector_store %arg7[%swap3A_2234, %swap3A_2235, %swap3A_2236], %swap3A_2239 {strides = array<i32>} : memref<2x1024x32xf32, #tpu.memory_space<vmem>>, vector<1x1x16xf32>,
          %swap3A_2240 = arith.index_cast %and3A_1699 : i32 to index
          %swap3A_2241 = arith.index_cast %add3A_2233 : i32 to index
          %swap3A_2242 = arith.constant 16 : index
          %swap3A_2243 = tpu.vector_load %arg7[%swap3A_2240, %swap3A_2241, %swap3A_2242] {strides = array<i32>} : memref<2x1024x32xf32, #tpu.memory_space<vmem>>, vector<1x1x16xf32>,
          %swap3A_2244 = vector.shape_cast %swap3A_2243 : vector<1x1x16xf32> to vector<16xf32>
          %swap3A_2245 = vector.shape_cast %broadcast_in_dim3A_2084 : vector<16xf32> to vector<1x1x16xf32>
          tpu.vector_store %arg7[%swap3A_2240, %swap3A_2241, %swap3A_2242], %swap3A_2245 {strides = array<i32>} : memref<2x1024x32xf32, #tpu.memory_space<vmem>>, vector<1x1x16xf32>,
        } else {
        }
        %slice3A_2153 = vector.extract_strided_slice %get3A_2117 {offsets = [5], sizes = [1], strides = [1]} : vector<16xi32> to vector<1xi32>
        %squeeze3A_2154 = vector.extract %slice3A_2153[0] : i32 from vector<1xi32>
        %eq3A_2155 = arith.constant 0 : i32
        %eq3A_2156 = arith.cmpi eq, %squeeze3A_2154, %eq3A_2155 : i32
        %convert_element_type3A_2157 = arith.extui %eq3A_2156 : i1 to i32
        %cond3A_2158 = arith.constant 0 : i32
        %cond3A_2159 = arith.cmpi ne, %convert_element_type3A_2157, %cond3A_2158 : i32
        scf.if %cond3A_2159 {
          %mul3A_2230 = arith.constant 16 : i32
          %mul3A_2231 = arith.muli %while3A_2111, %mul3A_2230 : i32
          %add3A_2232 = arith.constant 5 : i32
          %add3A_2233 = arith.addi %mul3A_2231, %add3A_2232 : i32
          %swap3A_2234 = arith.index_cast %and3A_1699 : i32 to index
          %swap3A_2235 = arith.index_cast %add3A_2233 : i32 to index
          %swap3A_2236 = arith.constant 0 : index
          %swap3A_2237 = tpu.vector_load %arg7[%swap3A_2234, %swap3A_2235, %swap3A_2236] {strides = array<i32>} : memref<2x1024x32xf32, #tpu.memory_space<vmem>>, vector<1x1x16xf32>,
          %swap3A_2238 = vector.shape_cast %swap3A_2237 : vector<1x1x16xf32> to vector<16xf32>
          %swap3A_2239 = vector.shape_cast %broadcast_in_dim3A_2084 : vector<16xf32> to vector<1x1x16xf32>
          tpu.vector_store %arg7[%swap3A_2234, %swap3A_2235, %swap3A_2236], %swap3A_2239 {strides = array<i32>} : memref<2x1024x32xf32, #tpu.memory_space<vmem>>, vector<1x1x16xf32>,
          %swap3A_2240 = arith.index_cast %and3A_1699 : i32 to index
          %swap3A_2241 = arith.index_cast %add3A_2233 : i32 to index
          %swap3A_2242 = arith.constant 16 : index
          %swap3A_2243 = tpu.vector_load %arg7[%swap3A_2240, %swap3A_2241, %swap3A_2242] {strides = array<i32>} : memref<2x1024x32xf32, #tpu.memory_space<vmem>>, vector<1x1x16xf32>,
          %swap3A_2244 = vector.shape_cast %swap3A_2243 : vector<1x1x16xf32> to vector<16xf32>
          %swap3A_2245 = vector.shape_cast %broadcast_in_dim3A_2084 : vector<16xf32> to vector<1x1x16xf32>
          tpu.vector_store %arg7[%swap3A_2240, %swap3A_2241, %swap3A_2242], %swap3A_2245 {strides = array<i32>} : memref<2x1024x32xf32, #tpu.memory_space<vmem>>, vector<1x1x16xf32>,
        } else {
        }
        %slice3A_2160 = vector.extract_strided_slice %get3A_2117 {offsets = [6], sizes = [1], strides = [1]} : vector<16xi32> to vector<1xi32>
        %squeeze3A_2161 = vector.extract %slice3A_2160[0] : i32 from vector<1xi32>
        %eq3A_2162 = arith.constant 0 : i32
        %eq3A_2163 = arith.cmpi eq, %squeeze3A_2161, %eq3A_2162 : i32
        %convert_element_type3A_2164 = arith.extui %eq3A_2163 : i1 to i32
        %cond3A_2165 = arith.constant 0 : i32
        %cond3A_2166 = arith.cmpi ne, %convert_element_type3A_2164, %cond3A_2165 : i32
        scf.if %cond3A_2166 {
          %mul3A_2230 = arith.constant 16 : i32
          %mul3A_2231 = arith.muli %while3A_2111, %mul3A_2230 : i32
          %add3A_2232 = arith.constant 6 : i32
          %add3A_2233 = arith.addi %mul3A_2231, %add3A_2232 : i32
          %swap3A_2234 = arith.index_cast %and3A_1699 : i32 to index
          %swap3A_2235 = arith.index_cast %add3A_2233 : i32 to index
          %swap3A_2236 = arith.constant 0 : index
          %swap3A_2237 = tpu.vector_load %arg7[%swap3A_2234, %swap3A_2235, %swap3A_2236] {strides = array<i32>} : memref<2x1024x32xf32, #tpu.memory_space<vmem>>, vector<1x1x16xf32>,
          %swap3A_2238 = vector.shape_cast %swap3A_2237 : vector<1x1x16xf32> to vector<16xf32>
          %swap3A_2239 = vector.shape_cast %broadcast_in_dim3A_2084 : vector<16xf32> to vector<1x1x16xf32>
          tpu.vector_store %arg7[%swap3A_2234, %swap3A_2235, %swap3A_2236], %swap3A_2239 {strides = array<i32>} : memref<2x1024x32xf32, #tpu.memory_space<vmem>>, vector<1x1x16xf32>,
          %swap3A_2240 = arith.index_cast %and3A_1699 : i32 to index
          %swap3A_2241 = arith.index_cast %add3A_2233 : i32 to index
          %swap3A_2242 = arith.constant 16 : index
          %swap3A_2243 = tpu.vector_load %arg7[%swap3A_2240, %swap3A_2241, %swap3A_2242] {strides = array<i32>} : memref<2x1024x32xf32, #tpu.memory_space<vmem>>, vector<1x1x16xf32>,
          %swap3A_2244 = vector.shape_cast %swap3A_2243 : vector<1x1x16xf32> to vector<16xf32>
          %swap3A_2245 = vector.shape_cast %broadcast_in_dim3A_2084 : vector<16xf32> to vector<1x1x16xf32>
          tpu.vector_store %arg7[%swap3A_2240, %swap3A_2241, %swap3A_2242], %swap3A_2245 {strides = array<i32>} : memref<2x1024x32xf32, #tpu.memory_space<vmem>>, vector<1x1x16xf32>,
        } else {
        }
        %slice3A_2167 = vector.extract_strided_slice %get3A_2117 {offsets = [7], sizes = [1], strides = [1]} : vector<16xi32> to vector<1xi32>
        %squeeze3A_2168 = vector.extract %slice3A_2167[0] : i32 from vector<1xi32>
        %eq3A_2169 = arith.constant 0 : i32
        %eq3A_2170 = arith.cmpi eq, %squeeze3A_2168, %eq3A_2169 : i32
        %convert_element_type3A_2171 = arith.extui %eq3A_2170 : i1 to i32
        %cond3A_2172 = arith.constant 0 : i32
        %cond3A_2173 = arith.cmpi ne, %convert_element_type3A_2171, %cond3A_2172 : i32
        scf.if %cond3A_2173 {
          %mul3A_2230 = arith.constant 16 : i32
          %mul3A_2231 = arith.muli %while3A_2111, %mul3A_2230 : i32
          %add3A_2232 = arith.constant 7 : i32
          %add3A_2233 = arith.addi %mul3A_2231, %add3A_2232 : i32
          %swap3A_2234 = arith.index_cast %and3A_1699 : i32 to index
          %swap3A_2235 = arith.index_cast %add3A_2233 : i32 to index
          %swap3A_2236 = arith.constant 0 : index
          %swap3A_2237 = tpu.vector_load %arg7[%swap3A_2234, %swap3A_2235, %swap3A_2236] {strides = array<i32>} : memref<2x1024x32xf32, #tpu.memory_space<vmem>>, vector<1x1x16xf32>,
          %swap3A_2238 = vector.shape_cast %swap3A_2237 : vector<1x1x16xf32> to vector<16xf32>
          %swap3A_2239 = vector.shape_cast %broadcast_in_dim3A_2084 : vector<16xf32> to vector<1x1x16xf32>
          tpu.vector_store %arg7[%swap3A_2234, %swap3A_2235, %swap3A_2236], %swap3A_2239 {strides = array<i32>} : memref<2x1024x32xf32, #tpu.memory_space<vmem>>, vector<1x1x16xf32>,
          %swap3A_2240 = arith.index_cast %and3A_1699 : i32 to index
          %swap3A_2241 = arith.index_cast %add3A_2233 : i32 to index
          %swap3A_2242 = arith.constant 16 : index
          %swap3A_2243 = tpu.vector_load %arg7[%swap3A_2240, %swap3A_2241, %swap3A_2242] {strides = array<i32>} : memref<2x1024x32xf32, #tpu.memory_space<vmem>>, vector<1x1x16xf32>,
          %swap3A_2244 = vector.shape_cast %swap3A_2243 : vector<1x1x16xf32> to vector<16xf32>
          %swap3A_2245 = vector.shape_cast %broadcast_in_dim3A_2084 : vector<16xf32> to vector<1x1x16xf32>
          tpu.vector_store %arg7[%swap3A_2240, %swap3A_2241, %swap3A_2242], %swap3A_2245 {strides = array<i32>} : memref<2x1024x32xf32, #tpu.memory_space<vmem>>, vector<1x1x16xf32>,
        } else {
        }
        %slice3A_2174 = vector.extract_strided_slice %get3A_2117 {offsets = [8], sizes = [1], strides = [1]} : vector<16xi32> to vector<1xi32>
        %squeeze3A_2175 = vector.extract %slice3A_2174[0] : i32 from vector<1xi32>
        %eq3A_2176 = arith.constant 0 : i32
        %eq3A_2177 = arith.cmpi eq, %squeeze3A_2175, %eq3A_2176 : i32
        %convert_element_type3A_2178 = arith.extui %eq3A_2177 : i1 to i32
        %cond3A_2179 = arith.constant 0 : i32
        %cond3A_2180 = arith.cmpi ne, %convert_element_type3A_2178, %cond3A_2179 : i32
        scf.if %cond3A_2180 {
          %mul3A_2230 = arith.constant 16 : i32
          %mul3A_2231 = arith.muli %while3A_2111, %mul3A_2230 : i32
          %add3A_2232 = arith.constant 8 : i32
          %add3A_2233 = arith.addi %mul3A_2231, %add3A_2232 : i32
          %swap3A_2234 = arith.index_cast %and3A_1699 : i32 to index
          %swap3A_2235 = arith.index_cast %add3A_2233 : i32 to index
          %swap3A_2236 = arith.constant 0 : index
          %swap3A_2237 = tpu.vector_load %arg7[%swap3A_2234, %swap3A_2235, %swap3A_2236] {strides = array<i32>} : memref<2x1024x32xf32, #tpu.memory_space<vmem>>, vector<1x1x16xf32>,
          %swap3A_2238 = vector.shape_cast %swap3A_2237 : vector<1x1x16xf32> to vector<16xf32>
          %swap3A_2239 = vector.shape_cast %broadcast_in_dim3A_2084 : vector<16xf32> to vector<1x1x16xf32>
          tpu.vector_store %arg7[%swap3A_2234, %swap3A_2235, %swap3A_2236], %swap3A_2239 {strides = array<i32>} : memref<2x1024x32xf32, #tpu.memory_space<vmem>>, vector<1x1x16xf32>,
          %swap3A_2240 = arith.index_cast %and3A_1699 : i32 to index
          %swap3A_2241 = arith.index_cast %add3A_2233 : i32 to index
          %swap3A_2242 = arith.constant 16 : index
          %swap3A_2243 = tpu.vector_load %arg7[%swap3A_2240, %swap3A_2241, %swap3A_2242] {strides = array<i32>} : memref<2x1024x32xf32, #tpu.memory_space<vmem>>, vector<1x1x16xf32>,
          %swap3A_2244 = vector.shape_cast %swap3A_2243 : vector<1x1x16xf32> to vector<16xf32>
          %swap3A_2245 = vector.shape_cast %broadcast_in_dim3A_2084 : vector<16xf32> to vector<1x1x16xf32>
          tpu.vector_store %arg7[%swap3A_2240, %swap3A_2241, %swap3A_2242], %swap3A_2245 {strides = array<i32>} : memref<2x1024x32xf32, #tpu.memory_space<vmem>>, vector<1x1x16xf32>,
        } else {
        }
        %slice3A_2181 = vector.extract_strided_slice %get3A_2117 {offsets = [9], sizes = [1], strides = [1]} : vector<16xi32> to vector<1xi32>
        %squeeze3A_2182 = vector.extract %slice3A_2181[0] : i32 from vector<1xi32>
        %eq3A_2183 = arith.constant 0 : i32
        %eq3A_2184 = arith.cmpi eq, %squeeze3A_2182, %eq3A_2183 : i32
        %convert_element_type3A_2185 = arith.extui %eq3A_2184 : i1 to i32
        %cond3A_2186 = arith.constant 0 : i32
        %cond3A_2187 = arith.cmpi ne, %convert_element_type3A_2185, %cond3A_2186 : i32
        scf.if %cond3A_2187 {
          %mul3A_2230 = arith.constant 16 : i32
          %mul3A_2231 = arith.muli %while3A_2111, %mul3A_2230 : i32
          %add3A_2232 = arith.constant 9 : i32
          %add3A_2233 = arith.addi %mul3A_2231, %add3A_2232 : i32
          %swap3A_2234 = arith.index_cast %and3A_1699 : i32 to index
          %swap3A_2235 = arith.index_cast %add3A_2233 : i32 to index
          %swap3A_2236 = arith.constant 0 : index
          %swap3A_2237 = tpu.vector_load %arg7[%swap3A_2234, %swap3A_2235, %swap3A_2236] {strides = array<i32>} : memref<2x1024x32xf32, #tpu.memory_space<vmem>>, vector<1x1x16xf32>,
          %swap3A_2238 = vector.shape_cast %swap3A_2237 : vector<1x1x16xf32> to vector<16xf32>
          %swap3A_2239 = vector.shape_cast %broadcast_in_dim3A_2084 : vector<16xf32> to vector<1x1x16xf32>
          tpu.vector_store %arg7[%swap3A_2234, %swap3A_2235, %swap3A_2236], %swap3A_2239 {strides = array<i32>} : memref<2x1024x32xf32, #tpu.memory_space<vmem>>, vector<1x1x16xf32>,
          %swap3A_2240 = arith.index_cast %and3A_1699 : i32 to index
          %swap3A_2241 = arith.index_cast %add3A_2233 : i32 to index
          %swap3A_2242 = arith.constant 16 : index
          %swap3A_2243 = tpu.vector_load %arg7[%swap3A_2240, %swap3A_2241, %swap3A_2242] {strides = array<i32>} : memref<2x1024x32xf32, #tpu.memory_space<vmem>>, vector<1x1x16xf32>,
          %swap3A_2244 = vector.shape_cast %swap3A_2243 : vector<1x1x16xf32> to vector<16xf32>
          %swap3A_2245 = vector.shape_cast %broadcast_in_dim3A_2084 : vector<16xf32> to vector<1x1x16xf32>
          tpu.vector_store %arg7[%swap3A_2240, %swap3A_2241, %swap3A_2242], %swap3A_2245 {strides = array<i32>} : memref<2x1024x32xf32, #tpu.memory_space<vmem>>, vector<1x1x16xf32>,
        } else {
        }
        %slice3A_2188 = vector.extract_strided_slice %get3A_2117 {offsets = [10], sizes = [1], strides = [1]} : vector<16xi32> to vector<1xi32>
        %squeeze3A_2189 = vector.extract %slice3A_2188[0] : i32 from vector<1xi32>
        %eq3A_2190 = arith.constant 0 : i32
        %eq3A_2191 = arith.cmpi eq, %squeeze3A_2189, %eq3A_2190 : i32
        %convert_element_type3A_2192 = arith.extui %eq3A_2191 : i1 to i32
        %cond3A_2193 = arith.constant 0 : i32
        %cond3A_2194 = arith.cmpi ne, %convert_element_type3A_2192, %cond3A_2193 : i32
        scf.if %cond3A_2194 {
          %mul3A_2230 = arith.constant 16 : i32
          %mul3A_2231 = arith.muli %while3A_2111, %mul3A_2230 : i32
          %add3A_2232 = arith.constant 10 : i32
          %add3A_2233 = arith.addi %mul3A_2231, %add3A_2232 : i32
          %swap3A_2234 = arith.index_cast %and3A_1699 : i32 to index
          %swap3A_2235 = arith.index_cast %add3A_2233 : i32 to index
          %swap3A_2236 = arith.constant 0 : index
          %swap3A_2237 = tpu.vector_load %arg7[%swap3A_2234, %swap3A_2235, %swap3A_2236] {strides = array<i32>} : memref<2x1024x32xf32, #tpu.memory_space<vmem>>, vector<1x1x16xf32>,
          %swap3A_2238 = vector.shape_cast %swap3A_2237 : vector<1x1x16xf32> to vector<16xf32>
          %swap3A_2239 = vector.shape_cast %broadcast_in_dim3A_2084 : vector<16xf32> to vector<1x1x16xf32>
          tpu.vector_store %arg7[%swap3A_2234, %swap3A_2235, %swap3A_2236], %swap3A_2239 {strides = array<i32>} : memref<2x1024x32xf32, #tpu.memory_space<vmem>>, vector<1x1x16xf32>,
          %swap3A_2240 = arith.index_cast %and3A_1699 : i32 to index
          %swap3A_2241 = arith.index_cast %add3A_2233 : i32 to index
          %swap3A_2242 = arith.constant 16 : index
          %swap3A_2243 = tpu.vector_load %arg7[%swap3A_2240, %swap3A_2241, %swap3A_2242] {strides = array<i32>} : memref<2x1024x32xf32, #tpu.memory_space<vmem>>, vector<1x1x16xf32>,
          %swap3A_2244 = vector.shape_cast %swap3A_2243 : vector<1x1x16xf32> to vector<16xf32>
          %swap3A_2245 = vector.shape_cast %broadcast_in_dim3A_2084 : vector<16xf32> to vector<1x1x16xf32>
          tpu.vector_store %arg7[%swap3A_2240, %swap3A_2241, %swap3A_2242], %swap3A_2245 {strides = array<i32>} : memref<2x1024x32xf32, #tpu.memory_space<vmem>>, vector<1x1x16xf32>,
        } else {
        }
        %slice3A_2195 = vector.extract_strided_slice %get3A_2117 {offsets = [11], sizes = [1], strides = [1]} : vector<16xi32> to vector<1xi32>
        %squeeze3A_2196 = vector.extract %slice3A_2195[0] : i32 from vector<1xi32>
        %eq3A_2197 = arith.constant 0 : i32
        %eq3A_2198 = arith.cmpi eq, %squeeze3A_2196, %eq3A_2197 : i32
        %convert_element_type3A_2199 = arith.extui %eq3A_2198 : i1 to i32
        %cond3A_2200 = arith.constant 0 : i32
        %cond3A_2201 = arith.cmpi ne, %convert_element_type3A_2199, %cond3A_2200 : i32
        scf.if %cond3A_2201 {
          %mul3A_2230 = arith.constant 16 : i32
          %mul3A_2231 = arith.muli %while3A_2111, %mul3A_2230 : i32
          %add3A_2232 = arith.constant 11 : i32
          %add3A_2233 = arith.addi %mul3A_2231, %add3A_2232 : i32
          %swap3A_2234 = arith.index_cast %and3A_1699 : i32 to index
          %swap3A_2235 = arith.index_cast %add3A_2233 : i32 to index
          %swap3A_2236 = arith.constant 0 : index
          %swap3A_2237 = tpu.vector_load %arg7[%swap3A_2234, %swap3A_2235, %swap3A_2236] {strides = array<i32>} : memref<2x1024x32xf32, #tpu.memory_space<vmem>>, vector<1x1x16xf32>,
          %swap3A_2238 = vector.shape_cast %swap3A_2237 : vector<1x1x16xf32> to vector<16xf32>
          %swap3A_2239 = vector.shape_cast %broadcast_in_dim3A_2084 : vector<16xf32> to vector<1x1x16xf32>
          tpu.vector_store %arg7[%swap3A_2234, %swap3A_2235, %swap3A_2236], %swap3A_2239 {strides = array<i32>} : memref<2x1024x32xf32, #tpu.memory_space<vmem>>, vector<1x1x16xf32>,
          %swap3A_2240 = arith.index_cast %and3A_1699 : i32 to index
          %swap3A_2241 = arith.index_cast %add3A_2233 : i32 to index
          %swap3A_2242 = arith.constant 16 : index
          %swap3A_2243 = tpu.vector_load %arg7[%swap3A_2240, %swap3A_2241, %swap3A_2242] {strides = array<i32>} : memref<2x1024x32xf32, #tpu.memory_space<vmem>>, vector<1x1x16xf32>,
          %swap3A_2244 = vector.shape_cast %swap3A_2243 : vector<1x1x16xf32> to vector<16xf32>
          %swap3A_2245 = vector.shape_cast %broadcast_in_dim3A_2084 : vector<16xf32> to vector<1x1x16xf32>
          tpu.vector_store %arg7[%swap3A_2240, %swap3A_2241, %swap3A_2242], %swap3A_2245 {strides = array<i32>} : memref<2x1024x32xf32, #tpu.memory_space<vmem>>, vector<1x1x16xf32>,
        } else {
        }
        %slice3A_2202 = vector.extract_strided_slice %get3A_2117 {offsets = [12], sizes = [1], strides = [1]} : vector<16xi32> to vector<1xi32>
        %squeeze3A_2203 = vector.extract %slice3A_2202[0] : i32 from vector<1xi32>
        %eq3A_2204 = arith.constant 0 : i32
        %eq3A_2205 = arith.cmpi eq, %squeeze3A_2203, %eq3A_2204 : i32
        %convert_element_type3A_2206 = arith.extui %eq3A_2205 : i1 to i32
        %cond3A_2207 = arith.constant 0 : i32
        %cond3A_2208 = arith.cmpi ne, %convert_element_type3A_2206, %cond3A_2207 : i32
        scf.if %cond3A_2208 {
          %mul3A_2230 = arith.constant 16 : i32
          %mul3A_2231 = arith.muli %while3A_2111, %mul3A_2230 : i32
          %add3A_2232 = arith.constant 12 : i32
          %add3A_2233 = arith.addi %mul3A_2231, %add3A_2232 : i32
          %swap3A_2234 = arith.index_cast %and3A_1699 : i32 to index
          %swap3A_2235 = arith.index_cast %add3A_2233 : i32 to index
          %swap3A_2236 = arith.constant 0 : index
          %swap3A_2237 = tpu.vector_load %arg7[%swap3A_2234, %swap3A_2235, %swap3A_2236] {strides = array<i32>} : memref<2x1024x32xf32, #tpu.memory_space<vmem>>, vector<1x1x16xf32>,
          %swap3A_2238 = vector.shape_cast %swap3A_2237 : vector<1x1x16xf32> to vector<16xf32>
          %swap3A_2239 = vector.shape_cast %broadcast_in_dim3A_2084 : vector<16xf32> to vector<1x1x16xf32>
          tpu.vector_store %arg7[%swap3A_2234, %swap3A_2235, %swap3A_2236], %swap3A_2239 {strides = array<i32>} : memref<2x1024x32xf32, #tpu.memory_space<vmem>>, vector<1x1x16xf32>,
          %swap3A_2240 = arith.index_cast %and3A_1699 : i32 to index
          %swap3A_2241 = arith.index_cast %add3A_2233 : i32 to index
          %swap3A_2242 = arith.constant 16 : index
          %swap3A_2243 = tpu.vector_load %arg7[%swap3A_2240, %swap3A_2241, %swap3A_2242] {strides = array<i32>} : memref<2x1024x32xf32, #tpu.memory_space<vmem>>, vector<1x1x16xf32>,
          %swap3A_2244 = vector.shape_cast %swap3A_2243 : vector<1x1x16xf32> to vector<16xf32>
          %swap3A_2245 = vector.shape_cast %broadcast_in_dim3A_2084 : vector<16xf32> to vector<1x1x16xf32>
          tpu.vector_store %arg7[%swap3A_2240, %swap3A_2241, %swap3A_2242], %swap3A_2245 {strides = array<i32>} : memref<2x1024x32xf32, #tpu.memory_space<vmem>>, vector<1x1x16xf32>,
        } else {
        }
        %slice3A_2209 = vector.extract_strided_slice %get3A_2117 {offsets = [13], sizes = [1], strides = [1]} : vector<16xi32> to vector<1xi32>
        %squeeze3A_2210 = vector.extract %slice3A_2209[0] : i32 from vector<1xi32>
        %eq3A_2211 = arith.constant 0 : i32
        %eq3A_2212 = arith.cmpi eq, %squeeze3A_2210, %eq3A_2211 : i32
        %convert_element_type3A_2213 = arith.extui %eq3A_2212 : i1 to i32
        %cond3A_2214 = arith.constant 0 : i32
        %cond3A_2215 = arith.cmpi ne, %convert_element_type3A_2213, %cond3A_2214 : i32
        scf.if %cond3A_2215 {
          %mul3A_2230 = arith.constant 16 : i32
          %mul3A_2231 = arith.muli %while3A_2111, %mul3A_2230 : i32
          %add3A_2232 = arith.constant 13 : i32
          %add3A_2233 = arith.addi %mul3A_2231, %add3A_2232 : i32
          %swap3A_2234 = arith.index_cast %and3A_1699 : i32 to index
          %swap3A_2235 = arith.index_cast %add3A_2233 : i32 to index
          %swap3A_2236 = arith.constant 0 : index
          %swap3A_2237 = tpu.vector_load %arg7[%swap3A_2234, %swap3A_2235, %swap3A_2236] {strides = array<i32>} : memref<2x1024x32xf32, #tpu.memory_space<vmem>>, vector<1x1x16xf32>,
          %swap3A_2238 = vector.shape_cast %swap3A_2237 : vector<1x1x16xf32> to vector<16xf32>
          %swap3A_2239 = vector.shape_cast %broadcast_in_dim3A_2084 : vector<16xf32> to vector<1x1x16xf32>
          tpu.vector_store %arg7[%swap3A_2234, %swap3A_2235, %swap3A_2236], %swap3A_2239 {strides = array<i32>} : memref<2x1024x32xf32, #tpu.memory_space<vmem>>, vector<1x1x16xf32>,
          %swap3A_2240 = arith.index_cast %and3A_1699 : i32 to index
          %swap3A_2241 = arith.index_cast %add3A_2233 : i32 to index
          %swap3A_2242 = arith.constant 16 : index
          %swap3A_2243 = tpu.vector_load %arg7[%swap3A_2240, %swap3A_2241, %swap3A_2242] {strides = array<i32>} : memref<2x1024x32xf32, #tpu.memory_space<vmem>>, vector<1x1x16xf32>,
          %swap3A_2244 = vector.shape_cast %swap3A_2243 : vector<1x1x16xf32> to vector<16xf32>
          %swap3A_2245 = vector.shape_cast %broadcast_in_dim3A_2084 : vector<16xf32> to vector<1x1x16xf32>
          tpu.vector_store %arg7[%swap3A_2240, %swap3A_2241, %swap3A_2242], %swap3A_2245 {strides = array<i32>} : memref<2x1024x32xf32, #tpu.memory_space<vmem>>, vector<1x1x16xf32>,
        } else {
        }
        %slice3A_2216 = vector.extract_strided_slice %get3A_2117 {offsets = [14], sizes = [1], strides = [1]} : vector<16xi32> to vector<1xi32>
        %squeeze3A_2217 = vector.extract %slice3A_2216[0] : i32 from vector<1xi32>
        %eq3A_2218 = arith.constant 0 : i32
        %eq3A_2219 = arith.cmpi eq, %squeeze3A_2217, %eq3A_2218 : i32
        %convert_element_type3A_2220 = arith.extui %eq3A_2219 : i1 to i32
        %cond3A_2221 = arith.constant 0 : i32
        %cond3A_2222 = arith.cmpi ne, %convert_element_type3A_2220, %cond3A_2221 : i32
        scf.if %cond3A_2222 {
          %mul3A_2230 = arith.constant 16 : i32
          %mul3A_2231 = arith.muli %while3A_2111, %mul3A_2230 : i32
          %add3A_2232 = arith.constant 14 : i32
          %add3A_2233 = arith.addi %mul3A_2231, %add3A_2232 : i32
          %swap3A_2234 = arith.index_cast %and3A_1699 : i32 to index
          %swap3A_2235 = arith.index_cast %add3A_2233 : i32 to index
          %swap3A_2236 = arith.constant 0 : index
          %swap3A_2237 = tpu.vector_load %arg7[%swap3A_2234, %swap3A_2235, %swap3A_2236] {strides = array<i32>} : memref<2x1024x32xf32, #tpu.memory_space<vmem>>, vector<1x1x16xf32>,
          %swap3A_2238 = vector.shape_cast %swap3A_2237 : vector<1x1x16xf32> to vector<16xf32>
          %swap3A_2239 = vector.shape_cast %broadcast_in_dim3A_2084 : vector<16xf32> to vector<1x1x16xf32>
          tpu.vector_store %arg7[%swap3A_2234, %swap3A_2235, %swap3A_2236], %swap3A_2239 {strides = array<i32>} : memref<2x1024x32xf32, #tpu.memory_space<vmem>>, vector<1x1x16xf32>,
          %swap3A_2240 = arith.index_cast %and3A_1699 : i32 to index
          %swap3A_2241 = arith.index_cast %add3A_2233 : i32 to index
          %swap3A_2242 = arith.constant 16 : index
          %swap3A_2243 = tpu.vector_load %arg7[%swap3A_2240, %swap3A_2241, %swap3A_2242] {strides = array<i32>} : memref<2x1024x32xf32, #tpu.memory_space<vmem>>, vector<1x1x16xf32>,
          %swap3A_2244 = vector.shape_cast %swap3A_2243 : vector<1x1x16xf32> to vector<16xf32>
          %swap3A_2245 = vector.shape_cast %broadcast_in_dim3A_2084 : vector<16xf32> to vector<1x1x16xf32>
          tpu.vector_store %arg7[%swap3A_2240, %swap3A_2241, %swap3A_2242], %swap3A_2245 {strides = array<i32>} : memref<2x1024x32xf32, #tpu.memory_space<vmem>>, vector<1x1x16xf32>,
        } else {
        }
        %slice3A_2223 = vector.extract_strided_slice %get3A_2117 {offsets = [15], sizes = [1], strides = [1]} : vector<16xi32> to vector<1xi32>
        %squeeze3A_2224 = vector.extract %slice3A_2223[0] : i32 from vector<1xi32>
        %eq3A_2225 = arith.constant 0 : i32
        %eq3A_2226 = arith.cmpi eq, %squeeze3A_2224, %eq3A_2225 : i32
        %convert_element_type3A_2227 = arith.extui %eq3A_2226 : i1 to i32
        %cond3A_2228 = arith.constant 0 : i32
        %cond3A_2229 = arith.cmpi ne, %convert_element_type3A_2227, %cond3A_2228 : i32
        scf.if %cond3A_2229 {
          %mul3A_2230 = arith.constant 16 : i32
          %mul3A_2231 = arith.muli %while3A_2111, %mul3A_2230 : i32
          %add3A_2232 = arith.constant 15 : i32
          %add3A_2233 = arith.addi %mul3A_2231, %add3A_2232 : i32
          %swap3A_2234 = arith.index_cast %and3A_1699 : i32 to index
          %swap3A_2235 = arith.index_cast %add3A_2233 : i32 to index
          %swap3A_2236 = arith.constant 0 : index
          %swap3A_2237 = tpu.vector_load %arg7[%swap3A_2234, %swap3A_2235, %swap3A_2236] {strides = array<i32>} : memref<2x1024x32xf32, #tpu.memory_space<vmem>>, vector<1x1x16xf32>,
          %swap3A_2238 = vector.shape_cast %swap3A_2237 : vector<1x1x16xf32> to vector<16xf32>
          %swap3A_2239 = vector.shape_cast %broadcast_in_dim3A_2084 : vector<16xf32> to vector<1x1x16xf32>
          tpu.vector_store %arg7[%swap3A_2234, %swap3A_2235, %swap3A_2236], %swap3A_2239 {strides = array<i32>} : memref<2x1024x32xf32, #tpu.memory_space<vmem>>, vector<1x1x16xf32>,
          %swap3A_2240 = arith.index_cast %and3A_1699 : i32 to index
          %swap3A_2241 = arith.index_cast %add3A_2233 : i32 to index
          %swap3A_2242 = arith.constant 16 : index
          %swap3A_2243 = tpu.vector_load %arg7[%swap3A_2240, %swap3A_2241, %swap3A_2242] {strides = array<i32>} : memref<2x1024x32xf32, #tpu.memory_space<vmem>>, vector<1x1x16xf32>,
          %swap3A_2244 = vector.shape_cast %swap3A_2243 : vector<1x1x16xf32> to vector<16xf32>
          %swap3A_2245 = vector.shape_cast %broadcast_in_dim3A_2084 : vector<16xf32> to vector<1x1x16xf32>
          tpu.vector_store %arg7[%swap3A_2240, %swap3A_2241, %swap3A_2242], %swap3A_2245 {strides = array<i32>} : memref<2x1024x32xf32, #tpu.memory_space<vmem>>, vector<1x1x16xf32>,
        } else {
        }
      }
      %while3A_2095 = arith.constant 1 : i32
      scf.for %while3A_2111 = %while3A_2093 to %while3A_2089 step %while3A_2095  : i32 {
        %mul3A_2112 = arith.constant 16 : i32
        %mul3A_2113 = arith.muli %while3A_2111, %mul3A_2112 : i32
        %get3A_2114 = arith.index_cast %and3A_1699 : i32 to index
        %get3A_2115 = arith.index_cast %mul3A_2113 : i32 to index
        %get3A_2116 = tpu.vector_load %arg6[%get3A_2114, %get3A_2115] {strides = array<i32>} : memref<2x1024xi32, #tpu.memory_space<vmem>>, vector<1x16xi32>,
        %get3A_2117 = vector.shape_cast %get3A_2116 : vector<1x16xi32> to vector<16xi32>
        %slice3A_2118 = vector.extract_strided_slice %get3A_2117 {offsets = [0], sizes = [1], strides = [1]} : vector<16xi32> to vector<1xi32>
        %squeeze3A_2119 = vector.extract %slice3A_2118[0] : i32 from vector<1xi32>
        %eq3A_2120 = arith.constant 0 : i32
        %eq3A_2121 = arith.cmpi eq, %squeeze3A_2119, %eq3A_2120 : i32
        %convert_element_type3A_2122 = arith.extui %eq3A_2121 : i1 to i32
        %cond3A_2123 = arith.constant 0 : i32
        %cond3A_2124 = arith.cmpi ne, %convert_element_type3A_2122, %cond3A_2123 : i32
        scf.if %cond3A_2124 {
          %mul3A_2230 = arith.constant 16 : i32
          %mul3A_2231 = arith.muli %while3A_2111, %mul3A_2230 : i32
          %add3A_2232 = arith.constant 0 : i32
          %add3A_2233 = arith.addi %mul3A_2231, %add3A_2232 : i32
          %swap3A_2234 = arith.index_cast %and3A_1699 : i32 to index
          %swap3A_2235 = arith.index_cast %add3A_2233 : i32 to index
          %swap3A_2236 = arith.constant 0 : index
          %swap3A_2237 = tpu.vector_load %arg7[%swap3A_2234, %swap3A_2235, %swap3A_2236] {strides = array<i32>} : memref<2x1024x32xf32, #tpu.memory_space<vmem>>, vector<1x1x16xf32>,
          %swap3A_2238 = vector.shape_cast %swap3A_2237 : vector<1x1x16xf32> to vector<16xf32>
          %swap3A_2239 = vector.shape_cast %broadcast_in_dim3A_2084 : vector<16xf32> to vector<1x1x16xf32>
          tpu.vector_store %arg7[%swap3A_2234, %swap3A_2235, %swap3A_2236], %swap3A_2239 {strides = array<i32>} : memref<2x1024x32xf32, #tpu.memory_space<vmem>>, vector<1x1x16xf32>,
          %swap3A_2240 = arith.index_cast %and3A_1699 : i32 to index
          %swap3A_2241 = arith.index_cast %add3A_2233 : i32 to index
          %swap3A_2242 = arith.constant 16 : index
          %swap3A_2243 = tpu.vector_load %arg7[%swap3A_2240, %swap3A_2241, %swap3A_2242] {strides = array<i32>} : memref<2x1024x32xf32, #tpu.memory_space<vmem>>, vector<1x1x16xf32>,
          %swap3A_2244 = vector.shape_cast %swap3A_2243 : vector<1x1x16xf32> to vector<16xf32>
          %swap3A_2245 = vector.shape_cast %broadcast_in_dim3A_2084 : vector<16xf32> to vector<1x1x16xf32>
          tpu.vector_store %arg7[%swap3A_2240, %swap3A_2241, %swap3A_2242], %swap3A_2245 {strides = array<i32>} : memref<2x1024x32xf32, #tpu.memory_space<vmem>>, vector<1x1x16xf32>,
        } else {
        }
        %slice3A_2125 = vector.extract_strided_slice %get3A_2117 {offsets = [1], sizes = [1], strides = [1]} : vector<16xi32> to vector<1xi32>
        %squeeze3A_2126 = vector.extract %slice3A_2125[0] : i32 from vector<1xi32>
        %eq3A_2127 = arith.constant 0 : i32
        %eq3A_2128 = arith.cmpi eq, %squeeze3A_2126, %eq3A_2127 : i32
        %convert_element_type3A_2129 = arith.extui %eq3A_2128 : i1 to i32
        %cond3A_2130 = arith.constant 0 : i32
        %cond3A_2131 = arith.cmpi ne, %convert_element_type3A_2129, %cond3A_2130 : i32
        scf.if %cond3A_2131 {
          %mul3A_2230 = arith.constant 16 : i32
          %mul3A_2231 = arith.muli %while3A_2111, %mul3A_2230 : i32
          %add3A_2232 = arith.constant 1 : i32
          %add3A_2233 = arith.addi %mul3A_2231, %add3A_2232 : i32
          %swap3A_2234 = arith.index_cast %and3A_1699 : i32 to index
          %swap3A_2235 = arith.index_cast %add3A_2233 : i32 to index
          %swap3A_2236 = arith.constant 0 : index
          %swap3A_2237 = tpu.vector_load %arg7[%swap3A_2234, %swap3A_2235, %swap3A_2236] {strides = array<i32>} : memref<2x1024x32xf32, #tpu.memory_space<vmem>>, vector<1x1x16xf32>,
          %swap3A_2238 = vector.shape_cast %swap3A_2237 : vector<1x1x16xf32> to vector<16xf32>
          %swap3A_2239 = vector.shape_cast %broadcast_in_dim3A_2084 : vector<16xf32> to vector<1x1x16xf32>
          tpu.vector_store %arg7[%swap3A_2234, %swap3A_2235, %swap3A_2236], %swap3A_2239 {strides = array<i32>} : memref<2x1024x32xf32, #tpu.memory_space<vmem>>, vector<1x1x16xf32>,
          %swap3A_2240 = arith.index_cast %and3A_1699 : i32 to index
          %swap3A_2241 = arith.index_cast %add3A_2233 : i32 to index
          %swap3A_2242 = arith.constant 16 : index
          %swap3A_2243 = tpu.vector_load %arg7[%swap3A_2240, %swap3A_2241, %swap3A_2242] {strides = array<i32>} : memref<2x1024x32xf32, #tpu.memory_space<vmem>>, vector<1x1x16xf32>,
          %swap3A_2244 = vector.shape_cast %swap3A_2243 : vector<1x1x16xf32> to vector<16xf32>
          %swap3A_2245 = vector.shape_cast %broadcast_in_dim3A_2084 : vector<16xf32> to vector<1x1x16xf32>
          tpu.vector_store %arg7[%swap3A_2240, %swap3A_2241, %swap3A_2242], %swap3A_2245 {strides = array<i32>} : memref<2x1024x32xf32, #tpu.memory_space<vmem>>, vector<1x1x16xf32>,
        } else {
        }
        %slice3A_2132 = vector.extract_strided_slice %get3A_2117 {offsets = [2], sizes = [1], strides = [1]} : vector<16xi32> to vector<1xi32>
        %squeeze3A_2133 = vector.extract %slice3A_2132[0] : i32 from vector<1xi32>
        %eq3A_2134 = arith.constant 0 : i32
        %eq3A_2135 = arith.cmpi eq, %squeeze3A_2133, %eq3A_2134 : i32
        %convert_element_type3A_2136 = arith.extui %eq3A_2135 : i1 to i32
        %cond3A_2137 = arith.constant 0 : i32
        %cond3A_2138 = arith.cmpi ne, %convert_element_type3A_2136, %cond3A_2137 : i32
        scf.if %cond3A_2138 {
          %mul3A_2230 = arith.constant 16 : i32
          %mul3A_2231 = arith.muli %while3A_2111, %mul3A_2230 : i32
          %add3A_2232 = arith.constant 2 : i32
          %add3A_2233 = arith.addi %mul3A_2231, %add3A_2232 : i32
          %swap3A_2234 = arith.index_cast %and3A_1699 : i32 to index
          %swap3A_2235 = arith.index_cast %add3A_2233 : i32 to index
          %swap3A_2236 = arith.constant 0 : index
          %swap3A_2237 = tpu.vector_load %arg7[%swap3A_2234, %swap3A_2235, %swap3A_2236] {strides = array<i32>} : memref<2x1024x32xf32, #tpu.memory_space<vmem>>, vector<1x1x16xf32>,
          %swap3A_2238 = vector.shape_cast %swap3A_2237 : vector<1x1x16xf32> to vector<16xf32>
          %swap3A_2239 = vector.shape_cast %broadcast_in_dim3A_2084 : vector<16xf32> to vector<1x1x16xf32>
          tpu.vector_store %arg7[%swap3A_2234, %swap3A_2235, %swap3A_2236], %swap3A_2239 {strides = array<i32>} : memref<2x1024x32xf32, #tpu.memory_space<vmem>>, vector<1x1x16xf32>,
          %swap3A_2240 = arith.index_cast %and3A_1699 : i32 to index
          %swap3A_2241 = arith.index_cast %add3A_2233 : i32 to index
          %swap3A_2242 = arith.constant 16 : index
          %swap3A_2243 = tpu.vector_load %arg7[%swap3A_2240, %swap3A_2241, %swap3A_2242] {strides = array<i32>} : memref<2x1024x32xf32, #tpu.memory_space<vmem>>, vector<1x1x16xf32>,
          %swap3A_2244 = vector.shape_cast %swap3A_2243 : vector<1x1x16xf32> to vector<16xf32>
          %swap3A_2245 = vector.shape_cast %broadcast_in_dim3A_2084 : vector<16xf32> to vector<1x1x16xf32>
          tpu.vector_store %arg7[%swap3A_2240, %swap3A_2241, %swap3A_2242], %swap3A_2245 {strides = array<i32>} : memref<2x1024x32xf32, #tpu.memory_space<vmem>>, vector<1x1x16xf32>,
        } else {
        }
        %slice3A_2139 = vector.extract_strided_slice %get3A_2117 {offsets = [3], sizes = [1], strides = [1]} : vector<16xi32> to vector<1xi32>
        %squeeze3A_2140 = vector.extract %slice3A_2139[0] : i32 from vector<1xi32>
        %eq3A_2141 = arith.constant 0 : i32
        %eq3A_2142 = arith.cmpi eq, %squeeze3A_2140, %eq3A_2141 : i32
        %convert_element_type3A_2143 = arith.extui %eq3A_2142 : i1 to i32
        %cond3A_2144 = arith.constant 0 : i32
        %cond3A_2145 = arith.cmpi ne, %convert_element_type3A_2143, %cond3A_2144 : i32
        scf.if %cond3A_2145 {
          %mul3A_2230 = arith.constant 16 : i32
          %mul3A_2231 = arith.muli %while3A_2111, %mul3A_2230 : i32
          %add3A_2232 = arith.constant 3 : i32
          %add3A_2233 = arith.addi %mul3A_2231, %add3A_2232 : i32
          %swap3A_2234 = arith.index_cast %and3A_1699 : i32 to index
          %swap3A_2235 = arith.index_cast %add3A_2233 : i32 to index
          %swap3A_2236 = arith.constant 0 : index
          %swap3A_2237 = tpu.vector_load %arg7[%swap3A_2234, %swap3A_2235, %swap3A_2236] {strides = array<i32>} : memref<2x1024x32xf32, #tpu.memory_space<vmem>>, vector<1x1x16xf32>,
          %swap3A_2238 = vector.shape_cast %swap3A_2237 : vector<1x1x16xf32> to vector<16xf32>
          %swap3A_2239 = vector.shape_cast %broadcast_in_dim3A_2084 : vector<16xf32> to vector<1x1x16xf32>
          tpu.vector_store %arg7[%swap3A_2234, %swap3A_2235, %swap3A_2236], %swap3A_2239 {strides = array<i32>} : memref<2x1024x32xf32, #tpu.memory_space<vmem>>, vector<1x1x16xf32>,
          %swap3A_2240 = arith.index_cast %and3A_1699 : i32 to index
          %swap3A_2241 = arith.index_cast %add3A_2233 : i32 to index
          %swap3A_2242 = arith.constant 16 : index
          %swap3A_2243 = tpu.vector_load %arg7[%swap3A_2240, %swap3A_2241, %swap3A_2242] {strides = array<i32>} : memref<2x1024x32xf32, #tpu.memory_space<vmem>>, vector<1x1x16xf32>,
          %swap3A_2244 = vector.shape_cast %swap3A_2243 : vector<1x1x16xf32> to vector<16xf32>
          %swap3A_2245 = vector.shape_cast %broadcast_in_dim3A_2084 : vector<16xf32> to vector<1x1x16xf32>
          tpu.vector_store %arg7[%swap3A_2240, %swap3A_2241, %swap3A_2242], %swap3A_2245 {strides = array<i32>} : memref<2x1024x32xf32, #tpu.memory_space<vmem>>, vector<1x1x16xf32>,
        } else {
        }
        %slice3A_2146 = vector.extract_strided_slice %get3A_2117 {offsets = [4], sizes = [1], strides = [1]} : vector<16xi32> to vector<1xi32>
        %squeeze3A_2147 = vector.extract %slice3A_2146[0] : i32 from vector<1xi32>
        %eq3A_2148 = arith.constant 0 : i32
        %eq3A_2149 = arith.cmpi eq, %squeeze3A_2147, %eq3A_2148 : i32
        %convert_element_type3A_2150 = arith.extui %eq3A_2149 : i1 to i32
        %cond3A_2151 = arith.constant 0 : i32
        %cond3A_2152 = arith.cmpi ne, %convert_element_type3A_2150, %cond3A_2151 : i32
        scf.if %cond3A_2152 {
          %mul3A_2230 = arith.constant 16 : i32
          %mul3A_2231 = arith.muli %while3A_2111, %mul3A_2230 : i32
          %add3A_2232 = arith.constant 4 : i32
          %add3A_2233 = arith.addi %mul3A_2231, %add3A_2232 : i32
          %swap3A_2234 = arith.index_cast %and3A_1699 : i32 to index
          %swap3A_2235 = arith.index_cast %add3A_2233 : i32 to index
          %swap3A_2236 = arith.constant 0 : index
          %swap3A_2237 = tpu.vector_load %arg7[%swap3A_2234, %swap3A_2235, %swap3A_2236] {strides = array<i32>} : memref<2x1024x32xf32, #tpu.memory_space<vmem>>, vector<1x1x16xf32>,
          %swap3A_2238 = vector.shape_cast %swap3A_2237 : vector<1x1x16xf32> to vector<16xf32>
          %swap3A_2239 = vector.shape_cast %broadcast_in_dim3A_2084 : vector<16xf32> to vector<1x1x16xf32>
          tpu.vector_store %arg7[%swap3A_2234, %swap3A_2235, %swap3A_2236], %swap3A_2239 {strides = array<i32>} : memref<2x1024x32xf32, #tpu.memory_space<vmem>>, vector<1x1x16xf32>,
          %swap3A_2240 = arith.index_cast %and3A_1699 : i32 to index
          %swap3A_2241 = arith.index_cast %add3A_2233 : i32 to index
          %swap3A_2242 = arith.constant 16 : index
          %swap3A_2243 = tpu.vector_load %arg7[%swap3A_2240, %swap3A_2241, %swap3A_2242] {strides = array<i32>} : memref<2x1024x32xf32, #tpu.memory_space<vmem>>, vector<1x1x16xf32>,
          %swap3A_2244 = vector.shape_cast %swap3A_2243 : vector<1x1x16xf32> to vector<16xf32>
          %swap3A_2245 = vector.shape_cast %broadcast_in_dim3A_2084 : vector<16xf32> to vector<1x1x16xf32>
          tpu.vector_store %arg7[%swap3A_2240, %swap3A_2241, %swap3A_2242], %swap3A_2245 {strides = array<i32>} : memref<2x1024x32xf32, #tpu.memory_space<vmem>>, vector<1x1x16xf32>,
        } else {
        }
        %slice3A_2153 = vector.extract_strided_slice %get3A_2117 {offsets = [5], sizes = [1], strides = [1]} : vector<16xi32> to vector<1xi32>
        %squeeze3A_2154 = vector.extract %slice3A_2153[0] : i32 from vector<1xi32>
        %eq3A_2155 = arith.constant 0 : i32
        %eq3A_2156 = arith.cmpi eq, %squeeze3A_2154, %eq3A_2155 : i32
        %convert_element_type3A_2157 = arith.extui %eq3A_2156 : i1 to i32
        %cond3A_2158 = arith.constant 0 : i32
        %cond3A_2159 = arith.cmpi ne, %convert_element_type3A_2157, %cond3A_2158 : i32
        scf.if %cond3A_2159 {
          %mul3A_2230 = arith.constant 16 : i32
          %mul3A_2231 = arith.muli %while3A_2111, %mul3A_2230 : i32
          %add3A_2232 = arith.constant 5 : i32
          %add3A_2233 = arith.addi %mul3A_2231, %add3A_2232 : i32
          %swap3A_2234 = arith.index_cast %and3A_1699 : i32 to index
          %swap3A_2235 = arith.index_cast %add3A_2233 : i32 to index
          %swap3A_2236 = arith.constant 0 : index
          %swap3A_2237 = tpu.vector_load %arg7[%swap3A_2234, %swap3A_2235, %swap3A_2236] {strides = array<i32>} : memref<2x1024x32xf32, #tpu.memory_space<vmem>>, vector<1x1x16xf32>,
          %swap3A_2238 = vector.shape_cast %swap3A_2237 : vector<1x1x16xf32> to vector<16xf32>
          %swap3A_2239 = vector.shape_cast %broadcast_in_dim3A_2084 : vector<16xf32> to vector<1x1x16xf32>
          tpu.vector_store %arg7[%swap3A_2234, %swap3A_2235, %swap3A_2236], %swap3A_2239 {strides = array<i32>} : memref<2x1024x32xf32, #tpu.memory_space<vmem>>, vector<1x1x16xf32>,
          %swap3A_2240 = arith.index_cast %and3A_1699 : i32 to index
          %swap3A_2241 = arith.index_cast %add3A_2233 : i32 to index
          %swap3A_2242 = arith.constant 16 : index
          %swap3A_2243 = tpu.vector_load %arg7[%swap3A_2240, %swap3A_2241, %swap3A_2242] {strides = array<i32>} : memref<2x1024x32xf32, #tpu.memory_space<vmem>>, vector<1x1x16xf32>,
          %swap3A_2244 = vector.shape_cast %swap3A_2243 : vector<1x1x16xf32> to vector<16xf32>
          %swap3A_2245 = vector.shape_cast %broadcast_in_dim3A_2084 : vector<16xf32> to vector<1x1x16xf32>
          tpu.vector_store %arg7[%swap3A_2240, %swap3A_2241, %swap3A_2242], %swap3A_2245 {strides = array<i32>} : memref<2x1024x32xf32, #tpu.memory_space<vmem>>, vector<1x1x16xf32>,
        } else {
        }
        %slice3A_2160 = vector.extract_strided_slice %get3A_2117 {offsets = [6], sizes = [1], strides = [1]} : vector<16xi32> to vector<1xi32>
        %squeeze3A_2161 = vector.extract %slice3A_2160[0] : i32 from vector<1xi32>
        %eq3A_2162 = arith.constant 0 : i32
        %eq3A_2163 = arith.cmpi eq, %squeeze3A_2161, %eq3A_2162 : i32
        %convert_element_type3A_2164 = arith.extui %eq3A_2163 : i1 to i32
        %cond3A_2165 = arith.constant 0 : i32
        %cond3A_2166 = arith.cmpi ne, %convert_element_type3A_2164, %cond3A_2165 : i32
        scf.if %cond3A_2166 {
          %mul3A_2230 = arith.constant 16 : i32
          %mul3A_2231 = arith.muli %while3A_2111, %mul3A_2230 : i32
          %add3A_2232 = arith.constant 6 : i32
          %add3A_2233 = arith.addi %mul3A_2231, %add3A_2232 : i32
          %swap3A_2234 = arith.index_cast %and3A_1699 : i32 to index
          %swap3A_2235 = arith.index_cast %add3A_2233 : i32 to index
          %swap3A_2236 = arith.constant 0 : index
          %swap3A_2237 = tpu.vector_load %arg7[%swap3A_2234, %swap3A_2235, %swap3A_2236] {strides = array<i32>} : memref<2x1024x32xf32, #tpu.memory_space<vmem>>, vector<1x1x16xf32>,
          %swap3A_2238 = vector.shape_cast %swap3A_2237 : vector<1x1x16xf32> to vector<16xf32>
          %swap3A_2239 = vector.shape_cast %broadcast_in_dim3A_2084 : vector<16xf32> to vector<1x1x16xf32>
          tpu.vector_store %arg7[%swap3A_2234, %swap3A_2235, %swap3A_2236], %swap3A_2239 {strides = array<i32>} : memref<2x1024x32xf32, #tpu.memory_space<vmem>>, vector<1x1x16xf32>,
          %swap3A_2240 = arith.index_cast %and3A_1699 : i32 to index
          %swap3A_2241 = arith.index_cast %add3A_2233 : i32 to index
          %swap3A_2242 = arith.constant 16 : index
          %swap3A_2243 = tpu.vector_load %arg7[%swap3A_2240, %swap3A_2241, %swap3A_2242] {strides = array<i32>} : memref<2x1024x32xf32, #tpu.memory_space<vmem>>, vector<1x1x16xf32>,
          %swap3A_2244 = vector.shape_cast %swap3A_2243 : vector<1x1x16xf32> to vector<16xf32>
          %swap3A_2245 = vector.shape_cast %broadcast_in_dim3A_2084 : vector<16xf32> to vector<1x1x16xf32>
          tpu.vector_store %arg7[%swap3A_2240, %swap3A_2241, %swap3A_2242], %swap3A_2245 {strides = array<i32>} : memref<2x1024x32xf32, #tpu.memory_space<vmem>>, vector<1x1x16xf32>,
        } else {
        }
        %slice3A_2167 = vector.extract_strided_slice %get3A_2117 {offsets = [7], sizes = [1], strides = [1]} : vector<16xi32> to vector<1xi32>
        %squeeze3A_2168 = vector.extract %slice3A_2167[0] : i32 from vector<1xi32>
        %eq3A_2169 = arith.constant 0 : i32
        %eq3A_2170 = arith.cmpi eq, %squeeze3A_2168, %eq3A_2169 : i32
        %convert_element_type3A_2171 = arith.extui %eq3A_2170 : i1 to i32
        %cond3A_2172 = arith.constant 0 : i32
        %cond3A_2173 = arith.cmpi ne, %convert_element_type3A_2171, %cond3A_2172 : i32
        scf.if %cond3A_2173 {
          %mul3A_2230 = arith.constant 16 : i32
          %mul3A_2231 = arith.muli %while3A_2111, %mul3A_2230 : i32
          %add3A_2232 = arith.constant 7 : i32
          %add3A_2233 = arith.addi %mul3A_2231, %add3A_2232 : i32
          %swap3A_2234 = arith.index_cast %and3A_1699 : i32 to index
          %swap3A_2235 = arith.index_cast %add3A_2233 : i32 to index
          %swap3A_2236 = arith.constant 0 : index
          %swap3A_2237 = tpu.vector_load %arg7[%swap3A_2234, %swap3A_2235, %swap3A_2236] {strides = array<i32>} : memref<2x1024x32xf32, #tpu.memory_space<vmem>>, vector<1x1x16xf32>,
          %swap3A_2238 = vector.shape_cast %swap3A_2237 : vector<1x1x16xf32> to vector<16xf32>
          %swap3A_2239 = vector.shape_cast %broadcast_in_dim3A_2084 : vector<16xf32> to vector<1x1x16xf32>
          tpu.vector_store %arg7[%swap3A_2234, %swap3A_2235, %swap3A_2236], %swap3A_2239 {strides = array<i32>} : memref<2x1024x32xf32, #tpu.memory_space<vmem>>, vector<1x1x16xf32>,
          %swap3A_2240 = arith.index_cast %and3A_1699 : i32 to index
          %swap3A_2241 = arith.index_cast %add3A_2233 : i32 to index
          %swap3A_2242 = arith.constant 16 : index
          %swap3A_2243 = tpu.vector_load %arg7[%swap3A_2240, %swap3A_2241, %swap3A_2242] {strides = array<i32>} : memref<2x1024x32xf32, #tpu.memory_space<vmem>>, vector<1x1x16xf32>,
          %swap3A_2244 = vector.shape_cast %swap3A_2243 : vector<1x1x16xf32> to vector<16xf32>
          %swap3A_2245 = vector.shape_cast %broadcast_in_dim3A_2084 : vector<16xf32> to vector<1x1x16xf32>
          tpu.vector_store %arg7[%swap3A_2240, %swap3A_2241, %swap3A_2242], %swap3A_2245 {strides = array<i32>} : memref<2x1024x32xf32, #tpu.memory_space<vmem>>, vector<1x1x16xf32>,
        } else {
        }
        %slice3A_2174 = vector.extract_strided_slice %get3A_2117 {offsets = [8], sizes = [1], strides = [1]} : vector<16xi32> to vector<1xi32>
        %squeeze3A_2175 = vector.extract %slice3A_2174[0] : i32 from vector<1xi32>
        %eq3A_2176 = arith.constant 0 : i32
        %eq3A_2177 = arith.cmpi eq, %squeeze3A_2175, %eq3A_2176 : i32
        %convert_element_type3A_2178 = arith.extui %eq3A_2177 : i1 to i32
        %cond3A_2179 = arith.constant 0 : i32
        %cond3A_2180 = arith.cmpi ne, %convert_element_type3A_2178, %cond3A_2179 : i32
        scf.if %cond3A_2180 {
          %mul3A_2230 = arith.constant 16 : i32
          %mul3A_2231 = arith.muli %while3A_2111, %mul3A_2230 : i32
          %add3A_2232 = arith.constant 8 : i32
          %add3A_2233 = arith.addi %mul3A_2231, %add3A_2232 : i32
          %swap3A_2234 = arith.index_cast %and3A_1699 : i32 to index
          %swap3A_2235 = arith.index_cast %add3A_2233 : i32 to index
          %swap3A_2236 = arith.constant 0 : index
          %swap3A_2237 = tpu.vector_load %arg7[%swap3A_2234, %swap3A_2235, %swap3A_2236] {strides = array<i32>} : memref<2x1024x32xf32, #tpu.memory_space<vmem>>, vector<1x1x16xf32>,
          %swap3A_2238 = vector.shape_cast %swap3A_2237 : vector<1x1x16xf32> to vector<16xf32>
          %swap3A_2239 = vector.shape_cast %broadcast_in_dim3A_2084 : vector<16xf32> to vector<1x1x16xf32>
          tpu.vector_store %arg7[%swap3A_2234, %swap3A_2235, %swap3A_2236], %swap3A_2239 {strides = array<i32>} : memref<2x1024x32xf32, #tpu.memory_space<vmem>>, vector<1x1x16xf32>,
          %swap3A_2240 = arith.index_cast %and3A_1699 : i32 to index
          %swap3A_2241 = arith.index_cast %add3A_2233 : i32 to index
          %swap3A_2242 = arith.constant 16 : index
          %swap3A_2243 = tpu.vector_load %arg7[%swap3A_2240, %swap3A_2241, %swap3A_2242] {strides = array<i32>} : memref<2x1024x32xf32, #tpu.memory_space<vmem>>, vector<1x1x16xf32>,
          %swap3A_2244 = vector.shape_cast %swap3A_2243 : vector<1x1x16xf32> to vector<16xf32>
          %swap3A_2245 = vector.shape_cast %broadcast_in_dim3A_2084 : vector<16xf32> to vector<1x1x16xf32>
          tpu.vector_store %arg7[%swap3A_2240, %swap3A_2241, %swap3A_2242], %swap3A_2245 {strides = array<i32>} : memref<2x1024x32xf32, #tpu.memory_space<vmem>>, vector<1x1x16xf32>,
        } else {
        }
        %slice3A_2181 = vector.extract_strided_slice %get3A_2117 {offsets = [9], sizes = [1], strides = [1]} : vector<16xi32> to vector<1xi32>
        %squeeze3A_2182 = vector.extract %slice3A_2181[0] : i32 from vector<1xi32>
        %eq3A_2183 = arith.constant 0 : i32
        %eq3A_2184 = arith.cmpi eq, %squeeze3A_2182, %eq3A_2183 : i32
        %convert_element_type3A_2185 = arith.extui %eq3A_2184 : i1 to i32
        %cond3A_2186 = arith.constant 0 : i32
        %cond3A_2187 = arith.cmpi ne, %convert_element_type3A_2185, %cond3A_2186 : i32
        scf.if %cond3A_2187 {
          %mul3A_2230 = arith.constant 16 : i32
          %mul3A_2231 = arith.muli %while3A_2111, %mul3A_2230 : i32
          %add3A_2232 = arith.constant 9 : i32
          %add3A_2233 = arith.addi %mul3A_2231, %add3A_2232 : i32
          %swap3A_2234 = arith.index_cast %and3A_1699 : i32 to index
          %swap3A_2235 = arith.index_cast %add3A_2233 : i32 to index
          %swap3A_2236 = arith.constant 0 : index
          %swap3A_2237 = tpu.vector_load %arg7[%swap3A_2234, %swap3A_2235, %swap3A_2236] {strides = array<i32>} : memref<2x1024x32xf32, #tpu.memory_space<vmem>>, vector<1x1x16xf32>,
          %swap3A_2238 = vector.shape_cast %swap3A_2237 : vector<1x1x16xf32> to vector<16xf32>
          %swap3A_2239 = vector.shape_cast %broadcast_in_dim3A_2084 : vector<16xf32> to vector<1x1x16xf32>
          tpu.vector_store %arg7[%swap3A_2234, %swap3A_2235, %swap3A_2236], %swap3A_2239 {strides = array<i32>} : memref<2x1024x32xf32, #tpu.memory_space<vmem>>, vector<1x1x16xf32>,
          %swap3A_2240 = arith.index_cast %and3A_1699 : i32 to index
          %swap3A_2241 = arith.index_cast %add3A_2233 : i32 to index
          %swap3A_2242 = arith.constant 16 : index
          %swap3A_2243 = tpu.vector_load %arg7[%swap3A_2240, %swap3A_2241, %swap3A_2242] {strides = array<i32>} : memref<2x1024x32xf32, #tpu.memory_space<vmem>>, vector<1x1x16xf32>,
          %swap3A_2244 = vector.shape_cast %swap3A_2243 : vector<1x1x16xf32> to vector<16xf32>
          %swap3A_2245 = vector.shape_cast %broadcast_in_dim3A_2084 : vector<16xf32> to vector<1x1x16xf32>
          tpu.vector_store %arg7[%swap3A_2240, %swap3A_2241, %swap3A_2242], %swap3A_2245 {strides = array<i32>} : memref<2x1024x32xf32, #tpu.memory_space<vmem>>, vector<1x1x16xf32>,
        } else {
        }
        %slice3A_2188 = vector.extract_strided_slice %get3A_2117 {offsets = [10], sizes = [1], strides = [1]} : vector<16xi32> to vector<1xi32>
        %squeeze3A_2189 = vector.extract %slice3A_2188[0] : i32 from vector<1xi32>
        %eq3A_2190 = arith.constant 0 : i32
        %eq3A_2191 = arith.cmpi eq, %squeeze3A_2189, %eq3A_2190 : i32
        %convert_element_type3A_2192 = arith.extui %eq3A_2191 : i1 to i32
        %cond3A_2193 = arith.constant 0 : i32
        %cond3A_2194 = arith.cmpi ne, %convert_element_type3A_2192, %cond3A_2193 : i32
        scf.if %cond3A_2194 {
          %mul3A_2230 = arith.constant 16 : i32
          %mul3A_2231 = arith.muli %while3A_2111, %mul3A_2230 : i32
          %add3A_2232 = arith.constant 10 : i32
          %add3A_2233 = arith.addi %mul3A_2231, %add3A_2232 : i32
          %swap3A_2234 = arith.index_cast %and3A_1699 : i32 to index
          %swap3A_2235 = arith.index_cast %add3A_2233 : i32 to index
          %swap3A_2236 = arith.constant 0 : index
          %swap3A_2237 = tpu.vector_load %arg7[%swap3A_2234, %swap3A_2235, %swap3A_2236] {strides = array<i32>} : memref<2x1024x32xf32, #tpu.memory_space<vmem>>, vector<1x1x16xf32>,
          %swap3A_2238 = vector.shape_cast %swap3A_2237 : vector<1x1x16xf32> to vector<16xf32>
          %swap3A_2239 = vector.shape_cast %broadcast_in_dim3A_2084 : vector<16xf32> to vector<1x1x16xf32>
          tpu.vector_store %arg7[%swap3A_2234, %swap3A_2235, %swap3A_2236], %swap3A_2239 {strides = array<i32>} : memref<2x1024x32xf32, #tpu.memory_space<vmem>>, vector<1x1x16xf32>,
          %swap3A_2240 = arith.index_cast %and3A_1699 : i32 to index
          %swap3A_2241 = arith.index_cast %add3A_2233 : i32 to index
          %swap3A_2242 = arith.constant 16 : index
          %swap3A_2243 = tpu.vector_load %arg7[%swap3A_2240, %swap3A_2241, %swap3A_2242] {strides = array<i32>} : memref<2x1024x32xf32, #tpu.memory_space<vmem>>, vector<1x1x16xf32>,
          %swap3A_2244 = vector.shape_cast %swap3A_2243 : vector<1x1x16xf32> to vector<16xf32>
          %swap3A_2245 = vector.shape_cast %broadcast_in_dim3A_2084 : vector<16xf32> to vector<1x1x16xf32>
          tpu.vector_store %arg7[%swap3A_2240, %swap3A_2241, %swap3A_2242], %swap3A_2245 {strides = array<i32>} : memref<2x1024x32xf32, #tpu.memory_space<vmem>>, vector<1x1x16xf32>,
        } else {
        }
        %slice3A_2195 = vector.extract_strided_slice %get3A_2117 {offsets = [11], sizes = [1], strides = [1]} : vector<16xi32> to vector<1xi32>
        %squeeze3A_2196 = vector.extract %slice3A_2195[0] : i32 from vector<1xi32>
        %eq3A_2197 = arith.constant 0 : i32
        %eq3A_2198 = arith.cmpi eq, %squeeze3A_2196, %eq3A_2197 : i32
        %convert_element_type3A_2199 = arith.extui %eq3A_2198 : i1 to i32
        %cond3A_2200 = arith.constant 0 : i32
        %cond3A_2201 = arith.cmpi ne, %convert_element_type3A_2199, %cond3A_2200 : i32
        scf.if %cond3A_2201 {
          %mul3A_2230 = arith.constant 16 : i32
          %mul3A_2231 = arith.muli %while3A_2111, %mul3A_2230 : i32
          %add3A_2232 = arith.constant 11 : i32
          %add3A_2233 = arith.addi %mul3A_2231, %add3A_2232 : i32
          %swap3A_2234 = arith.index_cast %and3A_1699 : i32 to index
          %swap3A_2235 = arith.index_cast %add3A_2233 : i32 to index
          %swap3A_2236 = arith.constant 0 : index
          %swap3A_2237 = tpu.vector_load %arg7[%swap3A_2234, %swap3A_2235, %swap3A_2236] {strides = array<i32>} : memref<2x1024x32xf32, #tpu.memory_space<vmem>>, vector<1x1x16xf32>,
          %swap3A_2238 = vector.shape_cast %swap3A_2237 : vector<1x1x16xf32> to vector<16xf32>
          %swap3A_2239 = vector.shape_cast %broadcast_in_dim3A_2084 : vector<16xf32> to vector<1x1x16xf32>
          tpu.vector_store %arg7[%swap3A_2234, %swap3A_2235, %swap3A_2236], %swap3A_2239 {strides = array<i32>} : memref<2x1024x32xf32, #tpu.memory_space<vmem>>, vector<1x1x16xf32>,
          %swap3A_2240 = arith.index_cast %and3A_1699 : i32 to index
          %swap3A_2241 = arith.index_cast %add3A_2233 : i32 to index
          %swap3A_2242 = arith.constant 16 : index
          %swap3A_2243 = tpu.vector_load %arg7[%swap3A_2240, %swap3A_2241, %swap3A_2242] {strides = array<i32>} : memref<2x1024x32xf32, #tpu.memory_space<vmem>>, vector<1x1x16xf32>,
          %swap3A_2244 = vector.shape_cast %swap3A_2243 : vector<1x1x16xf32> to vector<16xf32>
          %swap3A_2245 = vector.shape_cast %broadcast_in_dim3A_2084 : vector<16xf32> to vector<1x1x16xf32>
          tpu.vector_store %arg7[%swap3A_2240, %swap3A_2241, %swap3A_2242], %swap3A_2245 {strides = array<i32>} : memref<2x1024x32xf32, #tpu.memory_space<vmem>>, vector<1x1x16xf32>,
        } else {
        }
        %slice3A_2202 = vector.extract_strided_slice %get3A_2117 {offsets = [12], sizes = [1], strides = [1]} : vector<16xi32> to vector<1xi32>
        %squeeze3A_2203 = vector.extract %slice3A_2202[0] : i32 from vector<1xi32>
        %eq3A_2204 = arith.constant 0 : i32
        %eq3A_2205 = arith.cmpi eq, %squeeze3A_2203, %eq3A_2204 : i32
        %convert_element_type3A_2206 = arith.extui %eq3A_2205 : i1 to i32
        %cond3A_2207 = arith.constant 0 : i32
        %cond3A_2208 = arith.cmpi ne, %convert_element_type3A_2206, %cond3A_2207 : i32
        scf.if %cond3A_2208 {
          %mul3A_2230 = arith.constant 16 : i32
          %mul3A_2231 = arith.muli %while3A_2111, %mul3A_2230 : i32
          %add3A_2232 = arith.constant 12 : i32
          %add3A_2233 = arith.addi %mul3A_2231, %add3A_2232 : i32
          %swap3A_2234 = arith.index_cast %and3A_1699 : i32 to index
          %swap3A_2235 = arith.index_cast %add3A_2233 : i32 to index
          %swap3A_2236 = arith.constant 0 : index
          %swap3A_2237 = tpu.vector_load %arg7[%swap3A_2234, %swap3A_2235, %swap3A_2236] {strides = array<i32>} : memref<2x1024x32xf32, #tpu.memory_space<vmem>>, vector<1x1x16xf32>,
          %swap3A_2238 = vector.shape_cast %swap3A_2237 : vector<1x1x16xf32> to vector<16xf32>
          %swap3A_2239 = vector.shape_cast %broadcast_in_dim3A_2084 : vector<16xf32> to vector<1x1x16xf32>
          tpu.vector_store %arg7[%swap3A_2234, %swap3A_2235, %swap3A_2236], %swap3A_2239 {strides = array<i32>} : memref<2x1024x32xf32, #tpu.memory_space<vmem>>, vector<1x1x16xf32>,
          %swap3A_2240 = arith.index_cast %and3A_1699 : i32 to index
          %swap3A_2241 = arith.index_cast %add3A_2233 : i32 to index
          %swap3A_2242 = arith.constant 16 : index
          %swap3A_2243 = tpu.vector_load %arg7[%swap3A_2240, %swap3A_2241, %swap3A_2242] {strides = array<i32>} : memref<2x1024x32xf32, #tpu.memory_space<vmem>>, vector<1x1x16xf32>,
          %swap3A_2244 = vector.shape_cast %swap3A_2243 : vector<1x1x16xf32> to vector<16xf32>
          %swap3A_2245 = vector.shape_cast %broadcast_in_dim3A_2084 : vector<16xf32> to vector<1x1x16xf32>
          tpu.vector_store %arg7[%swap3A_2240, %swap3A_2241, %swap3A_2242], %swap3A_2245 {strides = array<i32>} : memref<2x1024x32xf32, #tpu.memory_space<vmem>>, vector<1x1x16xf32>,
        } else {
        }
        %slice3A_2209 = vector.extract_strided_slice %get3A_2117 {offsets = [13], sizes = [1], strides = [1]} : vector<16xi32> to vector<1xi32>
        %squeeze3A_2210 = vector.extract %slice3A_2209[0] : i32 from vector<1xi32>
        %eq3A_2211 = arith.constant 0 : i32
        %eq3A_2212 = arith.cmpi eq, %squeeze3A_2210, %eq3A_2211 : i32
        %convert_element_type3A_2213 = arith.extui %eq3A_2212 : i1 to i32
        %cond3A_2214 = arith.constant 0 : i32
        %cond3A_2215 = arith.cmpi ne, %convert_element_type3A_2213, %cond3A_2214 : i32
        scf.if %cond3A_2215 {
          %mul3A_2230 = arith.constant 16 : i32
          %mul3A_2231 = arith.muli %while3A_2111, %mul3A_2230 : i32
          %add3A_2232 = arith.constant 13 : i32
          %add3A_2233 = arith.addi %mul3A_2231, %add3A_2232 : i32
          %swap3A_2234 = arith.index_cast %and3A_1699 : i32 to index
          %swap3A_2235 = arith.index_cast %add3A_2233 : i32 to index
          %swap3A_2236 = arith.constant 0 : index
          %swap3A_2237 = tpu.vector_load %arg7[%swap3A_2234, %swap3A_2235, %swap3A_2236] {strides = array<i32>} : memref<2x1024x32xf32, #tpu.memory_space<vmem>>, vector<1x1x16xf32>,
          %swap3A_2238 = vector.shape_cast %swap3A_2237 : vector<1x1x16xf32> to vector<16xf32>
          %swap3A_2239 = vector.shape_cast %broadcast_in_dim3A_2084 : vector<16xf32> to vector<1x1x16xf32>
          tpu.vector_store %arg7[%swap3A_2234, %swap3A_2235, %swap3A_2236], %swap3A_2239 {strides = array<i32>} : memref<2x1024x32xf32, #tpu.memory_space<vmem>>, vector<1x1x16xf32>,
          %swap3A_2240 = arith.index_cast %and3A_1699 : i32 to index
          %swap3A_2241 = arith.index_cast %add3A_2233 : i32 to index
          %swap3A_2242 = arith.constant 16 : index
          %swap3A_2243 = tpu.vector_load %arg7[%swap3A_2240, %swap3A_2241, %swap3A_2242] {strides = array<i32>} : memref<2x1024x32xf32, #tpu.memory_space<vmem>>, vector<1x1x16xf32>,
          %swap3A_2244 = vector.shape_cast %swap3A_2243 : vector<1x1x16xf32> to vector<16xf32>
          %swap3A_2245 = vector.shape_cast %broadcast_in_dim3A_2084 : vector<16xf32> to vector<1x1x16xf32>
          tpu.vector_store %arg7[%swap3A_2240, %swap3A_2241, %swap3A_2242], %swap3A_2245 {strides = array<i32>} : memref<2x1024x32xf32, #tpu.memory_space<vmem>>, vector<1x1x16xf32>,
        } else {
        }
        %slice3A_2216 = vector.extract_strided_slice %get3A_2117 {offsets = [14], sizes = [1], strides = [1]} : vector<16xi32> to vector<1xi32>
        %squeeze3A_2217 = vector.extract %slice3A_2216[0] : i32 from vector<1xi32>
        %eq3A_2218 = arith.constant 0 : i32
        %eq3A_2219 = arith.cmpi eq, %squeeze3A_2217, %eq3A_2218 : i32
        %convert_element_type3A_2220 = arith.extui %eq3A_2219 : i1 to i32
        %cond3A_2221 = arith.constant 0 : i32
        %cond3A_2222 = arith.cmpi ne, %convert_element_type3A_2220, %cond3A_2221 : i32
        scf.if %cond3A_2222 {
          %mul3A_2230 = arith.constant 16 : i32
          %mul3A_2231 = arith.muli %while3A_2111, %mul3A_2230 : i32
          %add3A_2232 = arith.constant 14 : i32
          %add3A_2233 = arith.addi %mul3A_2231, %add3A_2232 : i32
          %swap3A_2234 = arith.index_cast %and3A_1699 : i32 to index
          %swap3A_2235 = arith.index_cast %add3A_2233 : i32 to index
          %swap3A_2236 = arith.constant 0 : index
          %swap3A_2237 = tpu.vector_load %arg7[%swap3A_2234, %swap3A_2235, %swap3A_2236] {strides = array<i32>} : memref<2x1024x32xf32, #tpu.memory_space<vmem>>, vector<1x1x16xf32>,
          %swap3A_2238 = vector.shape_cast %swap3A_2237 : vector<1x1x16xf32> to vector<16xf32>
          %swap3A_2239 = vector.shape_cast %broadcast_in_dim3A_2084 : vector<16xf32> to vector<1x1x16xf32>
          tpu.vector_store %arg7[%swap3A_2234, %swap3A_2235, %swap3A_2236], %swap3A_2239 {strides = array<i32>} : memref<2x1024x32xf32, #tpu.memory_space<vmem>>, vector<1x1x16xf32>,
          %swap3A_2240 = arith.index_cast %and3A_1699 : i32 to index
          %swap3A_2241 = arith.index_cast %add3A_2233 : i32 to index
          %swap3A_2242 = arith.constant 16 : index
          %swap3A_2243 = tpu.vector_load %arg7[%swap3A_2240, %swap3A_2241, %swap3A_2242] {strides = array<i32>} : memref<2x1024x32xf32, #tpu.memory_space<vmem>>, vector<1x1x16xf32>,
          %swap3A_2244 = vector.shape_cast %swap3A_2243 : vector<1x1x16xf32> to vector<16xf32>
          %swap3A_2245 = vector.shape_cast %broadcast_in_dim3A_2084 : vector<16xf32> to vector<1x1x16xf32>
          tpu.vector_store %arg7[%swap3A_2240, %swap3A_2241, %swap3A_2242], %swap3A_2245 {strides = array<i32>} : memref<2x1024x32xf32, #tpu.memory_space<vmem>>, vector<1x1x16xf32>,
        } else {
        }
        %slice3A_2223 = vector.extract_strided_slice %get3A_2117 {offsets = [15], sizes = [1], strides = [1]} : vector<16xi32> to vector<1xi32>
        %squeeze3A_2224 = vector.extract %slice3A_2223[0] : i32 from vector<1xi32>
        %eq3A_2225 = arith.constant 0 : i32
        %eq3A_2226 = arith.cmpi eq, %squeeze3A_2224, %eq3A_2225 : i32
        %convert_element_type3A_2227 = arith.extui %eq3A_2226 : i1 to i32
        %cond3A_2228 = arith.constant 0 : i32
        %cond3A_2229 = arith.cmpi ne, %convert_element_type3A_2227, %cond3A_2228 : i32
        scf.if %cond3A_2229 {
          %mul3A_2230 = arith.constant 16 : i32
          %mul3A_2231 = arith.muli %while3A_2111, %mul3A_2230 : i32
          %add3A_2232 = arith.constant 15 : i32
          %add3A_2233 = arith.addi %mul3A_2231, %add3A_2232 : i32
          %swap3A_2234 = arith.index_cast %and3A_1699 : i32 to index
          %swap3A_2235 = arith.index_cast %add3A_2233 : i32 to index
          %swap3A_2236 = arith.constant 0 : index
          %swap3A_2237 = tpu.vector_load %arg7[%swap3A_2234, %swap3A_2235, %swap3A_2236] {strides = array<i32>} : memref<2x1024x32xf32, #tpu.memory_space<vmem>>, vector<1x1x16xf32>,
          %swap3A_2238 = vector.shape_cast %swap3A_2237 : vector<1x1x16xf32> to vector<16xf32>
          %swap3A_2239 = vector.shape_cast %broadcast_in_dim3A_2084 : vector<16xf32> to vector<1x1x16xf32>
          tpu.vector_store %arg7[%swap3A_2234, %swap3A_2235, %swap3A_2236], %swap3A_2239 {strides = array<i32>} : memref<2x1024x32xf32, #tpu.memory_space<vmem>>, vector<1x1x16xf32>,
          %swap3A_2240 = arith.index_cast %and3A_1699 : i32 to index
          %swap3A_2241 = arith.index_cast %add3A_2233 : i32 to index
          %swap3A_2242 = arith.constant 16 : index
          %swap3A_2243 = tpu.vector_load %arg7[%swap3A_2240, %swap3A_2241, %swap3A_2242] {strides = array<i32>} : memref<2x1024x32xf32, #tpu.memory_space<vmem>>, vector<1x1x16xf32>,
          %swap3A_2244 = vector.shape_cast %swap3A_2243 : vector<1x1x16xf32> to vector<16xf32>
          %swap3A_2245 = vector.shape_cast %broadcast_in_dim3A_2084 : vector<16xf32> to vector<1x1x16xf32>
          tpu.vector_store %arg7[%swap3A_2240, %swap3A_2241, %swap3A_2242], %swap3A_2245 {strides = array<i32>} : memref<2x1024x32xf32, #tpu.memory_space<vmem>>, vector<1x1x16xf32>,
        } else {
        }
      }
      %mul3A_2096 = arith.constant 1024 : i32
      %mul3A_2097 = arith.muli %scan3A_1697, %mul3A_2096 : i32
      %add3A_2098 = arith.addi %mul3A_2, %mul3A_2097 : i32
      %dma_start3A_2099 = arith.constant 0 : i32
      %dma_start3A_2100 = arith.constant 0 : i32
      %dma_start3A_2101 = tpu.memref_slice %arg7[%and3A_1699, %dma_start3A_2099, %dma_start3A_2100] : memref<2x1024x32xf32, #tpu.memory_space<vmem>> -> memref<1x1024x32xf32, #tpu.memory_space<vmem>>
      %dma_start3A_2102 = tpu.memref_squeeze %dma_start3A_2101 : memref<1x1024x32xf32, #tpu.memory_space<vmem>> -> memref<1024x32xf32, #tpu.memory_space<vmem>>
      %dma_start3A_2103 = arith.constant 0 : i32
      %dma_start3A_2104 = tpu.memref_slice %arg4[%add3A_2098, %dma_start3A_2103] : memref<819200x32xf32, #tpu.memory_space<hbm>> -> memref<1024x32xf32, #tpu.memory_space<hbm>>
      %dma_start3A_2105 = arith.constant 0 : i32
      %dma_start3A_2106 = tpu.memref_slice %arg4[%add3A_2098, %dma_start3A_2105] : memref<819200x32xf32, #tpu.memory_space<hbm>> -> memref<1024x32xf32, #tpu.memory_space<hbm>>
      %dma_start3A_2107 = arith.constant 0 : i32
      %dma_start3A_2108 = arith.constant 0 : i32
      %dma_start3A_2109 = tpu.memref_slice %arg7[%and3A_1699, %dma_start3A_2107, %dma_start3A_2108] : memref<2x1024x32xf32, #tpu.memory_space<vmem>> -> memref<1x1024x32xf32, #tpu.memory_space<vmem>>
      %dma_start3A_2110 = tpu.memref_squeeze %dma_start3A_2109 : memref<1x1024x32xf32, #tpu.memory_space<vmem>> -> memref<1024x32xf32, #tpu.memory_space<vmem>>
      tpu.enqueue_dma source(%dma_start3A_2110 : memref<1024x32xf32, #tpu.memory_space<vmem>>) target(%dma_start3A_2106 : memref<1024x32xf32, #tpu.memory_space<hbm>>) target_semaphore(%arg9 : memref<!tpu.dma_semaphore, #tpu.memory_space<semaphore_mem>>)
    }
    %scan3A_1684 = arith.constant 25 : i32
    %dma_wait3A = arith.constant 0 : i32
    %dma_wait3A_1685 = arith.constant 0 : i32
    %dma_wait3A_1686 = arith.constant 0 : i32
    %dma_wait3A_1687 = tpu.memref_slice %arg7[%dma_wait3A, %dma_wait3A_1685, %dma_wait3A_1686] : memref<2x1024x32xf32, #tpu.memory_space<vmem>> -> memref<1x1024x32xf32, #tpu.memory_space<vmem>>
    %dma_wait3A_1688 = tpu.memref_squeeze %dma_wait3A_1687 : memref<1x1024x32xf32, #tpu.memory_space<vmem>> -> memref<1024x32xf32, #tpu.memory_space<vmem>>
    %dma_wait3A_1689 = arith.constant 0 : i32
    %dma_wait3A_1690 = tpu.memref_slice %arg4[%mul3A_2, %dma_wait3A_1689] : memref<819200x32xf32, #tpu.memory_space<hbm>> -> memref<1024x32xf32, #tpu.memory_space<hbm>>
    %dma_wait3A_1691 = arith.constant 0 : i32
    %dma_wait3A_1692 = tpu.memref_slice %arg4[%mul3A_2, %dma_wait3A_1691] : memref<819200x32xf32, #tpu.memory_space<hbm>> -> memref<1024x32xf32, #tpu.memory_space<hbm>>
    %dma_wait3A_1693 = arith.constant 0 : i32
    %dma_wait3A_1694 = arith.constant 0 : i32
    %dma_wait3A_1695 = tpu.memref_slice %arg7[%dma_wait3A, %dma_wait3A_1693, %dma_wait3A_1694] : memref<2x1024x32xf32, #tpu.memory_space<vmem>> -> memref<1x1024x32xf32, #tpu.memory_space<vmem>>
    %dma_wait3A_1696 = tpu.memref_squeeze %dma_wait3A_1695 : memref<1x1024x32xf32, #tpu.memory_space<vmem>> -> memref<1024x32xf32, #tpu.memory_space<vmem>>
    tpu.wait_dma2 semaphore(%arg9 : memref<!tpu.dma_semaphore, #tpu.memory_space<semaphore_mem>>) src(%dma_wait3A_1696 : memref<1024x32xf32, #tpu.memory_space<vmem>>) dst(%dma_wait3A_1692 : memref<1024x32xf32, #tpu.memory_space<hbm>>)
    return
  }
}

</mosaic_0001>

<sc_bundles>
// kernel: kernel.3.cloned.1.call-start
scs
__scs_entry_jumppad:
0x0: {  	(pc) =	sbr.rel $0x88, $3  }
0x1: {  	(tag) =	ssettag $0x0;
	lr =	simm.s32 $0x1  }
0x2: {  	[smem:$0x3F9F] =	sst lr;
	_ =	strace $0xD0000000  }
0x3: {  	_ = 	snop  }
0x4: {  	_ = 	snop  }
0x5: {  	_ = 	snop  }
0x6: {  	_ = 	snop  }
0x7: {  	_ = 	snop  }
__scs_overlays_trampoline_lowered:
0x8: {  	[smem:$0x3FAE] =	sst s0  }
0x9: {  	[smem:$0x3FAF] =	sst s1  }
0xa: {  	[smem:$0x3FB0] =	sst s2  }
0xb: {  	[smem:$0x3FB1] =	sst s3  }
0xc: {  	[smem:$0x3FB2] =	sst s4  }
0xd: {  	[smem:$0x3FB3] =	sst s5  }
0xe: {  	[smem:$0x3FB4] =	sst s6  }
0xf: {  	[smem:$0x3FB5] =	sst s7  }
0x10: {  	[smem:$0x3FB6] =	sst s8  }
0x11: {  	[smem:$0x3FB7] =	sst s9;
	s0 =	simm.s32 @!p0 $0x0  }
0x12: {  	s1 =	sld [smem:$0x3F9D];
	s0 =	simm.s32 @p0 $0x1  }
0x13: {  	[smem:$0x3FB8] =	sst s0;
	s0 =	simm.s32 @!p1 $0x0  }
0x14: {  	s2 =	sld [smem:$0x3F9C];
	s0 =	simm.s32 @p1 $0x1  }
0x15: {  	[smem:$0x3FB9] =	sst s0;
	s0 =	simm.s32 @!p2 $0x0  }
0x16: {  	s3 =	sld [smem:$0x3FDB];
	s0 =	simm.s32 @p2 $0x1  }
0x17: {  	s4 =	simm.s32 $0x1BF5;
	[smem:$0x3FBB] =	sst s0  }
0x18: {  	s0 =	sld [smem:$0x3F9E];
	_ =	swait.ge [sflag:s4], $0x0  }
0x19: {  	s7 =	sld [smem:$0x3F9F]  }
0x1a: {  	s8 =	sadd.s32 $0xFFFFE003, lr  }
0x1b: {  	s9 =	sadd.s32 $0xFFFFFEF7, lr;
	s5 =	simm.s32 $0xFFFFFFFF;
	p2 =	slt.u32 s8, $0xFFFFF086  }
0x1c: {  	p1 =	slt.u32 s9, $0xF7A;
	s5 =	simm.s32 @!p2 $0x0  }
0x1d: {  	s5 =	simm.s32 @p1 $0x1;
	p0 =	seq.s32 s7, s2  }
0x1e: {  	s7 =	smul.u32 @!p0 $0xF7A, s2;
	p2 =	seq.s32 @!p0 s5, $0x0  }
0x1f: {  	s9 =	smul.u32 $0xF7A, s1;
	s8 =	simm.s32 @!p0 $0x1BF5;
	p2 =	por !p2, p0  }
0x20: {  	[sflag:s8] =	ssyncset.s32 @!p0 $0xFFFFF086;
	s6 =	sadd.s32 @!p0 s3, s7;
	s7 =	simm.s32 @!p0 $0x108  }
0x21: {  	s3 =	sadd.s32 s3, s9;
	s6 =	sadd.s32 @!p0 $0x88, s6;
	s7 =	simm.s32 @p2 $0x1082  }
0x22: {  	[simem:s7], [sflag:s8] =	dma.local @!p0 [hbm:s6], $0xF7A  }
0x23: {  	s9 =	sor.u32 $0xD0000000, s2;
	s6 =	simm.s32 $0x108;
	_ =	swait.ge @!p0 [sflag:s8], $0x0  }
0x24: {  	s3 =	sadd.s32 $0x88, s3;
	s6 =	simm.s32 @!p1 $0x1082;
	[sflag:s4] =	ssyncset.s32 $0xFFFFF086  }
0x25: {  	[simem:s6], [sflag:s4] =	dma.local [hbm:s3], $0xF7A  }
0x26: {  	[smem:$0x3F9F] =	sst s1;
	(tag) =	ssettag s2;
	_ =	strace s9  }
0x27: {  	s1 =	sld [smem:$0x3FAF]  }
0x28: {  	s2 =	sld [smem:$0x3FB0]  }
0x29: {  	s4 =	sld [smem:$0x3FB2]  }
0x2a: {  	p0 =	seq.s32 s5, $0x0;
	s5 =	sld [smem:$0x3FB3]  }
0x2b: {  	s6 =	sld [smem:$0x3FB4]  }
0x2c: {  	s7 =	sld [smem:$0x3FB5]  }
0x2d: {  	s3 =	simm.s32 $0x108;
	s8 =	sld [smem:$0x3FB6]  }
0x2e: {  	s3 =	simm.s32 @!p0 $0x1082;
	s9 =	sld [smem:$0x3FB7]  }
0x2f: {  	lr =	sadd.s32 s0, s3;
	s0 =	sld [smem:$0x3FAE]  }
0x30: {  	s3 =	sld [smem:$0x3FB1]  }
0x31: {  	[smem:$0x3FBA] =	sst s10  }
0x32: {  	s10 =	sld [smem:$0x3FB8];
	_ =	sdelay $0x3  }
0x33: {  	p0 =	seq.s32 s10, $0x1;
	s10 =	sld [smem:$0x3FBA];
	_ =	sdelay $0x3  }
0x34: {  	[smem:$0x3FBA] =	sst s10  }
0x35: {  	s10 =	sld [smem:$0x3FB9];
	_ =	sdelay $0x3  }
0x36: {  	p1 =	seq.s32 s10, $0x1;
	s10 =	sld [smem:$0x3FBA];
	_ =	sdelay $0x3  }
0x37: {  	[smem:$0x3FBA] =	sst s10  }
0x38: {  	s10 =	sld [smem:$0x3FBB]  }
0x39: {  	_ = 	snop;
	(pc) =	sbr.ind lr, $3  }
0x3a: {  	_ = 	snop  }
0x3b: {  	_ = 	snop  }
0x3c: {  	p2 =	seq.s32 s10, $0x1;
	s10 =	sld [smem:$0x3FBA]  }
0x3d: {  	_ =	shalt  }
0x3e: {  	_ =	shalt  }
0x3f: {  	_ =	shalt  }
0x40: {  	_ =	shalt  }
0x41: {  	_ =	shalt  }
0x42: {  	_ =	shalt  }
0x43: {  	_ =	shalt  }
0x44: {  	_ =	shalt  }
0x45: {  	_ =	shalt  }
0x46: {  	_ =	shalt  }
0x47: {  	_ =	shalt  }
0x48: {  	_ =	shalt  }
0x49: {  	_ =	shalt  }
0x4a: {  	_ =	shalt  }
0x4b: {  	_ =	shalt  }
0x4c: {  	_ =	shalt  }
0x4d: {  	_ =	shalt  }
0x4e: {  	_ =	shalt  }
0x4f: {  	_ =	shalt  }
0x50: {  	_ =	shalt  }
0x51: {  	_ =	shalt  }
0x52: {  	_ =	shalt  }
0x53: {  	_ =	shalt  }
0x54: {  	_ =	shalt  }
0x55: {  	_ =	shalt  }
0x56: {  	_ =	shalt  }
0x57: {  	_ =	shalt  }
0x58: {  	_ =	shalt  }
0x59: {  	_ =	shalt  }
0x5a: {  	_ =	shalt  }
0x5b: {  	_ =	shalt  }
0x5c: {  	_ =	shalt  }
0x5d: {  	_ =	shalt  }
0x5e: {  	_ =	shalt  }
0x5f: {  	_ =	shalt  }
0x60: {  	_ =	shalt  }
0x61: {  	_ =	shalt  }
0x62: {  	_ =	shalt  }
0x63: {  	_ =	shalt  }
0x64: {  	_ =	shalt  }
0x65: {  	_ =	shalt  }
0x66: {  	_ =	shalt  }
0x67: {  	_ =	shalt  }
0x68: {  	_ =	shalt  }
0x69: {  	_ =	shalt  }
0x6a: {  	_ =	shalt  }
0x6b: {  	_ =	shalt  }
0x6c: {  	_ =	shalt  }
0x6d: {  	_ =	shalt  }
0x6e: {  	_ =	shalt  }
0x6f: {  	_ =	shalt  }
0x70: {  	_ =	shalt  }
0x71: {  	_ =	shalt  }
0x72: {  	_ =	shalt  }
0x73: {  	_ =	shalt  }
0x74: {  	_ =	shalt  }
0x75: {  	_ =	shalt  }
0x76: {  	_ =	shalt  }
0x77: {  	_ =	shalt  }
0x78: {  	_ =	shalt  }
0x79: {  	_ =	shalt  }
0x7a: {  	_ =	shalt  }
0x7b: {  	_ =	shalt  }
0x7c: {  	_ =	shalt  }
0x7d: {  	_ =	shalt  }
0x7e: {  	_ =	shalt  }
0x7f: {  	_ =	shalt  }
0x80: {  	_ =	shalt  }
0x81: {  	_ =	shalt  }
0x82: {  	_ =	shalt  }
0x83: {  	_ =	shalt  }
0x84: {  	_ =	shalt  }
0x85: {  	_ =	shalt  }
0x86: {  	_ =	shalt  }
0x87: {  	_ =	shalt  }
.Lfunc_end0:
.L_simem_size_0:
called_computation.2_lowered:
.L_overlay_start_0:
0x88: {  	s2 =	sld [smem:$0x3FD9]  }
0x89: {  	s3 =	sld [smem:$0x3FFE];
	_ =	sdelay $0x1  }
0x8a: {  	s1 =	srdreg.scid  }
0x8b: {  	s0 =	sand.u32 $0x1, s1  }
0x8c: {  	s17 =	sshll.u32 s0, $0xA;
	s2 =	sadd.s32 s3, s2  }
0x8d: {  	s2 =	sadd.s32 s2, s17  }
0x8e: {  	[smem:$0x3FC6] =	sst s2  }
0x8f: {  	_ = 	snop  }
0x90: {  	s2 =	sld [smem:$0x3FD0];
	(tm) =	ssettm $0x1  }
0x91: {  	s18 =	sld [smem:$0x3FFB];
	_ =	sdelay $0x3  }
0x92: {  	_ =	strace s18  }
0x93: {  	s3 =	sld [smem:$0x3FFC];
	_ =	sdelay $0x3  }
0x94: {  	_ =	strace s3  }
0x95: {  	s3 =	sld [smem:$0x3FFD];
	_ =	sdelay $0x3  }
0x96: {  	_ =	strace s3  }
0x97: {  	_ =	strace $0x8FFFFFFF  }
0x98: {  	s19 =	sld [smem:$0x3FDB];
	_ =	sdelay $0x1  }
0x99: {  	s4 =	simm.s32 $_scs_section_size  }
0x9a: {  	s5 =	simm.s32 $_size__tile_overlayer_lowered;
	s6 =	simm.s32 $_tile_overlayer_lowered  }
0x9b: {  	s22 =	simm.s32 $0x1BFF;
	s21 =	sshll.u32 s6, $0x1;
	s3 =	sadd.s32 s4, s19  }
0x9c: {  	s7 =	simm.s32 $0x0;
	s20 =	sshll.u32 s5, $0x1;
	s5 =	sadd.s32 s21, s3  }
0x9d: {  	[timem:s7], [sflag:s22] =	dma.local [hbm:s5], s20  }
0x9e: {  	_ =	swait.ge [sflag:s22], s20  }
0x9f: {  	s4 =	ssub.s32 $0x0, s20;
	[sflag:s22] =	ssyncset.done $0x0  }
0xa0: {  	[sflag:s22] =	ssyncadd.s32 s4;
	_ =	sdelay $0x1  }
0xa1: {  	s23 =	simm.s32 $0x1B8B  }
0xa2: {  	_ =	swait.ge [sflag:s23], $0x1  }
0xa3: {  	[sflag:s23] =	ssyncset.done $0x0  }
0xa4: {  	s25 =	simm.s32 $0x1B8E;
	s24 =	sld [smem:$0x3FFE];
	[sflag:s23] =	ssyncadd.s32 $0xFFFFFFFF  }
0xa5: {  	s26 =	simm.s32 $execute0_lowered;
	[smem:$0x3FD2] =	sst s25  }
0xa6: {  	s5 =	sshll.u32 s26, $0x1;
	_ =	strace $0x80000046;
	[dreg:$0x1] =	wrdreg $0xFFFFFFFF  }
0xa7: {  	s28 =	simm.s32 $_size_execute0_lowered;
	s3 =	sadd.s32 s3, s5;
	[dreg:$0x0] =	wrdreg $0x0  }
0xa8: {  	s5 =	sshll.u32 s28, $0x1;
	[dreg:$0x2] =	wrdreg s3  }
0xa9: {  	[dreg:$0x3] =	wrdreg s5  }
0xaa: {  	[dreg:$0x4] =	wrdreg $0xC0  }
0xab: {  	_ =	task [dreg:s7], $0x5FFFF  }
0xac: {  	[dreg:$0x1] =	wrdreg $0xFFFFFFFF  }
0xad: {  	[dreg:$0x0] =	wrdreg $0x60  }
0xae: {  	[dreg:$0x2] =	wrdreg s24  }
0xaf: {  	[dreg:$0x3] =	wrdreg s2  }
0xb0: {  	[dreg:$0x4] =	wrdreg $0x9  }
0xb1: {  	_ =	task.clear_ibuf [dreg:s7], $0x5FFFF;
	_ =	strace $0x90000046  }
0xb2: {  	s29 =	simm.s32 $0x9;
	_ =	strace $0x80000048  }
0xb3: {  	_ =	swait.ge [sflag:s29], $0x1  }
0xb4: {  	[sflag:s29] =	ssyncadd.s32 $0xFFFFFFFF  }
0xb5: {  	_ =	strace $0x90000048  }
0xb6: {  	_ =	sfence  }
0xb7: {  	s30 =	sld [smem:$0x0];
	_ =	sdelay $0x2  }
0xb8: {  	s31 =	sshll.u32 s1, $0xD;
	s1 =	sshrl.u32 s1, $0x2  }
0xb9: {  	s3 =	sand.u32 $0x4000, s31;
	s1 =	sadd.s32 s1, s30  }
0xba: {  	s0 =	sor.u32 s3, s0;
	s1 =	sshll.u32 s1, $0x11  }
0xbb: {  	s0 =	sor.u32 s1, s0  }
0xbc: {  	s0 =	sadd.s32 $0x8F2B, s0  }
0xbd: {  	[sflag:s0] =	ssyncadd.remote.s32 $0x1  }
0xbe: {  	_ =	sfence.sel $0xFFFF  }
0xbf: {  	[dreg:$0x0] =	wrdreg $0xFFFFFFFF;
	(pc) =	sbr.abs _section_cstart, $3  }
0xc0: {  	[dreg:$0x1] =	wrdreg $0xFFFFFFFF  }
0xc1: {  	_ =	task.clear_ibuf [dreg:s7], $0x2FFFF;
	_ =	strace $0x9FFFFFFF  }
0xc2: {  	(tm) =	ssettm $0x7FFFFFFF  }
0xc3: {  	_ =	shalt  }
tec
execute0_lowered:
.L_overlay_start_1:
0x0: {  	(tag) =	ssettag $0x1  }
0x1: {  	s5 =	rddreg [dreg:$0x0]  }
0x2: {  	s2 =	rddreg [dreg:$0x1]  }
0x3: {  	s0 =	rddreg [dreg:$0x2];
	s3 =	simm.s32 $0x0  }
0x4: {  	s4 =	srdreg.scid;
	s1 =	stileid.u32;
	s11 =	simm.s32 $0x400  }
0x5: {  	s12 =	simm.s32 $0x800;
	s13 =	simm.s32 $0x1000;
	s14 =	simm.s32 $0x3  }
0x6: {  	s15 =	simm.s32 $0x0;
	s4 =	sand.u32 $0x1, s4;
	s6 =	sshll.u32 s1, $0x1  }
.Ltmp0:
0x7: {  	[smem:$0x7FF] =	sst s3;
	s8 =	sor.u32 s4, s6;
	(pc) =	sbr.rel .LBB2_1-.Ltmp0, $4  }
0x8: {  	_ =	strace $0x80000047;
	s7 =	ssub.s32 $0x2, s4;
	s9 =	smul.u32 $0xC80, s8  }
0x9: {  	s4 =	sadd.s32 $0xF43200, s5;
	s31 =	sshrl.u32 s7, $0x1;
	s6 =	smul.u32 $0x6400, s8  }
0xa: {  	s5 =	sadd.s32 $0xF5C200, s5;
	s8 =	smul.u32 $0xC8000, s8;
	s10 =	ssub.s32 s7, s31  }
0xb: {  	s7 =	sadd.s32 s4, s9;
	s9 =	smax.u32 s10, $0x1;
	s10 =	simm.s32 $0x4  }
.LBB2_9:
0xc: {  	s15 =	sadd.s32 $0x1, s15  }
0xd: {  	p0 =	sne.s32 s15, s9  }
.Ltmp1:
0xe: {  	_ = 	snop;
	(pc) =	sbr.rel @!p0 .LBB2_10-.Ltmp1, $4  }
0xf: {  	_ = 	snop  }
0x10: {  	_ =	swait.ge [sflag:s14], $0x8000  }
0x11: {  	[sflag:s14] =	ssyncset.done $0x0  }
0x12: {  	[sflag:s14] =	ssyncadd.s32 $0xFFFF8000  }
.LBB2_1:
0x13: {  	[tilespmem:s3], [sflag:$0x4] =	stream.linear.gather [hbm4b:s7+s3], $0x400, $0x38;
	[tilespmem:$0x11000] =	vst v63  }
0x14: {  	_ =	swait.ge [sflag:s10], $0x400  }
0x15: {  	[sflag:s10] =	ssyncset.done $0x0  }
0x16: {  	[sflag:s10] =	ssyncadd.s32 $0xFFFFFC00  }
0x17: {  	v0 =	vld [tilespmem:$0x0]  }
0x18: {  	v1 =	vld [tilespmem:$0x10]  }
0x19: {  	v2 =	vld [tilespmem:$0x20]  }
0x1a: {  	v3 =	vld [tilespmem:$0x30]  }
0x1b: {  	v4 =	vld [tilespmem:$0x40]  }
0x1c: {  	v5 =	vld [tilespmem:$0x50];
	v0 =	vshll.u32 v0, $0x2  }
0x1d: {  	v57 =	vld [tilespmem:$0x60];
	v56 =	vshll.u32 v1, $0x2;
	[tilespmem:$0x800] =	vst v0  }
0x1e: {  	v59 =	vld [tilespmem:$0x70];
	v58 =	vshll.u32 v2, $0x2;
	[tilespmem:$0x810] =	vst v56  }
0x1f: {  	v61 =	vld [tilespmem:$0x80];
	v60 =	vshll.u32 v3, $0x2;
	[tilespmem:$0x820] =	vst v58  }
0x20: {  	v63 =	vld [tilespmem:$0x90];
	v62 =	vshll.u32 v4, $0x2;
	[tilespmem:$0x830] =	vst v60  }
0x21: {  	v9 =	vld [tilespmem:$0xA0];
	v8 =	vshll.u32 v5, $0x2;
	[tilespmem:$0x840] =	vst v62  }
0x22: {  	v11 =	vld [tilespmem:$0xB0];
	v10 =	vshll.u32 v57, $0x2;
	[tilespmem:$0x850] =	vst v8  }
0x23: {  	v13 =	vld [tilespmem:$0xC0];
	v12 =	vshll.u32 v59, $0x2;
	[tilespmem:$0x860] =	vst v10  }
0x24: {  	v15 =	vld [tilespmem:$0xD0];
	v14 =	vshll.u32 v61, $0x2;
	[tilespmem:$0x870] =	vst v12  }
0x25: {  	v17 =	vld [tilespmem:$0xE0];
	v16 =	vshll.u32 v63, $0x2;
	[tilespmem:$0x880] =	vst v14  }
0x26: {  	v19 =	vld [tilespmem:$0xF0];
	v18 =	vshll.u32 v9, $0x2;
	[tilespmem:$0x890] =	vst v16  }
0x27: {  	v21 =	vld [tilespmem:$0x100];
	v20 =	vshll.u32 v11, $0x2;
	[tilespmem:$0x8A0] =	vst v18  }
0x28: {  	v23 =	vld [tilespmem:$0x110];
	v22 =	vshll.u32 v13, $0x2;
	[tilespmem:$0x8B0] =	vst v20  }
0x29: {  	v25 =	vld [tilespmem:$0x120];
	v24 =	vshll.u32 v15, $0x2;
	[tilespmem:$0x8C0] =	vst v22  }
0x2a: {  	v27 =	vld [tilespmem:$0x130];
	v26 =	vshll.u32 v17, $0x2;
	[tilespmem:$0x8D0] =	vst v24  }
0x2b: {  	v29 =	vld [tilespmem:$0x140];
	v28 =	vshll.u32 v19, $0x2;
	[tilespmem:$0x8E0] =	vst v26  }
0x2c: {  	v31 =	vld [tilespmem:$0x150];
	v30 =	vshll.u32 v21, $0x2;
	[tilespmem:$0x8F0] =	vst v28  }
0x2d: {  	v33 =	vld [tilespmem:$0x160];
	v32 =	vshll.u32 v23, $0x2;
	[tilespmem:$0x900] =	vst v30  }
0x2e: {  	v35 =	vld [tilespmem:$0x170];
	v34 =	vshll.u32 v25, $0x2;
	[tilespmem:$0x910] =	vst v32  }
0x2f: {  	v37 =	vld [tilespmem:$0x180];
	v36 =	vshll.u32 v27, $0x2;
	[tilespmem:$0x920] =	vst v34  }
0x30: {  	v39 =	vld [tilespmem:$0x190];
	v38 =	vshll.u32 v29, $0x2;
	[tilespmem:$0x930] =	vst v36  }
0x31: {  	v41 =	vld [tilespmem:$0x1A0];
	v40 =	vshll.u32 v31, $0x2;
	[tilespmem:$0x940] =	vst v38  }
0x32: {  	v43 =	vld [tilespmem:$0x1B0];
	v42 =	vshll.u32 v33, $0x2;
	[tilespmem:$0x950] =	vst v40  }
0x33: {  	v45 =	vld [tilespmem:$0x1C0];
	v44 =	vshll.u32 v35, $0x2;
	[tilespmem:$0x960] =	vst v42  }
0x34: {  	v55 =	vld [tilespmem:$0x210];
	v46 =	vshll.u32 v37, $0x2;
	[tilespmem:$0x970] =	vst v44  }
0x35: {  	v47 =	vld [tilespmem:$0x1D0];
	v48 =	vshll.u32 v39, $0x2;
	[tilespmem:$0x980] =	vst v46  }
0x36: {  	v49 =	vld [tilespmem:$0x1E0];
	v50 =	vshll.u32 v41, $0x2;
	[tilespmem:$0x990] =	vst v48  }
0x37: {  	v51 =	vld [tilespmem:$0x1F0];
	v52 =	vshll.u32 v43, $0x2;
	[tilespmem:$0x9A0] =	vst v50  }
0x38: {  	v53 =	vld [tilespmem:$0x200];
	v54 =	vshll.u32 v45, $0x2;
	[tilespmem:$0x9B0] =	vst v52  }
0x39: {  	v57 =	vld [tilespmem:$0x220];
	v7 =	vshll.u32 v55, $0x2;
	[tilespmem:$0x9C0] =	vst v54  }
0x3a: {  	v59 =	vld [tilespmem:$0x230];
	v56 =	vshll.u32 v47, $0x2;
	[tilespmem:$0xA10] =	vst v7  }
0x3b: {  	v61 =	vld [tilespmem:$0x240];
	v58 =	vshll.u32 v49, $0x2;
	[tilespmem:$0x9D0] =	vst v56  }
0x3c: {  	v63 =	vld [tilespmem:$0x250];
	v60 =	vshll.u32 v51, $0x2;
	[tilespmem:$0x9E0] =	vst v58  }
0x3d: {  	v62 =	vshll.u32 v53, $0x2;
	v8 =	vld [tilespmem:$0x260];
	[tilespmem:$0x9F0] =	vst v60  }
0x3e: {  	v10 =	vld [tilespmem:$0x270];
	[tilespmem:$0xA00] =	vst v62;
	v9 =	vshll.u32 v57, $0x2  }
0x3f: {  	v12 =	vld [tilespmem:$0x280];
	v11 =	vshll.u32 v59, $0x2;
	[tilespmem:$0xA20] =	vst v9  }
0x40: {  	v14 =	vld [tilespmem:$0x290];
	v13 =	vshll.u32 v61, $0x2;
	[tilespmem:$0xA30] =	vst v11  }
0x41: {  	v16 =	vld [tilespmem:$0x2A0];
	v15 =	vshll.u32 v63, $0x2;
	[tilespmem:$0xA40] =	vst v13  }
0x42: {  	v18 =	vld [tilespmem:$0x2B0];
	[tilespmem:$0xA50] =	vst v15;
	v17 =	vshll.u32 v8, $0x2  }
0x43: {  	v20 =	vld [tilespmem:$0x2C0];
	v19 =	vshll.u32 v10, $0x2;
	[tilespmem:$0xA60] =	vst v17  }
0x44: {  	v22 =	vld [tilespmem:$0x2D0];
	v21 =	vshll.u32 v12, $0x2;
	[tilespmem:$0xA70] =	vst v19  }
0x45: {  	v24 =	vld [tilespmem:$0x2E0];
	v23 =	vshll.u32 v14, $0x2;
	[tilespmem:$0xA80] =	vst v21  }
0x46: {  	v26 =	vld [tilespmem:$0x2F0];
	v25 =	vshll.u32 v16, $0x2;
	[tilespmem:$0xA90] =	vst v23  }
0x47: {  	v28 =	vld [tilespmem:$0x300];
	v27 =	vshll.u32 v18, $0x2;
	[tilespmem:$0xAA0] =	vst v25  }
0x48: {  	v30 =	vld [tilespmem:$0x310];
	v29 =	vshll.u32 v20, $0x2;
	[tilespmem:$0xAB0] =	vst v27  }
0x49: {  	v32 =	vld [tilespmem:$0x320];
	v31 =	vshll.u32 v22, $0x2;
	[tilespmem:$0xAC0] =	vst v29  }
0x4a: {  	v34 =	vld [tilespmem:$0x330];
	v33 =	vshll.u32 v24, $0x2;
	[tilespmem:$0xAD0] =	vst v31  }
0x4b: {  	v36 =	vld [tilespmem:$0x340];
	v35 =	vshll.u32 v26, $0x2;
	[tilespmem:$0xAE0] =	vst v33  }
0x4c: {  	v38 =	vld [tilespmem:$0x350];
	v37 =	vshll.u32 v28, $0x2;
	[tilespmem:$0xAF0] =	vst v35  }
0x4d: {  	v40 =	vld [tilespmem:$0x360];
	v39 =	vshll.u32 v30, $0x2;
	[tilespmem:$0xB00] =	vst v37  }
0x4e: {  	v42 =	vld [tilespmem:$0x370];
	v41 =	vshll.u32 v32, $0x2;
	[tilespmem:$0xB10] =	vst v39  }
0x4f: {  	v44 =	vld [tilespmem:$0x380];
	v43 =	vshll.u32 v34, $0x2;
	[tilespmem:$0xB20] =	vst v41  }
0x50: {  	v46 =	vld [tilespmem:$0x390];
	v45 =	vshll.u32 v36, $0x2;
	[tilespmem:$0xB30] =	vst v43  }
0x51: {  	v48 =	vld [tilespmem:$0x3A0];
	v47 =	vshll.u32 v38, $0x2;
	[tilespmem:$0xB40] =	vst v45  }
0x52: {  	v50 =	vld [tilespmem:$0x3B0];
	v49 =	vshll.u32 v40, $0x2;
	[tilespmem:$0xB50] =	vst v47  }
0x53: {  	v52 =	vld [tilespmem:$0x3C0];
	v51 =	vshll.u32 v42, $0x2;
	[tilespmem:$0xB60] =	vst v49  }
0x54: {  	v54 =	vld [tilespmem:$0x3D0];
	v53 =	vshll.u32 v44, $0x2;
	[tilespmem:$0xB70] =	vst v51  }
0x55: {  	v56 =	vld [tilespmem:$0x3E0];
	v55 =	vshll.u32 v46, $0x2;
	[tilespmem:$0xB80] =	vst v53  }
0x56: {  	v58 =	vld [tilespmem:$0x3F0];
	v57 =	vshll.u32 v48, $0x2;
	[tilespmem:$0xB90] =	vst v55  }
0x57: {  	v59 =	vshll.u32 v50, $0x2;
	[tilespmem:$0xBA0] =	vst v57  }
0x58: {  	v60 =	vshll.u32 v52, $0x2;
	[tilespmem:$0xBB0] =	vst v59  }
.Ltmp2:
0x59: {  	v61 =	vshll.u32 v54, $0x2;
	[tilespmem:$0xBC0] =	vst v60;
	(pc) =	sbr.rel .LBB2_2-.Ltmp2, $4  }
0x5a: {  	[tilespmem:$0xBD0] =	vst v61;
	v62 =	vshll.u32 v56, $0x2  }
0x5b: {  	v63 =	vshll.u32 v58, $0x2;
	[tilespmem:$0xBE0] =	vst v62  }
0x5c: {  	s16 =	simm.s32 $0x0;
	[tilespmem:$0xBF0] =	vst v63  }
0x5d: {  	[tilespmem:s13], [sflag:$0x1] =	stream.indirect.gather [hbm4b:s5+s11], $0x20, s12, s11, $0xb8;
	[tilespmem:$0x11000] =	vst v63  }
.LBB2_8:
0x5e: {  	s16 =	sshll.u32 s16, $0xF;
	p0 =	slt.u32 s17, $0x19  }
.Ltmp3:
0x5f: {  	s16 =	sadd.s32 s8, s16;
	(pc) =	sbr.rel @!p0 .LBB2_9-.Ltmp3, $4  }
0x60: {  	s16 =	sshrl.u32 s16, $0x3  }
0x61: {  	s18 =	sor.u32 $0x1000, s18;
	s16 =	sadd.s32 s2, s16  }
0x62: {  	[hbm4b:s16+s3] =	stream.linear.scatter [tilespmem:s18], [sflag:$0x3], $0x8000, $0x38;
	[tilespmem:$0x11000] =	vst v63  }
0x63: {  	s16 =	smov.u32 s17  }
.LBB2_2:
0x64: {  	p0 =	seq.s32 s16, $0x0  }
0x65: {  	p1 =	seq.s32 @!p0 s16, $0x18  }
0x66: {  	p1 =	por p0, !p1  }
.Ltmp4:
0x67: {  	_ = 	snop;
	(pc) =	sbr.rel @!p1 .LBB2_4-.Ltmp4, $4  }
0x68: {  	s17 =	simm.s32 @!p0 $0x3  }
0x69: {  	_ =	swait.ge @!p0 [sflag:s17], $0x8000  }
0x6a: {  	[sflag:s17] =	ssyncset.done @!p0 $0x0  }
0x6b: {  	s18 =	sand.u32 $0x1, s16;
	[sflag:s17] =	ssyncadd.s32 @!p0 $0xFFFF8000;
	s17 =	simm.s32 @!p0 $0x19  }
0x6c: {  	s17 =	sadd.s32 @!p0 $0x1, s16  }
0x6d: {  	s17 =	simm.s32 @p0 $0x1  }
0x6e: {  	s19 =	sshll.u32 s17, $0xA  }
0x6f: {  	s20 =	sadd.s32 s6, s19  }
0x70: {  	s29 =	sxor.u32 $0x1, s18;
	s21 =	sshrl.u32 s20, $0x3  }
0x71: {  	s30 =	sshll.u32 s29, $0xA;
	s21 =	sadd.s32 s4, s21  }
0x72: {  	[tilespmem:s30], [sflag:$0x4] =	stream.linear.gather [hbm4b:s21+s3], $0x400, $0x38;
	[tilespmem:$0x11000] =	vst v63  }
0x73: {  	_ =	swait.ge [sflag:s10], $0x400  }
0x74: {  	[sflag:s10] =	ssyncset.done $0x0  }
0x75: {  	[sflag:s10] =	ssyncadd.s32 $0xFFFFFC00  }
0x76: {  	v0 =	vld [tilespmem:s30+$0x0]  }
0x77: {  	v1 =	vld [tilespmem:s30+$0x10]  }
0x78: {  	v2 =	vld [tilespmem:s30+$0x20]  }
0x79: {  	v3 =	vld [tilespmem:s30+$0x30]  }
0x7a: {  	v4 =	vld [tilespmem:s30+$0x40]  }
0x7b: {  	v5 =	vld [tilespmem:s30+$0x50];
	v0 =	vshll.u32 v0, $0x2  }
0x7c: {  	v57 =	vld [tilespmem:s30+$0x60];
	v56 =	vshll.u32 v1, $0x2;
	[tilespmem:s30+$0x800] =	vst v0  }
0x7d: {  	v59 =	vld [tilespmem:s30+$0x70];
	v58 =	vshll.u32 v2, $0x2;
	[tilespmem:s30+$0x810] =	vst v56  }
0x7e: {  	v61 =	vld [tilespmem:s30+$0x80];
	v60 =	vshll.u32 v3, $0x2;
	[tilespmem:s30+$0x820] =	vst v58  }
0x7f: {  	v63 =	vld [tilespmem:s30+$0x90];
	v62 =	vshll.u32 v4, $0x2;
	[tilespmem:s30+$0x830] =	vst v60  }
0x80: {  	v9 =	vld [tilespmem:s30+$0xA0];
	v8 =	vshll.u32 v5, $0x2;
	[tilespmem:s30+$0x840] =	vst v62  }
0x81: {  	v11 =	vld [tilespmem:s30+$0xB0];
	v10 =	vshll.u32 v57, $0x2;
	[tilespmem:s30+$0x850] =	vst v8  }
0x82: {  	v13 =	vld [tilespmem:s30+$0xC0];
	v12 =	vshll.u32 v59, $0x2;
	[tilespmem:s30+$0x860] =	vst v10  }
0x83: {  	v15 =	vld [tilespmem:s30+$0xD0];
	v14 =	vshll.u32 v61, $0x2;
	[tilespmem:s30+$0x870] =	vst v12  }
0x84: {  	v17 =	vld [tilespmem:s30+$0xE0];
	v16 =	vshll.u32 v63, $0x2;
	[tilespmem:s30+$0x880] =	vst v14  }
0x85: {  	v19 =	vld [tilespmem:s30+$0xF0];
	v18 =	vshll.u32 v9, $0x2;
	[tilespmem:s30+$0x890] =	vst v16  }
0x86: {  	v21 =	vld [tilespmem:s30+$0x100];
	v20 =	vshll.u32 v11, $0x2;
	[tilespmem:s30+$0x8A0] =	vst v18  }
0x87: {  	v23 =	vld [tilespmem:s30+$0x110];
	v22 =	vshll.u32 v13, $0x2;
	[tilespmem:s30+$0x8B0] =	vst v20  }
0x88: {  	v25 =	vld [tilespmem:s30+$0x120];
	v24 =	vshll.u32 v15, $0x2;
	[tilespmem:s30+$0x8C0] =	vst v22  }
0x89: {  	v27 =	vld [tilespmem:s30+$0x130];
	v26 =	vshll.u32 v17, $0x2;
	[tilespmem:s30+$0x8D0] =	vst v24  }
0x8a: {  	v29 =	vld [tilespmem:s30+$0x140];
	v28 =	vshll.u32 v19, $0x2;
	[tilespmem:s30+$0x8E0] =	vst v26  }
0x8b: {  	v31 =	vld [tilespmem:s30+$0x150];
	v30 =	vshll.u32 v21, $0x2;
	[tilespmem:s30+$0x8F0] =	vst v28  }
0x8c: {  	v33 =	vld [tilespmem:s30+$0x160];
	v32 =	vshll.u32 v23, $0x2;
	[tilespmem:s30+$0x900] =	vst v30  }
0x8d: {  	v35 =	vld [tilespmem:s30+$0x170];
	v34 =	vshll.u32 v25, $0x2;
	[tilespmem:s30+$0x910] =	vst v32  }
0x8e: {  	v37 =	vld [tilespmem:s30+$0x180];
	v36 =	vshll.u32 v27, $0x2;
	[tilespmem:s30+$0x920] =	vst v34  }
0x8f: {  	v39 =	vld [tilespmem:s30+$0x190];
	v38 =	vshll.u32 v29, $0x2;
	[tilespmem:s30+$0x930] =	vst v36  }
0x90: {  	v41 =	vld [tilespmem:s30+$0x1A0];
	v40 =	vshll.u32 v31, $0x2;
	[tilespmem:s30+$0x940] =	vst v38  }
0x91: {  	v43 =	vld [tilespmem:s30+$0x1B0];
	v42 =	vshll.u32 v33, $0x2;
	[tilespmem:s30+$0x950] =	vst v40  }
0x92: {  	v45 =	vld [tilespmem:s30+$0x1C0];
	v44 =	vshll.u32 v35, $0x2;
	[tilespmem:s30+$0x960] =	vst v42  }
0x93: {  	v55 =	vld [tilespmem:s30+$0x210];
	v46 =	vshll.u32 v37, $0x2;
	[tilespmem:s30+$0x970] =	vst v44  }
0x94: {  	v47 =	vld [tilespmem:s30+$0x1D0];
	v48 =	vshll.u32 v39, $0x2;
	[tilespmem:s30+$0x980] =	vst v46  }
0x95: {  	v49 =	vld [tilespmem:s30+$0x1E0];
	v50 =	vshll.u32 v41, $0x2;
	[tilespmem:s30+$0x990] =	vst v48  }
0x96: {  	v51 =	vld [tilespmem:s30+$0x1F0];
	v52 =	vshll.u32 v43, $0x2;
	[tilespmem:s30+$0x9A0] =	vst v50  }
0x97: {  	v53 =	vld [tilespmem:s30+$0x200];
	v54 =	vshll.u32 v45, $0x2;
	[tilespmem:s30+$0x9B0] =	vst v52  }
0x98: {  	v57 =	vld [tilespmem:s30+$0x220];
	v7 =	vshll.u32 v55, $0x2;
	[tilespmem:s30+$0x9C0] =	vst v54  }
0x99: {  	v59 =	vld [tilespmem:s30+$0x230];
	v56 =	vshll.u32 v47, $0x2;
	[tilespmem:s30+$0xA10] =	vst v7  }
0x9a: {  	v61 =	vld [tilespmem:s30+$0x240];
	v58 =	vshll.u32 v49, $0x2;
	[tilespmem:s30+$0x9D0] =	vst v56  }
0x9b: {  	v63 =	vld [tilespmem:s30+$0x250];
	v60 =	vshll.u32 v51, $0x2;
	[tilespmem:s30+$0x9E0] =	vst v58  }
0x9c: {  	v62 =	vshll.u32 v53, $0x2;
	v8 =	vld [tilespmem:s30+$0x260];
	[tilespmem:s30+$0x9F0] =	vst v60  }
0x9d: {  	v10 =	vld [tilespmem:s30+$0x270];
	[tilespmem:s30+$0xA00] =	vst v62;
	v9 =	vshll.u32 v57, $0x2  }
0x9e: {  	v12 =	vld [tilespmem:s30+$0x280];
	v11 =	vshll.u32 v59, $0x2;
	[tilespmem:s30+$0xA20] =	vst v9  }
0x9f: {  	v14 =	vld [tilespmem:s30+$0x290];
	v13 =	vshll.u32 v61, $0x2;
	[tilespmem:s30+$0xA30] =	vst v11  }
0xa0: {  	v16 =	vld [tilespmem:s30+$0x2A0];
	v15 =	vshll.u32 v63, $0x2;
	[tilespmem:s30+$0xA40] =	vst v13  }
0xa1: {  	v18 =	vld [tilespmem:s30+$0x2B0];
	[tilespmem:s30+$0xA50] =	vst v15;
	v17 =	vshll.u32 v8, $0x2  }
0xa2: {  	v20 =	vld [tilespmem:s30+$0x2C0];
	v19 =	vshll.u32 v10, $0x2;
	[tilespmem:s30+$0xA60] =	vst v17  }
0xa3: {  	v22 =	vld [tilespmem:s30+$0x2D0];
	v21 =	vshll.u32 v12, $0x2;
	[tilespmem:s30+$0xA70] =	vst v19  }
0xa4: {  	v24 =	vld [tilespmem:s30+$0x2E0];
	v23 =	vshll.u32 v14, $0x2;
	[tilespmem:s30+$0xA80] =	vst v21  }
0xa5: {  	v26 =	vld [tilespmem:s30+$0x2F0];
	v25 =	vshll.u32 v16, $0x2;
	[tilespmem:s30+$0xA90] =	vst v23  }
0xa6: {  	v28 =	vld [tilespmem:s30+$0x300];
	v27 =	vshll.u32 v18, $0x2;
	[tilespmem:s30+$0xAA0] =	vst v25  }
0xa7: {  	v30 =	vld [tilespmem:s30+$0x310];
	v29 =	vshll.u32 v20, $0x2;
	[tilespmem:s30+$0xAB0] =	vst v27  }
0xa8: {  	v32 =	vld [tilespmem:s30+$0x320];
	v31 =	vshll.u32 v22, $0x2;
	[tilespmem:s30+$0xAC0] =	vst v29  }
0xa9: {  	v34 =	vld [tilespmem:s30+$0x330];
	v33 =	vshll.u32 v24, $0x2;
	[tilespmem:s30+$0xAD0] =	vst v31  }
0xaa: {  	v36 =	vld [tilespmem:s30+$0x340];
	v35 =	vshll.u32 v26, $0x2;
	[tilespmem:s30+$0xAE0] =	vst v33  }
0xab: {  	v38 =	vld [tilespmem:s30+$0x350];
	v37 =	vshll.u32 v28, $0x2;
	[tilespmem:s30+$0xAF0] =	vst v35  }
0xac: {  	v40 =	vld [tilespmem:s30+$0x360];
	v39 =	vshll.u32 v30, $0x2;
	[tilespmem:s30+$0xB00] =	vst v37  }
0xad: {  	v42 =	vld [tilespmem:s30+$0x370];
	v41 =	vshll.u32 v32, $0x2;
	[tilespmem:s30+$0xB10] =	vst v39  }
0xae: {  	v44 =	vld [tilespmem:s30+$0x380];
	v43 =	vshll.u32 v34, $0x2;
	[tilespmem:s30+$0xB20] =	vst v41  }
0xaf: {  	v46 =	vld [tilespmem:s30+$0x390];
	v45 =	vshll.u32 v36, $0x2;
	[tilespmem:s30+$0xB30] =	vst v43  }
0xb0: {  	v48 =	vld [tilespmem:s30+$0x3A0];
	v47 =	vshll.u32 v38, $0x2;
	[tilespmem:s30+$0xB40] =	vst v45  }
0xb1: {  	v50 =	vld [tilespmem:s30+$0x3B0];
	v49 =	vshll.u32 v40, $0x2;
	[tilespmem:s30+$0xB50] =	vst v47  }
0xb2: {  	v52 =	vld [tilespmem:s30+$0x3C0];
	v51 =	vshll.u32 v42, $0x2;
	[tilespmem:s30+$0xB60] =	vst v49  }
0xb3: {  	v54 =	vld [tilespmem:s30+$0x3D0];
	v53 =	vshll.u32 v44, $0x2;
	[tilespmem:s30+$0xB70] =	vst v51  }
0xb4: {  	v56 =	vld [tilespmem:s30+$0x3E0];
	v55 =	vshll.u32 v46, $0x2;
	[tilespmem:s30+$0xB80] =	vst v53  }
0xb5: {  	v58 =	vld [tilespmem:s30+$0x3F0];
	v57 =	vshll.u32 v48, $0x2;
	[tilespmem:s30+$0xB90] =	vst v55  }
0xb6: {  	v59 =	vshll.u32 v50, $0x2;
	[tilespmem:s30+$0xBA0] =	vst v57  }
0xb7: {  	v60 =	vshll.u32 v52, $0x2;
	[tilespmem:s30+$0xBB0] =	vst v59  }
0xb8: {  	v61 =	vshll.u32 v54, $0x2;
	[tilespmem:s30+$0xBC0] =	vst v60  }
0xb9: {  	[tilespmem:s30+$0xBD0] =	vst v61;
	v62 =	vshll.u32 v56, $0x2  }
0xba: {  	s31 =	sshll.u32 s29, $0xF;
	v63 =	vshll.u32 v58, $0x2;
	[tilespmem:s30+$0xBE0] =	vst v62  }
0xbb: {  	s19 =	sadd.s32 $0x1, s29;
	s20 =	sor.u32 $0x800, s30;
	s21 =	sor.u32 $0x1000, s31;
	[tilespmem:s30+$0xBF0] =	vst v63  }
0xbc: {  	[tilespmem:s21], [sflag:s19] =	stream.indirect.gather [hbm4b:s5+s11], $0x20, s20, s11, $0xb8;
	[tilespmem:$0x11000] =	vst v63  }
.LBB2_4:
0xbd: {  	s19 =	sshll.u32 s18, $0xA  }
0xbe: {  	v0 =	vld [tilespmem:s19+$0x800]  }
0xbf: {  	v1 =	vld [tilespmem:s19+$0x810];
	_ =	sdelay $0x1  }
0xc0: {  	v2 =	vld [tilespmem:s19+$0x820];
	_ =	sdelay $0x1  }
0xc1: {  	v3 =	vld [tilespmem:s19+$0x830]  }
0xc2: {  	vm0 =	vlt.s32 v0, v1  }
0xc3: {  	v62 =	vld [tilespmem:s19+$0x840];
	v0 =	vsel vm0, v0, v1  }
0xc4: {  	vm0 =	vlt.s32 v0, v2  }
0xc5: {  	v63 =	vld [tilespmem:s19+$0x850];
	v0 =	vsel vm0, v0, v2  }
0xc6: {  	vm0 =	vlt.s32 v0, v3  }
0xc7: {  	v6 =	vld [tilespmem:s19+$0x860];
	v0 =	vsel vm0, v0, v3  }
0xc8: {  	vm0 =	vlt.s32 v0, v62  }
0xc9: {  	v7 =	vld [tilespmem:s19+$0x870];
	v0 =	vsel vm0, v0, v62  }
0xca: {  	vm0 =	vlt.s32 v0, v63  }
0xcb: {  	v8 =	vld [tilespmem:s19+$0x880];
	v0 =	vsel vm0, v0, v63  }
0xcc: {  	vm0 =	vlt.s32 v0, v6  }
0xcd: {  	v9 =	vld [tilespmem:s19+$0x890];
	v0 =	vsel vm0, v0, v6  }
0xce: {  	vm0 =	vlt.s32 v0, v7  }
0xcf: {  	v10 =	vld [tilespmem:s19+$0x8A0];
	v0 =	vsel vm0, v0, v7  }
0xd0: {  	vm0 =	vlt.s32 v0, v8  }
0xd1: {  	v11 =	vld [tilespmem:s19+$0x8B0];
	v0 =	vsel vm0, v0, v8  }
0xd2: {  	vm0 =	vlt.s32 v0, v9  }
0xd3: {  	v12 =	vld [tilespmem:s19+$0x8C0];
	v0 =	vsel vm0, v0, v9  }
0xd4: {  	vm0 =	vlt.s32 v0, v10  }
0xd5: {  	v13 =	vld [tilespmem:s19+$0x8D0];
	v0 =	vsel vm0, v0, v10  }
0xd6: {  	vm0 =	vlt.s32 v0, v11  }
0xd7: {  	v14 =	vld [tilespmem:s19+$0x8E0];
	v0 =	vsel vm0, v0, v11  }
0xd8: {  	vm0 =	vlt.s32 v0, v12  }
0xd9: {  	v15 =	vld [tilespmem:s19+$0x8F0];
	v0 =	vsel vm0, v0, v12  }
0xda: {  	vm0 =	vlt.s32 v0, v13  }
0xdb: {  	v16 =	vld [tilespmem:s19+$0x900];
	v0 =	vsel vm0, v0, v13  }
0xdc: {  	vm0 =	vlt.s32 v0, v14  }
0xdd: {  	v17 =	vld [tilespmem:s19+$0x910];
	v0 =	vsel vm0, v0, v14  }
0xde: {  	vm0 =	vlt.s32 v0, v15  }
0xdf: {  	v18 =	vld [tilespmem:s19+$0x920];
	v0 =	vsel vm0, v0, v15  }
0xe0: {  	vm0 =	vlt.s32 v0, v16  }
0xe1: {  	v19 =	vld [tilespmem:s19+$0x930];
	v0 =	vsel vm0, v0, v16  }
0xe2: {  	vm0 =	vlt.s32 v0, v17  }
0xe3: {  	v20 =	vld [tilespmem:s19+$0x940];
	v0 =	vsel vm0, v0, v17  }
0xe4: {  	vm0 =	vlt.s32 v0, v18  }
0xe5: {  	v21 =	vld [tilespmem:s19+$0x950];
	v0 =	vsel vm0, v0, v18  }
0xe6: {  	vm0 =	vlt.s32 v0, v19  }
0xe7: {  	v22 =	vld [tilespmem:s19+$0x960];
	v0 =	vsel vm0, v0, v19  }
0xe8: {  	vm0 =	vlt.s32 v0, v20  }
0xe9: {  	v23 =	vld [tilespmem:s19+$0x970];
	v0 =	vsel vm0, v0, v20  }
0xea: {  	vm0 =	vlt.s32 v0, v21  }
0xeb: {  	v24 =	vld [tilespmem:s19+$0x980];
	v0 =	vsel vm0, v0, v21  }
0xec: {  	vm0 =	vlt.s32 v0, v22  }
0xed: {  	v25 =	vld [tilespmem:s19+$0x990];
	v0 =	vsel vm0, v0, v22  }
0xee: {  	vm0 =	vlt.s32 v0, v23  }
0xef: {  	v26 =	vld [tilespmem:s19+$0x9A0];
	v0 =	vsel vm0, v0, v23  }
0xf0: {  	vm0 =	vlt.s32 v0, v24  }
0xf1: {  	v27 =	vld [tilespmem:s19+$0x9B0];
	v0 =	vsel vm0, v0, v24  }
0xf2: {  	vm0 =	vlt.s32 v0, v25  }
0xf3: {  	v28 =	vld [tilespmem:s19+$0x9C0];
	v0 =	vsel vm0, v0, v25  }
0xf4: {  	vm0 =	vlt.s32 v0, v26  }
0xf5: {  	v29 =	vld [tilespmem:s19+$0x9D0];
	v0 =	vsel vm0, v0, v26  }
0xf6: {  	vm0 =	vlt.s32 v0, v27  }
0xf7: {  	v30 =	vld [tilespmem:s19+$0x9E0];
	v0 =	vsel vm0, v0, v27  }
0xf8: {  	vm0 =	vlt.s32 v0, v28  }
0xf9: {  	v31 =	vld [tilespmem:s19+$0x9F0];
	v0 =	vsel vm0, v0, v28  }
0xfa: {  	vm0 =	vlt.s32 v0, v29  }
0xfb: {  	v32 =	vld [tilespmem:s19+$0xA00];
	v0 =	vsel vm0, v0, v29  }
0xfc: {  	vm0 =	vlt.s32 v0, v30  }
0xfd: {  	v33 =	vld [tilespmem:s19+$0xA10];
	v0 =	vsel vm0, v0, v30  }
0xfe: {  	vm0 =	vlt.s32 v0, v31  }
0xff: {  	v34 =	vld [tilespmem:s19+$0xA20];
	v0 =	vsel vm0, v0, v31  }
0x100: {  	vm0 =	vlt.s32 v0, v32  }
0x101: {  	v35 =	vld [tilespmem:s19+$0xA30];
	v0 =	vsel vm0, v0, v32  }
0x102: {  	vm0 =	vlt.s32 v0, v33  }
0x103: {  	v36 =	vld [tilespmem:s19+$0xA40];
	v0 =	vsel vm0, v0, v33  }
0x104: {  	vm0 =	vlt.s32 v0, v34  }
0x105: {  	v37 =	vld [tilespmem:s19+$0xA50];
	v0 =	vsel vm0, v0, v34  }
0x106: {  	vm0 =	vlt.s32 v0, v35  }
0x107: {  	v38 =	vld [tilespmem:s19+$0xA60];
	v0 =	vsel vm0, v0, v35  }
0x108: {  	vm0 =	vlt.s32 v0, v36  }
0x109: {  	v39 =	vld [tilespmem:s19+$0xA70];
	v0 =	vsel vm0, v0, v36  }
0x10a: {  	vm0 =	vlt.s32 v0, v37  }
0x10b: {  	v40 =	vld [tilespmem:s19+$0xA80];
	v0 =	vsel vm0, v0, v37  }
0x10c: {  	vm0 =	vlt.s32 v0, v38  }
0x10d: {  	v41 =	vld [tilespmem:s19+$0xA90];
	v0 =	vsel vm0, v0, v38  }
0x10e: {  	vm0 =	vlt.s32 v0, v39  }
0x10f: {  	v42 =	vld [tilespmem:s19+$0xAA0];
	v0 =	vsel vm0, v0, v39  }
0x110: {  	vm0 =	vlt.s32 v0, v40  }
0x111: {  	v43 =	vld [tilespmem:s19+$0xAB0];
	v0 =	vsel vm0, v0, v40  }
0x112: {  	vm0 =	vlt.s32 v0, v41  }
0x113: {  	v44 =	vld [tilespmem:s19+$0xAC0];
	v0 =	vsel vm0, v0, v41  }
0x114: {  	vm0 =	vlt.s32 v0, v42  }
0x115: {  	v45 =	vld [tilespmem:s19+$0xAD0];
	v0 =	vsel vm0, v0, v42  }
0x116: {  	vm0 =	vlt.s32 v0, v43  }
0x117: {  	v46 =	vld [tilespmem:s19+$0xAE0];
	v0 =	vsel vm0, v0, v43  }
0x118: {  	vm0 =	vlt.s32 v0, v44  }
0x119: {  	v47 =	vld [tilespmem:s19+$0xAF0];
	v0 =	vsel vm0, v0, v44  }
0x11a: {  	vm0 =	vlt.s32 v0, v45  }
0x11b: {  	v48 =	vld [tilespmem:s19+$0xB00];
	v0 =	vsel vm0, v0, v45  }
0x11c: {  	vm0 =	vlt.s32 v0, v46  }
0x11d: {  	v49 =	vld [tilespmem:s19+$0xB10];
	v0 =	vsel vm0, v0, v46  }
0x11e: {  	vm0 =	vlt.s32 v0, v47  }
0x11f: {  	v50 =	vld [tilespmem:s19+$0xB20];
	v0 =	vsel vm0, v0, v47  }
0x120: {  	vm0 =	vlt.s32 v0, v48  }
0x121: {  	v51 =	vld [tilespmem:s19+$0xB30];
	v0 =	vsel vm0, v0, v48  }
0x122: {  	vm0 =	vlt.s32 v0, v49  }
0x123: {  	v52 =	vld [tilespmem:s19+$0xB40];
	v0 =	vsel vm0, v0, v49  }
0x124: {  	vm0 =	vlt.s32 v0, v50  }
0x125: {  	v53 =	vld [tilespmem:s19+$0xB50];
	v0 =	vsel vm0, v0, v50  }
0x126: {  	vm0 =	vlt.s32 v0, v51  }
0x127: {  	v54 =	vld [tilespmem:s19+$0xB60];
	v0 =	vsel vm0, v0, v51  }
0x128: {  	vm0 =	vlt.s32 v0, v52  }
0x129: {  	v55 =	vld [tilespmem:s19+$0xB70];
	v0 =	vsel vm0, v0, v52  }
0x12a: {  	vm0 =	vlt.s32 v0, v53  }
0x12b: {  	v56 =	vld [tilespmem:s19+$0xB80];
	v0 =	vsel vm0, v0, v53  }
0x12c: {  	vm0 =	vlt.s32 v0, v54  }
0x12d: {  	v57 =	vld [tilespmem:s19+$0xB90];
	v0 =	vsel vm0, v0, v54  }
0x12e: {  	vm0 =	vlt.s32 v0, v55  }
0x12f: {  	v58 =	vld [tilespmem:s19+$0xBA0];
	v0 =	vsel vm0, v0, v55  }
0x130: {  	vm0 =	vlt.s32 v0, v56  }
0x131: {  	v59 =	vld [tilespmem:s19+$0xBB0];
	v0 =	vsel vm0, v0, v56  }
0x132: {  	vm0 =	vlt.s32 v0, v57  }
0x133: {  	v60 =	vld [tilespmem:s19+$0xBC0];
	v0 =	vsel vm0, v0, v57  }
0x134: {  	vm0 =	vlt.s32 v0, v58  }
0x135: {  	v61 =	vld [tilespmem:s19+$0xBD0];
	v0 =	vsel vm0, v0, v58  }
0x136: {  	vm0 =	vlt.s32 v0, v59  }
0x137: {  	v62 =	vld [tilespmem:s19+$0xBE0];
	v0 =	vsel vm0, v0, v59  }
0x138: {  	vm0 =	vlt.s32 v0, v60  }
0x139: {  	v63 =	vld [tilespmem:s19+$0xBF0];
	v0 =	vsel vm0, v0, v60  }
0x13a: {  	vm0 =	vlt.s32 v0, v61  }
0x13b: {  	v0 =	vsel vm0, v0, v61  }
0x13c: {  	vm0 =	vlt.s32 v0, v62  }
0x13d: {  	v0 =	vsel vm0, v0, v62  }
0x13e: {  	vm0 =	vlt.s32 v0, v63  }
0x13f: {  	v0 =	vsel vm0, v0, v63  }
0x140: {  	(v2sf) =	vpush v0, $0x0  }
0x141: {  	(v2sf) =	vpush v0, $0x1;
	_ =	sdelay $0x1  }
0x142: {  	(v2sf) =	vpush v0, $0x2;
	_ =	sdelay $0x1  }
0x143: {  	(v2sf) =	vpush v0, $0x3;
	_ =	sdelay $0x1  }
0x144: {  	(v2sf) =	vpush v0, $0x4;
	_ =	sdelay $0x1  }
0x145: {  	(v2sf) =	vpush v0, $0x5;
	_ =	sdelay $0x1  }
0x146: {  	(v2sf) =	vpush v0, $0x6;
	_ =	sdelay $0x1  }
0x147: {  	(v2sf) =	vpush v0, $0x7;
	_ =	sdelay $0x1  }
0x148: {  	s20 =	spop (v2sf);
	(v2sf) =	vpush v0, $0x8  }
0x149: {  	s21 =	spop (v2sf)  }
0x14a: {  	(v2sf) =	vpush v0, $0x9;
	p0 =	slt.s32 s20, s21  }
0x14b: {  	s21 =	smov.u32 @p0 s20;
	s20 =	spop (v2sf)  }
0x14c: {  	(v2sf) =	vpush v0, $0xA;
	p0 =	slt.s32 s21, s20  }
0x14d: {  	s20 =	smov.u32 @p0 s21;
	s21 =	spop (v2sf)  }
0x14e: {  	(v2sf) =	vpush v0, $0xB;
	p0 =	slt.s32 s20, s21  }
0x14f: {  	s21 =	smov.u32 @p0 s20;
	s20 =	spop (v2sf)  }
0x150: {  	(v2sf) =	vpush v0, $0xC;
	p0 =	slt.s32 s21, s20  }
0x151: {  	s20 =	smov.u32 @p0 s21;
	s21 =	spop (v2sf)  }
0x152: {  	(v2sf) =	vpush v0, $0xD;
	p0 =	slt.s32 s20, s21  }
0x153: {  	s21 =	smov.u32 @p0 s20;
	s20 =	spop (v2sf)  }
0x154: {  	(v2sf) =	vpush v0, $0xE;
	p0 =	slt.s32 s21, s20  }
0x155: {  	s20 =	smov.u32 @p0 s21;
	s21 =	spop (v2sf)  }
0x156: {  	(v2sf) =	vpush v0, $0xF;
	p0 =	slt.s32 s20, s21  }
0x157: {  	s22 =	spop (v2sf);
	s21 =	smov.u32 @p0 s20  }
0x158: {  	p0 =	slt.s32 s21, s22  }
0x159: {  	s20 =	spop (v2sf);
	s22 =	smov.u32 @p0 s21  }
0x15a: {  	p0 =	slt.s32 s22, s20  }
0x15b: {  	s21 =	spop (v2sf);
	s20 =	smov.u32 @p0 s22  }
0x15c: {  	p0 =	slt.s32 s20, s21  }
0x15d: {  	s22 =	spop (v2sf);
	s21 =	smov.u32 @p0 s20  }
0x15e: {  	p0 =	slt.s32 s21, s22  }
0x15f: {  	s20 =	spop (v2sf);
	s22 =	smov.u32 @p0 s21  }
0x160: {  	p0 =	slt.s32 s22, s20  }
0x161: {  	s21 =	spop (v2sf);
	s20 =	smov.u32 @p0 s22  }
0x162: {  	p0 =	slt.s32 s20, s21  }
0x163: {  	s22 =	spop (v2sf);
	s21 =	smov.u32 @p0 s20  }
0x164: {  	p0 =	slt.s32 s21, s22  }
0x165: {  	s20 =	spop (v2sf);
	s22 =	smov.u32 @p0 s21  }
0x166: {  	p0 =	slt.s32 s22, s20  }
0x167: {  	s20 =	smov.u32 @p0 s22  }
0x168: {  	p0 =	sne.s32 s20, $0x0  }
.Ltmp5:
0x169: {  	_ = 	snop;
	(pc) =	sbr.rel @p0 .LBB2_8-.Ltmp5, $4  }
0x16a: {  	s30 =	sadd.s32 $0x1, s18  }
0x16b: {  	_ =	swait.ge [sflag:s30], $0x8000  }
0x16c: {  	s31 =	sshll.u32 s18, $0x11;
	[sflag:s30] =	ssyncset.done $0x0  }
0x16d: {  	s18 =	sshrl.u32 s31, $0x2;
	[sflag:s30] =	ssyncadd.s32 $0xFFFF8000  }
0x16e: {  	s19 =	sor.u32 $0x800, s19  }
0x16f: {  	v0 =	vmov s19;
	_ =	sdelay $0x3  }
0x170: {  	s25 =	simm.s32 $0x0  }
0x171: {  	v1 =	vld.idx.msk [tilespmem:v0+s25+$0x0 ss:$0x1], $0xffff;
	_ =	sdelay $0x4  }
0x172: {  	(v2sf) =	vpush v1, $0x0;
	_ =	sdelay $0x1  }
0x173: {  	(v2sf) =	vpush v1, $0x1;
	_ =	sdelay $0x1  }
0x174: {  	(v2sf) =	vpush v1, $0x2;
	_ =	sdelay $0x1  }
0x175: {  	(v2sf) =	vpush v1, $0x3;
	_ =	sdelay $0x1  }
0x176: {  	(v2sf) =	vpush v1, $0x4;
	_ =	sdelay $0x1  }
0x177: {  	(v2sf) =	vpush v1, $0x5;
	_ =	sdelay $0x1  }
0x178: {  	(v2sf) =	vpush v1, $0x6;
	_ =	sdelay $0x1  }
0x179: {  	(v2sf) =	vpush v1, $0x7  }
0x17a: {  	s26 =	spop (v2sf)  }
0x17b: {  	(v2sf) =	vpush v1, $0x8;
	p0 =	sne.s32 s26, $0x0  }
0x17c: {  	s19 =	sadd.s32 $0x1100, s18;
	s20 =	spop (v2sf);
	v2 =	vimm.f32 @!p0 $0.0e+00  }
0x17d: {  	(v2sf) =	vpush v1, $0x9;
	p1 =	sne.s32 s20, $0x0;
	[tilespmem:s19+$0xFFFFFF00] =	vst @!p0 v2  }
0x17e: {  	s28 =	spop (v2sf);
	v3 =	vimm.f32 @!p1 $0.0e+00;
	[tilespmem:s19+$0xFFFFFF10] =	vst @!p0 v2  }
0x17f: {  	(v2sf) =	vpush v1, $0xA;
	p0 =	sne.s32 s28, $0x0;
	[tilespmem:s19+$0xFFFFFF20] =	vst @!p1 v3  }
0x180: {  	s29 =	spop (v2sf);
	v2 =	vimm.f32 @!p0 $0.0e+00;
	[tilespmem:s19+$0xFFFFFF30] =	vst @!p1 v3  }
0x181: {  	(v2sf) =	vpush v1, $0xB;
	p1 =	sne.s32 s29, $0x0;
	[tilespmem:s19+$0xFFFFFF40] =	vst @!p0 v2  }
0x182: {  	s30 =	spop (v2sf);
	v3 =	vimm.f32 @!p1 $0.0e+00;
	[tilespmem:s19+$0xFFFFFF50] =	vst @!p0 v2  }
0x183: {  	(v2sf) =	vpush v1, $0xC;
	p0 =	sne.s32 s30, $0x0;
	[tilespmem:s19+$0xFFFFFF60] =	vst @!p1 v3  }
0x184: {  	s31 =	spop (v2sf);
	v2 =	vimm.f32 @!p0 $0.0e+00;
	[tilespmem:s19+$0xFFFFFF70] =	vst @!p1 v3  }
0x185: {  	(v2sf) =	vpush v1, $0xD;
	p1 =	sne.s32 s31, $0x0;
	[tilespmem:s19+$0xFFFFFF80] =	vst @!p0 v2  }
0x186: {  	s21 =	spop (v2sf);
	v3 =	vimm.f32 @!p1 $0.0e+00;
	[tilespmem:s19+$0xFFFFFF90] =	vst @!p0 v2  }
0x187: {  	(v2sf) =	vpush v1, $0xE;
	p0 =	sne.s32 s21, $0x0;
	[tilespmem:s19+$0xFFFFFFA0] =	vst @!p1 v3  }
0x188: {  	s22 =	spop (v2sf);
	v2 =	vimm.f32 @!p0 $0.0e+00;
	[tilespmem:s19+$0xFFFFFFB0] =	vst @!p1 v3  }
0x189: {  	(v2sf) =	vpush v1, $0xF;
	p1 =	sne.s32 s22, $0x0;
	[tilespmem:s19+$0xFFFFFFC0] =	vst @!p0 v2  }
0x18a: {  	v1 =	vimm.f32 @!p1 $0.0e+00;
	[tilespmem:s19+$0xFFFFFFD0] =	vst @!p0 v2;
	s23 =	spop (v2sf)  }
0x18b: {  	[tilespmem:s19+$0xFFFFFFE0] =	vst @!p1 v1;
	p0 =	sne.s32 s23, $0x0  }
0x18c: {  	[tilespmem:s19+$0xFFFFFFF0] =	vst @!p1 v1;
	s24 =	spop (v2sf);
	v2 =	vimm.f32 @!p0 $0.0e+00  }
0x18d: {  	p1 =	sne.s32 s24, $0x0;
	[tilespmem:s19+$0x0] =	vst @!p0 v2  }
0x18e: {  	s25 =	spop (v2sf);
	v1 =	vimm.f32 @!p1 $0.0e+00;
	[tilespmem:s19+$0x10] =	vst @!p0 v2  }
0x18f: {  	p0 =	sne.s32 s25, $0x0;
	[tilespmem:s19+$0x20] =	vst @!p1 v1  }
0x190: {  	s26 =	spop (v2sf);
	v2 =	vimm.f32 @!p0 $0.0e+00;
	[tilespmem:s19+$0x30] =	vst @!p1 v1  }
0x191: {  	p1 =	sne.s32 s26, $0x0;
	[tilespmem:s19+$0x40] =	vst @!p0 v2  }
0x192: {  	s28 =	spop (v2sf);
	v1 =	vimm.f32 @!p1 $0.0e+00;
	[tilespmem:s19+$0x50] =	vst @!p0 v2  }
0x193: {  	p0 =	sne.s32 s28, $0x0;
	[tilespmem:s19+$0x60] =	vst @!p1 v1  }
0x194: {  	s29 =	spop (v2sf);
	v2 =	vimm.f32 @!p0 $0.0e+00;
	[tilespmem:s19+$0x70] =	vst @!p1 v1  }
0x195: {  	p1 =	sne.s32 s29, $0x0;
	[tilespmem:s19+$0x80] =	vst @!p0 v2  }
0x196: {  	s30 =	spop (v2sf);
	v1 =	vimm.f32 @!p1 $0.0e+00;
	[tilespmem:s19+$0x90] =	vst @!p0 v2  }
0x197: {  	p0 =	sne.s32 s30, $0x0;
	[tilespmem:s19+$0xA0] =	vst @!p1 v1  }
0x198: {  	s31 =	spop (v2sf);
	v2 =	vimm.f32 @!p0 $0.0e+00;
	[tilespmem:s19+$0xB0] =	vst @!p1 v1  }
0x199: {  	p1 =	sne.s32 s31, $0x0;
	[tilespmem:s19+$0xC0] =	vst @!p0 v2  }
0x19a: {  	[tilespmem:s19+$0xD0] =	vst @!p0 v2;
	v1 =	vimm.f32 @!p1 $0.0e+00  }
0x19b: {  	s20 =	simm.s32 $0x40;
	[tilespmem:s19+$0xE0] =	vst @!p1 v1  }
.LBB2_6:
0x19c: {  	s21 =	sshra.s32 s20, $0x2;
	[tilespmem:s19+$0xF0] =	vst @!p1 v1  }
0x19d: {  	v1 =	vld.idx.msk [tilespmem:v0+s21+$0x0 ss:$0x1], $0xffff;
	_ =	sdelay $0x4  }
0x19e: {  	(v2sf) =	vpush v1, $0x0;
	_ =	sdelay $0x1  }
0x19f: {  	(v2sf) =	vpush v1, $0x1;
	_ =	sdelay $0x1  }
0x1a0: {  	(v2sf) =	vpush v1, $0x2  }
0x1a1: {  	(v2sf) =	vpush v1, $0x3  }
0x1a2: {  	(v2sf) =	vpush v1, $0x4  }
0x1a3: {  	(v2sf) =	vpush v1, $0x5  }
0x1a4: {  	(v2sf) =	vpush v1, $0x6  }
0x1a5: {  	(v2sf) =	vpush v1, $0x7  }
0x1a6: {  	(v2sf) =	vpush v1, $0x8  }
0x1a7: {  	(v2sf) =	vpush v1, $0x9  }
0x1a8: {  	(v2sf) =	vpush v1, $0xA  }
0x1a9: {  	(v2sf) =	vpush v1, $0xB  }
0x1aa: {  	(v2sf) =	vpush v1, $0xC  }
0x1ab: {  	s20 =	sadd.s32 $0x40, s20;
	(v2sf) =	vpush v1, $0xD;
	s30 =	spop (v2sf)  }
0x1ac: {  	p0 =	sne.s32 s20, $0x1000;
	(v2sf) =	vpush v1, $0xE;
	p1 =	sne.s32 s30, $0x0  }
0x1ad: {  	s19 =	sadd.s32 $0x200, s19;
	s21 =	simm.s32 @!p0 $0x0;
	(v2sf) =	vpush v1, $0xF;
	s31 =	spop (v2sf);
	v1 =	vimm.f32 @!p1 $0.0e+00  }
0x1ae: {  	s21 =	simm.s32 @p0 $0x1;
	p0 =	sne.s32 s31, $0x0;
	[tilespmem:s19+$0xFFFFFF00] =	vst @!p1 v1  }
0x1af: {  	s22 =	spop (v2sf);
	v2 =	vimm.f32 @!p0 $0.0e+00;
	[tilespmem:s19+$0xFFFFFF10] =	vst @!p1 v1  }
0x1b0: {  	p4 =	sne.s32 s22, $0x0;
	[tilespmem:s19+$0xFFFFFF20] =	vst @!p0 v2  }
0x1b1: {  	s23 =	spop (v2sf);
	v1 =	vimm.f32 @!p4 $0.0e+00;
	[tilespmem:s19+$0xFFFFFF30] =	vst @!p0 v2  }
0x1b2: {  	p3 =	sne.s32 s23, $0x0;
	[tilespmem:s19+$0xFFFFFF40] =	vst @!p4 v1  }
0x1b3: {  	s24 =	spop (v2sf);
	v3 =	vimm.f32 @!p3 $0.0e+00;
	[tilespmem:s19+$0xFFFFFF50] =	vst @!p4 v1  }
0x1b4: {  	p2 =	sne.s32 s24, $0x0;
	s25 =	spop (v2sf);
	[tilespmem:s19+$0xFFFFFF60] =	vst @!p3 v3  }
0x1b5: {  	v2 =	vimm.f32 @!p2 $0.0e+00;
	s26 =	spop (v2sf);
	[tilespmem:s19+$0xFFFFFF70] =	vst @!p3 v3  }
0x1b6: {  	p0 =	sne.s32 s25, $0x0;
	s28 =	spop (v2sf);
	[tilespmem:s19+$0xFFFFFF80] =	vst @!p2 v2  }
0x1b7: {  	v4 =	vimm.f32 @!p0 $0.0e+00;
	[tilespmem:s19+$0xFFFFFF90] =	vst @!p2 v2;
	s29 =	spop (v2sf)  }
0x1b8: {  	p1 =	sne.s32 s26, $0x0;
	[tilespmem:s19+$0xFFFFFFA0] =	vst @!p0 v4;
	s30 =	spop (v2sf)  }
0x1b9: {  	v1 =	vimm.f32 @!p1 $0.0e+00;
	p4 =	sne.s32 s28, $0x0;
	[tilespmem:s19+$0xFFFFFFB0] =	vst @!p0 v4;
	s31 =	spop (v2sf)  }
0x1ba: {  	[smem:$0x7FD] =	sst s21;
	s21 =	simm.s32 @!p4 $0x0;
	[tilespmem:s19+$0xFFFFFFC0] =	vst @!p1 v1;
	p5 =	sne.s32 s31, $0x0  }
0x1bb: {  	[tilespmem:s19+$0xFFFFFFD0] =	vst @!p1 v1;
	s21 =	simm.s32 @p4 $0x1;
	s22 =	spop (v2sf);
	v2 =	vimm.f32 @!p5 $0.0e+00  }
0x1bc: {  	v5 =	vimm.f32 @!p4 $0.0e+00;
	p4 =	sne.s32 s29, $0x0;
	p3 =	sne.s32 s30, $0x0;
	p6 =	sne.s32 s22, $0x0;
	[tilespmem:s19+$0x40] =	vst @!p5 v2  }
0x1bd: {  	[smem:$0x7FA] =	sst s21;
	s21 =	simm.s32 @!p4 $0x0;
	s23 =	spop (v2sf);
	v7 =	vimm.f32 @!p6 $0.0e+00;
	[tilespmem:s19+$0x50] =	vst @!p5 v2  }
0x1be: {  	v3 =	vimm.f32 @!p4 $0.0e+00;
	s21 =	simm.s32 @p4 $0x1;
	s28 =	sld [smem:$0x7FA];
	p4 =	sne.s32 s23, $0x0;
	[tilespmem:s19+$0x60] =	vst @!p6 v7  }
0x1bf: {  	[smem:$0x7FB] =	sst s21;
	s21 =	simm.s32 @!p3 $0x0;
	v4 =	vimm.f32 @!p4 $0.0e+00;
	[tilespmem:s19+$0x70] =	vst @!p6 v7  }
0x1c0: {  	s21 =	simm.s32 @p3 $0x1;
	s29 =	sld [smem:$0x7FB];
	[tilespmem:s19+$0x80] =	vst @!p4 v4  }
0x1c1: {  	[smem:$0x7FC] =	sst s21;
	p0 =	seq.s32 s28, $0x1;
	[tilespmem:s19+$0x90] =	vst @!p4 v4  }
0x1c2: {  	[tilespmem:s19+$0xFFFFFFE0] =	vst @!p0 v5;
	s30 =	sld [smem:$0x7FC]  }
0x1c3: {  	[tilespmem:s19+$0xFFFFFFF0] =	vst @!p0 v5;
	p0 =	seq.s32 s29, $0x1  }
0x1c4: {  	s31 =	sld [smem:$0x7FD];
	[tilespmem:s19+$0x0] =	vst @!p0 v3  }
0x1c5: {  	v6 =	vimm.f32 @!p3 $0.0e+00;
	s24 =	spop (v2sf);
	[tilespmem:s19+$0x10] =	vst @!p0 v3;
	p0 =	seq.s32 s30, $0x1  }
0x1c6: {  	p3 =	sne.s32 s24, $0x0;
	[tilespmem:s19+$0x20] =	vst @!p0 v6  }
0x1c7: {  	s25 =	spop (v2sf);
	v8 =	vimm.f32 @!p3 $0.0e+00;
	[tilespmem:s19+$0x30] =	vst @!p0 v6;
	p0 =	seq.s32 s31, $0x1  }
.Ltmp6:
0x1c8: {  	p2 =	sne.s32 s25, $0x0;
	[tilespmem:s19+$0xA0] =	vst @!p3 v8;
	(pc) =	sbr.rel @p0 .LBB2_6-.Ltmp6, $4  }
0x1c9: {  	s26 =	spop (v2sf);
	v9 =	vimm.f32 @!p2 $0.0e+00;
	[tilespmem:s19+$0xB0] =	vst @!p3 v8  }
0x1ca: {  	p1 =	sne.s32 s26, $0x0;
	[tilespmem:s19+$0xC0] =	vst @!p2 v9  }
0x1cb: {  	v1 =	vimm.f32 @!p1 $0.0e+00;
	[tilespmem:s19+$0xD0] =	vst @!p2 v9  }
0x1cc: {  	[tilespmem:s19+$0xE0] =	vst @!p1 v1  }
.Ltmp7:
0x1cd: {  	(pc) =	sbr.rel .LBB2_8-.Ltmp7, $2  }
0x1ce: {  	_ =	sdelay $0x2  }
0x1cf: {  	[tilespmem:s19+$0xF0] =	vst @!p1 v1  }
.LBB2_10:
0x1d0: {  	_ =	sfence.sel $0x180000  }
0x1d1: {  	[bflag:$0x0] =	sbarrier.arrive $0xFFFF  }
0x1d2: {  	p0 =	sne.s32 s1, $0x0;
	_ =	strace $0x90000047  }
0x1d3: {  	s0 =	sadd.s32 @!p0 $0x100000, s0;
	[bflag:$0x2] =	sbarrier.arrive $0xFFFF  }
0x1d4: {  	[sflag:s0] =	ssyncadd.tile.s32 @!p0 $0x1;
	_ =	shalt  }
.Lfunc_end2:
_tile_overlayer_lowered:
.L_overlay_start_2:
0x1d5: {  	(tag) =	ssettag $0x2  }
0x1d6: {  	s0 =	rddreg [dreg:$0x0];
	s2 =	stileid.u32  }
0x1d7: {  	s1 =	rddreg [dreg:$0x1];
	p0 =	sne.s32 s2, $0x0  }
0x1d8: {  	s3 =	rddreg [dreg:$0x2];
	[bflag:$0x3] =	sbarrier.arrive $0xFFFF;
	s2 =	simm.s32 @!p0 $0x1C04  }
0x1d9: {  	[timem:s3], [sflag:s2] =	dma.local @!p0 [hbm:s0], s1  }
0x1da: {  	s0 =	simm.s32 @!p0 $0x4  }
0x1db: {  	_ =	swait.ge @!p0 [sflag:s0], s1  }
0x1dc: {  	s1 =	ssub.s32 @!p0 $0x0, s1;
	[sflag:s0] =	ssyncset.done @!p0 $0x0  }
0x1dd: {  	[sflag:s0] =	ssyncadd.s32 @!p0 s1  }
0x1de: {  	[bflag:$0x3] =	sbarrier.arrive $0xFFFF  }
0x1df: {  	_ =	shalt  }

// kernel: sparse-core-data-format-call.1.cloned.1.call-start
scs
called_computation.1_lowered:
.L_overlay_start_0:
0x0: {  	s2 =	sld [smem:$0x3FD9]  }
0x1: {  	s3 =	sld [smem:$0x3FFE];
	_ =	sdelay $0x1  }
0x2: {  	s1 =	srdreg.scid  }
0x3: {  	s0 =	sand.u32 $0x1, s1  }
0x4: {  	s18 =	sshll.u32 s0, $0xA;
	s2 =	sadd.s32 s3, s2  }
0x5: {  	s2 =	sadd.s32 s2, s18  }
0x6: {  	[smem:$0x3FC6] =	sst s2  }
0x7: {  	_ = 	snop  }
0x8: {  	s2 =	sld [smem:$0x3FD0];
	(tm) =	ssettm $0x1  }
0x9: {  	s19 =	sld [smem:$0x3FFB];
	_ =	sdelay $0x3  }
0xa: {  	_ =	strace s19  }
0xb: {  	s3 =	sld [smem:$0x3FFC];
	_ =	sdelay $0x3  }
0xc: {  	_ =	strace s3  }
0xd: {  	s3 =	sld [smem:$0x3FFD];
	_ =	sdelay $0x3  }
0xe: {  	_ =	strace s3  }
0xf: {  	_ =	strace $0x8FFFFFFF  }
0x10: {  	s20 =	sld [smem:$0x3FDB];
	_ =	sdelay $0x1  }
0x11: {  	s4 =	simm.s32 $_scs_section_size  }
0x12: {  	s5 =	simm.s32 $_size__tile_overlayer_lowered;
	s6 =	simm.s32 $_tile_overlayer_lowered  }
0x13: {  	s23 =	simm.s32 $0x1BFF;
	s22 =	sshll.u32 s6, $0x1;
	s3 =	sadd.s32 s4, s20  }
0x14: {  	s7 =	simm.s32 $0x0;
	s21 =	sshll.u32 s5, $0x1;
	s5 =	sadd.s32 s22, s3  }
0x15: {  	[timem:s7], [sflag:s23] =	dma.local [hbm:s5], s21  }
0x16: {  	_ =	swait.ge [sflag:s23], s21  }
0x17: {  	s4 =	ssub.s32 $0x0, s21;
	[sflag:s23] =	ssyncset.done $0x0  }
0x18: {  	[sflag:s23] =	ssyncadd.s32 s4;
	_ =	sdelay $0x1  }
0x19: {  	s24 =	simm.s32 $0x1B8B  }
0x1a: {  	_ =	swait.ge [sflag:s24], $0x1  }
0x1b: {  	[sflag:s24] =	ssyncset.done $0x0  }
0x1c: {  	s26 =	simm.s32 $0x1B8E;
	s25 =	sld [smem:$0x3FFE];
	[sflag:s24] =	ssyncadd.s32 $0xFFFFFFFF  }
0x1d: {  	s27 =	simm.s32 $execute0_lowered;
	[smem:$0x3FD2] =	sst s26  }
0x1e: {  	s5 =	sshll.u32 s27, $0x1;
	_ =	strace $0x80000049;
	[dreg:$0x1] =	wrdreg $0xFFFFFFFF  }
0x1f: {  	s28 =	simm.s32 $_size_execute0_lowered;
	s3 =	sadd.s32 s3, s5;
	[dreg:$0x0] =	wrdreg $0x0  }
0x20: {  	s5 =	sshll.u32 s28, $0x1;
	[dreg:$0x2] =	wrdreg s3  }
0x21: {  	[dreg:$0x3] =	wrdreg s5  }
0x22: {  	[dreg:$0x4] =	wrdreg $0xC0  }
0x23: {  	_ =	task [dreg:s7], $0x5FFFF  }
0x24: {  	[dreg:$0x1] =	wrdreg $0xFFFFFFFF  }
0x25: {  	[dreg:$0x0] =	wrdreg $0x60  }
0x26: {  	[dreg:$0x2] =	wrdreg s25  }
0x27: {  	[dreg:$0x3] =	wrdreg s2  }
0x28: {  	[dreg:$0x4] =	wrdreg $0x9  }
0x29: {  	_ =	task.clear_ibuf [dreg:s7], $0x5FFFF;
	_ =	strace $0x90000049  }
0x2a: {  	s29 =	simm.s32 $0x9;
	_ =	strace $0x8000004B  }
0x2b: {  	_ =	swait.ge [sflag:s29], $0x1  }
0x2c: {  	[sflag:s29] =	ssyncadd.s32 $0xFFFFFFFF  }
0x2d: {  	_ =	strace $0x9000004B  }
0x2e: {  	_ =	sfence  }
0x2f: {  	s30 =	sld [smem:$0x0];
	_ =	sdelay $0x2  }
0x30: {  	s31 =	sshll.u32 s1, $0xD;
	s1 =	sshrl.u32 s1, $0x2  }
0x31: {  	s3 =	sand.u32 $0x4000, s31;
	s1 =	sadd.s32 s1, s30  }
0x32: {  	s0 =	sor.u32 s3, s0;
	s1 =	sshll.u32 s1, $0x11  }
0x33: {  	s0 =	sor.u32 s1, s0  }
0x34: {  	s0 =	sadd.s32 $0x8F2B, s0  }
0x35: {  	[sflag:s0] =	ssyncadd.remote.s32 $0x1  }
0x36: {  	_ =	sfence.sel $0xFFFF  }
0x37: {  	[dreg:$0x0] =	wrdreg $0xFFFFFFFF;
	(pc) =	sbr.abs _section_cstart, $3  }
0x38: {  	[dreg:$0x1] =	wrdreg $0xFFFFFFFF  }
0x39: {  	_ =	task.clear_ibuf [dreg:s7], $0x2FFFF;
	_ =	strace $0x9FFFFFFF  }
0x3a: {  	(tm) =	ssettm $0x7FFFFFFF  }
0x3b: {  	_ =	shalt  }
tec
execute0_lowered:
.L_overlay_start_1:
0x0: {  	(tag) =	ssettag $0x1  }
0x1: {  	s0 =	srdreg.scid  }
0x2: {  	s1 =	sshll.u32 s0, $0x4  }
0x3: {  	s4 =	rddreg [dreg:$0x0];
	s0 =	stileid.u32;
	s1 =	sand.u32 $0x10, s1  }
0x4: {  	s2 =	rddreg [dreg:$0x1];
	s7 =	simm.s32 $0x1;
	s1 =	sor.u32 s0, s1  }
0x5: {  	s8 =	simm.s32 $0x2;
	s11 =	simm.s32 $0x0;
	s3 =	sshll.u32 s1, $0x7  }
0x6: {  	s10 =	simm.s32 $0x0;
	s4 =	sadd.s32 $0xE00, s4;
	s6 =	ssub.s32 $0xC8000, s3  }
.Ltmp0:
0x7: {  	s1 =	rddreg [dreg:$0x2];
	s5 =	sand.u32 $0xF80, s6;
	(pc) =	sbr.rel .LBB1_1-.Ltmp0, $4  }
0x8: {  	_ =	strace $0x8000004A;
	s9 =	smov.u32 s3;
	p0 =	sne.s32 s5, $0x0  }
0x9: {  	s6 =	sshrl.u32 s6, $0xC;
	s5 =	simm.s32 $0x1;
	s7 =	simm.s32 @!p0 $0x0  }
0xa: {  	[sflag:s5] =	ssyncpa.u1 $0x0;
	p0 =	por $0x0, $0x0;
	s6 =	sadd.s32 s7, s6  }
0xb: {  	[sflag:s8] =	ssyncpa.u1 $0x0;
	s8 =	simm.s32 $0x640000;
	s7 =	sadd.s32 $0x1, s6  }
.LBB1_4:
0xc: {  	s14 =	sshll.u32 s11, $0x3  }
0xd: {  	s30 =	sand.u32 $0x7F, s11;
	s15 =	sand.u32 $0xFFFFFC00, s14  }
0xe: {  	s11 =	sor.u32 s30, s15  }
0xf: {  	s15 =	smulhi.u32 $0x51EB851F, s11  }
0x10: {  	s14 =	smulhi.u32 $0x51EB851F, s14  }
0x11: {  	s15 =	sshrl.u32 s15, $0x12  }
0x12: {  	s14 =	sshrl.u32 s14, $0x12;
	s15 =	smul.u32 $0xC8000, s15  }
0x13: {  	s14 =	sand.u32 $0x1F, s14  }
0x14: {  	s14 =	smul.u32 $0x19000, s14;
	s11 =	ssub.s32 s11, s15  }
0x15: {  	s15 =	sand.u32 $0x7, s11  }
0x16: {  	s14 =	sadd.s32 s2, s14;
	s11 =	sshrl.u32 s11, $0x3;
	s15 =	sshll.u32 s15, $0x12  }
0x17: {  	[tilespmem:s13+$0x0 ss:$0x81] =	vst.msk $0xffff, v0;
	s11 =	sadd.s32 s11, s14;
	s31 =	sor.u32 $0x400, s15  }
0x18: {  	[hbm4b:s11+s31] =	stream.strided.scatter [tilespmem:s12], [sflag:$0x2], $0x1000, s8, s31, $0x20;
	[tilespmem:$0x4040] =	vst v63  }
.LBB1_5:
0x19: {  	s13 =	sadd.s32 $0x1000, s9  }
0x1a: {  	p2 =	sgt.s32 s13, $0xC7FFF  }
0x1b: {  	s13 =	smov.u32 @p2 s3;
	p2 =	sne.s32 s10, s7  }
.Ltmp1:
0x1c: {  	p1 =	slt.u32 s10, $0x2;
	(pc) =	sbr.rel @!p2 .LBB1_6-.Ltmp1, $4  }
0x1d: {  	s12 =	simm.s32 @!p1 $0x2  }
0x1e: {  	s14 =	sadd.s32 $0x1, s10;
	_ =	swait.ge @!p1 [sflag:s12], $0x1000  }
0x1f: {  	s11 =	smov.u32 s9;
	p0 =	por !p0, !p0;
	[sflag:s12] =	ssyncset.done @!p1 $0x0  }
0x20: {  	s10 =	smov.u32 s14;
	s9 =	smov.u32 s13;
	[sflag:s12] =	ssyncadd.s32 @!p1 $0xFFFFF000  }
.LBB1_1:
0x21: {  	p1 =	sge.u32 s10, s6  }
0x22: {  	s12 =	sand.u32 @!p1 $0x1FFFFFF, s9  }
0x23: {  	s13 =	smulhi.u32 @!p1 $0x147AE15, s12;
	_ =	sdelay $0x1  }
0x24: {  	s13 =	sshrl.u32 @!p1 s13, $0xC  }
0x25: {  	s13 =	smul.u32 @!p1 $0xC8000, s13;
	_ =	sdelay $0x1  }
0x26: {  	s31 =	sadd.s32 $0xFFFFFFFF, s10;
	s14 =	sxor.u32 @!p1 $0xFFFFFFFF, s10;
	s12 =	ssub.s32 @!p1 s12, s13  }
0x27: {  	s15 =	simm.s32 @!p1 $0x80;
	s14 =	sshll.u32 @!p1 s14, $0xC;
	s12 =	sshll.u32 @!p1 s12, $0x4  }
0x28: {  	s13 =	sand.u32 @!p1 $0x1000, s14;
	s14 =	simm.s32 @!p1 $0x20;
	s12 =	sadd.s32 @!p1 s4, s12  }
0x29: {  	[tilespmem:s13], [sflag:$0x1] =	stream.strided.gather @!p1 [hbm4b:s12+s14], $0x1000, s15, s14, $0x38;
	[tilespmem:$0x4040] =	vst v63  }
0x2a: {  	p1 =	sge.u32 s31, s6  }
.Ltmp2:
0x2b: {  	_ = 	snop;
	(pc) =	sbr.rel @p1 .LBB1_5-.Ltmp2, $1  }
0x2c: {  	_ =	sdelay $0x3  }
0x2d: {  	s12 =	simm.s32 $0x1  }
0x2e: {  	_ =	swait.ge [sflag:s5], $0x1000;
	s12 =	simm.s32 @!p0 $0x0  }
0x2f: {  	[sflag:s5] =	ssyncset.done $0x0;
	s13 =	sshll.u32 s12, $0xC  }
0x30: {  	[sflag:s5] =	ssyncadd.s32 $0xFFFFF000;
	s16 =	sor.u32 $0x10, s13  }
0x31: {  	s12 =	smul.u32 $0x4080, s12;
	v1 =	vld [tilespmem:s16+$0x0]  }
0x32: {  	s30 =	sand.u32 $0x1, s10;
	v0 =	vld [tilespmem:s16+$0xFFFFFFF0]  }
0x33: {  	s13 =	smul.u32 $0x4080, s30;
	s12 =	sshrl.u32 s12, $0x2  }
0x34: {  	s14 =	sor.u32 $0x2000, s12  }
0x35: {  	s31 =	sshrl.u32 s13, $0x2;
	s13 =	sadd.s32 $0x0, s14  }
0x36: {  	s15 =	simm.s32 $0x4;
	s16 =	sadd.s32 $0x20, s16;
	s12 =	sor.u32 $0x2000, s31;
	[tilespmem:s13+$0x810 ss:$0x81] =	vst.msk $0xffff, v1  }
.LBB1_3:
0x37: {  	v1 =	vld [tilespmem:s16+$0x0];
	p1 =	sne.s32 s15, $0x1FC;
	[tilespmem:s13+$0x0 ss:$0x81] =	vst.msk $0xffff, v0;
	s13 =	smov.u32 s15;
	s15 =	sadd.s32 $0x4, s15  }
.Ltmp3:
0x38: {  	v0 =	vld [tilespmem:s16+$0xFFFFFFF0];
	(pc) =	sbr.rel @p1 .LBB1_3-.Ltmp3, $4  }
0x39: {  	_ = 	snop  }
0x3a: {  	s13 =	sshra.s32 s13, $0x2  }
0x3b: {  	s13 =	sadd.s32 s13, s14  }
0x3c: {  	s16 =	sadd.s32 $0x20, s16;
	[tilespmem:s13+$0x810 ss:$0x81] =	vst.msk $0xffff, v1  }
.Ltmp4:
0x3d: {  	_ = 	snop;
	(pc) =	sbr.rel .LBB1_4-.Ltmp4, $1  }
0x3e: {  	_ =	sdelay $0x3  }
.LBB1_6:
0x3f: {  	_ =	sfence.sel $0x180000  }
0x40: {  	s2 =	simm.s32 $0x1;
	[bflag:$0x0] =	sbarrier.arrive $0xFFFF  }
0x41: {  	s31 =	simm.s32 $0x2;
	[sflag:s2] =	ssyncpa.u1 $0x1  }
0x42: {  	[sflag:s31] =	ssyncpa.u1 $0x1  }
0x43: {  	p0 =	sne.s32 s0, $0x0;
	_ =	strace $0x9000004A  }
0x44: {  	s0 =	sadd.s32 @!p0 $0x100000, s1;
	[bflag:$0x2] =	sbarrier.arrive $0xFFFF  }
0x45: {  	[sflag:s0] =	ssyncadd.tile.s32 @!p0 $0x1;
	_ =	shalt  }
.Lfunc_end1:
_tile_overlayer_lowered:
.L_overlay_start_2:
0x46: {  	(tag) =	ssettag $0x2  }
0x47: {  	s0 =	rddreg [dreg:$0x0];
	s2 =	stileid.u32  }
0x48: {  	s1 =	rddreg [dreg:$0x1];
	p0 =	sne.s32 s2, $0x0  }
0x49: {  	s3 =	rddreg [dreg:$0x2];
	[bflag:$0x3] =	sbarrier.arrive $0xFFFF;
	s2 =	simm.s32 @!p0 $0x1C01  }
0x4a: {  	[timem:s3], [sflag:s2] =	dma.local @!p0 [hbm:s0], s1  }
0x4b: {  	s0 =	simm.s32 @!p0 $0x1  }
0x4c: {  	_ =	swait.ge @!p0 [sflag:s0], s1  }
0x4d: {  	s1 =	ssub.s32 @!p0 $0x0, s1;
	[sflag:s0] =	ssyncset.done @!p0 $0x0  }
0x4e: {  	[sflag:s0] =	ssyncadd.s32 @!p0 s1  }
0x4f: {  	[bflag:$0x3] =	sbarrier.arrive $0xFFFF  }
0x50: {  	_ =	shalt  }

// kernel: sparse-core-data-format-call.cloned.1.call-start
scs
called_computation_lowered:
.L_overlay_start_0:
0x0: {  	s2 =	sld [smem:$0x3FD9]  }
0x1: {  	s3 =	sld [smem:$0x3FFE];
	_ =	sdelay $0x1  }
0x2: {  	s1 =	srdreg.scid  }
0x3: {  	s0 =	sand.u32 $0x1, s1  }
0x4: {  	s18 =	sshll.u32 s0, $0xA;
	s2 =	sadd.s32 s3, s2  }
0x5: {  	s2 =	sadd.s32 s2, s18  }
0x6: {  	[smem:$0x3FC6] =	sst s2  }
0x7: {  	_ = 	snop  }
0x8: {  	s2 =	sld [smem:$0x3FD0];
	(tm) =	ssettm $0x1  }
0x9: {  	s19 =	sld [smem:$0x3FFB];
	_ =	sdelay $0x3  }
0xa: {  	_ =	strace s19  }
0xb: {  	s3 =	sld [smem:$0x3FFC];
	_ =	sdelay $0x3  }
0xc: {  	_ =	strace s3  }
0xd: {  	s3 =	sld [smem:$0x3FFD];
	_ =	sdelay $0x3  }
0xe: {  	_ =	strace s3  }
0xf: {  	_ =	strace $0x8FFFFFFF  }
0x10: {  	s20 =	sld [smem:$0x3FDB];
	_ =	sdelay $0x1  }
0x11: {  	s4 =	simm.s32 $_scs_section_size  }
0x12: {  	s5 =	simm.s32 $_size__tile_overlayer_lowered;
	s6 =	simm.s32 $_tile_overlayer_lowered  }
0x13: {  	s23 =	simm.s32 $0x1BFF;
	s22 =	sshll.u32 s6, $0x1;
	s3 =	sadd.s32 s4, s20  }
0x14: {  	s7 =	simm.s32 $0x0;
	s21 =	sshll.u32 s5, $0x1;
	s5 =	sadd.s32 s22, s3  }
0x15: {  	[timem:s7], [sflag:s23] =	dma.local [hbm:s5], s21  }
0x16: {  	_ =	swait.ge [sflag:s23], s21  }
0x17: {  	s4 =	ssub.s32 $0x0, s21;
	[sflag:s23] =	ssyncset.done $0x0  }
0x18: {  	[sflag:s23] =	ssyncadd.s32 s4;
	_ =	sdelay $0x1  }
0x19: {  	s24 =	simm.s32 $0x1B8B  }
0x1a: {  	_ =	swait.ge [sflag:s24], $0x1  }
0x1b: {  	[sflag:s24] =	ssyncset.done $0x0  }
0x1c: {  	s26 =	simm.s32 $0x1B8E;
	s25 =	sld [smem:$0x3FFE];
	[sflag:s24] =	ssyncadd.s32 $0xFFFFFFFF  }
0x1d: {  	s27 =	simm.s32 $execute0_lowered;
	[smem:$0x3FD2] =	sst s26  }
0x1e: {  	s5 =	sshll.u32 s27, $0x1;
	_ =	strace $0x8000004C;
	[dreg:$0x1] =	wrdreg $0xFFFFFFFF  }
0x1f: {  	s28 =	simm.s32 $_size_execute0_lowered;
	s3 =	sadd.s32 s3, s5;
	[dreg:$0x0] =	wrdreg $0x0  }
0x20: {  	s5 =	sshll.u32 s28, $0x1;
	[dreg:$0x2] =	wrdreg s3  }
0x21: {  	[dreg:$0x3] =	wrdreg s5  }
0x22: {  	[dreg:$0x4] =	wrdreg $0xC0  }
0x23: {  	_ =	task [dreg:s7], $0x5FFFF  }
0x24: {  	[dreg:$0x1] =	wrdreg $0xFFFFFFFF  }
0x25: {  	[dreg:$0x0] =	wrdreg $0x60  }
0x26: {  	[dreg:$0x2] =	wrdreg s25  }
0x27: {  	[dreg:$0x3] =	wrdreg s2  }
0x28: {  	[dreg:$0x4] =	wrdreg $0x9  }
0x29: {  	_ =	task.clear_ibuf [dreg:s7], $0x5FFFF;
	_ =	strace $0x9000004C  }
0x2a: {  	s29 =	simm.s32 $0x9;
	_ =	strace $0x8000004E  }
0x2b: {  	_ =	swait.ge [sflag:s29], $0x1  }
0x2c: {  	[sflag:s29] =	ssyncadd.s32 $0xFFFFFFFF  }
0x2d: {  	_ =	strace $0x9000004E  }
0x2e: {  	_ =	sfence  }
0x2f: {  	s30 =	sld [smem:$0x0];
	_ =	sdelay $0x2  }
0x30: {  	s31 =	sshll.u32 s1, $0xD;
	s1 =	sshrl.u32 s1, $0x2  }
0x31: {  	s3 =	sand.u32 $0x4000, s31;
	s1 =	sadd.s32 s1, s30  }
0x32: {  	s0 =	sor.u32 s3, s0;
	s1 =	sshll.u32 s1, $0x11  }
0x33: {  	s0 =	sor.u32 s1, s0  }
0x34: {  	s0 =	sadd.s32 $0x8F2B, s0  }
0x35: {  	[sflag:s0] =	ssyncadd.remote.s32 $0x1  }
0x36: {  	_ =	sfence.sel $0xFFFF  }
0x37: {  	[dreg:$0x0] =	wrdreg $0xFFFFFFFF;
	(pc) =	sbr.abs _section_cstart, $3  }
0x38: {  	[dreg:$0x1] =	wrdreg $0xFFFFFFFF  }
0x39: {  	_ =	task.clear_ibuf [dreg:s7], $0x2FFFF;
	_ =	strace $0x9FFFFFFF  }
0x3a: {  	(tm) =	ssettm $0x7FFFFFFF  }
0x3b: {  	_ =	shalt  }
tec
execute0_lowered:
.L_overlay_start_1:
0x0: {  	(tag) =	ssettag $0x1  }
0x1: {  	s8 =	rddreg [dreg:$0x0]  }
0x2: {  	s2 =	rddreg [dreg:$0x1];
	s1 =	stileid.u32  }
0x3: {  	s4 =	srdreg.scid;
	s0 =	rddreg [dreg:$0x2];
	_ =	strace $0x8000004D  }
0x4: {  	s9 =	simm.s32 $0x1;
	s31 =	simm.s32 $0x2;
	s16 =	simm.s32 $0x0  }
0x5: {  	s17 =	simm.s32 $0x0;
	s11 =	simm.s32 $0x0;
	s12 =	simm.s32 $0x0  }
0x6: {  	s15 =	simm.s32 $0x0;
	s3 =	sshll.u32 s1, $0x1;
	s4 =	sshll.u32 s4, $0x7  }
0x7: {  	s4 =	sand.u32 $0x80, s4;
	s5 =	ssub.s32 $0x20, s3;
	s14 =	smov.u32 s3  }
0x8: {  	s6 =	sshrl.u32 s5, $0x5;
	s5 =	sand.u32 $0x1E, s5;
	s7 =	ssub.s32 $0x4000, s4  }
0x9: {  	p0 =	sne.s32 s5, $0x0;
	s30 =	sshrl.u32 s7, $0x7;
	s7 =	sshrl.u32 s7, $0x8  }
.Ltmp0:
0xa: {  	s9 =	simm.s32 @!p0 $0x0;
	s10 =	sand.u32 $0x1, s30;
	(pc) =	sbr.rel .LBB1_1-.Ltmp0, $4  }
0xb: {  	s5 =	simm.s32 $0x1;
	s6 =	sadd.s32 s9, s6;
	s7 =	sadd.s32 s7, s10  }
0xc: {  	s13 =	smov.u32 s4;
	[sflag:s5] =	ssyncpa.u1 $0x0;
	s6 =	smul.u32 s6, s7  }
0xd: {  	p0 =	por $0x0, $0x0;
	[sflag:s31] =	ssyncpa.u1 $0x0;
	s10 =	simm.s32 $0x80000  }
0xe: {  	s7 =	sadd.s32 $0xE00, s8;
	s8 =	sadd.s32 $0x40E00, s8;
	s9 =	sadd.s32 $0x1, s6  }
.LBB1_7:
0xf: {  	p1 =	slt.u32 s15, $0x2  }
0x10: {  	s19 =	smov.u32 s17;
	p2 =	sgt.s32 @!p1 s17, $0x1E;
	s18 =	sshra.s32 @!p1 s17, $0x1F  }
0x11: {  	p3 =	sgt.s32 @!p1 s16, $0x3F80;
	s20 =	sshra.s32 @!p1 s16, $0x1F;
	p2 =	por !p2, p1  }
0x12: {  	s17 =	sand.u32 @!p1 s18, s17;
	p3 =	por !p3, p1;
	s18 =	smov.u32 s16  }
0x13: {  	s16 =	sand.u32 @!p1 s20, s16;
	s19 =	simm.s32 @p2 $0x1E;
	s18 =	simm.s32 @p3 $0x3F80  }
0x14: {  	s20 =	smov.u32 s14;
	s17 =	ssub.s32 @!p1 s19, s17;
	s16 =	ssub.s32 @!p1 s18, s16  }
0x15: {  	s18 =	sadd.s32 @!p1 $0xFFFFFFE2, s17;
	s17 =	ssub.s32 @!p1 $0x20, s17;
	s19 =	sadd.s32 @!p1 $0xFFFFC080, s16  }
0x16: {  	p2 =	sgt.s32 @!p1 s18, $0x1;
	s17 =	smul.u32 @!p1 $0x32, s17;
	p3 =	sgt.s32 @!p1 s19, $0x7F  }
0x17: {  	s16 =	ssub.s32 @!p1 $0x4000, s16;
	p2 =	por !p2, p1;
	p3 =	por !p3, p1  }
0x18: {  	s18 =	sadd.s32 $0x100, s13;
	s17 =	simm.s32 @!p2 $0x0;
	s16 =	simm.s32 @!p3 $0x0  }
0x19: {  	p2 =	sgt.s32 s18, $0x3FFF;
	s16 =	smul.u32 @!p1 s16, s17;
	s17 =	sadd.s32 $0x20, s14  }
0x1a: {  	s20 =	smov.u32 @p2 s17  }
0x1b: {  	s18 =	smov.u32 @p2 s4;
	p2 =	sgt.s32 s20, $0x1F  }
0x1c: {  	s20 =	smov.u32 @p2 s3;
	p2 =	sne.s32 s15, s9  }
.Ltmp1:
0x1d: {  	p0 =	por !p0, !p0;
	s19 =	simm.s32 @!p1 $0x2;
	(pc) =	sbr.rel @!p2 .LBB1_8-.Ltmp1, $4  }
0x1e: {  	s17 =	smov.u32 s12;
	s12 =	smov.u32 s14;
	s16 =	sand.u32 @!p1 $0x3FFFFFFE, s16  }
0x1f: {  	_ =	swait.ge @!p1 [sflag:s19], s16;
	s21 =	ssub.s32 @!p1 $0x0, s16;
	s16 =	smov.u32 s11  }
0x20: {  	s15 =	sadd.s32 $0x1, s15;
	s11 =	smov.u32 s13;
	[sflag:s19] =	ssyncset.done @!p1 $0x0  }
0x21: {  	s13 =	smov.u32 s18;
	s14 =	smov.u32 s20;
	[sflag:s19] =	ssyncadd.s32 @!p1 s21  }
.LBB1_1:
0x22: {  	p1 =	sge.u32 s15, s6  }
0x23: {  	s18 =	sxor.u32 @!p1 $0xFFFFFFFF, s15;
	s19 =	sshll.u32 @!p1 s14, $0x12  }
0x24: {  	s20 =	sshll.u32 @!p1 s13, $0x4;
	s22 =	simm.s32 @!p1 $0x40;
	s23 =	simm.s32 @!p1 $0x80  }
0x25: {  	s18 =	sshll.u32 @!p1 s18, $0xE;
	s20 =	sand.u32 @!p1 $0x3FFF0, s20;
	s21 =	sadd.s32 @!p1 s7, s19  }
0x26: {  	s19 =	sadd.s32 @!p1 s19, s8;
	s18 =	sand.u32 @!p1 $0x4000, s18;
	s21 =	sadd.s32 @!p1 s20, s21  }
0x27: {  	[tilespmem:s18], [sflag:$0x1] =	stream.strided.gather @!p1 [hbm4b:s21+s22], $0x2000, s23, s22, $0x38;
	[tilespmem:$0x10100] =	vst v63  }
0x28: {  	s31 =	sadd.s32 $0xFFFFFFFF, s15;
	s19 =	sadd.s32 @!p1 s20, s19;
	s18 =	sor.u32 @!p1 $0x2000, s18  }
0x29: {  	[tilespmem:s18], [sflag:$0x1] =	stream.strided.gather @!p1 [hbm4b:s19+s22], $0x2000, s23, s22, $0x38;
	[tilespmem:$0x10100] =	vst v63  }
0x2a: {  	p1 =	sge.u32 s31, s6  }
.Ltmp2:
0x2b: {  	_ = 	snop;
	(pc) =	sbr.rel @p1 .LBB1_7-.Ltmp2, $1  }
0x2c: {  	_ =	sdelay $0x3  }
0x2d: {  	s18 =	simm.s32 $0x1;
	s20 =	sand.u32 $0x1, s15  }
0x2e: {  	_ =	swait.ge [sflag:s5], $0x4000;
	s18 =	simm.s32 @!p0 $0x0;
	s20 =	smul.u32 $0x10200, s20  }
0x2f: {  	p2 =	por $0x1, $0x1;
	[sflag:s5] =	ssyncset.done $0x0;
	s19 =	smul.u32 $0x10200, s18  }
0x30: {  	s21 =	sshll.u32 s18, $0x10;
	[sflag:s5] =	ssyncadd.s32 $0xFFFFC000;
	s30 =	sshrl.u32 s20, $0x2  }
0x31: {  	s31 =	sshrl.u32 s21, $0x2;
	s21 =	simm.s32 $0x0;
	s19 =	sshrl.u32 s19, $0x2  }
0x32: {  	s18 =	sor.u32 $0x8000, s30;
	s20 =	sadd.s32 $0x20, s31;
	s19 =	sor.u32 $0x8000, s19  }
.LBB1_3:
0x33: {  	s22 =	sshll.u32 s21, $0xD  }
0x34: {  	s22 =	sand.u32 $0x3FFFE000, s22  }
0x35: {  	s24 =	sadd.s32 s22, s20  }
0x36: {  	s31 =	smul.u32 $0x204, s21;
	v3 =	vld [tilespmem:s24+$0x10]  }
0x37: {  	v1 =	vld [tilespmem:s24+$0xFFFFFFF0]  }
0x38: {  	s21 =	sshra.s32 s31, $0x2;
	v0 =	vld [tilespmem:s24+$0x0]  }
0x39: {  	s21 =	sadd.s32 s21, s19;
	v2 =	vld [tilespmem:s24+$0xFFFFFFE0]  }
0x3a: {  	s22 =	sadd.s32 $0x0, s21  }
0x3b: {  	p1 =	por p2, p2;
	s23 =	simm.s32 $0x4;
	s24 =	sadd.s32 $0x40, s24;
	[tilespmem:s22+$0x3060 ss:$0x102] =	vst.msk $0xffff, v3  }
.LBB1_4:
0x3c: {  	v3 =	vld [tilespmem:s24+$0x10];
	p2 =	sne.s32 s23, $0x1FC;
	[tilespmem:s22+$0x1020 ss:$0x102] =	vst.msk $0xffff, v1;
	s25 =	smov.u32 s23;
	s23 =	sadd.s32 $0x4, s23  }
.Ltmp3:
0x3d: {  	v1 =	vld [tilespmem:s24+$0xFFFFFFF0];
	[tilespmem:s22+$0x2040 ss:$0x102] =	vst.msk $0xffff, v0;
	(pc) =	sbr.rel @p2 .LBB1_4-.Ltmp3, $4  }
0x3e: {  	v0 =	vld [tilespmem:s24+$0x0];
	[tilespmem:s22+$0x0 ss:$0x102] =	vst.msk $0xffff, v2  }
0x3f: {  	s22 =	sshra.s32 s25, $0x2;
	v2 =	vld [tilespmem:s24+$0xFFFFFFE0]  }
0x40: {  	s22 =	sadd.s32 s22, s21  }
0x41: {  	s24 =	sadd.s32 $0x40, s24;
	[tilespmem:s22+$0x3060 ss:$0x102] =	vst.msk $0xffff, v3  }
.Ltmp4:
0x42: {  	(pc) =	sbr.rel @p1 .LBB1_3-.Ltmp4, $4  }
0x43: {  	_ = 	snop  }
0x44: {  	[tilespmem:s22+$0x1020 ss:$0x102] =	vst.msk $0xffff, v1  }
0x45: {  	[tilespmem:s22+$0x2040 ss:$0x102] =	vst.msk $0xffff, v0  }
0x46: {  	s21 =	simm.s32 $0x1;
	p2 =	por $0x0, $0x0;
	[tilespmem:s22+$0x0 ss:$0x102] =	vst.msk $0xffff, v2  }
0x47: {  	s19 =	sand.u32 $0x78, s11;
	p1 =	sgt.s32 s12, $0x1E;
	s20 =	smov.u32 s12  }
0x48: {  	s21 =	sshra.s32 s12, $0x1F;
	s22 =	sshll.u32 s12, $0xE;
	s23 =	sshll.u32 s11, $0x3  }
0x49: {  	s30 =	sshra.s32 s11, $0x1F;
	s25 =	sshll.u32 s12, $0x7;
	s20 =	simm.s32 @!p1 $0x1E  }
0x4a: {  	s21 =	sand.u32 s21, s12;
	s22 =	sand.u32 $0x60000, s22;
	p1 =	sgt.s32 s11, $0x3F80  }
0x4b: {  	s25 =	sand.u32 $0x380, s25;
	s20 =	ssub.s32 s20, s21;
	s21 =	smov.u32 s11  }
0x4c: {  	s22 =	sadd.s32 s22, s23;
	s24 =	sadd.s32 $0xFFFFFFE2, s20;
	s21 =	simm.s32 @!p1 $0x3F80  }
0x4d: {  	s20 =	ssub.s32 $0x20, s20;
	p1 =	sgt.s32 s24, $0x1;
	s24 =	sand.u32 s30, s11  }
0x4e: {  	s23 =	sand.u32 $0x3C00, s23;
	s20 =	smul.u32 $0x32, s20;
	s21 =	ssub.s32 s21, s24  }
0x4f: {  	s19 =	sor.u32 s25, s19;
	s22 =	sand.u32 $0x7C000, s22;
	s24 =	sadd.s32 $0xFFFFC080, s21  }
0x50: {  	s20 =	simm.s32 @p1 $0x0;
	s21 =	ssub.s32 $0x4000, s21;
	p1 =	sgt.s32 s24, $0x7F  }
.Ltmp5:
0x51: {  	s19 =	sor.u32 s23, s19;
	s21 =	simm.s32 @p1 $0x0;
	(pc) =	sbr.rel .LBB1_7-.Ltmp5, $4  }
0x52: {  	s31 =	sand.u32 $0x7, s11;
	s19 =	sor.u32 s22, s19;
	s20 =	smul.u32 s21, s20  }
0x53: {  	s19 =	sshrl.u32 s19, $0x3;
	s21 =	sshll.u32 s31, $0x12  }
0x54: {  	s19 =	sadd.s32 s2, s19;
	s21 =	sor.u32 $0x100, s21;
	s20 =	sand.u32 $0x3FFFFFFE, s20  }
0x55: {  	[hbm4b:s19+s21] =	stream.strided.scatter [tilespmem:s18], [sflag:$0x2], s20, s10, s21, $0x20;
	[tilespmem:$0x10100] =	vst v63  }
.LBB1_8:
0x56: {  	_ =	sfence.sel $0x180000  }
0x57: {  	s2 =	simm.s32 $0x1;
	[bflag:$0x0] =	sbarrier.arrive $0xFFFF  }
0x58: {  	s31 =	simm.s32 $0x2;
	[sflag:s2] =	ssyncpa.u1 $0x1  }
0x59: {  	[sflag:s31] =	ssyncpa.u1 $0x1  }
0x5a: {  	p0 =	sne.s32 s1, $0x0;
	_ =	strace $0x9000004D  }
0x5b: {  	s0 =	sadd.s32 @!p0 $0x100000, s0;
	[bflag:$0x2] =	sbarrier.arrive $0xFFFF  }
0x5c: {  	[sflag:s0] =	ssyncadd.tile.s32 @!p0 $0x1;
	_ =	shalt  }
.Lfunc_end1:
_tile_overlayer_lowered:
.L_overlay_start_2:
0x5d: {  	(tag) =	ssettag $0x2  }
0x5e: {  	s0 =	rddreg [dreg:$0x0];
	s2 =	stileid.u32  }
0x5f: {  	s1 =	rddreg [dreg:$0x1];
	p0 =	sne.s32 s2, $0x0  }
0x60: {  	s3 =	rddreg [dreg:$0x2];
	[bflag:$0x3] =	sbarrier.arrive $0xFFFF;
	s2 =	simm.s32 @!p0 $0x1C01  }
0x61: {  	[timem:s3], [sflag:s2] =	dma.local @!p0 [hbm:s0], s1  }
0x62: {  	s0 =	simm.s32 @!p0 $0x1  }
0x63: {  	_ =	swait.ge @!p0 [sflag:s0], s1  }
0x64: {  	s1 =	ssub.s32 @!p0 $0x0, s1;
	[sflag:s0] =	ssyncset.done @!p0 $0x0  }
0x65: {  	[sflag:s0] =	ssyncadd.s32 @!p0 s1  }
0x66: {  	[bflag:$0x3] =	sbarrier.arrive $0xFFFF  }
0x67: {  	_ =	shalt  }

</sc_bundles>
